<compile_context>
chip_gen: v7x
topology: tpu7x:2x2x1
jax: 0.10.2.dev20260603
libtpu: 0.0.44.dev20260713+nightly
codegen_flags: <defaults>
</compile_context>

<pallas_src>
import functools

import jax
import jax.numpy as jnp
from jax import lax
from jax.experimental import pallas as pl
from jax.experimental.pallas import tpu as pltpu
from jax.experimental.pallas import tpu_sc as plsc

_EPS = 1e-5


def _mm(a, w):
    return jnp.dot(a, w, preferred_element_type=jnp.float32,
                   precision=lax.Precision.HIGHEST)



def _topk_body(c_ref, ct_ref, feat_ref, idx_ref, ang_ref, f_ref,
               *, n, rb, kp1):
    b = pl.program_id(0)
    cf = c_ref[0]
    ct = ct_ref[0]
    xf = cf[0:1, :]
    yf = cf[1:2, :]
    xr = ct[:, 0:1]
    yr = ct[:, 1:2]
    sf = xf * xf + yf * yf
    sr = xr * xr + yr * yr
    dot = xr * xf + yr * yf
    dist = jnp.maximum((-2.0 * dot + sr) + sf, 1e-12)
    cosm = dot / (jnp.sqrt(sr) * jnp.sqrt(sf))

    colf = lax.broadcasted_iota(jnp.int32, (rb, n), 1).astype(jnp.float32)
    lane = lax.broadcasted_iota(jnp.int32, (rb, 16), 1)
    idx_acc = jnp.zeros((rb, 16), jnp.int32)
    ang_acc = jnp.zeros((rb, 16), jnp.float32)
    d = dist
    for t in range(kp1):
        mv = jnp.min(d, axis=1, keepdims=True)
        amf = jnp.min(jnp.where(d == mv, colf, jnp.float32(n)),
                      axis=1, keepdims=True)
        sel = colf == amf
        if t > 0:
            av = jnp.sum(jnp.where(sel, cosm, 0.0), axis=1, keepdims=True)
            ami = amf.astype(jnp.int32)
            idx_acc = jnp.where(lane == t, ami + b * n, idx_acc)
            ang_acc = jnp.where(lane == t, av, ang_acc)
        d = jnp.where(sel, jnp.float32(jnp.inf), d)
    idx_ref[0] = jnp.swapaxes(idx_acc, 0, 1)[1:kp1, :]
    ang_ref[0] = ang_acc
    f_ref[0] = jnp.swapaxes(feat_ref[0], 0, 1)


def _topk(coords, features, kp1):
    B, C, N = features.shape
    RB = 512
    coords_t = jnp.swapaxes(coords, 1, 2)
    body = functools.partial(_topk_body, n=N, rb=RB, kp1=kp1)
    return pl.pallas_call(
        body,
        grid=(B, N // RB),
        in_specs=[
            pl.BlockSpec((1, 2, N), lambda b, r: (b, 0, 0)),
            pl.BlockSpec((1, RB, 2), lambda b, r: (b, r, 0)),
            pl.BlockSpec((1, C, RB), lambda b, r: (b, 0, r)),
        ],
        out_specs=[
            pl.BlockSpec((1, kp1 - 1, RB), lambda b, r: (b, 0, r)),
            pl.BlockSpec((1, RB, 16), lambda b, r: (b, r, 0)),
            pl.BlockSpec((1, RB, C), lambda b, r: (b, r, 0)),
        ],
        out_shape=[
            jax.ShapeDtypeStruct((B, kp1 - 1, N), jnp.int32),
            jax.ShapeDtypeStruct((B, N, 16), jnp.float32),
            jax.ShapeDtypeStruct((B, N, C), jnp.float32),
        ],
    )(coords, coords_t, features)



def _gather_rows(table, idx3d):
    nw, per, _ = idx3d.shape
    _, C = table.shape
    info = plsc.get_sparse_core_info()
    mesh = plsc.VectorSubcoreMesh(core_axis_name="c", subcore_axis_name="s")

    @functools.partial(
        pl.kernel,
        mesh=mesh,
        out_type=jax.ShapeDtypeStruct((nw * per * 128, C), jnp.float32),
        scratch_types=[
            pltpu.VMEM((per, 128), jnp.int32),
            pltpu.VMEM((per, 128, C), jnp.float32),
            pltpu.SemaphoreType.DMA,
            pltpu.SemaphoreType.DMA,
        ],
    )
    def k(table_hbm, idx_hbm, out_hbm, idx_v, rows_v, sem, sem2):
        wid = lax.axis_index("s") * info.num_cores + lax.axis_index("c")
        pltpu.sync_copy(idx_hbm.at[wid], idx_v)
        cps = [
            pltpu.async_copy(table_hbm.at[idx_v.at[j]], rows_v.at[j], sem)
            for j in range(per)
        ]
        for cp in cps:
            cp.wait()
        for j in range(per):
            pltpu.sync_copy(
                rows_v.at[j], out_hbm.at[pl.ds((wid * per + j) * 128, 128)])

    return k(table, idx3d)


def _gather_rows2(t1, t2, idx3d):
    nw, per, _ = idx3d.shape
    _, C = t1.shape
    info = plsc.get_sparse_core_info()
    mesh = plsc.VectorSubcoreMesh(core_axis_name="c", subcore_axis_name="s")

    @functools.partial(
        pl.kernel,
        mesh=mesh,
        out_type=[
            jax.ShapeDtypeStruct((nw * per * 128, C), jnp.float32),
            jax.ShapeDtypeStruct((nw * per * 128, C), jnp.float32),
        ],
        scratch_types=[
            pltpu.VMEM((per, 128), jnp.int32),
            pltpu.VMEM((per, 128, C), jnp.float32),
            pltpu.SemaphoreType.DMA,
            pltpu.SemaphoreType.DMA,
        ],
    )
    def k(t1_hbm, t2_hbm, idx_hbm, out1_hbm, out2_hbm, idx_v, rows_v,
          sem, sem2):
        wid = lax.axis_index("s") * info.num_cores + lax.axis_index("c")
        pltpu.sync_copy(idx_hbm.at[wid], idx_v)
        cps = [
            pltpu.async_copy(t1_hbm.at[idx_v.at[j]], rows_v.at[j], sem)
            for j in range(per)
        ]
        for cp in cps:
            cp.wait()
        for j in range(per):
            pltpu.sync_copy(
                rows_v.at[j], out1_hbm.at[pl.ds((wid * per + j) * 128, 128)])
        cps2 = [
            pltpu.async_copy(t2_hbm.at[idx_v.at[j]], rows_v.at[j], sem)
            for j in range(per)
        ]
        for cp in cps2:
            cp.wait()
        for j in range(per):
            pltpu.sync_copy(
                rows_v.at[j], out2_hbm.at[pl.ds((wid * per + j) * 128, 128)])

    return k(t1, t2, idx3d)



def _stage_a_body(f_ref, nb_ref, angv_ref,
                  wfs_ref, wst_ref, b1_ref, w2s_ref, b2_ref,
                  aw1_ref, ab1_ref, aw2s_ref, ab2_ref,
                  c1d_ref, c1b_ref,
                  x1_ref, x1o_ref, fa_ref, *, n, c, k):
    F = f_ref[0]
    ANG = angv_ref[0]

    FQ = _mm(F, wfs_ref[...]) + b1_ref[...]
    z1 = [FQ, FQ, FQ]
    c1F = _mm(F, c1d_ref[...])
    s1 = jnp.zeros((1, c), jnp.float32)
    ss1 = jnp.zeros((1, c), jnp.float32)
    M1 = jnp.full((n, c), -jnp.inf, jnp.float32)
    for kk in range(k):
        D = nb_ref[0, pl.ds(kk * n, n), :] - F
        if kk < k - 1:
            z1[kk // 3] = z1[kk // 3] + _mm(D, wst_ref[kk % 3])
        z = c1F + _mm(D, c1b_ref[...])
        s1 = s1 + jnp.sum(z, axis=0, keepdims=True)
        ss1 = ss1 + jnp.sum(z * z, axis=0, keepdims=True)
        M1 = jnp.maximum(M1, z)

    cnt = jnp.float32(3 * n)
    m = (jnp.sum(z1[0], 0, keepdims=True) + jnp.sum(z1[1], 0, keepdims=True)
         + jnp.sum(z1[2], 0, keepdims=True)) / cnt
    v = (jnp.sum((z1[0] - m) ** 2, 0, keepdims=True)
         + jnp.sum((z1[1] - m) ** 2, 0, keepdims=True)
         + jnp.sum((z1[2] - m) ** 2, 0, keepdims=True)) / cnt
    inv = 1.0 / jnp.sqrt(v + _EPS)
    h = [jnp.maximum((zj - m) * inv, 0.0) for zj in z1]

    Z2 = b2_ref[...]
    for t in range(3):
        Z2 = Z2 + _mm(h[t], w2s_ref[t])
    m2 = jnp.sum(Z2, 0, keepdims=True) / n
    v2 = jnp.sum((Z2 - m2) ** 2, 0, keepdims=True) / n
    X1 = jnp.maximum((Z2 - m2) / jnp.sqrt(v2 + _EPS), 0.0)
    x1_ref[0] = X1

    aw1 = aw1_ref[...]
    za = []
    for j in range(3):
        acc = ab1_ref[...]
        for t in range(3):
            col = ANG[:, 1 + 3 * j + t: 2 + 3 * j + t]
            acc = acc + col * aw1[t:t + 1, :]
        za.append(acc)
    ma = (jnp.sum(za[0], 0, keepdims=True) + jnp.sum(za[1], 0, keepdims=True)
          + jnp.sum(za[2], 0, keepdims=True)) / cnt
    va = (jnp.sum((za[0] - ma) ** 2, 0, keepdims=True)
          + jnp.sum((za[1] - ma) ** 2, 0, keepdims=True)
          + jnp.sum((za[2] - ma) ** 2, 0, keepdims=True)) / cnt
    inva = 1.0 / jnp.sqrt(va + _EPS)
    ha = [jnp.maximum((zj - ma) * inva, 0.0) for zj in za]
    FA = ab2_ref[...]
    for t in range(3):
        FA = FA + _mm(ha[t], aw2s_ref[t])
    mfa = jnp.sum(FA, 0, keepdims=True) / n
    vfa = jnp.sum((FA - mfa) ** 2, 0, keepdims=True) / n
    fa_ref[0] = jnp.maximum((FA - mfa) / jnp.sqrt(vfa + _EPS), 0.0)

    cnt1 = jnp.float32(k * n)
    m1 = s1 / cnt1
    v1 = ss1 / cnt1 - m1 * m1
    zn = (M1 - m1) / jnp.sqrt(v1 + _EPS)
    x1o_ref[0] = jnp.where(zn >= 0, zn, 0.2 * zn)


def _stage_a(F, NB, ANGV, wfs, wst, b1, w2s, b2, aw1, ab1, aw2s, ab2,
             c1d, c1b):
    B, N, C = F.shape
    K = NB.shape[1] // N
    body = functools.partial(_stage_a_body, n=N, c=C, k=K)
    full = lambda s: pl.BlockSpec(s, lambda b: (0,) * len(s))
    return pl.pallas_call(
        body,
        grid=(B,),
        in_specs=[
            pl.BlockSpec((1, N, C), lambda b: (b, 0, 0)),
            pl.BlockSpec((1, K * N, C), lambda b: (b, 0, 0)),
            pl.BlockSpec((1, N, 16), lambda b: (b, 0, 0)),
            full((C, C)), full((3, C, C)), full((1, C)),
            full((3, C, C)), full((1, C)),
            full((3, C)), full((1, C)), full((3, C, C)), full((1, C)),
            full((C, C)), full((C, C)),
        ],
        out_specs=[
            pl.BlockSpec((1, N, C), lambda b: (b, 0, 0)),
            pl.BlockSpec((1, N, C), lambda b: (b, 0, 0)),
            pl.BlockSpec((1, N, C), lambda b: (b, 0, 0)),
        ],
        out_shape=[
            jax.ShapeDtypeStruct((B, N, C), jnp.float32),
            jax.ShapeDtypeStruct((B, N, C), jnp.float32),
            jax.ShapeDtypeStruct((B, N, C), jnp.float32),
        ],
    )(F, NB, ANGV, wfs, wst, b1, w2s, b2, aw1, ab1, aw2s, ab2, c1d, c1b)



def _stage_b_body(f_ref, x1_ref, x1o_ref, fa_ref, nb1_ref, nbo_ref,
                  wfs2_ref, wst2_ref, b21_ref, w22s_ref, b22_ref,
                  c2d_ref, c2b_ref,
                  w3a_ref, w3b_ref, w3c_ref,
                  w3oa_ref, w3ob_ref, w3oc_ref,
                  out_ref, *, n, c, k):
    F = f_ref[0]
    X1 = x1_ref[0]
    X1o = x1o_ref[0]
    FA = fa_ref[0]
    c2 = 2 * c

    FQ2 = _mm(X1, wfs2_ref[...]) + b21_ref[...]
    z2 = [FQ2, FQ2, FQ2]
    c2F = _mm(X1o, c2d_ref[...])
    s2 = jnp.zeros((1, c2), jnp.float32)
    ss2 = jnp.zeros((1, c2), jnp.float32)
    M2 = jnp.full((n, c2), -jnp.inf, jnp.float32)
    for kk in range(k):
        D1 = nb1_ref[0, pl.ds(kk * n, n), :] - X1
        if kk < k - 1:
            z2[kk // 3] = z2[kk // 3] + _mm(D1, wst2_ref[kk % 3])
        Do = nbo_ref[0, pl.ds(kk * n, n), :] - X1o
        z = c2F + _mm(Do, c2b_ref[...])
        s2 = s2 + jnp.sum(z, axis=0, keepdims=True)
        ss2 = ss2 + jnp.sum(z * z, axis=0, keepdims=True)
        M2 = jnp.maximum(M2, z)
    cnt = jnp.float32(3 * n)
    m = (jnp.sum(z2[0], 0, keepdims=True) + jnp.sum(z2[1], 0, keepdims=True)
         + jnp.sum(z2[2], 0, keepdims=True)) / cnt
    v = (jnp.sum((z2[0] - m) ** 2, 0, keepdims=True)
         + jnp.sum((z2[1] - m) ** 2, 0, keepdims=True)
         + jnp.sum((z2[2] - m) ** 2, 0, keepdims=True)) / cnt
    inv = 1.0 / jnp.sqrt(v + _EPS)
    h = [jnp.maximum((zj - m) * inv, 0.0) for zj in z2]
    Z22 = b22_ref[...]
    for t in range(3):
        Z22 = Z22 + _mm(h[t], w22s_ref[t])
    m2 = jnp.sum(Z22, 0, keepdims=True) / n
    v2 = jnp.sum((Z22 - m2) ** 2, 0, keepdims=True) / n
    X2 = jnp.maximum((Z22 - m2) / jnp.sqrt(v2 + _EPS), 0.0)

    cnt2 = jnp.float32(k * n)
    m2o = s2 / cnt2
    v2o = ss2 / cnt2 - m2o * m2o
    zn = (M2 - m2o) / jnp.sqrt(v2o + _EPS)
    X2o = jnp.where(zn >= 0, zn, 0.2 * zn)

    Z3 = _mm(F, w3a_ref[...]) + _mm(X1 + FA, w3b_ref[...]) \
        + _mm(X2 + FA, w3c_ref[...])
    m3 = jnp.sum(Z3, 0, keepdims=True) / n
    v3 = jnp.sum((Z3 - m3) ** 2, 0, keepdims=True) / n
    z3n = (Z3 - m3) / jnp.sqrt(v3 + _EPS)
    z3n = jnp.where(z3n >= 0, z3n, 0.2 * z3n)

    Z3o = _mm(F, w3oa_ref[...]) + _mm(X1o, w3ob_ref[...]) \
        + _mm(X2o, w3oc_ref[...])
    m3o = jnp.sum(Z3o, 0, keepdims=True) / n
    v3o = jnp.sum((Z3o - m3o) ** 2, 0, keepdims=True) / n
    z3on = (Z3o - m3o) / jnp.sqrt(v3o + _EPS)
    z3on = jnp.where(z3on >= 0, z3on, 0.2 * z3on)

    out_ref[0] = jnp.swapaxes(z3n + z3on, 0, 1)


def _stage_b(F, X1, X1o, FA, NB1, NBo,
             wfs2, wst2, b21, w22s, b22, c2d, c2b,
             w3a, w3b, w3c, w3oa, w3ob, w3oc):
    B, N, C = F.shape
    K = NB1.shape[1] // N
    body = functools.partial(_stage_b_body, n=N, c=C, k=K)
    full = lambda s: pl.BlockSpec(s, lambda b: (0,) * len(s))
    bspec = lambda ch: pl.BlockSpec((1, N, ch), lambda b: (b, 0, 0))
    return pl.pallas_call(
        body,
        grid=(B,),
        in_specs=[
            bspec(C), bspec(C), bspec(C), bspec(C),
            pl.BlockSpec((1, K * N, C), lambda b: (b, 0, 0)),
            pl.BlockSpec((1, K * N, C), lambda b: (b, 0, 0)),
            full((C, C)), full((3, C, C)), full((1, C)),
            full((3, C, C)), full((1, C)),
            full((C, 2 * C)), full((C, 2 * C)),
            full((C, C)), full((C, C)), full((C, C)),
            full((C, C)), full((C, C)), full((2 * C, C)),
        ],
        out_specs=[pl.BlockSpec((1, C, N), lambda b: (b, 0, 0))],
        out_shape=[jax.ShapeDtypeStruct((B, C, N), jnp.float32)],
    )(F, X1, X1o, FA, NB1, NBo,
      wfs2, wst2, b21, w22s, b22, c2d, c2b,
      w3a, w3b, w3c, w3oa, w3ob, w3oc)



def kernel(coords, features, conv1_w, conv2_w, conv3_w, conv3_old_w,
           an1_c1_w, an1_c1_b, an1_c2_w, an1_c2_b,
           an2_c1_w, an2_c1_b, an2_c2_w, an2_c2_b,
           ang_c1_w, ang_c1_b, ang_c2_w, ang_c2_b):
    B, C, N = features.shape
    K = 10
    NW = 32

    idxT, angv, F = _topk(coords, features, K + 1)
    idx3d = idxT.reshape(NW, B * K * N // (NW * 128), 128)
    NBF = _gather_rows(F.reshape(B * N, C), idx3d).reshape(B, K * N, C)

    wn1 = jnp.transpose(an1_c1_w[:, C:, 0, :], (2, 1, 0))
    wfs1 = jnp.sum(jnp.transpose(an1_c1_w[:, :C, 0, :], (2, 1, 0)), axis=0)
    wst1 = wn1
    w2s1 = jnp.transpose(an1_c2_w[:, :, 0, :], (2, 1, 0))
    aw1 = jnp.transpose(ang_c1_w[:, 0, 0, :], (1, 0))
    aw2s = jnp.transpose(ang_c2_w[:, :, 0, :], (2, 1, 0))
    c1a = jnp.transpose(conv1_w[:, :C, 0, 0])
    c1b = jnp.transpose(conv1_w[:, C:, 0, 0])
    c1d = c1a

    X1, X1o, FA = _stage_a(F, NBF, angv,
                           wfs1, wst1, an1_c1_b.reshape(1, C), w2s1,
                           an1_c2_b.reshape(1, C), aw1, ang_c1_b.reshape(1, C),
                           aw2s, ang_c2_b.reshape(1, C), c1d, c1b)

    NB1, NBo = _gather_rows2(X1.reshape(B * N, C), X1o.reshape(B * N, C), idx3d)
    NB1 = NB1.reshape(B, K * N, C)
    NBo = NBo.reshape(B, K * N, C)

    wn2 = jnp.transpose(an2_c1_w[:, C:, 0, :], (2, 1, 0))
    wfs2 = jnp.sum(jnp.transpose(an2_c1_w[:, :C, 0, :], (2, 1, 0)), axis=0)
    wst2 = wn2
    w22s = jnp.transpose(an2_c2_w[:, :, 0, :], (2, 1, 0))
    c2a = jnp.transpose(conv2_w[:, :C, 0, 0])
    c2b = jnp.transpose(conv2_w[:, C:, 0, 0])
    c2d = c2a
    w3a = jnp.transpose(conv3_w[:, :C, 0, 0])
    w3b = jnp.transpose(conv3_w[:, C:2 * C, 0, 0])
    w3c = jnp.transpose(conv3_w[:, 2 * C:, 0, 0])
    w3oa = jnp.transpose(conv3_old_w[:, :C, 0, 0])
    w3ob = jnp.transpose(conv3_old_w[:, C:2 * C, 0, 0])
    w3oc = jnp.transpose(conv3_old_w[:, 2 * C:, 0, 0])

    out = _stage_b(F, X1, X1o, FA, NB1, NBo,
                   wfs2, wst2, an2_c1_b.reshape(1, C), w22s,
                   an2_c2_b.reshape(1, C), c2d, c2b,
                   w3a, w3b, w3c, w3oa, w3ob, w3oc)[0]
    return out

# --- scband reference (transcript-rebuilt; emitter-appended) ---
"""Pipeline reference for scband-self-attention-33105607918049 (READ-ONLY COPY).

The authoritative reference and input builder live on the scoring server;
editing this copy changes nothing except your own understanding.
"""

import jax, jax.numpy as jnp
import numpy as np

K = 10

def _conv2d(x, w, b=None, stride=(1, 1)):
    out = jax.lax.conv_general_dilated(x, w, window_strides=stride, padding='VALID',
                                       dimension_numbers=('NCHW', 'OIHW', 'NCHW'))
    if b is not None:
        out = out + b[None, :, None, None]
    return out

def _inorm(x, eps=1e-5):
    m = jnp.mean(x, axis=(2, 3), keepdims=True)
    v = jnp.mean((x - m) ** 2, axis=(2, 3), keepdims=True)
    return (x - m) / jnp.sqrt(v + eps)

def _lrelu(x):
    return jnp.where(x >= 0, x, 0.2 * x)

def _square_distance(src, dst):
    dist = -2.0 * jnp.matmul(src, jnp.swapaxes(dst, 1, 2))
    dist = dist + jnp.sum(src ** 2, axis=-1)[:, :, None]
    dist = dist + jnp.sum(dst ** 2, axis=-1)[:, None, :]
    return jnp.clip(dist, 1e-12, None)

def _get_graph_feature(coords, feats, k):
    B, C, N = feats.shape
    k = min(k, N - 1)
    pts = jnp.swapaxes(coords, 1, 2)
    dist = _square_distance(pts, pts)
    _, idx = jax.lax.top_k(-dist, k + 1)
    idx = idx[:, :, 1:]
    neighbor = jax.vmap(lambda f, i: f[:, i])(feats, idx)
    fr = jnp.broadcast_to(feats[:, :, :, None], (B, C, N, k))
    return jnp.concatenate([fr, neighbor - fr], axis=1), idx

def _cosine(a, b):
    dot = jnp.sum(a * b, axis=1)
    na = jnp.sqrt(jnp.sum(a * a, axis=1))
    nb = jnp.sqrt(jnp.sum(b * b, axis=1))
    return (dot / (na * nb))[:, None, :, :]

def _annublock(x, c1w, c1b, c2w, c2b):
    x = jax.nn.relu(_inorm(_conv2d(x, c1w, c1b, stride=(1, 3))))
    x = jax.nn.relu(_inorm(_conv2d(x, c2w, c2b)))
    return x

def _forward(coords, features, conv1_w, conv2_w, conv3_w, conv3_old_w,
             an1_c1_w, an1_c1_b, an1_c2_w, an1_c2_b,
             an2_c1_w, an2_c1_b, an2_c2_w, an2_c2_b,
             ang_c1_w, ang_c1_b, ang_c2_w, ang_c2_b):
    B, C, N = features.shape
    x0 = features[:, :, :, None]
    x1_old, idx1 = _get_graph_feature(coords, features, K)
    x1 = _annublock(x1_old, an1_c1_w, an1_c1_b, an1_c2_w, an1_c2_b)
    nei1 = jax.vmap(lambda c, i: c[:, i])(coords, idx1)
    crep = jnp.broadcast_to(coords[:, :, :, None], nei1.shape)
    ang1 = _cosine(crep, nei1)
    f_ang1 = _annublock(ang1, ang_c1_w, ang_c1_b, ang_c2_w, ang_c2_b)
    x2g, idx2 = _get_graph_feature(coords, x1[:, :, :, 0], K)
    x2 = _annublock(x2g, an2_c1_w, an2_c1_b, an2_c2_w, an2_c2_b)
    nei2 = jax.vmap(lambda c, i: c[:, i])(coords, idx2)
    ang2 = _cosine(crep, nei2)
    f_ang2 = _annublock(ang2, ang_c1_w, ang_c1_b, ang_c2_w, ang_c2_b)
    x3 = jnp.concatenate([x0, x1 + f_ang1, x2 + f_ang2], axis=1)
    x3 = _lrelu(_inorm(_conv2d(x3, conv3_w))).reshape(B, -1, N)
    x1o = _lrelu(_inorm(_conv2d(x1_old, conv1_w)))
    x1o = jnp.max(x1o, axis=-1, keepdims=True)
    x2o, _ = _get_graph_feature(coords, x1o[:, :, :, 0], K)
    x2o = _lrelu(_inorm(_conv2d(x2o, conv2_w)))
    x2o = jnp.max(x2o, axis=-1, keepdims=True)
    x3o = jnp.concatenate([x0, x1o, x2o], axis=1)
    x3o = _lrelu(_inorm(_conv2d(x3o, conv3_old_w))).reshape(B, -1, N)
    return x3 + x3o

def setup_inputs(seed: int = 0):
    key = jax.random.key(seed)
    ks = jax.random.split(key, 20)
    B, N, C = 2, 1024, 128
    s = 0.05
    return {
        'coords': jax.random.normal(ks[0], (B, 2, N), jnp.float32),
        'features': jax.random.normal(ks[1], (B, C, N), jnp.float32),
        'conv1_w': jax.random.normal(ks[2], (C, 2 * C, 1, 1), jnp.float32) * s,
        'conv2_w': jax.random.normal(ks[3], (2 * C, 2 * C, 1, 1), jnp.float32) * s,
        'conv3_w': jax.random.normal(ks[4], (C, 3 * C, 1, 1), jnp.float32) * s,
        'conv3_old_w': jax.random.normal(ks[5], (C, 4 * C, 1, 1), jnp.float32) * s,
        'an1_c1_w': jax.random.normal(ks[6], (C, 2 * C, 1, 3), jnp.float32) * s,
        'an1_c1_b': jax.random.normal(ks[7], (C,), jnp.float32) * s,
        'an1_c2_w': jax.random.normal(ks[8], (C, C, 1, 3), jnp.float32) * s,
        'an1_c2_b': jax.random.normal(ks[9], (C,), jnp.float32) * s,
        'an2_c1_w': jax.random.normal(ks[10], (C, 2 * C, 1, 3), jnp.float32) * s,
        'an2_c1_b': jax.random.normal(ks[11], (C,), jnp.float32) * s,
        'an2_c2_w': jax.random.normal(ks[12], (C, C, 1, 3), jnp.float32) * s,
        'an2_c2_b': jax.random.normal(ks[13], (C,), jnp.float32) * s,
        'ang_c1_w': jax.random.normal(ks[14], (C, 1, 1, 3), jnp.float32) * s,
        'ang_c1_b': jax.random.normal(ks[15], (C,), jnp.float32) * s,
        'ang_c2_w': jax.random.normal(ks[16], (C, C, 1, 3), jnp.float32) * s,
        'ang_c2_b': jax.random.normal(ks[17], (C,), jnp.float32) * s,
    }

def reference(coords, features, conv1_w, conv2_w, conv3_w, conv3_old_w,
              an1_c1_w, an1_c1_b, an1_c2_w, an1_c2_b,
              an2_c1_w, an2_c1_b, an2_c2_w, an2_c2_b,
              ang_c1_w, ang_c1_b, ang_c2_w, ang_c2_b):
    return _forward(coords, features, conv1_w, conv2_w, conv3_w, conv3_old_w,
                    an1_c1_w, an1_c1_b, an1_c2_w, an1_c2_b,
                    an2_c1_w, an2_c1_b, an2_c2_w, an2_c2_b,
                    ang_c1_w, ang_c1_b, ang_c2_w, ang_c2_b)

if __name__ == "__main__":
    import jax
    _d = setup_inputs()
    print(jax.jit(kernel)(*tuple(_d.values())))

</pallas_src>

<mosaic_0001>
#map = affine_map<(d0, d1) -> (0, 0)>
#map1 = affine_map<(d0, d1) -> (0, 0, 0)>
module attributes {stable_mosaic.version = 14 : i64} {
  func.func @k(%arg0: i32, %arg1: i32, %arg2: memref<2048x128xf32, #tpu.memory_space<hbm>>, %arg3: memref<32x5x128xi32, #tpu.memory_space<hbm>>, %arg4: memref<20480x128xf32, #tpu.memory_space<hbm>>, %arg5: memref<5x128xi32, #tpu.memory_space<vmem>>, %arg6: memref<5x128x128xf32, #tpu.memory_space<vmem>>, %arg7: memref<!tpu.dma_semaphore, #tpu.memory_space<semaphore_mem>>, %arg8: memref<!tpu.dma_semaphore, #tpu.memory_space<semaphore_mem>>) attributes {dimension_semantics = [#tpu.dimension_semantics<core_parallel>, #tpu.dimension_semantics<subcore_parallel>], iteration_bounds = array<i64: 2, 16>, scalar_prefetch = 0 : i64, scratch_operands = 4 : i64, tpu.core_type = #tpu.core_type<sc_vector_subcore>, window_params = [{transform_indices = #map}, {transform_indices = #map1}, {transform_indices = #map}]} {
    %mul3A = arith.constant 2 : i32
    %mul3A_0 = arith.muli %arg1, %mul3A : i32
    %add3A = arith.addi %mul3A_0, %arg0 : i32
    "tpu.region"() ({
      %run_scoped3A_153 = tpu.sem_alloc : memref<!tpu.dma_semaphore, #tpu.memory_space<semaphore_mem>>
      %dma_start3A_154 = arith.constant 0 : i32
      %dma_start3A_155 = arith.constant 0 : i32
      %dma_start3A_156 = tpu.memref_slice %arg3[%add3A, %dma_start3A_154, %dma_start3A_155] : memref<32x5x128xi32, #tpu.memory_space<hbm>> -> memref<1x5x128xi32, #tpu.memory_space<hbm>>
      %dma_start3A_157 = tpu.memref_squeeze %dma_start3A_156 : memref<1x5x128xi32, #tpu.memory_space<hbm>> -> memref<5x128xi32, #tpu.memory_space<hbm>>
      %dma_start3A_158 = arith.constant 0 : i32
      %dma_start3A_159 = arith.constant 0 : i32
      %dma_start3A_160 = tpu.memref_slice %arg3[%add3A, %dma_start3A_158, %dma_start3A_159] : memref<32x5x128xi32, #tpu.memory_space<hbm>> -> memref<1x5x128xi32, #tpu.memory_space<hbm>>
      %dma_start3A_161 = tpu.memref_squeeze %dma_start3A_160 : memref<1x5x128xi32, #tpu.memory_space<hbm>> -> memref<5x128xi32, #tpu.memory_space<hbm>>
      tpu.enqueue_dma source(%dma_start3A_161 : memref<5x128xi32, #tpu.memory_space<hbm>>) target(%arg5 : memref<5x128xi32, #tpu.memory_space<vmem>>) target_semaphore(%run_scoped3A_153 : memref<!tpu.dma_semaphore, #tpu.memory_space<semaphore_mem>>)
      %dma_wait3A_162 = arith.constant 0 : i32
      %dma_wait3A_163 = arith.constant 0 : i32
      %dma_wait3A_164 = tpu.memref_slice %arg3[%add3A, %dma_wait3A_162, %dma_wait3A_163] : memref<32x5x128xi32, #tpu.memory_space<hbm>> -> memref<1x5x128xi32, #tpu.memory_space<hbm>>
      %dma_wait3A_165 = tpu.memref_squeeze %dma_wait3A_164 : memref<1x5x128xi32, #tpu.memory_space<hbm>> -> memref<5x128xi32, #tpu.memory_space<hbm>>
      %dma_wait3A_166 = arith.constant 0 : i32
      %dma_wait3A_167 = arith.constant 0 : i32
      %dma_wait3A_168 = tpu.memref_slice %arg3[%add3A, %dma_wait3A_166, %dma_wait3A_167] : memref<32x5x128xi32, #tpu.memory_space<hbm>> -> memref<1x5x128xi32, #tpu.memory_space<hbm>>
      %dma_wait3A_169 = tpu.memref_squeeze %dma_wait3A_168 : memref<1x5x128xi32, #tpu.memory_space<hbm>> -> memref<5x128xi32, #tpu.memory_space<hbm>>
      tpu.wait_dma2 semaphore(%run_scoped3A_153 : memref<!tpu.dma_semaphore, #tpu.memory_space<semaphore_mem>>) src(%dma_wait3A_169 : memref<5x128xi32, #tpu.memory_space<hbm>>) dst(%arg5 : memref<5x128xi32, #tpu.memory_space<vmem>>)
      tpu.yield
    }) : () -> ()
    %dma_start3A = arith.constant 0 : i32
    %dma_start3A_1 = arith.constant 0 : i32
    %dma_start3A_2 = arith.constant 0 : i32
    %dma_start3A_3 = arith.constant 0 : i32
    %dma_start3A_4 = tpu.memref_slice %arg6[%dma_start3A_1, %dma_start3A_2, %dma_start3A_3] : memref<5x128x128xf32, #tpu.memory_space<vmem>> -> memref<1x128x128xf32, #tpu.memory_space<vmem>>
    %dma_start3A_5 = tpu.memref_squeeze %dma_start3A_4 : memref<1x128x128xf32, #tpu.memory_space<vmem>> -> memref<128x128xf32, #tpu.memory_space<vmem>>
    %dma_start3A_6 = arith.constant 0 : i32
    %dma_start3A_7 = tpu.memref_slice %arg5[%dma_start3A, %dma_start3A_6] : memref<5x128xi32, #tpu.memory_space<vmem>> -> memref<1x128xi32, #tpu.memory_space<vmem>>
    %dma_start3A_8 = tpu.memref_squeeze %dma_start3A_7 : memref<1x128xi32, #tpu.memory_space<vmem>> -> memref<128xi32, #tpu.memory_space<vmem>>
    %dma_start3A_9 = arith.constant 0 : i32
    %dma_start3A_10 = arith.constant 0 : i32
    %dma_start3A_11 = tpu.memref_slice %arg2[%dma_start3A_9, %dma_start3A_10] : memref<2048x128xf32, #tpu.memory_space<hbm>> -> memref<2048x128xf32, #tpu.memory_space<hbm>>
    tpu.enqueue_indirect_dma source(%dma_start3A_11 : memref<2048x128xf32, #tpu.memory_space<hbm>>) target(%dma_start3A_5 : memref<128x128xf32, #tpu.memory_space<vmem>>) offsets(%dma_start3A_8 : memref<128xi32, #tpu.memory_space<vmem>>) semaphore(%arg7 : memref<!tpu.dma_semaphore, #tpu.memory_space<semaphore_mem>>)
    %dma_start3A_12 = arith.constant 1 : i32
    %dma_start3A_13 = arith.constant 1 : i32
    %dma_start3A_14 = arith.constant 0 : i32
    %dma_start3A_15 = arith.constant 0 : i32
    %dma_start3A_16 = tpu.memref_slice %arg6[%dma_start3A_13, %dma_start3A_14, %dma_start3A_15] : memref<5x128x128xf32, #tpu.memory_space<vmem>> -> memref<1x128x128xf32, #tpu.memory_space<vmem>>
    %dma_start3A_17 = tpu.memref_squeeze %dma_start3A_16 : memref<1x128x128xf32, #tpu.memory_space<vmem>> -> memref<128x128xf32, #tpu.memory_space<vmem>>
    %dma_start3A_18 = arith.constant 0 : i32
    %dma_start3A_19 = tpu.memref_slice %arg5[%dma_start3A_12, %dma_start3A_18] : memref<5x128xi32, #tpu.memory_space<vmem>> -> memref<1x128xi32, #tpu.memory_space<vmem>>
    %dma_start3A_20 = tpu.memref_squeeze %dma_start3A_19 : memref<1x128xi32, #tpu.memory_space<vmem>> -> memref<128xi32, #tpu.memory_space<vmem>>
    %dma_start3A_21 = arith.constant 0 : i32
    %dma_start3A_22 = arith.constant 0 : i32
    %dma_start3A_23 = tpu.memref_slice %arg2[%dma_start3A_21, %dma_start3A_22] : memref<2048x128xf32, #tpu.memory_space<hbm>> -> memref<2048x128xf32, #tpu.memory_space<hbm>>
    tpu.enqueue_indirect_dma source(%dma_start3A_23 : memref<2048x128xf32, #tpu.memory_space<hbm>>) target(%dma_start3A_17 : memref<128x128xf32, #tpu.memory_space<vmem>>) offsets(%dma_start3A_20 : memref<128xi32, #tpu.memory_space<vmem>>) semaphore(%arg7 : memref<!tpu.dma_semaphore, #tpu.memory_space<semaphore_mem>>)
    %dma_start3A_24 = arith.constant 2 : i32
    %dma_start3A_25 = arith.constant 2 : i32
    %dma_start3A_26 = arith.constant 0 : i32
    %dma_start3A_27 = arith.constant 0 : i32
    %dma_start3A_28 = tpu.memref_slice %arg6[%dma_start3A_25, %dma_start3A_26, %dma_start3A_27] : memref<5x128x128xf32, #tpu.memory_space<vmem>> -> memref<1x128x128xf32, #tpu.memory_space<vmem>>
    %dma_start3A_29 = tpu.memref_squeeze %dma_start3A_28 : memref<1x128x128xf32, #tpu.memory_space<vmem>> -> memref<128x128xf32, #tpu.memory_space<vmem>>
    %dma_start3A_30 = arith.constant 0 : i32
    %dma_start3A_31 = tpu.memref_slice %arg5[%dma_start3A_24, %dma_start3A_30] : memref<5x128xi32, #tpu.memory_space<vmem>> -> memref<1x128xi32, #tpu.memory_space<vmem>>
    %dma_start3A_32 = tpu.memref_squeeze %dma_start3A_31 : memref<1x128xi32, #tpu.memory_space<vmem>> -> memref<128xi32, #tpu.memory_space<vmem>>
    %dma_start3A_33 = arith.constant 0 : i32
    %dma_start3A_34 = arith.constant 0 : i32
    %dma_start3A_35 = tpu.memref_slice %arg2[%dma_start3A_33, %dma_start3A_34] : memref<2048x128xf32, #tpu.memory_space<hbm>> -> memref<2048x128xf32, #tpu.memory_space<hbm>>
    tpu.enqueue_indirect_dma source(%dma_start3A_35 : memref<2048x128xf32, #tpu.memory_space<hbm>>) target(%dma_start3A_29 : memref<128x128xf32, #tpu.memory_space<vmem>>) offsets(%dma_start3A_32 : memref<128xi32, #tpu.memory_space<vmem>>) semaphore(%arg7 : memref<!tpu.dma_semaphore, #tpu.memory_space<semaphore_mem>>)
    %dma_start3A_36 = arith.constant 3 : i32
    %dma_start3A_37 = arith.constant 3 : i32
    %dma_start3A_38 = arith.constant 0 : i32
    %dma_start3A_39 = arith.constant 0 : i32
    %dma_start3A_40 = tpu.memref_slice %arg6[%dma_start3A_37, %dma_start3A_38, %dma_start3A_39] : memref<5x128x128xf32, #tpu.memory_space<vmem>> -> memref<1x128x128xf32, #tpu.memory_space<vmem>>
    %dma_start3A_41 = tpu.memref_squeeze %dma_start3A_40 : memref<1x128x128xf32, #tpu.memory_space<vmem>> -> memref<128x128xf32, #tpu.memory_space<vmem>>
    %dma_start3A_42 = arith.constant 0 : i32
    %dma_start3A_43 = tpu.memref_slice %arg5[%dma_start3A_36, %dma_start3A_42] : memref<5x128xi32, #tpu.memory_space<vmem>> -> memref<1x128xi32, #tpu.memory_space<vmem>>
    %dma_start3A_44 = tpu.memref_squeeze %dma_start3A_43 : memref<1x128xi32, #tpu.memory_space<vmem>> -> memref<128xi32, #tpu.memory_space<vmem>>
    %dma_start3A_45 = arith.constant 0 : i32
    %dma_start3A_46 = arith.constant 0 : i32
    %dma_start3A_47 = tpu.memref_slice %arg2[%dma_start3A_45, %dma_start3A_46] : memref<2048x128xf32, #tpu.memory_space<hbm>> -> memref<2048x128xf32, #tpu.memory_space<hbm>>
    tpu.enqueue_indirect_dma source(%dma_start3A_47 : memref<2048x128xf32, #tpu.memory_space<hbm>>) target(%dma_start3A_41 : memref<128x128xf32, #tpu.memory_space<vmem>>) offsets(%dma_start3A_44 : memref<128xi32, #tpu.memory_space<vmem>>) semaphore(%arg7 : memref<!tpu.dma_semaphore, #tpu.memory_space<semaphore_mem>>)
    %dma_start3A_48 = arith.constant 4 : i32
    %dma_start3A_49 = arith.constant 4 : i32
    %dma_start3A_50 = arith.constant 0 : i32
    %dma_start3A_51 = arith.constant 0 : i32
    %dma_start3A_52 = tpu.memref_slice %arg6[%dma_start3A_49, %dma_start3A_50, %dma_start3A_51] : memref<5x128x128xf32, #tpu.memory_space<vmem>> -> memref<1x128x128xf32, #tpu.memory_space<vmem>>
    %dma_start3A_53 = tpu.memref_squeeze %dma_start3A_52 : memref<1x128x128xf32, #tpu.memory_space<vmem>> -> memref<128x128xf32, #tpu.memory_space<vmem>>
    %dma_start3A_54 = arith.constant 0 : i32
    %dma_start3A_55 = tpu.memref_slice %arg5[%dma_start3A_48, %dma_start3A_54] : memref<5x128xi32, #tpu.memory_space<vmem>> -> memref<1x128xi32, #tpu.memory_space<vmem>>
    %dma_start3A_56 = tpu.memref_squeeze %dma_start3A_55 : memref<1x128xi32, #tpu.memory_space<vmem>> -> memref<128xi32, #tpu.memory_space<vmem>>
    %dma_start3A_57 = arith.constant 0 : i32
    %dma_start3A_58 = arith.constant 0 : i32
    %dma_start3A_59 = tpu.memref_slice %arg2[%dma_start3A_57, %dma_start3A_58] : memref<2048x128xf32, #tpu.memory_space<hbm>> -> memref<2048x128xf32, #tpu.memory_space<hbm>>
    tpu.enqueue_indirect_dma source(%dma_start3A_59 : memref<2048x128xf32, #tpu.memory_space<hbm>>) target(%dma_start3A_53 : memref<128x128xf32, #tpu.memory_space<vmem>>) offsets(%dma_start3A_56 : memref<128xi32, #tpu.memory_space<vmem>>) semaphore(%arg7 : memref<!tpu.dma_semaphore, #tpu.memory_space<semaphore_mem>>)
    %dma_wait3A = arith.constant 0 : i32
    %dma_wait3A_60 = arith.constant 0 : i32
    %dma_wait3A_61 = arith.constant 0 : i32
    %dma_wait3A_62 = arith.constant 0 : i32
    %dma_wait3A_63 = tpu.memref_slice %arg6[%dma_wait3A_60, %dma_wait3A_61, %dma_wait3A_62] : memref<5x128x128xf32, #tpu.memory_space<vmem>> -> memref<1x128x128xf32, #tpu.memory_space<vmem>>
    %dma_wait3A_64 = tpu.memref_squeeze %dma_wait3A_63 : memref<1x128x128xf32, #tpu.memory_space<vmem>> -> memref<128x128xf32, #tpu.memory_space<vmem>>
    %dma_wait3A_65 = arith.constant 0 : i32
    %dma_wait3A_66 = tpu.memref_slice %arg5[%dma_wait3A, %dma_wait3A_65] : memref<5x128xi32, #tpu.memory_space<vmem>> -> memref<1x128xi32, #tpu.memory_space<vmem>>
    %dma_wait3A_67 = tpu.memref_squeeze %dma_wait3A_66 : memref<1x128xi32, #tpu.memory_space<vmem>> -> memref<128xi32, #tpu.memory_space<vmem>>
    %dma_wait3A_68 = arith.constant 0 : i32
    %dma_wait3A_69 = arith.constant 0 : i32
    %dma_wait3A_70 = tpu.memref_slice %arg2[%dma_wait3A_68, %dma_wait3A_69] : memref<2048x128xf32, #tpu.memory_space<hbm>> -> memref<2048x128xf32, #tpu.memory_space<hbm>>
    tpu.wait_indirect_dma semaphore(%arg7 : memref<!tpu.dma_semaphore, #tpu.memory_space<semaphore_mem>>) src(%dma_wait3A_70 : memref<2048x128xf32, #tpu.memory_space<hbm>>) dst(%dma_wait3A_64 : memref<128x128xf32, #tpu.memory_space<vmem>>)
    %dma_wait3A_71 = arith.constant 1 : i32
    %dma_wait3A_72 = arith.constant 1 : i32
    %dma_wait3A_73 = arith.constant 0 : i32
    %dma_wait3A_74 = arith.constant 0 : i32
    %dma_wait3A_75 = tpu.memref_slice %arg6[%dma_wait3A_72, %dma_wait3A_73, %dma_wait3A_74] : memref<5x128x128xf32, #tpu.memory_space<vmem>> -> memref<1x128x128xf32, #tpu.memory_space<vmem>>
    %dma_wait3A_76 = tpu.memref_squeeze %dma_wait3A_75 : memref<1x128x128xf32, #tpu.memory_space<vmem>> -> memref<128x128xf32, #tpu.memory_space<vmem>>
    %dma_wait3A_77 = arith.constant 0 : i32
    %dma_wait3A_78 = tpu.memref_slice %arg5[%dma_wait3A_71, %dma_wait3A_77] : memref<5x128xi32, #tpu.memory_space<vmem>> -> memref<1x128xi32, #tpu.memory_space<vmem>>
    %dma_wait3A_79 = tpu.memref_squeeze %dma_wait3A_78 : memref<1x128xi32, #tpu.memory_space<vmem>> -> memref<128xi32, #tpu.memory_space<vmem>>
    %dma_wait3A_80 = arith.constant 0 : i32
    %dma_wait3A_81 = arith.constant 0 : i32
    %dma_wait3A_82 = tpu.memref_slice %arg2[%dma_wait3A_80, %dma_wait3A_81] : memref<2048x128xf32, #tpu.memory_space<hbm>> -> memref<2048x128xf32, #tpu.memory_space<hbm>>
    tpu.wait_indirect_dma semaphore(%arg7 : memref<!tpu.dma_semaphore, #tpu.memory_space<semaphore_mem>>) src(%dma_wait3A_82 : memref<2048x128xf32, #tpu.memory_space<hbm>>) dst(%dma_wait3A_76 : memref<128x128xf32, #tpu.memory_space<vmem>>)
    %dma_wait3A_83 = arith.constant 2 : i32
    %dma_wait3A_84 = arith.constant 2 : i32
    %dma_wait3A_85 = arith.constant 0 : i32
    %dma_wait3A_86 = arith.constant 0 : i32
    %dma_wait3A_87 = tpu.memref_slice %arg6[%dma_wait3A_84, %dma_wait3A_85, %dma_wait3A_86] : memref<5x128x128xf32, #tpu.memory_space<vmem>> -> memref<1x128x128xf32, #tpu.memory_space<vmem>>
    %dma_wait3A_88 = tpu.memref_squeeze %dma_wait3A_87 : memref<1x128x128xf32, #tpu.memory_space<vmem>> -> memref<128x128xf32, #tpu.memory_space<vmem>>
    %dma_wait3A_89 = arith.constant 0 : i32
    %dma_wait3A_90 = tpu.memref_slice %arg5[%dma_wait3A_83, %dma_wait3A_89] : memref<5x128xi32, #tpu.memory_space<vmem>> -> memref<1x128xi32, #tpu.memory_space<vmem>>
    %dma_wait3A_91 = tpu.memref_squeeze %dma_wait3A_90 : memref<1x128xi32, #tpu.memory_space<vmem>> -> memref<128xi32, #tpu.memory_space<vmem>>
    %dma_wait3A_92 = arith.constant 0 : i32
    %dma_wait3A_93 = arith.constant 0 : i32
    %dma_wait3A_94 = tpu.memref_slice %arg2[%dma_wait3A_92, %dma_wait3A_93] : memref<2048x128xf32, #tpu.memory_space<hbm>> -> memref<2048x128xf32, #tpu.memory_space<hbm>>
    tpu.wait_indirect_dma semaphore(%arg7 : memref<!tpu.dma_semaphore, #tpu.memory_space<semaphore_mem>>) src(%dma_wait3A_94 : memref<2048x128xf32, #tpu.memory_space<hbm>>) dst(%dma_wait3A_88 : memref<128x128xf32, #tpu.memory_space<vmem>>)
    %dma_wait3A_95 = arith.constant 3 : i32
    %dma_wait3A_96 = arith.constant 3 : i32
    %dma_wait3A_97 = arith.constant 0 : i32
    %dma_wait3A_98 = arith.constant 0 : i32
    %dma_wait3A_99 = tpu.memref_slice %arg6[%dma_wait3A_96, %dma_wait3A_97, %dma_wait3A_98] : memref<5x128x128xf32, #tpu.memory_space<vmem>> -> memref<1x128x128xf32, #tpu.memory_space<vmem>>
    %dma_wait3A_100 = tpu.memref_squeeze %dma_wait3A_99 : memref<1x128x128xf32, #tpu.memory_space<vmem>> -> memref<128x128xf32, #tpu.memory_space<vmem>>
    %dma_wait3A_101 = arith.constant 0 : i32
    %dma_wait3A_102 = tpu.memref_slice %arg5[%dma_wait3A_95, %dma_wait3A_101] : memref<5x128xi32, #tpu.memory_space<vmem>> -> memref<1x128xi32, #tpu.memory_space<vmem>>
    %dma_wait3A_103 = tpu.memref_squeeze %dma_wait3A_102 : memref<1x128xi32, #tpu.memory_space<vmem>> -> memref<128xi32, #tpu.memory_space<vmem>>
    %dma_wait3A_104 = arith.constant 0 : i32
    %dma_wait3A_105 = arith.constant 0 : i32
    %dma_wait3A_106 = tpu.memref_slice %arg2[%dma_wait3A_104, %dma_wait3A_105] : memref<2048x128xf32, #tpu.memory_space<hbm>> -> memref<2048x128xf32, #tpu.memory_space<hbm>>
    tpu.wait_indirect_dma semaphore(%arg7 : memref<!tpu.dma_semaphore, #tpu.memory_space<semaphore_mem>>) src(%dma_wait3A_106 : memref<2048x128xf32, #tpu.memory_space<hbm>>) dst(%dma_wait3A_100 : memref<128x128xf32, #tpu.memory_space<vmem>>)
    %dma_wait3A_107 = arith.constant 4 : i32
    %dma_wait3A_108 = arith.constant 4 : i32
    %dma_wait3A_109 = arith.constant 0 : i32
    %dma_wait3A_110 = arith.constant 0 : i32
    %dma_wait3A_111 = tpu.memref_slice %arg6[%dma_wait3A_108, %dma_wait3A_109, %dma_wait3A_110] : memref<5x128x128xf32, #tpu.memory_space<vmem>> -> memref<1x128x128xf32, #tpu.memory_space<vmem>>
    %dma_wait3A_112 = tpu.memref_squeeze %dma_wait3A_111 : memref<1x128x128xf32, #tpu.memory_space<vmem>> -> memref<128x128xf32, #tpu.memory_space<vmem>>
    %dma_wait3A_113 = arith.constant 0 : i32
    %dma_wait3A_114 = tpu.memref_slice %arg5[%dma_wait3A_107, %dma_wait3A_113] : memref<5x128xi32, #tpu.memory_space<vmem>> -> memref<1x128xi32, #tpu.memory_space<vmem>>
    %dma_wait3A_115 = tpu.memref_squeeze %dma_wait3A_114 : memref<1x128xi32, #tpu.memory_space<vmem>> -> memref<128xi32, #tpu.memory_space<vmem>>
    %dma_wait3A_116 = arith.constant 0 : i32
    %dma_wait3A_117 = arith.constant 0 : i32
    %dma_wait3A_118 = tpu.memref_slice %arg2[%dma_wait3A_116, %dma_wait3A_117] : memref<2048x128xf32, #tpu.memory_space<hbm>> -> memref<2048x128xf32, #tpu.memory_space<hbm>>
    tpu.wait_indirect_dma semaphore(%arg7 : memref<!tpu.dma_semaphore, #tpu.memory_space<semaphore_mem>>) src(%dma_wait3A_118 : memref<2048x128xf32, #tpu.memory_space<hbm>>) dst(%dma_wait3A_112 : memref<128x128xf32, #tpu.memory_space<vmem>>)
    %mul3A_119 = arith.constant 5 : i32
    %mul3A_120 = arith.muli %add3A, %mul3A_119 : i32
    %add3A_121 = arith.constant 0 : i32
    %add3A_122 = arith.addi %mul3A_120, %add3A_121 : i32
    %mul3A_123 = arith.constant 128 : i32
    %mul3A_124 = arith.muli %add3A_122, %mul3A_123 : i32
    %run_scoped3A = arith.constant 0 : i32
    "tpu.region"() ({
      %run_scoped3A_153 = tpu.sem_alloc : memref<!tpu.dma_semaphore, #tpu.memory_space<semaphore_mem>>
      %dma_start3A_154 = arith.constant 0 : i32
      %dma_start3A_155 = arith.constant 0 : i32
      %dma_start3A_156 = tpu.memref_slice %arg6[%run_scoped3A, %dma_start3A_154, %dma_start3A_155] : memref<5x128x128xf32, #tpu.memory_space<vmem>> -> memref<1x128x128xf32, #tpu.memory_space<vmem>>
      %dma_start3A_157 = tpu.memref_squeeze %dma_start3A_156 : memref<1x128x128xf32, #tpu.memory_space<vmem>> -> memref<128x128xf32, #tpu.memory_space<vmem>>
      %dma_start3A_158 = arith.constant 0 : i32
      %dma_start3A_159 = tpu.memref_slice %arg4[%mul3A_124, %dma_start3A_158] : memref<20480x128xf32, #tpu.memory_space<hbm>> -> memref<128x128xf32, #tpu.memory_space<hbm>>
      %dma_start3A_160 = arith.constant 0 : i32
      %dma_start3A_161 = tpu.memref_slice %arg4[%mul3A_124, %dma_start3A_160] : memref<20480x128xf32, #tpu.memory_space<hbm>> -> memref<128x128xf32, #tpu.memory_space<hbm>>
      %dma_start3A_162 = arith.constant 0 : i32
      %dma_start3A_163 = arith.constant 0 : i32
      %dma_start3A_164 = tpu.memref_slice %arg6[%run_scoped3A, %dma_start3A_162, %dma_start3A_163] : memref<5x128x128xf32, #tpu.memory_space<vmem>> -> memref<1x128x128xf32, #tpu.memory_space<vmem>>
      %dma_start3A_165 = tpu.memref_squeeze %dma_start3A_164 : memref<1x128x128xf32, #tpu.memory_space<vmem>> -> memref<128x128xf32, #tpu.memory_space<vmem>>
      tpu.enqueue_dma source(%dma_start3A_165 : memref<128x128xf32, #tpu.memory_space<vmem>>) target(%dma_start3A_161 : memref<128x128xf32, #tpu.memory_space<hbm>>) target_semaphore(%run_scoped3A_153 : memref<!tpu.dma_semaphore, #tpu.memory_space<semaphore_mem>>)
      %dma_wait3A_166 = arith.constant 0 : i32
      %dma_wait3A_167 = arith.constant 0 : i32
      %dma_wait3A_168 = tpu.memref_slice %arg6[%run_scoped3A, %dma_wait3A_166, %dma_wait3A_167] : memref<5x128x128xf32, #tpu.memory_space<vmem>> -> memref<1x128x128xf32, #tpu.memory_space<vmem>>
      %dma_wait3A_169 = tpu.memref_squeeze %dma_wait3A_168 : memref<1x128x128xf32, #tpu.memory_space<vmem>> -> memref<128x128xf32, #tpu.memory_space<vmem>>
      %dma_wait3A_170 = arith.constant 0 : i32
      %dma_wait3A_171 = tpu.memref_slice %arg4[%mul3A_124, %dma_wait3A_170] : memref<20480x128xf32, #tpu.memory_space<hbm>> -> memref<128x128xf32, #tpu.memory_space<hbm>>
      %dma_wait3A_172 = arith.constant 0 : i32
      %dma_wait3A_173 = tpu.memref_slice %arg4[%mul3A_124, %dma_wait3A_172] : memref<20480x128xf32, #tpu.memory_space<hbm>> -> memref<128x128xf32, #tpu.memory_space<hbm>>
      %dma_wait3A_174 = arith.constant 0 : i32
      %dma_wait3A_175 = arith.constant 0 : i32
      %dma_wait3A_176 = tpu.memref_slice %arg6[%run_scoped3A, %dma_wait3A_174, %dma_wait3A_175] : memref<5x128x128xf32, #tpu.memory_space<vmem>> -> memref<1x128x128xf32, #tpu.memory_space<vmem>>
      %dma_wait3A_177 = tpu.memref_squeeze %dma_wait3A_176 : memref<1x128x128xf32, #tpu.memory_space<vmem>> -> memref<128x128xf32, #tpu.memory_space<vmem>>
      tpu.wait_dma2 semaphore(%run_scoped3A_153 : memref<!tpu.dma_semaphore, #tpu.memory_space<semaphore_mem>>) src(%dma_wait3A_177 : memref<128x128xf32, #tpu.memory_space<vmem>>) dst(%dma_wait3A_173 : memref<128x128xf32, #tpu.memory_space<hbm>>)
      tpu.yield
    }) : () -> ()
    %mul3A_125 = arith.constant 5 : i32
    %mul3A_126 = arith.muli %add3A, %mul3A_125 : i32
    %add3A_127 = arith.constant 1 : i32
    %add3A_128 = arith.addi %mul3A_126, %add3A_127 : i32
    %mul3A_129 = arith.constant 128 : i32
    %mul3A_130 = arith.muli %add3A_128, %mul3A_129 : i32
    %run_scoped3A_131 = arith.constant 1 : i32
    "tpu.region"() ({
      %run_scoped3A_153 = tpu.sem_alloc : memref<!tpu.dma_semaphore, #tpu.memory_space<semaphore_mem>>
      %dma_start3A_154 = arith.constant 0 : i32
      %dma_start3A_155 = arith.constant 0 : i32
      %dma_start3A_156 = tpu.memref_slice %arg6[%run_scoped3A_131, %dma_start3A_154, %dma_start3A_155] : memref<5x128x128xf32, #tpu.memory_space<vmem>> -> memref<1x128x128xf32, #tpu.memory_space<vmem>>
      %dma_start3A_157 = tpu.memref_squeeze %dma_start3A_156 : memref<1x128x128xf32, #tpu.memory_space<vmem>> -> memref<128x128xf32, #tpu.memory_space<vmem>>
      %dma_start3A_158 = arith.constant 0 : i32
      %dma_start3A_159 = tpu.memref_slice %arg4[%mul3A_130, %dma_start3A_158] : memref<20480x128xf32, #tpu.memory_space<hbm>> -> memref<128x128xf32, #tpu.memory_space<hbm>>
      %dma_start3A_160 = arith.constant 0 : i32
      %dma_start3A_161 = tpu.memref_slice %arg4[%mul3A_130, %dma_start3A_160] : memref<20480x128xf32, #tpu.memory_space<hbm>> -> memref<128x128xf32, #tpu.memory_space<hbm>>
      %dma_start3A_162 = arith.constant 0 : i32
      %dma_start3A_163 = arith.constant 0 : i32
      %dma_start3A_164 = tpu.memref_slice %arg6[%run_scoped3A_131, %dma_start3A_162, %dma_start3A_163] : memref<5x128x128xf32, #tpu.memory_space<vmem>> -> memref<1x128x128xf32, #tpu.memory_space<vmem>>
      %dma_start3A_165 = tpu.memref_squeeze %dma_start3A_164 : memref<1x128x128xf32, #tpu.memory_space<vmem>> -> memref<128x128xf32, #tpu.memory_space<vmem>>
      tpu.enqueue_dma source(%dma_start3A_165 : memref<128x128xf32, #tpu.memory_space<vmem>>) target(%dma_start3A_161 : memref<128x128xf32, #tpu.memory_space<hbm>>) target_semaphore(%run_scoped3A_153 : memref<!tpu.dma_semaphore, #tpu.memory_space<semaphore_mem>>)
      %dma_wait3A_166 = arith.constant 0 : i32
      %dma_wait3A_167 = arith.constant 0 : i32
      %dma_wait3A_168 = tpu.memref_slice %arg6[%run_scoped3A_131, %dma_wait3A_166, %dma_wait3A_167] : memref<5x128x128xf32, #tpu.memory_space<vmem>> -> memref<1x128x128xf32, #tpu.memory_space<vmem>>
      %dma_wait3A_169 = tpu.memref_squeeze %dma_wait3A_168 : memref<1x128x128xf32, #tpu.memory_space<vmem>> -> memref<128x128xf32, #tpu.memory_space<vmem>>
      %dma_wait3A_170 = arith.constant 0 : i32
      %dma_wait3A_171 = tpu.memref_slice %arg4[%mul3A_130, %dma_wait3A_170] : memref<20480x128xf32, #tpu.memory_space<hbm>> -> memref<128x128xf32, #tpu.memory_space<hbm>>
      %dma_wait3A_172 = arith.constant 0 : i32
      %dma_wait3A_173 = tpu.memref_slice %arg4[%mul3A_130, %dma_wait3A_172] : memref<20480x128xf32, #tpu.memory_space<hbm>> -> memref<128x128xf32, #tpu.memory_space<hbm>>
      %dma_wait3A_174 = arith.constant 0 : i32
      %dma_wait3A_175 = arith.constant 0 : i32
      %dma_wait3A_176 = tpu.memref_slice %arg6[%run_scoped3A_131, %dma_wait3A_174, %dma_wait3A_175] : memref<5x128x128xf32, #tpu.memory_space<vmem>> -> memref<1x128x128xf32, #tpu.memory_space<vmem>>
      %dma_wait3A_177 = tpu.memref_squeeze %dma_wait3A_176 : memref<1x128x128xf32, #tpu.memory_space<vmem>> -> memref<128x128xf32, #tpu.memory_space<vmem>>
      tpu.wait_dma2 semaphore(%run_scoped3A_153 : memref<!tpu.dma_semaphore, #tpu.memory_space<semaphore_mem>>) src(%dma_wait3A_177 : memref<128x128xf32, #tpu.memory_space<vmem>>) dst(%dma_wait3A_173 : memref<128x128xf32, #tpu.memory_space<hbm>>)
      tpu.yield
    }) : () -> ()
    %mul3A_132 = arith.constant 5 : i32
    %mul3A_133 = arith.muli %add3A, %mul3A_132 : i32
    %add3A_134 = arith.constant 2 : i32
    %add3A_135 = arith.addi %mul3A_133, %add3A_134 : i32
    %mul3A_136 = arith.constant 128 : i32
    %mul3A_137 = arith.muli %add3A_135, %mul3A_136 : i32
    %run_scoped3A_138 = arith.constant 2 : i32
    "tpu.region"() ({
      %run_scoped3A_153 = tpu.sem_alloc : memref<!tpu.dma_semaphore, #tpu.memory_space<semaphore_mem>>
      %dma_start3A_154 = arith.constant 0 : i32
      %dma_start3A_155 = arith.constant 0 : i32
      %dma_start3A_156 = tpu.memref_slice %arg6[%run_scoped3A_138, %dma_start3A_154, %dma_start3A_155] : memref<5x128x128xf32, #tpu.memory_space<vmem>> -> memref<1x128x128xf32, #tpu.memory_space<vmem>>
      %dma_start3A_157 = tpu.memref_squeeze %dma_start3A_156 : memref<1x128x128xf32, #tpu.memory_space<vmem>> -> memref<128x128xf32, #tpu.memory_space<vmem>>
      %dma_start3A_158 = arith.constant 0 : i32
      %dma_start3A_159 = tpu.memref_slice %arg4[%mul3A_137, %dma_start3A_158] : memref<20480x128xf32, #tpu.memory_space<hbm>> -> memref<128x128xf32, #tpu.memory_space<hbm>>
      %dma_start3A_160 = arith.constant 0 : i32
      %dma_start3A_161 = tpu.memref_slice %arg4[%mul3A_137, %dma_start3A_160] : memref<20480x128xf32, #tpu.memory_space<hbm>> -> memref<128x128xf32, #tpu.memory_space<hbm>>
      %dma_start3A_162 = arith.constant 0 : i32
      %dma_start3A_163 = arith.constant 0 : i32
      %dma_start3A_164 = tpu.memref_slice %arg6[%run_scoped3A_138, %dma_start3A_162, %dma_start3A_163] : memref<5x128x128xf32, #tpu.memory_space<vmem>> -> memref<1x128x128xf32, #tpu.memory_space<vmem>>
      %dma_start3A_165 = tpu.memref_squeeze %dma_start3A_164 : memref<1x128x128xf32, #tpu.memory_space<vmem>> -> memref<128x128xf32, #tpu.memory_space<vmem>>
      tpu.enqueue_dma source(%dma_start3A_165 : memref<128x128xf32, #tpu.memory_space<vmem>>) target(%dma_start3A_161 : memref<128x128xf32, #tpu.memory_space<hbm>>) target_semaphore(%run_scoped3A_153 : memref<!tpu.dma_semaphore, #tpu.memory_space<semaphore_mem>>)
      %dma_wait3A_166 = arith.constant 0 : i32
      %dma_wait3A_167 = arith.constant 0 : i32
      %dma_wait3A_168 = tpu.memref_slice %arg6[%run_scoped3A_138, %dma_wait3A_166, %dma_wait3A_167] : memref<5x128x128xf32, #tpu.memory_space<vmem>> -> memref<1x128x128xf32, #tpu.memory_space<vmem>>
      %dma_wait3A_169 = tpu.memref_squeeze %dma_wait3A_168 : memref<1x128x128xf32, #tpu.memory_space<vmem>> -> memref<128x128xf32, #tpu.memory_space<vmem>>
      %dma_wait3A_170 = arith.constant 0 : i32
      %dma_wait3A_171 = tpu.memref_slice %arg4[%mul3A_137, %dma_wait3A_170] : memref<20480x128xf32, #tpu.memory_space<hbm>> -> memref<128x128xf32, #tpu.memory_space<hbm>>
      %dma_wait3A_172 = arith.constant 0 : i32
      %dma_wait3A_173 = tpu.memref_slice %arg4[%mul3A_137, %dma_wait3A_172] : memref<20480x128xf32, #tpu.memory_space<hbm>> -> memref<128x128xf32, #tpu.memory_space<hbm>>
      %dma_wait3A_174 = arith.constant 0 : i32
      %dma_wait3A_175 = arith.constant 0 : i32
      %dma_wait3A_176 = tpu.memref_slice %arg6[%run_scoped3A_138, %dma_wait3A_174, %dma_wait3A_175] : memref<5x128x128xf32, #tpu.memory_space<vmem>> -> memref<1x128x128xf32, #tpu.memory_space<vmem>>
      %dma_wait3A_177 = tpu.memref_squeeze %dma_wait3A_176 : memref<1x128x128xf32, #tpu.memory_space<vmem>> -> memref<128x128xf32, #tpu.memory_space<vmem>>
      tpu.wait_dma2 semaphore(%run_scoped3A_153 : memref<!tpu.dma_semaphore, #tpu.memory_space<semaphore_mem>>) src(%dma_wait3A_177 : memref<128x128xf32, #tpu.memory_space<vmem>>) dst(%dma_wait3A_173 : memref<128x128xf32, #tpu.memory_space<hbm>>)
      tpu.yield
    }) : () -> ()
    %mul3A_139 = arith.constant 5 : i32
    %mul3A_140 = arith.muli %add3A, %mul3A_139 : i32
    %add3A_141 = arith.constant 3 : i32
    %add3A_142 = arith.addi %mul3A_140, %add3A_141 : i32
    %mul3A_143 = arith.constant 128 : i32
    %mul3A_144 = arith.muli %add3A_142, %mul3A_143 : i32
    %run_scoped3A_145 = arith.constant 3 : i32
    "tpu.region"() ({
      %run_scoped3A_153 = tpu.sem_alloc : memref<!tpu.dma_semaphore, #tpu.memory_space<semaphore_mem>>
      %dma_start3A_154 = arith.constant 0 : i32
      %dma_start3A_155 = arith.constant 0 : i32
      %dma_start3A_156 = tpu.memref_slice %arg6[%run_scoped3A_145, %dma_start3A_154, %dma_start3A_155] : memref<5x128x128xf32, #tpu.memory_space<vmem>> -> memref<1x128x128xf32, #tpu.memory_space<vmem>>
      %dma_start3A_157 = tpu.memref_squeeze %dma_start3A_156 : memref<1x128x128xf32, #tpu.memory_space<vmem>> -> memref<128x128xf32, #tpu.memory_space<vmem>>
      %dma_start3A_158 = arith.constant 0 : i32
      %dma_start3A_159 = tpu.memref_slice %arg4[%mul3A_144, %dma_start3A_158] : memref<20480x128xf32, #tpu.memory_space<hbm>> -> memref<128x128xf32, #tpu.memory_space<hbm>>
      %dma_start3A_160 = arith.constant 0 : i32
      %dma_start3A_161 = tpu.memref_slice %arg4[%mul3A_144, %dma_start3A_160] : memref<20480x128xf32, #tpu.memory_space<hbm>> -> memref<128x128xf32, #tpu.memory_space<hbm>>
      %dma_start3A_162 = arith.constant 0 : i32
      %dma_start3A_163 = arith.constant 0 : i32
      %dma_start3A_164 = tpu.memref_slice %arg6[%run_scoped3A_145, %dma_start3A_162, %dma_start3A_163] : memref<5x128x128xf32, #tpu.memory_space<vmem>> -> memref<1x128x128xf32, #tpu.memory_space<vmem>>
      %dma_start3A_165 = tpu.memref_squeeze %dma_start3A_164 : memref<1x128x128xf32, #tpu.memory_space<vmem>> -> memref<128x128xf32, #tpu.memory_space<vmem>>
      tpu.enqueue_dma source(%dma_start3A_165 : memref<128x128xf32, #tpu.memory_space<vmem>>) target(%dma_start3A_161 : memref<128x128xf32, #tpu.memory_space<hbm>>) target_semaphore(%run_scoped3A_153 : memref<!tpu.dma_semaphore, #tpu.memory_space<semaphore_mem>>)
      %dma_wait3A_166 = arith.constant 0 : i32
      %dma_wait3A_167 = arith.constant 0 : i32
      %dma_wait3A_168 = tpu.memref_slice %arg6[%run_scoped3A_145, %dma_wait3A_166, %dma_wait3A_167] : memref<5x128x128xf32, #tpu.memory_space<vmem>> -> memref<1x128x128xf32, #tpu.memory_space<vmem>>
      %dma_wait3A_169 = tpu.memref_squeeze %dma_wait3A_168 : memref<1x128x128xf32, #tpu.memory_space<vmem>> -> memref<128x128xf32, #tpu.memory_space<vmem>>
      %dma_wait3A_170 = arith.constant 0 : i32
      %dma_wait3A_171 = tpu.memref_slice %arg4[%mul3A_144, %dma_wait3A_170] : memref<20480x128xf32, #tpu.memory_space<hbm>> -> memref<128x128xf32, #tpu.memory_space<hbm>>
      %dma_wait3A_172 = arith.constant 0 : i32
      %dma_wait3A_173 = tpu.memref_slice %arg4[%mul3A_144, %dma_wait3A_172] : memref<20480x128xf32, #tpu.memory_space<hbm>> -> memref<128x128xf32, #tpu.memory_space<hbm>>
      %dma_wait3A_174 = arith.constant 0 : i32
      %dma_wait3A_175 = arith.constant 0 : i32
      %dma_wait3A_176 = tpu.memref_slice %arg6[%run_scoped3A_145, %dma_wait3A_174, %dma_wait3A_175] : memref<5x128x128xf32, #tpu.memory_space<vmem>> -> memref<1x128x128xf32, #tpu.memory_space<vmem>>
      %dma_wait3A_177 = tpu.memref_squeeze %dma_wait3A_176 : memref<1x128x128xf32, #tpu.memory_space<vmem>> -> memref<128x128xf32, #tpu.memory_space<vmem>>
      tpu.wait_dma2 semaphore(%run_scoped3A_153 : memref<!tpu.dma_semaphore, #tpu.memory_space<semaphore_mem>>) src(%dma_wait3A_177 : memref<128x128xf32, #tpu.memory_space<vmem>>) dst(%dma_wait3A_173 : memref<128x128xf32, #tpu.memory_space<hbm>>)
      tpu.yield
    }) : () -> ()
    %mul3A_146 = arith.constant 5 : i32
    %mul3A_147 = arith.muli %add3A, %mul3A_146 : i32
    %add3A_148 = arith.constant 4 : i32
    %add3A_149 = arith.addi %mul3A_147, %add3A_148 : i32
    %mul3A_150 = arith.constant 128 : i32
    %mul3A_151 = arith.muli %add3A_149, %mul3A_150 : i32
    %run_scoped3A_152 = arith.constant 4 : i32
    "tpu.region"() ({
      %run_scoped3A_153 = tpu.sem_alloc : memref<!tpu.dma_semaphore, #tpu.memory_space<semaphore_mem>>
      %dma_start3A_154 = arith.constant 0 : i32
      %dma_start3A_155 = arith.constant 0 : i32
      %dma_start3A_156 = tpu.memref_slice %arg6[%run_scoped3A_152, %dma_start3A_154, %dma_start3A_155] : memref<5x128x128xf32, #tpu.memory_space<vmem>> -> memref<1x128x128xf32, #tpu.memory_space<vmem>>
      %dma_start3A_157 = tpu.memref_squeeze %dma_start3A_156 : memref<1x128x128xf32, #tpu.memory_space<vmem>> -> memref<128x128xf32, #tpu.memory_space<vmem>>
      %dma_start3A_158 = arith.constant 0 : i32
      %dma_start3A_159 = tpu.memref_slice %arg4[%mul3A_151, %dma_start3A_158] : memref<20480x128xf32, #tpu.memory_space<hbm>> -> memref<128x128xf32, #tpu.memory_space<hbm>>
      %dma_start3A_160 = arith.constant 0 : i32
      %dma_start3A_161 = tpu.memref_slice %arg4[%mul3A_151, %dma_start3A_160] : memref<20480x128xf32, #tpu.memory_space<hbm>> -> memref<128x128xf32, #tpu.memory_space<hbm>>
      %dma_start3A_162 = arith.constant 0 : i32
      %dma_start3A_163 = arith.constant 0 : i32
      %dma_start3A_164 = tpu.memref_slice %arg6[%run_scoped3A_152, %dma_start3A_162, %dma_start3A_163] : memref<5x128x128xf32, #tpu.memory_space<vmem>> -> memref<1x128x128xf32, #tpu.memory_space<vmem>>
      %dma_start3A_165 = tpu.memref_squeeze %dma_start3A_164 : memref<1x128x128xf32, #tpu.memory_space<vmem>> -> memref<128x128xf32, #tpu.memory_space<vmem>>
      tpu.enqueue_dma source(%dma_start3A_165 : memref<128x128xf32, #tpu.memory_space<vmem>>) target(%dma_start3A_161 : memref<128x128xf32, #tpu.memory_space<hbm>>) target_semaphore(%run_scoped3A_153 : memref<!tpu.dma_semaphore, #tpu.memory_space<semaphore_mem>>)
      %dma_wait3A_166 = arith.constant 0 : i32
      %dma_wait3A_167 = arith.constant 0 : i32
      %dma_wait3A_168 = tpu.memref_slice %arg6[%run_scoped3A_152, %dma_wait3A_166, %dma_wait3A_167] : memref<5x128x128xf32, #tpu.memory_space<vmem>> -> memref<1x128x128xf32, #tpu.memory_space<vmem>>
      %dma_wait3A_169 = tpu.memref_squeeze %dma_wait3A_168 : memref<1x128x128xf32, #tpu.memory_space<vmem>> -> memref<128x128xf32, #tpu.memory_space<vmem>>
      %dma_wait3A_170 = arith.constant 0 : i32
      %dma_wait3A_171 = tpu.memref_slice %arg4[%mul3A_151, %dma_wait3A_170] : memref<20480x128xf32, #tpu.memory_space<hbm>> -> memref<128x128xf32, #tpu.memory_space<hbm>>
      %dma_wait3A_172 = arith.constant 0 : i32
      %dma_wait3A_173 = tpu.memref_slice %arg4[%mul3A_151, %dma_wait3A_172] : memref<20480x128xf32, #tpu.memory_space<hbm>> -> memref<128x128xf32, #tpu.memory_space<hbm>>
      %dma_wait3A_174 = arith.constant 0 : i32
      %dma_wait3A_175 = arith.constant 0 : i32
      %dma_wait3A_176 = tpu.memref_slice %arg6[%run_scoped3A_152, %dma_wait3A_174, %dma_wait3A_175] : memref<5x128x128xf32, #tpu.memory_space<vmem>> -> memref<1x128x128xf32, #tpu.memory_space<vmem>>
      %dma_wait3A_177 = tpu.memref_squeeze %dma_wait3A_176 : memref<1x128x128xf32, #tpu.memory_space<vmem>> -> memref<128x128xf32, #tpu.memory_space<vmem>>
      tpu.wait_dma2 semaphore(%run_scoped3A_153 : memref<!tpu.dma_semaphore, #tpu.memory_space<semaphore_mem>>) src(%dma_wait3A_177 : memref<128x128xf32, #tpu.memory_space<vmem>>) dst(%dma_wait3A_173 : memref<128x128xf32, #tpu.memory_space<hbm>>)
      tpu.yield
    }) : () -> ()
    return
  }
}

#map = affine_map<(d0, d1) -> (0, 0)>
#map1 = affine_map<(d0, d1) -> (0, 0, 0)>
module attributes {stable_mosaic.version = 14 : i64} {
  func.func @k(%arg0: i32, %arg1: i32, %arg2: memref<2048x128xf32, #tpu.memory_space<hbm>>, %arg3: memref<2048x128xf32, #tpu.memory_space<hbm>>, %arg4: memref<32x5x128xi32, #tpu.memory_space<hbm>>, %arg5: memref<20480x128xf32, #tpu.memory_space<hbm>>, %arg6: memref<20480x128xf32, #tpu.memory_space<hbm>>, %arg7: memref<5x128xi32, #tpu.memory_space<vmem>>, %arg8: memref<5x128x128xf32, #tpu.memory_space<vmem>>, %arg9: memref<!tpu.dma_semaphore, #tpu.memory_space<semaphore_mem>>, %arg10: memref<!tpu.dma_semaphore, #tpu.memory_space<semaphore_mem>>) attributes {dimension_semantics = [#tpu.dimension_semantics<core_parallel>, #tpu.dimension_semantics<subcore_parallel>], iteration_bounds = array<i64: 2, 16>, scalar_prefetch = 0 : i64, scratch_operands = 4 : i64, tpu.core_type = #tpu.core_type<sc_vector_subcore>, window_params = [{transform_indices = #map}, {transform_indices = #map}, {transform_indices = #map1}, {transform_indices = #map}, {transform_indices = #map}]} {
    %mul3A = arith.constant 2 : i32
    %mul3A_0 = arith.muli %arg1, %mul3A : i32
    %add3A = arith.addi %mul3A_0, %arg0 : i32
    "tpu.region"() ({
      %run_scoped3A_308 = tpu.sem_alloc : memref<!tpu.dma_semaphore, #tpu.memory_space<semaphore_mem>>
      %dma_start3A_309 = arith.constant 0 : i32
      %dma_start3A_310 = arith.constant 0 : i32
      %dma_start3A_311 = tpu.memref_slice %arg4[%add3A, %dma_start3A_309, %dma_start3A_310] : memref<32x5x128xi32, #tpu.memory_space<hbm>> -> memref<1x5x128xi32, #tpu.memory_space<hbm>>
      %dma_start3A_312 = tpu.memref_squeeze %dma_start3A_311 : memref<1x5x128xi32, #tpu.memory_space<hbm>> -> memref<5x128xi32, #tpu.memory_space<hbm>>
      %dma_start3A_313 = arith.constant 0 : i32
      %dma_start3A_314 = arith.constant 0 : i32
      %dma_start3A_315 = tpu.memref_slice %arg4[%add3A, %dma_start3A_313, %dma_start3A_314] : memref<32x5x128xi32, #tpu.memory_space<hbm>> -> memref<1x5x128xi32, #tpu.memory_space<hbm>>
      %dma_start3A_316 = tpu.memref_squeeze %dma_start3A_315 : memref<1x5x128xi32, #tpu.memory_space<hbm>> -> memref<5x128xi32, #tpu.memory_space<hbm>>
      tpu.enqueue_dma source(%dma_start3A_316 : memref<5x128xi32, #tpu.memory_space<hbm>>) target(%arg7 : memref<5x128xi32, #tpu.memory_space<vmem>>) target_semaphore(%run_scoped3A_308 : memref<!tpu.dma_semaphore, #tpu.memory_space<semaphore_mem>>)
      %dma_wait3A_317 = arith.constant 0 : i32
      %dma_wait3A_318 = arith.constant 0 : i32
      %dma_wait3A_319 = tpu.memref_slice %arg4[%add3A, %dma_wait3A_317, %dma_wait3A_318] : memref<32x5x128xi32, #tpu.memory_space<hbm>> -> memref<1x5x128xi32, #tpu.memory_space<hbm>>
      %dma_wait3A_320 = tpu.memref_squeeze %dma_wait3A_319 : memref<1x5x128xi32, #tpu.memory_space<hbm>> -> memref<5x128xi32, #tpu.memory_space<hbm>>
      %dma_wait3A_321 = arith.constant 0 : i32
      %dma_wait3A_322 = arith.constant 0 : i32
      %dma_wait3A_323 = tpu.memref_slice %arg4[%add3A, %dma_wait3A_321, %dma_wait3A_322] : memref<32x5x128xi32, #tpu.memory_space<hbm>> -> memref<1x5x128xi32, #tpu.memory_space<hbm>>
      %dma_wait3A_324 = tpu.memref_squeeze %dma_wait3A_323 : memref<1x5x128xi32, #tpu.memory_space<hbm>> -> memref<5x128xi32, #tpu.memory_space<hbm>>
      tpu.wait_dma2 semaphore(%run_scoped3A_308 : memref<!tpu.dma_semaphore, #tpu.memory_space<semaphore_mem>>) src(%dma_wait3A_324 : memref<5x128xi32, #tpu.memory_space<hbm>>) dst(%arg7 : memref<5x128xi32, #tpu.memory_space<vmem>>)
      tpu.yield
    }) : () -> ()
    %dma_start3A = arith.constant 0 : i32
    %dma_start3A_1 = arith.constant 0 : i32
    %dma_start3A_2 = arith.constant 0 : i32
    %dma_start3A_3 = arith.constant 0 : i32
    %dma_start3A_4 = tpu.memref_slice %arg8[%dma_start3A_1, %dma_start3A_2, %dma_start3A_3] : memref<5x128x128xf32, #tpu.memory_space<vmem>> -> memref<1x128x128xf32, #tpu.memory_space<vmem>>
    %dma_start3A_5 = tpu.memref_squeeze %dma_start3A_4 : memref<1x128x128xf32, #tpu.memory_space<vmem>> -> memref<128x128xf32, #tpu.memory_space<vmem>>
    %dma_start3A_6 = arith.constant 0 : i32
    %dma_start3A_7 = tpu.memref_slice %arg7[%dma_start3A, %dma_start3A_6] : memref<5x128xi32, #tpu.memory_space<vmem>> -> memref<1x128xi32, #tpu.memory_space<vmem>>
    %dma_start3A_8 = tpu.memref_squeeze %dma_start3A_7 : memref<1x128xi32, #tpu.memory_space<vmem>> -> memref<128xi32, #tpu.memory_space<vmem>>
    %dma_start3A_9 = arith.constant 0 : i32
    %dma_start3A_10 = arith.constant 0 : i32
    %dma_start3A_11 = tpu.memref_slice %arg2[%dma_start3A_9, %dma_start3A_10] : memref<2048x128xf32, #tpu.memory_space<hbm>> -> memref<2048x128xf32, #tpu.memory_space<hbm>>
    tpu.enqueue_indirect_dma source(%dma_start3A_11 : memref<2048x128xf32, #tpu.memory_space<hbm>>) target(%dma_start3A_5 : memref<128x128xf32, #tpu.memory_space<vmem>>) offsets(%dma_start3A_8 : memref<128xi32, #tpu.memory_space<vmem>>) semaphore(%arg9 : memref<!tpu.dma_semaphore, #tpu.memory_space<semaphore_mem>>)
    %dma_start3A_12 = arith.constant 1 : i32
    %dma_start3A_13 = arith.constant 1 : i32
    %dma_start3A_14 = arith.constant 0 : i32
    %dma_start3A_15 = arith.constant 0 : i32
    %dma_start3A_16 = tpu.memref_slice %arg8[%dma_start3A_13, %dma_start3A_14, %dma_start3A_15] : memref<5x128x128xf32, #tpu.memory_space<vmem>> -> memref<1x128x128xf32, #tpu.memory_space<vmem>>
    %dma_start3A_17 = tpu.memref_squeeze %dma_start3A_16 : memref<1x128x128xf32, #tpu.memory_space<vmem>> -> memref<128x128xf32, #tpu.memory_space<vmem>>
    %dma_start3A_18 = arith.constant 0 : i32
    %dma_start3A_19 = tpu.memref_slice %arg7[%dma_start3A_12, %dma_start3A_18] : memref<5x128xi32, #tpu.memory_space<vmem>> -> memref<1x128xi32, #tpu.memory_space<vmem>>
    %dma_start3A_20 = tpu.memref_squeeze %dma_start3A_19 : memref<1x128xi32, #tpu.memory_space<vmem>> -> memref<128xi32, #tpu.memory_space<vmem>>
    %dma_start3A_21 = arith.constant 0 : i32
    %dma_start3A_22 = arith.constant 0 : i32
    %dma_start3A_23 = tpu.memref_slice %arg2[%dma_start3A_21, %dma_start3A_22] : memref<2048x128xf32, #tpu.memory_space<hbm>> -> memref<2048x128xf32, #tpu.memory_space<hbm>>
    tpu.enqueue_indirect_dma source(%dma_start3A_23 : memref<2048x128xf32, #tpu.memory_space<hbm>>) target(%dma_start3A_17 : memref<128x128xf32, #tpu.memory_space<vmem>>) offsets(%dma_start3A_20 : memref<128xi32, #tpu.memory_space<vmem>>) semaphore(%arg9 : memref<!tpu.dma_semaphore, #tpu.memory_space<semaphore_mem>>)
    %dma_start3A_24 = arith.constant 2 : i32
    %dma_start3A_25 = arith.constant 2 : i32
    %dma_start3A_26 = arith.constant 0 : i32
    %dma_start3A_27 = arith.constant 0 : i32
    %dma_start3A_28 = tpu.memref_slice %arg8[%dma_start3A_25, %dma_start3A_26, %dma_start3A_27] : memref<5x128x128xf32, #tpu.memory_space<vmem>> -> memref<1x128x128xf32, #tpu.memory_space<vmem>>
    %dma_start3A_29 = tpu.memref_squeeze %dma_start3A_28 : memref<1x128x128xf32, #tpu.memory_space<vmem>> -> memref<128x128xf32, #tpu.memory_space<vmem>>
    %dma_start3A_30 = arith.constant 0 : i32
    %dma_start3A_31 = tpu.memref_slice %arg7[%dma_start3A_24, %dma_start3A_30] : memref<5x128xi32, #tpu.memory_space<vmem>> -> memref<1x128xi32, #tpu.memory_space<vmem>>
    %dma_start3A_32 = tpu.memref_squeeze %dma_start3A_31 : memref<1x128xi32, #tpu.memory_space<vmem>> -> memref<128xi32, #tpu.memory_space<vmem>>
    %dma_start3A_33 = arith.constant 0 : i32
    %dma_start3A_34 = arith.constant 0 : i32
    %dma_start3A_35 = tpu.memref_slice %arg2[%dma_start3A_33, %dma_start3A_34] : memref<2048x128xf32, #tpu.memory_space<hbm>> -> memref<2048x128xf32, #tpu.memory_space<hbm>>
    tpu.enqueue_indirect_dma source(%dma_start3A_35 : memref<2048x128xf32, #tpu.memory_space<hbm>>) target(%dma_start3A_29 : memref<128x128xf32, #tpu.memory_space<vmem>>) offsets(%dma_start3A_32 : memref<128xi32, #tpu.memory_space<vmem>>) semaphore(%arg9 : memref<!tpu.dma_semaphore, #tpu.memory_space<semaphore_mem>>)
    %dma_start3A_36 = arith.constant 3 : i32
    %dma_start3A_37 = arith.constant 3 : i32
    %dma_start3A_38 = arith.constant 0 : i32
    %dma_start3A_39 = arith.constant 0 : i32
    %dma_start3A_40 = tpu.memref_slice %arg8[%dma_start3A_37, %dma_start3A_38, %dma_start3A_39] : memref<5x128x128xf32, #tpu.memory_space<vmem>> -> memref<1x128x128xf32, #tpu.memory_space<vmem>>
    %dma_start3A_41 = tpu.memref_squeeze %dma_start3A_40 : memref<1x128x128xf32, #tpu.memory_space<vmem>> -> memref<128x128xf32, #tpu.memory_space<vmem>>
    %dma_start3A_42 = arith.constant 0 : i32
    %dma_start3A_43 = tpu.memref_slice %arg7[%dma_start3A_36, %dma_start3A_42] : memref<5x128xi32, #tpu.memory_space<vmem>> -> memref<1x128xi32, #tpu.memory_space<vmem>>
    %dma_start3A_44 = tpu.memref_squeeze %dma_start3A_43 : memref<1x128xi32, #tpu.memory_space<vmem>> -> memref<128xi32, #tpu.memory_space<vmem>>
    %dma_start3A_45 = arith.constant 0 : i32
    %dma_start3A_46 = arith.constant 0 : i32
    %dma_start3A_47 = tpu.memref_slice %arg2[%dma_start3A_45, %dma_start3A_46] : memref<2048x128xf32, #tpu.memory_space<hbm>> -> memref<2048x128xf32, #tpu.memory_space<hbm>>
    tpu.enqueue_indirect_dma source(%dma_start3A_47 : memref<2048x128xf32, #tpu.memory_space<hbm>>) target(%dma_start3A_41 : memref<128x128xf32, #tpu.memory_space<vmem>>) offsets(%dma_start3A_44 : memref<128xi32, #tpu.memory_space<vmem>>) semaphore(%arg9 : memref<!tpu.dma_semaphore, #tpu.memory_space<semaphore_mem>>)
    %dma_start3A_48 = arith.constant 4 : i32
    %dma_start3A_49 = arith.constant 4 : i32
    %dma_start3A_50 = arith.constant 0 : i32
    %dma_start3A_51 = arith.constant 0 : i32
    %dma_start3A_52 = tpu.memref_slice %arg8[%dma_start3A_49, %dma_start3A_50, %dma_start3A_51] : memref<5x128x128xf32, #tpu.memory_space<vmem>> -> memref<1x128x128xf32, #tpu.memory_space<vmem>>
    %dma_start3A_53 = tpu.memref_squeeze %dma_start3A_52 : memref<1x128x128xf32, #tpu.memory_space<vmem>> -> memref<128x128xf32, #tpu.memory_space<vmem>>
    %dma_start3A_54 = arith.constant 0 : i32
    %dma_start3A_55 = tpu.memref_slice %arg7[%dma_start3A_48, %dma_start3A_54] : memref<5x128xi32, #tpu.memory_space<vmem>> -> memref<1x128xi32, #tpu.memory_space<vmem>>
    %dma_start3A_56 = tpu.memref_squeeze %dma_start3A_55 : memref<1x128xi32, #tpu.memory_space<vmem>> -> memref<128xi32, #tpu.memory_space<vmem>>
    %dma_start3A_57 = arith.constant 0 : i32
    %dma_start3A_58 = arith.constant 0 : i32
    %dma_start3A_59 = tpu.memref_slice %arg2[%dma_start3A_57, %dma_start3A_58] : memref<2048x128xf32, #tpu.memory_space<hbm>> -> memref<2048x128xf32, #tpu.memory_space<hbm>>
    tpu.enqueue_indirect_dma source(%dma_start3A_59 : memref<2048x128xf32, #tpu.memory_space<hbm>>) target(%dma_start3A_53 : memref<128x128xf32, #tpu.memory_space<vmem>>) offsets(%dma_start3A_56 : memref<128xi32, #tpu.memory_space<vmem>>) semaphore(%arg9 : memref<!tpu.dma_semaphore, #tpu.memory_space<semaphore_mem>>)
    %dma_wait3A = arith.constant 0 : i32
    %dma_wait3A_60 = arith.constant 0 : i32
    %dma_wait3A_61 = arith.constant 0 : i32
    %dma_wait3A_62 = arith.constant 0 : i32
    %dma_wait3A_63 = tpu.memref_slice %arg8[%dma_wait3A_60, %dma_wait3A_61, %dma_wait3A_62] : memref<5x128x128xf32, #tpu.memory_space<vmem>> -> memref<1x128x128xf32, #tpu.memory_space<vmem>>
    %dma_wait3A_64 = tpu.memref_squeeze %dma_wait3A_63 : memref<1x128x128xf32, #tpu.memory_space<vmem>> -> memref<128x128xf32, #tpu.memory_space<vmem>>
    %dma_wait3A_65 = arith.constant 0 : i32
    %dma_wait3A_66 = tpu.memref_slice %arg7[%dma_wait3A, %dma_wait3A_65] : memref<5x128xi32, #tpu.memory_space<vmem>> -> memref<1x128xi32, #tpu.memory_space<vmem>>
    %dma_wait3A_67 = tpu.memref_squeeze %dma_wait3A_66 : memref<1x128xi32, #tpu.memory_space<vmem>> -> memref<128xi32, #tpu.memory_space<vmem>>
    %dma_wait3A_68 = arith.constant 0 : i32
    %dma_wait3A_69 = arith.constant 0 : i32
    %dma_wait3A_70 = tpu.memref_slice %arg2[%dma_wait3A_68, %dma_wait3A_69] : memref<2048x128xf32, #tpu.memory_space<hbm>> -> memref<2048x128xf32, #tpu.memory_space<hbm>>
    tpu.wait_indirect_dma semaphore(%arg9 : memref<!tpu.dma_semaphore, #tpu.memory_space<semaphore_mem>>) src(%dma_wait3A_70 : memref<2048x128xf32, #tpu.memory_space<hbm>>) dst(%dma_wait3A_64 : memref<128x128xf32, #tpu.memory_space<vmem>>)
    %dma_wait3A_71 = arith.constant 1 : i32
    %dma_wait3A_72 = arith.constant 1 : i32
    %dma_wait3A_73 = arith.constant 0 : i32
    %dma_wait3A_74 = arith.constant 0 : i32
    %dma_wait3A_75 = tpu.memref_slice %arg8[%dma_wait3A_72, %dma_wait3A_73, %dma_wait3A_74] : memref<5x128x128xf32, #tpu.memory_space<vmem>> -> memref<1x128x128xf32, #tpu.memory_space<vmem>>
    %dma_wait3A_76 = tpu.memref_squeeze %dma_wait3A_75 : memref<1x128x128xf32, #tpu.memory_space<vmem>> -> memref<128x128xf32, #tpu.memory_space<vmem>>
    %dma_wait3A_77 = arith.constant 0 : i32
    %dma_wait3A_78 = tpu.memref_slice %arg7[%dma_wait3A_71, %dma_wait3A_77] : memref<5x128xi32, #tpu.memory_space<vmem>> -> memref<1x128xi32, #tpu.memory_space<vmem>>
    %dma_wait3A_79 = tpu.memref_squeeze %dma_wait3A_78 : memref<1x128xi32, #tpu.memory_space<vmem>> -> memref<128xi32, #tpu.memory_space<vmem>>
    %dma_wait3A_80 = arith.constant 0 : i32
    %dma_wait3A_81 = arith.constant 0 : i32
    %dma_wait3A_82 = tpu.memref_slice %arg2[%dma_wait3A_80, %dma_wait3A_81] : memref<2048x128xf32, #tpu.memory_space<hbm>> -> memref<2048x128xf32, #tpu.memory_space<hbm>>
    tpu.wait_indirect_dma semaphore(%arg9 : memref<!tpu.dma_semaphore, #tpu.memory_space<semaphore_mem>>) src(%dma_wait3A_82 : memref<2048x128xf32, #tpu.memory_space<hbm>>) dst(%dma_wait3A_76 : memref<128x128xf32, #tpu.memory_space<vmem>>)
    %dma_wait3A_83 = arith.constant 2 : i32
    %dma_wait3A_84 = arith.constant 2 : i32
    %dma_wait3A_85 = arith.constant 0 : i32
    %dma_wait3A_86 = arith.constant 0 : i32
    %dma_wait3A_87 = tpu.memref_slice %arg8[%dma_wait3A_84, %dma_wait3A_85, %dma_wait3A_86] : memref<5x128x128xf32, #tpu.memory_space<vmem>> -> memref<1x128x128xf32, #tpu.memory_space<vmem>>
    %dma_wait3A_88 = tpu.memref_squeeze %dma_wait3A_87 : memref<1x128x128xf32, #tpu.memory_space<vmem>> -> memref<128x128xf32, #tpu.memory_space<vmem>>
    %dma_wait3A_89 = arith.constant 0 : i32
    %dma_wait3A_90 = tpu.memref_slice %arg7[%dma_wait3A_83, %dma_wait3A_89] : memref<5x128xi32, #tpu.memory_space<vmem>> -> memref<1x128xi32, #tpu.memory_space<vmem>>
    %dma_wait3A_91 = tpu.memref_squeeze %dma_wait3A_90 : memref<1x128xi32, #tpu.memory_space<vmem>> -> memref<128xi32, #tpu.memory_space<vmem>>
    %dma_wait3A_92 = arith.constant 0 : i32
    %dma_wait3A_93 = arith.constant 0 : i32
    %dma_wait3A_94 = tpu.memref_slice %arg2[%dma_wait3A_92, %dma_wait3A_93] : memref<2048x128xf32, #tpu.memory_space<hbm>> -> memref<2048x128xf32, #tpu.memory_space<hbm>>
    tpu.wait_indirect_dma semaphore(%arg9 : memref<!tpu.dma_semaphore, #tpu.memory_space<semaphore_mem>>) src(%dma_wait3A_94 : memref<2048x128xf32, #tpu.memory_space<hbm>>) dst(%dma_wait3A_88 : memref<128x128xf32, #tpu.memory_space<vmem>>)
    %dma_wait3A_95 = arith.constant 3 : i32
    %dma_wait3A_96 = arith.constant 3 : i32
    %dma_wait3A_97 = arith.constant 0 : i32
    %dma_wait3A_98 = arith.constant 0 : i32
    %dma_wait3A_99 = tpu.memref_slice %arg8[%dma_wait3A_96, %dma_wait3A_97, %dma_wait3A_98] : memref<5x128x128xf32, #tpu.memory_space<vmem>> -> memref<1x128x128xf32, #tpu.memory_space<vmem>>
    %dma_wait3A_100 = tpu.memref_squeeze %dma_wait3A_99 : memref<1x128x128xf32, #tpu.memory_space<vmem>> -> memref<128x128xf32, #tpu.memory_space<vmem>>
    %dma_wait3A_101 = arith.constant 0 : i32
    %dma_wait3A_102 = tpu.memref_slice %arg7[%dma_wait3A_95, %dma_wait3A_101] : memref<5x128xi32, #tpu.memory_space<vmem>> -> memref<1x128xi32, #tpu.memory_space<vmem>>
    %dma_wait3A_103 = tpu.memref_squeeze %dma_wait3A_102 : memref<1x128xi32, #tpu.memory_space<vmem>> -> memref<128xi32, #tpu.memory_space<vmem>>
    %dma_wait3A_104 = arith.constant 0 : i32
    %dma_wait3A_105 = arith.constant 0 : i32
    %dma_wait3A_106 = tpu.memref_slice %arg2[%dma_wait3A_104, %dma_wait3A_105] : memref<2048x128xf32, #tpu.memory_space<hbm>> -> memref<2048x128xf32, #tpu.memory_space<hbm>>
    tpu.wait_indirect_dma semaphore(%arg9 : memref<!tpu.dma_semaphore, #tpu.memory_space<semaphore_mem>>) src(%dma_wait3A_106 : memref<2048x128xf32, #tpu.memory_space<hbm>>) dst(%dma_wait3A_100 : memref<128x128xf32, #tpu.memory_space<vmem>>)
    %dma_wait3A_107 = arith.constant 4 : i32
    %dma_wait3A_108 = arith.constant 4 : i32
    %dma_wait3A_109 = arith.constant 0 : i32
    %dma_wait3A_110 = arith.constant 0 : i32
    %dma_wait3A_111 = tpu.memref_slice %arg8[%dma_wait3A_108, %dma_wait3A_109, %dma_wait3A_110] : memref<5x128x128xf32, #tpu.memory_space<vmem>> -> memref<1x128x128xf32, #tpu.memory_space<vmem>>
    %dma_wait3A_112 = tpu.memref_squeeze %dma_wait3A_111 : memref<1x128x128xf32, #tpu.memory_space<vmem>> -> memref<128x128xf32, #tpu.memory_space<vmem>>
    %dma_wait3A_113 = arith.constant 0 : i32
    %dma_wait3A_114 = tpu.memref_slice %arg7[%dma_wait3A_107, %dma_wait3A_113] : memref<5x128xi32, #tpu.memory_space<vmem>> -> memref<1x128xi32, #tpu.memory_space<vmem>>
    %dma_wait3A_115 = tpu.memref_squeeze %dma_wait3A_114 : memref<1x128xi32, #tpu.memory_space<vmem>> -> memref<128xi32, #tpu.memory_space<vmem>>
    %dma_wait3A_116 = arith.constant 0 : i32
    %dma_wait3A_117 = arith.constant 0 : i32
    %dma_wait3A_118 = tpu.memref_slice %arg2[%dma_wait3A_116, %dma_wait3A_117] : memref<2048x128xf32, #tpu.memory_space<hbm>> -> memref<2048x128xf32, #tpu.memory_space<hbm>>
    tpu.wait_indirect_dma semaphore(%arg9 : memref<!tpu.dma_semaphore, #tpu.memory_space<semaphore_mem>>) src(%dma_wait3A_118 : memref<2048x128xf32, #tpu.memory_space<hbm>>) dst(%dma_wait3A_112 : memref<128x128xf32, #tpu.memory_space<vmem>>)
    %mul3A_119 = arith.constant 5 : i32
    %mul3A_120 = arith.muli %add3A, %mul3A_119 : i32
    %add3A_121 = arith.constant 0 : i32
    %add3A_122 = arith.addi %mul3A_120, %add3A_121 : i32
    %mul3A_123 = arith.constant 128 : i32
    %mul3A_124 = arith.muli %add3A_122, %mul3A_123 : i32
    %run_scoped3A = arith.constant 0 : i32
    "tpu.region"() ({
      %run_scoped3A_308 = tpu.sem_alloc : memref<!tpu.dma_semaphore, #tpu.memory_space<semaphore_mem>>
      %dma_start3A_309 = arith.constant 0 : i32
      %dma_start3A_310 = arith.constant 0 : i32
      %dma_start3A_311 = tpu.memref_slice %arg8[%run_scoped3A, %dma_start3A_309, %dma_start3A_310] : memref<5x128x128xf32, #tpu.memory_space<vmem>> -> memref<1x128x128xf32, #tpu.memory_space<vmem>>
      %dma_start3A_312 = tpu.memref_squeeze %dma_start3A_311 : memref<1x128x128xf32, #tpu.memory_space<vmem>> -> memref<128x128xf32, #tpu.memory_space<vmem>>
      %dma_start3A_313 = arith.constant 0 : i32
      %dma_start3A_314 = tpu.memref_slice %arg5[%mul3A_124, %dma_start3A_313] : memref<20480x128xf32, #tpu.memory_space<hbm>> -> memref<128x128xf32, #tpu.memory_space<hbm>>
      %dma_start3A_315 = arith.constant 0 : i32
      %dma_start3A_316 = tpu.memref_slice %arg5[%mul3A_124, %dma_start3A_315] : memref<20480x128xf32, #tpu.memory_space<hbm>> -> memref<128x128xf32, #tpu.memory_space<hbm>>
      %dma_start3A_317 = arith.constant 0 : i32
      %dma_start3A_318 = arith.constant 0 : i32
      %dma_start3A_319 = tpu.memref_slice %arg8[%run_scoped3A, %dma_start3A_317, %dma_start3A_318] : memref<5x128x128xf32, #tpu.memory_space<vmem>> -> memref<1x128x128xf32, #tpu.memory_space<vmem>>
      %dma_start3A_320 = tpu.memref_squeeze %dma_start3A_319 : memref<1x128x128xf32, #tpu.memory_space<vmem>> -> memref<128x128xf32, #tpu.memory_space<vmem>>
      tpu.enqueue_dma source(%dma_start3A_320 : memref<128x128xf32, #tpu.memory_space<vmem>>) target(%dma_start3A_316 : memref<128x128xf32, #tpu.memory_space<hbm>>) target_semaphore(%run_scoped3A_308 : memref<!tpu.dma_semaphore, #tpu.memory_space<semaphore_mem>>)
      %dma_wait3A_321 = arith.constant 0 : i32
      %dma_wait3A_322 = arith.constant 0 : i32
      %dma_wait3A_323 = tpu.memref_slice %arg8[%run_scoped3A, %dma_wait3A_321, %dma_wait3A_322] : memref<5x128x128xf32, #tpu.memory_space<vmem>> -> memref<1x128x128xf32, #tpu.memory_space<vmem>>
      %dma_wait3A_324 = tpu.memref_squeeze %dma_wait3A_323 : memref<1x128x128xf32, #tpu.memory_space<vmem>> -> memref<128x128xf32, #tpu.memory_space<vmem>>
      %dma_wait3A_325 = arith.constant 0 : i32
      %dma_wait3A_326 = tpu.memref_slice %arg5[%mul3A_124, %dma_wait3A_325] : memref<20480x128xf32, #tpu.memory_space<hbm>> -> memref<128x128xf32, #tpu.memory_space<hbm>>
      %dma_wait3A_327 = arith.constant 0 : i32
      %dma_wait3A_328 = tpu.memref_slice %arg5[%mul3A_124, %dma_wait3A_327] : memref<20480x128xf32, #tpu.memory_space<hbm>> -> memref<128x128xf32, #tpu.memory_space<hbm>>
      %dma_wait3A_329 = arith.constant 0 : i32
      %dma_wait3A_330 = arith.constant 0 : i32
      %dma_wait3A_331 = tpu.memref_slice %arg8[%run_scoped3A, %dma_wait3A_329, %dma_wait3A_330] : memref<5x128x128xf32, #tpu.memory_space<vmem>> -> memref<1x128x128xf32, #tpu.memory_space<vmem>>
      %dma_wait3A_332 = tpu.memref_squeeze %dma_wait3A_331 : memref<1x128x128xf32, #tpu.memory_space<vmem>> -> memref<128x128xf32, #tpu.memory_space<vmem>>
      tpu.wait_dma2 semaphore(%run_scoped3A_308 : memref<!tpu.dma_semaphore, #tpu.memory_space<semaphore_mem>>) src(%dma_wait3A_332 : memref<128x128xf32, #tpu.memory_space<vmem>>) dst(%dma_wait3A_328 : memref<128x128xf32, #tpu.memory_space<hbm>>)
      tpu.yield
    }) : () -> ()
    %mul3A_125 = arith.constant 5 : i32
    %mul3A_126 = arith.muli %add3A, %mul3A_125 : i32
    %add3A_127 = arith.constant 1 : i32
    %add3A_128 = arith.addi %mul3A_126, %add3A_127 : i32
    %mul3A_129 = arith.constant 128 : i32
    %mul3A_130 = arith.muli %add3A_128, %mul3A_129 : i32
    %run_scoped3A_131 = arith.constant 1 : i32
    "tpu.region"() ({
      %run_scoped3A_308 = tpu.sem_alloc : memref<!tpu.dma_semaphore, #tpu.memory_space<semaphore_mem>>
      %dma_start3A_309 = arith.constant 0 : i32
      %dma_start3A_310 = arith.constant 0 : i32
      %dma_start3A_311 = tpu.memref_slice %arg8[%run_scoped3A_131, %dma_start3A_309, %dma_start3A_310] : memref<5x128x128xf32, #tpu.memory_space<vmem>> -> memref<1x128x128xf32, #tpu.memory_space<vmem>>
      %dma_start3A_312 = tpu.memref_squeeze %dma_start3A_311 : memref<1x128x128xf32, #tpu.memory_space<vmem>> -> memref<128x128xf32, #tpu.memory_space<vmem>>
      %dma_start3A_313 = arith.constant 0 : i32
      %dma_start3A_314 = tpu.memref_slice %arg5[%mul3A_130, %dma_start3A_313] : memref<20480x128xf32, #tpu.memory_space<hbm>> -> memref<128x128xf32, #tpu.memory_space<hbm>>
      %dma_start3A_315 = arith.constant 0 : i32
      %dma_start3A_316 = tpu.memref_slice %arg5[%mul3A_130, %dma_start3A_315] : memref<20480x128xf32, #tpu.memory_space<hbm>> -> memref<128x128xf32, #tpu.memory_space<hbm>>
      %dma_start3A_317 = arith.constant 0 : i32
      %dma_start3A_318 = arith.constant 0 : i32
      %dma_start3A_319 = tpu.memref_slice %arg8[%run_scoped3A_131, %dma_start3A_317, %dma_start3A_318] : memref<5x128x128xf32, #tpu.memory_space<vmem>> -> memref<1x128x128xf32, #tpu.memory_space<vmem>>
      %dma_start3A_320 = tpu.memref_squeeze %dma_start3A_319 : memref<1x128x128xf32, #tpu.memory_space<vmem>> -> memref<128x128xf32, #tpu.memory_space<vmem>>
      tpu.enqueue_dma source(%dma_start3A_320 : memref<128x128xf32, #tpu.memory_space<vmem>>) target(%dma_start3A_316 : memref<128x128xf32, #tpu.memory_space<hbm>>) target_semaphore(%run_scoped3A_308 : memref<!tpu.dma_semaphore, #tpu.memory_space<semaphore_mem>>)
      %dma_wait3A_321 = arith.constant 0 : i32
      %dma_wait3A_322 = arith.constant 0 : i32
      %dma_wait3A_323 = tpu.memref_slice %arg8[%run_scoped3A_131, %dma_wait3A_321, %dma_wait3A_322] : memref<5x128x128xf32, #tpu.memory_space<vmem>> -> memref<1x128x128xf32, #tpu.memory_space<vmem>>
      %dma_wait3A_324 = tpu.memref_squeeze %dma_wait3A_323 : memref<1x128x128xf32, #tpu.memory_space<vmem>> -> memref<128x128xf32, #tpu.memory_space<vmem>>
      %dma_wait3A_325 = arith.constant 0 : i32
      %dma_wait3A_326 = tpu.memref_slice %arg5[%mul3A_130, %dma_wait3A_325] : memref<20480x128xf32, #tpu.memory_space<hbm>> -> memref<128x128xf32, #tpu.memory_space<hbm>>
      %dma_wait3A_327 = arith.constant 0 : i32
      %dma_wait3A_328 = tpu.memref_slice %arg5[%mul3A_130, %dma_wait3A_327] : memref<20480x128xf32, #tpu.memory_space<hbm>> -> memref<128x128xf32, #tpu.memory_space<hbm>>
      %dma_wait3A_329 = arith.constant 0 : i32
      %dma_wait3A_330 = arith.constant 0 : i32
      %dma_wait3A_331 = tpu.memref_slice %arg8[%run_scoped3A_131, %dma_wait3A_329, %dma_wait3A_330] : memref<5x128x128xf32, #tpu.memory_space<vmem>> -> memref<1x128x128xf32, #tpu.memory_space<vmem>>
      %dma_wait3A_332 = tpu.memref_squeeze %dma_wait3A_331 : memref<1x128x128xf32, #tpu.memory_space<vmem>> -> memref<128x128xf32, #tpu.memory_space<vmem>>
      tpu.wait_dma2 semaphore(%run_scoped3A_308 : memref<!tpu.dma_semaphore, #tpu.memory_space<semaphore_mem>>) src(%dma_wait3A_332 : memref<128x128xf32, #tpu.memory_space<vmem>>) dst(%dma_wait3A_328 : memref<128x128xf32, #tpu.memory_space<hbm>>)
      tpu.yield
    }) : () -> ()
    %mul3A_132 = arith.constant 5 : i32
    %mul3A_133 = arith.muli %add3A, %mul3A_132 : i32
    %add3A_134 = arith.constant 2 : i32
    %add3A_135 = arith.addi %mul3A_133, %add3A_134 : i32
    %mul3A_136 = arith.constant 128 : i32
    %mul3A_137 = arith.muli %add3A_135, %mul3A_136 : i32
    %run_scoped3A_138 = arith.constant 2 : i32
    "tpu.region"() ({
      %run_scoped3A_308 = tpu.sem_alloc : memref<!tpu.dma_semaphore, #tpu.memory_space<semaphore_mem>>
      %dma_start3A_309 = arith.constant 0 : i32
      %dma_start3A_310 = arith.constant 0 : i32
      %dma_start3A_311 = tpu.memref_slice %arg8[%run_scoped3A_138, %dma_start3A_309, %dma_start3A_310] : memref<5x128x128xf32, #tpu.memory_space<vmem>> -> memref<1x128x128xf32, #tpu.memory_space<vmem>>
      %dma_start3A_312 = tpu.memref_squeeze %dma_start3A_311 : memref<1x128x128xf32, #tpu.memory_space<vmem>> -> memref<128x128xf32, #tpu.memory_space<vmem>>
      %dma_start3A_313 = arith.constant 0 : i32
      %dma_start3A_314 = tpu.memref_slice %arg5[%mul3A_137, %dma_start3A_313] : memref<20480x128xf32, #tpu.memory_space<hbm>> -> memref<128x128xf32, #tpu.memory_space<hbm>>
      %dma_start3A_315 = arith.constant 0 : i32
      %dma_start3A_316 = tpu.memref_slice %arg5[%mul3A_137, %dma_start3A_315] : memref<20480x128xf32, #tpu.memory_space<hbm>> -> memref<128x128xf32, #tpu.memory_space<hbm>>
      %dma_start3A_317 = arith.constant 0 : i32
      %dma_start3A_318 = arith.constant 0 : i32
      %dma_start3A_319 = tpu.memref_slice %arg8[%run_scoped3A_138, %dma_start3A_317, %dma_start3A_318] : memref<5x128x128xf32, #tpu.memory_space<vmem>> -> memref<1x128x128xf32, #tpu.memory_space<vmem>>
      %dma_start3A_320 = tpu.memref_squeeze %dma_start3A_319 : memref<1x128x128xf32, #tpu.memory_space<vmem>> -> memref<128x128xf32, #tpu.memory_space<vmem>>
      tpu.enqueue_dma source(%dma_start3A_320 : memref<128x128xf32, #tpu.memory_space<vmem>>) target(%dma_start3A_316 : memref<128x128xf32, #tpu.memory_space<hbm>>) target_semaphore(%run_scoped3A_308 : memref<!tpu.dma_semaphore, #tpu.memory_space<semaphore_mem>>)
      %dma_wait3A_321 = arith.constant 0 : i32
      %dma_wait3A_322 = arith.constant 0 : i32
      %dma_wait3A_323 = tpu.memref_slice %arg8[%run_scoped3A_138, %dma_wait3A_321, %dma_wait3A_322] : memref<5x128x128xf32, #tpu.memory_space<vmem>> -> memref<1x128x128xf32, #tpu.memory_space<vmem>>
      %dma_wait3A_324 = tpu.memref_squeeze %dma_wait3A_323 : memref<1x128x128xf32, #tpu.memory_space<vmem>> -> memref<128x128xf32, #tpu.memory_space<vmem>>
      %dma_wait3A_325 = arith.constant 0 : i32
      %dma_wait3A_326 = tpu.memref_slice %arg5[%mul3A_137, %dma_wait3A_325] : memref<20480x128xf32, #tpu.memory_space<hbm>> -> memref<128x128xf32, #tpu.memory_space<hbm>>
      %dma_wait3A_327 = arith.constant 0 : i32
      %dma_wait3A_328 = tpu.memref_slice %arg5[%mul3A_137, %dma_wait3A_327] : memref<20480x128xf32, #tpu.memory_space<hbm>> -> memref<128x128xf32, #tpu.memory_space<hbm>>
      %dma_wait3A_329 = arith.constant 0 : i32
      %dma_wait3A_330 = arith.constant 0 : i32
      %dma_wait3A_331 = tpu.memref_slice %arg8[%run_scoped3A_138, %dma_wait3A_329, %dma_wait3A_330] : memref<5x128x128xf32, #tpu.memory_space<vmem>> -> memref<1x128x128xf32, #tpu.memory_space<vmem>>
      %dma_wait3A_332 = tpu.memref_squeeze %dma_wait3A_331 : memref<1x128x128xf32, #tpu.memory_space<vmem>> -> memref<128x128xf32, #tpu.memory_space<vmem>>
      tpu.wait_dma2 semaphore(%run_scoped3A_308 : memref<!tpu.dma_semaphore, #tpu.memory_space<semaphore_mem>>) src(%dma_wait3A_332 : memref<128x128xf32, #tpu.memory_space<vmem>>) dst(%dma_wait3A_328 : memref<128x128xf32, #tpu.memory_space<hbm>>)
      tpu.yield
    }) : () -> ()
    %mul3A_139 = arith.constant 5 : i32
    %mul3A_140 = arith.muli %add3A, %mul3A_139 : i32
    %add3A_141 = arith.constant 3 : i32
    %add3A_142 = arith.addi %mul3A_140, %add3A_141 : i32
    %mul3A_143 = arith.constant 128 : i32
    %mul3A_144 = arith.muli %add3A_142, %mul3A_143 : i32
    %run_scoped3A_145 = arith.constant 3 : i32
    "tpu.region"() ({
      %run_scoped3A_308 = tpu.sem_alloc : memref<!tpu.dma_semaphore, #tpu.memory_space<semaphore_mem>>
      %dma_start3A_309 = arith.constant 0 : i32
      %dma_start3A_310 = arith.constant 0 : i32
      %dma_start3A_311 = tpu.memref_slice %arg8[%run_scoped3A_145, %dma_start3A_309, %dma_start3A_310] : memref<5x128x128xf32, #tpu.memory_space<vmem>> -> memref<1x128x128xf32, #tpu.memory_space<vmem>>
      %dma_start3A_312 = tpu.memref_squeeze %dma_start3A_311 : memref<1x128x128xf32, #tpu.memory_space<vmem>> -> memref<128x128xf32, #tpu.memory_space<vmem>>
      %dma_start3A_313 = arith.constant 0 : i32
      %dma_start3A_314 = tpu.memref_slice %arg5[%mul3A_144, %dma_start3A_313] : memref<20480x128xf32, #tpu.memory_space<hbm>> -> memref<128x128xf32, #tpu.memory_space<hbm>>
      %dma_start3A_315 = arith.constant 0 : i32
      %dma_start3A_316 = tpu.memref_slice %arg5[%mul3A_144, %dma_start3A_315] : memref<20480x128xf32, #tpu.memory_space<hbm>> -> memref<128x128xf32, #tpu.memory_space<hbm>>
      %dma_start3A_317 = arith.constant 0 : i32
      %dma_start3A_318 = arith.constant 0 : i32
      %dma_start3A_319 = tpu.memref_slice %arg8[%run_scoped3A_145, %dma_start3A_317, %dma_start3A_318] : memref<5x128x128xf32, #tpu.memory_space<vmem>> -> memref<1x128x128xf32, #tpu.memory_space<vmem>>
      %dma_start3A_320 = tpu.memref_squeeze %dma_start3A_319 : memref<1x128x128xf32, #tpu.memory_space<vmem>> -> memref<128x128xf32, #tpu.memory_space<vmem>>
      tpu.enqueue_dma source(%dma_start3A_320 : memref<128x128xf32, #tpu.memory_space<vmem>>) target(%dma_start3A_316 : memref<128x128xf32, #tpu.memory_space<hbm>>) target_semaphore(%run_scoped3A_308 : memref<!tpu.dma_semaphore, #tpu.memory_space<semaphore_mem>>)
      %dma_wait3A_321 = arith.constant 0 : i32
      %dma_wait3A_322 = arith.constant 0 : i32
      %dma_wait3A_323 = tpu.memref_slice %arg8[%run_scoped3A_145, %dma_wait3A_321, %dma_wait3A_322] : memref<5x128x128xf32, #tpu.memory_space<vmem>> -> memref<1x128x128xf32, #tpu.memory_space<vmem>>
      %dma_wait3A_324 = tpu.memref_squeeze %dma_wait3A_323 : memref<1x128x128xf32, #tpu.memory_space<vmem>> -> memref<128x128xf32, #tpu.memory_space<vmem>>
      %dma_wait3A_325 = arith.constant 0 : i32
      %dma_wait3A_326 = tpu.memref_slice %arg5[%mul3A_144, %dma_wait3A_325] : memref<20480x128xf32, #tpu.memory_space<hbm>> -> memref<128x128xf32, #tpu.memory_space<hbm>>
      %dma_wait3A_327 = arith.constant 0 : i32
      %dma_wait3A_328 = tpu.memref_slice %arg5[%mul3A_144, %dma_wait3A_327] : memref<20480x128xf32, #tpu.memory_space<hbm>> -> memref<128x128xf32, #tpu.memory_space<hbm>>
      %dma_wait3A_329 = arith.constant 0 : i32
      %dma_wait3A_330 = arith.constant 0 : i32
      %dma_wait3A_331 = tpu.memref_slice %arg8[%run_scoped3A_145, %dma_wait3A_329, %dma_wait3A_330] : memref<5x128x128xf32, #tpu.memory_space<vmem>> -> memref<1x128x128xf32, #tpu.memory_space<vmem>>
      %dma_wait3A_332 = tpu.memref_squeeze %dma_wait3A_331 : memref<1x128x128xf32, #tpu.memory_space<vmem>> -> memref<128x128xf32, #tpu.memory_space<vmem>>
      tpu.wait_dma2 semaphore(%run_scoped3A_308 : memref<!tpu.dma_semaphore, #tpu.memory_space<semaphore_mem>>) src(%dma_wait3A_332 : memref<128x128xf32, #tpu.memory_space<vmem>>) dst(%dma_wait3A_328 : memref<128x128xf32, #tpu.memory_space<hbm>>)
      tpu.yield
    }) : () -> ()
    %mul3A_146 = arith.constant 5 : i32
    %mul3A_147 = arith.muli %add3A, %mul3A_146 : i32
    %add3A_148 = arith.constant 4 : i32
    %add3A_149 = arith.addi %mul3A_147, %add3A_148 : i32
    %mul3A_150 = arith.constant 128 : i32
    %mul3A_151 = arith.muli %add3A_149, %mul3A_150 : i32
    %run_scoped3A_152 = arith.constant 4 : i32
    "tpu.region"() ({
      %run_scoped3A_308 = tpu.sem_alloc : memref<!tpu.dma_semaphore, #tpu.memory_space<semaphore_mem>>
      %dma_start3A_309 = arith.constant 0 : i32
      %dma_start3A_310 = arith.constant 0 : i32
      %dma_start3A_311 = tpu.memref_slice %arg8[%run_scoped3A_152, %dma_start3A_309, %dma_start3A_310] : memref<5x128x128xf32, #tpu.memory_space<vmem>> -> memref<1x128x128xf32, #tpu.memory_space<vmem>>
      %dma_start3A_312 = tpu.memref_squeeze %dma_start3A_311 : memref<1x128x128xf32, #tpu.memory_space<vmem>> -> memref<128x128xf32, #tpu.memory_space<vmem>>
      %dma_start3A_313 = arith.constant 0 : i32
      %dma_start3A_314 = tpu.memref_slice %arg5[%mul3A_151, %dma_start3A_313] : memref<20480x128xf32, #tpu.memory_space<hbm>> -> memref<128x128xf32, #tpu.memory_space<hbm>>
      %dma_start3A_315 = arith.constant 0 : i32
      %dma_start3A_316 = tpu.memref_slice %arg5[%mul3A_151, %dma_start3A_315] : memref<20480x128xf32, #tpu.memory_space<hbm>> -> memref<128x128xf32, #tpu.memory_space<hbm>>
      %dma_start3A_317 = arith.constant 0 : i32
      %dma_start3A_318 = arith.constant 0 : i32
      %dma_start3A_319 = tpu.memref_slice %arg8[%run_scoped3A_152, %dma_start3A_317, %dma_start3A_318] : memref<5x128x128xf32, #tpu.memory_space<vmem>> -> memref<1x128x128xf32, #tpu.memory_space<vmem>>
      %dma_start3A_320 = tpu.memref_squeeze %dma_start3A_319 : memref<1x128x128xf32, #tpu.memory_space<vmem>> -> memref<128x128xf32, #tpu.memory_space<vmem>>
      tpu.enqueue_dma source(%dma_start3A_320 : memref<128x128xf32, #tpu.memory_space<vmem>>) target(%dma_start3A_316 : memref<128x128xf32, #tpu.memory_space<hbm>>) target_semaphore(%run_scoped3A_308 : memref<!tpu.dma_semaphore, #tpu.memory_space<semaphore_mem>>)
      %dma_wait3A_321 = arith.constant 0 : i32
      %dma_wait3A_322 = arith.constant 0 : i32
      %dma_wait3A_323 = tpu.memref_slice %arg8[%run_scoped3A_152, %dma_wait3A_321, %dma_wait3A_322] : memref<5x128x128xf32, #tpu.memory_space<vmem>> -> memref<1x128x128xf32, #tpu.memory_space<vmem>>
      %dma_wait3A_324 = tpu.memref_squeeze %dma_wait3A_323 : memref<1x128x128xf32, #tpu.memory_space<vmem>> -> memref<128x128xf32, #tpu.memory_space<vmem>>
      %dma_wait3A_325 = arith.constant 0 : i32
      %dma_wait3A_326 = tpu.memref_slice %arg5[%mul3A_151, %dma_wait3A_325] : memref<20480x128xf32, #tpu.memory_space<hbm>> -> memref<128x128xf32, #tpu.memory_space<hbm>>
      %dma_wait3A_327 = arith.constant 0 : i32
      %dma_wait3A_328 = tpu.memref_slice %arg5[%mul3A_151, %dma_wait3A_327] : memref<20480x128xf32, #tpu.memory_space<hbm>> -> memref<128x128xf32, #tpu.memory_space<hbm>>
      %dma_wait3A_329 = arith.constant 0 : i32
      %dma_wait3A_330 = arith.constant 0 : i32
      %dma_wait3A_331 = tpu.memref_slice %arg8[%run_scoped3A_152, %dma_wait3A_329, %dma_wait3A_330] : memref<5x128x128xf32, #tpu.memory_space<vmem>> -> memref<1x128x128xf32, #tpu.memory_space<vmem>>
      %dma_wait3A_332 = tpu.memref_squeeze %dma_wait3A_331 : memref<1x128x128xf32, #tpu.memory_space<vmem>> -> memref<128x128xf32, #tpu.memory_space<vmem>>
      tpu.wait_dma2 semaphore(%run_scoped3A_308 : memref<!tpu.dma_semaphore, #tpu.memory_space<semaphore_mem>>) src(%dma_wait3A_332 : memref<128x128xf32, #tpu.memory_space<vmem>>) dst(%dma_wait3A_328 : memref<128x128xf32, #tpu.memory_space<hbm>>)
      tpu.yield
    }) : () -> ()
    %dma_start3A_153 = arith.constant 0 : i32
    %dma_start3A_154 = arith.constant 0 : i32
    %dma_start3A_155 = arith.constant 0 : i32
    %dma_start3A_156 = arith.constant 0 : i32
    %dma_start3A_157 = tpu.memref_slice %arg8[%dma_start3A_154, %dma_start3A_155, %dma_start3A_156] : memref<5x128x128xf32, #tpu.memory_space<vmem>> -> memref<1x128x128xf32, #tpu.memory_space<vmem>>
    %dma_start3A_158 = tpu.memref_squeeze %dma_start3A_157 : memref<1x128x128xf32, #tpu.memory_space<vmem>> -> memref<128x128xf32, #tpu.memory_space<vmem>>
    %dma_start3A_159 = arith.constant 0 : i32
    %dma_start3A_160 = tpu.memref_slice %arg7[%dma_start3A_153, %dma_start3A_159] : memref<5x128xi32, #tpu.memory_space<vmem>> -> memref<1x128xi32, #tpu.memory_space<vmem>>
    %dma_start3A_161 = tpu.memref_squeeze %dma_start3A_160 : memref<1x128xi32, #tpu.memory_space<vmem>> -> memref<128xi32, #tpu.memory_space<vmem>>
    %dma_start3A_162 = arith.constant 0 : i32
    %dma_start3A_163 = arith.constant 0 : i32
    %dma_start3A_164 = tpu.memref_slice %arg3[%dma_start3A_162, %dma_start3A_163] : memref<2048x128xf32, #tpu.memory_space<hbm>> -> memref<2048x128xf32, #tpu.memory_space<hbm>>
    tpu.enqueue_indirect_dma source(%dma_start3A_164 : memref<2048x128xf32, #tpu.memory_space<hbm>>) target(%dma_start3A_158 : memref<128x128xf32, #tpu.memory_space<vmem>>) offsets(%dma_start3A_161 : memref<128xi32, #tpu.memory_space<vmem>>) semaphore(%arg9 : memref<!tpu.dma_semaphore, #tpu.memory_space<semaphore_mem>>)
    %dma_start3A_165 = arith.constant 1 : i32
    %dma_start3A_166 = arith.constant 1 : i32
    %dma_start3A_167 = arith.constant 0 : i32
    %dma_start3A_168 = arith.constant 0 : i32
    %dma_start3A_169 = tpu.memref_slice %arg8[%dma_start3A_166, %dma_start3A_167, %dma_start3A_168] : memref<5x128x128xf32, #tpu.memory_space<vmem>> -> memref<1x128x128xf32, #tpu.memory_space<vmem>>
    %dma_start3A_170 = tpu.memref_squeeze %dma_start3A_169 : memref<1x128x128xf32, #tpu.memory_space<vmem>> -> memref<128x128xf32, #tpu.memory_space<vmem>>
    %dma_start3A_171 = arith.constant 0 : i32
    %dma_start3A_172 = tpu.memref_slice %arg7[%dma_start3A_165, %dma_start3A_171] : memref<5x128xi32, #tpu.memory_space<vmem>> -> memref<1x128xi32, #tpu.memory_space<vmem>>
    %dma_start3A_173 = tpu.memref_squeeze %dma_start3A_172 : memref<1x128xi32, #tpu.memory_space<vmem>> -> memref<128xi32, #tpu.memory_space<vmem>>
    %dma_start3A_174 = arith.constant 0 : i32
    %dma_start3A_175 = arith.constant 0 : i32
    %dma_start3A_176 = tpu.memref_slice %arg3[%dma_start3A_174, %dma_start3A_175] : memref<2048x128xf32, #tpu.memory_space<hbm>> -> memref<2048x128xf32, #tpu.memory_space<hbm>>
    tpu.enqueue_indirect_dma source(%dma_start3A_176 : memref<2048x128xf32, #tpu.memory_space<hbm>>) target(%dma_start3A_170 : memref<128x128xf32, #tpu.memory_space<vmem>>) offsets(%dma_start3A_173 : memref<128xi32, #tpu.memory_space<vmem>>) semaphore(%arg9 : memref<!tpu.dma_semaphore, #tpu.memory_space<semaphore_mem>>)
    %dma_start3A_177 = arith.constant 2 : i32
    %dma_start3A_178 = arith.constant 2 : i32
    %dma_start3A_179 = arith.constant 0 : i32
    %dma_start3A_180 = arith.constant 0 : i32
    %dma_start3A_181 = tpu.memref_slice %arg8[%dma_start3A_178, %dma_start3A_179, %dma_start3A_180] : memref<5x128x128xf32, #tpu.memory_space<vmem>> -> memref<1x128x128xf32, #tpu.memory_space<vmem>>
    %dma_start3A_182 = tpu.memref_squeeze %dma_start3A_181 : memref<1x128x128xf32, #tpu.memory_space<vmem>> -> memref<128x128xf32, #tpu.memory_space<vmem>>
    %dma_start3A_183 = arith.constant 0 : i32
    %dma_start3A_184 = tpu.memref_slice %arg7[%dma_start3A_177, %dma_start3A_183] : memref<5x128xi32, #tpu.memory_space<vmem>> -> memref<1x128xi32, #tpu.memory_space<vmem>>
    %dma_start3A_185 = tpu.memref_squeeze %dma_start3A_184 : memref<1x128xi32, #tpu.memory_space<vmem>> -> memref<128xi32, #tpu.memory_space<vmem>>
    %dma_start3A_186 = arith.constant 0 : i32
    %dma_start3A_187 = arith.constant 0 : i32
    %dma_start3A_188 = tpu.memref_slice %arg3[%dma_start3A_186, %dma_start3A_187] : memref<2048x128xf32, #tpu.memory_space<hbm>> -> memref<2048x128xf32, #tpu.memory_space<hbm>>
    tpu.enqueue_indirect_dma source(%dma_start3A_188 : memref<2048x128xf32, #tpu.memory_space<hbm>>) target(%dma_start3A_182 : memref<128x128xf32, #tpu.memory_space<vmem>>) offsets(%dma_start3A_185 : memref<128xi32, #tpu.memory_space<vmem>>) semaphore(%arg9 : memref<!tpu.dma_semaphore, #tpu.memory_space<semaphore_mem>>)
    %dma_start3A_189 = arith.constant 3 : i32
    %dma_start3A_190 = arith.constant 3 : i32
    %dma_start3A_191 = arith.constant 0 : i32
    %dma_start3A_192 = arith.constant 0 : i32
    %dma_start3A_193 = tpu.memref_slice %arg8[%dma_start3A_190, %dma_start3A_191, %dma_start3A_192] : memref<5x128x128xf32, #tpu.memory_space<vmem>> -> memref<1x128x128xf32, #tpu.memory_space<vmem>>
    %dma_start3A_194 = tpu.memref_squeeze %dma_start3A_193 : memref<1x128x128xf32, #tpu.memory_space<vmem>> -> memref<128x128xf32, #tpu.memory_space<vmem>>
    %dma_start3A_195 = arith.constant 0 : i32
    %dma_start3A_196 = tpu.memref_slice %arg7[%dma_start3A_189, %dma_start3A_195] : memref<5x128xi32, #tpu.memory_space<vmem>> -> memref<1x128xi32, #tpu.memory_space<vmem>>
    %dma_start3A_197 = tpu.memref_squeeze %dma_start3A_196 : memref<1x128xi32, #tpu.memory_space<vmem>> -> memref<128xi32, #tpu.memory_space<vmem>>
    %dma_start3A_198 = arith.constant 0 : i32
    %dma_start3A_199 = arith.constant 0 : i32
    %dma_start3A_200 = tpu.memref_slice %arg3[%dma_start3A_198, %dma_start3A_199] : memref<2048x128xf32, #tpu.memory_space<hbm>> -> memref<2048x128xf32, #tpu.memory_space<hbm>>
    tpu.enqueue_indirect_dma source(%dma_start3A_200 : memref<2048x128xf32, #tpu.memory_space<hbm>>) target(%dma_start3A_194 : memref<128x128xf32, #tpu.memory_space<vmem>>) offsets(%dma_start3A_197 : memref<128xi32, #tpu.memory_space<vmem>>) semaphore(%arg9 : memref<!tpu.dma_semaphore, #tpu.memory_space<semaphore_mem>>)
    %dma_start3A_201 = arith.constant 4 : i32
    %dma_start3A_202 = arith.constant 4 : i32
    %dma_start3A_203 = arith.constant 0 : i32
    %dma_start3A_204 = arith.constant 0 : i32
    %dma_start3A_205 = tpu.memref_slice %arg8[%dma_start3A_202, %dma_start3A_203, %dma_start3A_204] : memref<5x128x128xf32, #tpu.memory_space<vmem>> -> memref<1x128x128xf32, #tpu.memory_space<vmem>>
    %dma_start3A_206 = tpu.memref_squeeze %dma_start3A_205 : memref<1x128x128xf32, #tpu.memory_space<vmem>> -> memref<128x128xf32, #tpu.memory_space<vmem>>
    %dma_start3A_207 = arith.constant 0 : i32
    %dma_start3A_208 = tpu.memref_slice %arg7[%dma_start3A_201, %dma_start3A_207] : memref<5x128xi32, #tpu.memory_space<vmem>> -> memref<1x128xi32, #tpu.memory_space<vmem>>
    %dma_start3A_209 = tpu.memref_squeeze %dma_start3A_208 : memref<1x128xi32, #tpu.memory_space<vmem>> -> memref<128xi32, #tpu.memory_space<vmem>>
    %dma_start3A_210 = arith.constant 0 : i32
    %dma_start3A_211 = arith.constant 0 : i32
    %dma_start3A_212 = tpu.memref_slice %arg3[%dma_start3A_210, %dma_start3A_211] : memref<2048x128xf32, #tpu.memory_space<hbm>> -> memref<2048x128xf32, #tpu.memory_space<hbm>>
    tpu.enqueue_indirect_dma source(%dma_start3A_212 : memref<2048x128xf32, #tpu.memory_space<hbm>>) target(%dma_start3A_206 : memref<128x128xf32, #tpu.memory_space<vmem>>) offsets(%dma_start3A_209 : memref<128xi32, #tpu.memory_space<vmem>>) semaphore(%arg9 : memref<!tpu.dma_semaphore, #tpu.memory_space<semaphore_mem>>)
    %dma_wait3A_213 = arith.constant 0 : i32
    %dma_wait3A_214 = arith.constant 0 : i32
    %dma_wait3A_215 = arith.constant 0 : i32
    %dma_wait3A_216 = arith.constant 0 : i32
    %dma_wait3A_217 = tpu.memref_slice %arg8[%dma_wait3A_214, %dma_wait3A_215, %dma_wait3A_216] : memref<5x128x128xf32, #tpu.memory_space<vmem>> -> memref<1x128x128xf32, #tpu.memory_space<vmem>>
    %dma_wait3A_218 = tpu.memref_squeeze %dma_wait3A_217 : memref<1x128x128xf32, #tpu.memory_space<vmem>> -> memref<128x128xf32, #tpu.memory_space<vmem>>
    %dma_wait3A_219 = arith.constant 0 : i32
    %dma_wait3A_220 = tpu.memref_slice %arg7[%dma_wait3A_213, %dma_wait3A_219] : memref<5x128xi32, #tpu.memory_space<vmem>> -> memref<1x128xi32, #tpu.memory_space<vmem>>
    %dma_wait3A_221 = tpu.memref_squeeze %dma_wait3A_220 : memref<1x128xi32, #tpu.memory_space<vmem>> -> memref<128xi32, #tpu.memory_space<vmem>>
    %dma_wait3A_222 = arith.constant 0 : i32
    %dma_wait3A_223 = arith.constant 0 : i32
    %dma_wait3A_224 = tpu.memref_slice %arg3[%dma_wait3A_222, %dma_wait3A_223] : memref<2048x128xf32, #tpu.memory_space<hbm>> -> memref<2048x128xf32, #tpu.memory_space<hbm>>
    tpu.wait_indirect_dma semaphore(%arg9 : memref<!tpu.dma_semaphore, #tpu.memory_space<semaphore_mem>>) src(%dma_wait3A_224 : memref<2048x128xf32, #tpu.memory_space<hbm>>) dst(%dma_wait3A_218 : memref<128x128xf32, #tpu.memory_space<vmem>>)
    %dma_wait3A_225 = arith.constant 1 : i32
    %dma_wait3A_226 = arith.constant 1 : i32
    %dma_wait3A_227 = arith.constant 0 : i32
    %dma_wait3A_228 = arith.constant 0 : i32
    %dma_wait3A_229 = tpu.memref_slice %arg8[%dma_wait3A_226, %dma_wait3A_227, %dma_wait3A_228] : memref<5x128x128xf32, #tpu.memory_space<vmem>> -> memref<1x128x128xf32, #tpu.memory_space<vmem>>
    %dma_wait3A_230 = tpu.memref_squeeze %dma_wait3A_229 : memref<1x128x128xf32, #tpu.memory_space<vmem>> -> memref<128x128xf32, #tpu.memory_space<vmem>>
    %dma_wait3A_231 = arith.constant 0 : i32
    %dma_wait3A_232 = tpu.memref_slice %arg7[%dma_wait3A_225, %dma_wait3A_231] : memref<5x128xi32, #tpu.memory_space<vmem>> -> memref<1x128xi32, #tpu.memory_space<vmem>>
    %dma_wait3A_233 = tpu.memref_squeeze %dma_wait3A_232 : memref<1x128xi32, #tpu.memory_space<vmem>> -> memref<128xi32, #tpu.memory_space<vmem>>
    %dma_wait3A_234 = arith.constant 0 : i32
    %dma_wait3A_235 = arith.constant 0 : i32
    %dma_wait3A_236 = tpu.memref_slice %arg3[%dma_wait3A_234, %dma_wait3A_235] : memref<2048x128xf32, #tpu.memory_space<hbm>> -> memref<2048x128xf32, #tpu.memory_space<hbm>>
    tpu.wait_indirect_dma semaphore(%arg9 : memref<!tpu.dma_semaphore, #tpu.memory_space<semaphore_mem>>) src(%dma_wait3A_236 : memref<2048x128xf32, #tpu.memory_space<hbm>>) dst(%dma_wait3A_230 : memref<128x128xf32, #tpu.memory_space<vmem>>)
    %dma_wait3A_237 = arith.constant 2 : i32
    %dma_wait3A_238 = arith.constant 2 : i32
    %dma_wait3A_239 = arith.constant 0 : i32
    %dma_wait3A_240 = arith.constant 0 : i32
    %dma_wait3A_241 = tpu.memref_slice %arg8[%dma_wait3A_238, %dma_wait3A_239, %dma_wait3A_240] : memref<5x128x128xf32, #tpu.memory_space<vmem>> -> memref<1x128x128xf32, #tpu.memory_space<vmem>>
    %dma_wait3A_242 = tpu.memref_squeeze %dma_wait3A_241 : memref<1x128x128xf32, #tpu.memory_space<vmem>> -> memref<128x128xf32, #tpu.memory_space<vmem>>
    %dma_wait3A_243 = arith.constant 0 : i32
    %dma_wait3A_244 = tpu.memref_slice %arg7[%dma_wait3A_237, %dma_wait3A_243] : memref<5x128xi32, #tpu.memory_space<vmem>> -> memref<1x128xi32, #tpu.memory_space<vmem>>
    %dma_wait3A_245 = tpu.memref_squeeze %dma_wait3A_244 : memref<1x128xi32, #tpu.memory_space<vmem>> -> memref<128xi32, #tpu.memory_space<vmem>>
    %dma_wait3A_246 = arith.constant 0 : i32
    %dma_wait3A_247 = arith.constant 0 : i32
    %dma_wait3A_248 = tpu.memref_slice %arg3[%dma_wait3A_246, %dma_wait3A_247] : memref<2048x128xf32, #tpu.memory_space<hbm>> -> memref<2048x128xf32, #tpu.memory_space<hbm>>
    tpu.wait_indirect_dma semaphore(%arg9 : memref<!tpu.dma_semaphore, #tpu.memory_space<semaphore_mem>>) src(%dma_wait3A_248 : memref<2048x128xf32, #tpu.memory_space<hbm>>) dst(%dma_wait3A_242 : memref<128x128xf32, #tpu.memory_space<vmem>>)
    %dma_wait3A_249 = arith.constant 3 : i32
    %dma_wait3A_250 = arith.constant 3 : i32
    %dma_wait3A_251 = arith.constant 0 : i32
    %dma_wait3A_252 = arith.constant 0 : i32
    %dma_wait3A_253 = tpu.memref_slice %arg8[%dma_wait3A_250, %dma_wait3A_251, %dma_wait3A_252] : memref<5x128x128xf32, #tpu.memory_space<vmem>> -> memref<1x128x128xf32, #tpu.memory_space<vmem>>
    %dma_wait3A_254 = tpu.memref_squeeze %dma_wait3A_253 : memref<1x128x128xf32, #tpu.memory_space<vmem>> -> memref<128x128xf32, #tpu.memory_space<vmem>>
    %dma_wait3A_255 = arith.constant 0 : i32
    %dma_wait3A_256 = tpu.memref_slice %arg7[%dma_wait3A_249, %dma_wait3A_255] : memref<5x128xi32, #tpu.memory_space<vmem>> -> memref<1x128xi32, #tpu.memory_space<vmem>>
    %dma_wait3A_257 = tpu.memref_squeeze %dma_wait3A_256 : memref<1x128xi32, #tpu.memory_space<vmem>> -> memref<128xi32, #tpu.memory_space<vmem>>
    %dma_wait3A_258 = arith.constant 0 : i32
    %dma_wait3A_259 = arith.constant 0 : i32
    %dma_wait3A_260 = tpu.memref_slice %arg3[%dma_wait3A_258, %dma_wait3A_259] : memref<2048x128xf32, #tpu.memory_space<hbm>> -> memref<2048x128xf32, #tpu.memory_space<hbm>>
    tpu.wait_indirect_dma semaphore(%arg9 : memref<!tpu.dma_semaphore, #tpu.memory_space<semaphore_mem>>) src(%dma_wait3A_260 : memref<2048x128xf32, #tpu.memory_space<hbm>>) dst(%dma_wait3A_254 : memref<128x128xf32, #tpu.memory_space<vmem>>)
    %dma_wait3A_261 = arith.constant 4 : i32
    %dma_wait3A_262 = arith.constant 4 : i32
    %dma_wait3A_263 = arith.constant 0 : i32
    %dma_wait3A_264 = arith.constant 0 : i32
    %dma_wait3A_265 = tpu.memref_slice %arg8[%dma_wait3A_262, %dma_wait3A_263, %dma_wait3A_264] : memref<5x128x128xf32, #tpu.memory_space<vmem>> -> memref<1x128x128xf32, #tpu.memory_space<vmem>>
    %dma_wait3A_266 = tpu.memref_squeeze %dma_wait3A_265 : memref<1x128x128xf32, #tpu.memory_space<vmem>> -> memref<128x128xf32, #tpu.memory_space<vmem>>
    %dma_wait3A_267 = arith.constant 0 : i32
    %dma_wait3A_268 = tpu.memref_slice %arg7[%dma_wait3A_261, %dma_wait3A_267] : memref<5x128xi32, #tpu.memory_space<vmem>> -> memref<1x128xi32, #tpu.memory_space<vmem>>
    %dma_wait3A_269 = tpu.memref_squeeze %dma_wait3A_268 : memref<1x128xi32, #tpu.memory_space<vmem>> -> memref<128xi32, #tpu.memory_space<vmem>>
    %dma_wait3A_270 = arith.constant 0 : i32
    %dma_wait3A_271 = arith.constant 0 : i32
    %dma_wait3A_272 = tpu.memref_slice %arg3[%dma_wait3A_270, %dma_wait3A_271] : memref<2048x128xf32, #tpu.memory_space<hbm>> -> memref<2048x128xf32, #tpu.memory_space<hbm>>
    tpu.wait_indirect_dma semaphore(%arg9 : memref<!tpu.dma_semaphore, #tpu.memory_space<semaphore_mem>>) src(%dma_wait3A_272 : memref<2048x128xf32, #tpu.memory_space<hbm>>) dst(%dma_wait3A_266 : memref<128x128xf32, #tpu.memory_space<vmem>>)
    %mul3A_273 = arith.constant 5 : i32
    %mul3A_274 = arith.muli %add3A, %mul3A_273 : i32
    %add3A_275 = arith.constant 0 : i32
    %add3A_276 = arith.addi %mul3A_274, %add3A_275 : i32
    %mul3A_277 = arith.constant 128 : i32
    %mul3A_278 = arith.muli %add3A_276, %mul3A_277 : i32
    %run_scoped3A_279 = arith.constant 0 : i32
    "tpu.region"() ({
      %run_scoped3A_308 = tpu.sem_alloc : memref<!tpu.dma_semaphore, #tpu.memory_space<semaphore_mem>>
      %dma_start3A_309 = arith.constant 0 : i32
      %dma_start3A_310 = arith.constant 0 : i32
      %dma_start3A_311 = tpu.memref_slice %arg8[%run_scoped3A_279, %dma_start3A_309, %dma_start3A_310] : memref<5x128x128xf32, #tpu.memory_space<vmem>> -> memref<1x128x128xf32, #tpu.memory_space<vmem>>
      %dma_start3A_312 = tpu.memref_squeeze %dma_start3A_311 : memref<1x128x128xf32, #tpu.memory_space<vmem>> -> memref<128x128xf32, #tpu.memory_space<vmem>>
      %dma_start3A_313 = arith.constant 0 : i32
      %dma_start3A_314 = tpu.memref_slice %arg6[%mul3A_278, %dma_start3A_313] : memref<20480x128xf32, #tpu.memory_space<hbm>> -> memref<128x128xf32, #tpu.memory_space<hbm>>
      %dma_start3A_315 = arith.constant 0 : i32
      %dma_start3A_316 = tpu.memref_slice %arg6[%mul3A_278, %dma_start3A_315] : memref<20480x128xf32, #tpu.memory_space<hbm>> -> memref<128x128xf32, #tpu.memory_space<hbm>>
      %dma_start3A_317 = arith.constant 0 : i32
      %dma_start3A_318 = arith.constant 0 : i32
      %dma_start3A_319 = tpu.memref_slice %arg8[%run_scoped3A_279, %dma_start3A_317, %dma_start3A_318] : memref<5x128x128xf32, #tpu.memory_space<vmem>> -> memref<1x128x128xf32, #tpu.memory_space<vmem>>
      %dma_start3A_320 = tpu.memref_squeeze %dma_start3A_319 : memref<1x128x128xf32, #tpu.memory_space<vmem>> -> memref<128x128xf32, #tpu.memory_space<vmem>>
      tpu.enqueue_dma source(%dma_start3A_320 : memref<128x128xf32, #tpu.memory_space<vmem>>) target(%dma_start3A_316 : memref<128x128xf32, #tpu.memory_space<hbm>>) target_semaphore(%run_scoped3A_308 : memref<!tpu.dma_semaphore, #tpu.memory_space<semaphore_mem>>)
      %dma_wait3A_321 = arith.constant 0 : i32
      %dma_wait3A_322 = arith.constant 0 : i32
      %dma_wait3A_323 = tpu.memref_slice %arg8[%run_scoped3A_279, %dma_wait3A_321, %dma_wait3A_322] : memref<5x128x128xf32, #tpu.memory_space<vmem>> -> memref<1x128x128xf32, #tpu.memory_space<vmem>>
      %dma_wait3A_324 = tpu.memref_squeeze %dma_wait3A_323 : memref<1x128x128xf32, #tpu.memory_space<vmem>> -> memref<128x128xf32, #tpu.memory_space<vmem>>
      %dma_wait3A_325 = arith.constant 0 : i32
      %dma_wait3A_326 = tpu.memref_slice %arg6[%mul3A_278, %dma_wait3A_325] : memref<20480x128xf32, #tpu.memory_space<hbm>> -> memref<128x128xf32, #tpu.memory_space<hbm>>
      %dma_wait3A_327 = arith.constant 0 : i32
      %dma_wait3A_328 = tpu.memref_slice %arg6[%mul3A_278, %dma_wait3A_327] : memref<20480x128xf32, #tpu.memory_space<hbm>> -> memref<128x128xf32, #tpu.memory_space<hbm>>
      %dma_wait3A_329 = arith.constant 0 : i32
      %dma_wait3A_330 = arith.constant 0 : i32
      %dma_wait3A_331 = tpu.memref_slice %arg8[%run_scoped3A_279, %dma_wait3A_329, %dma_wait3A_330] : memref<5x128x128xf32, #tpu.memory_space<vmem>> -> memref<1x128x128xf32, #tpu.memory_space<vmem>>
      %dma_wait3A_332 = tpu.memref_squeeze %dma_wait3A_331 : memref<1x128x128xf32, #tpu.memory_space<vmem>> -> memref<128x128xf32, #tpu.memory_space<vmem>>
      tpu.wait_dma2 semaphore(%run_scoped3A_308 : memref<!tpu.dma_semaphore, #tpu.memory_space<semaphore_mem>>) src(%dma_wait3A_332 : memref<128x128xf32, #tpu.memory_space<vmem>>) dst(%dma_wait3A_328 : memref<128x128xf32, #tpu.memory_space<hbm>>)
      tpu.yield
    }) : () -> ()
    %mul3A_280 = arith.constant 5 : i32
    %mul3A_281 = arith.muli %add3A, %mul3A_280 : i32
    %add3A_282 = arith.constant 1 : i32
    %add3A_283 = arith.addi %mul3A_281, %add3A_282 : i32
    %mul3A_284 = arith.constant 128 : i32
    %mul3A_285 = arith.muli %add3A_283, %mul3A_284 : i32
    %run_scoped3A_286 = arith.constant 1 : i32
    "tpu.region"() ({
      %run_scoped3A_308 = tpu.sem_alloc : memref<!tpu.dma_semaphore, #tpu.memory_space<semaphore_mem>>
      %dma_start3A_309 = arith.constant 0 : i32
      %dma_start3A_310 = arith.constant 0 : i32
      %dma_start3A_311 = tpu.memref_slice %arg8[%run_scoped3A_286, %dma_start3A_309, %dma_start3A_310] : memref<5x128x128xf32, #tpu.memory_space<vmem>> -> memref<1x128x128xf32, #tpu.memory_space<vmem>>
      %dma_start3A_312 = tpu.memref_squeeze %dma_start3A_311 : memref<1x128x128xf32, #tpu.memory_space<vmem>> -> memref<128x128xf32, #tpu.memory_space<vmem>>
      %dma_start3A_313 = arith.constant 0 : i32
      %dma_start3A_314 = tpu.memref_slice %arg6[%mul3A_285, %dma_start3A_313] : memref<20480x128xf32, #tpu.memory_space<hbm>> -> memref<128x128xf32, #tpu.memory_space<hbm>>
      %dma_start3A_315 = arith.constant 0 : i32
      %dma_start3A_316 = tpu.memref_slice %arg6[%mul3A_285, %dma_start3A_315] : memref<20480x128xf32, #tpu.memory_space<hbm>> -> memref<128x128xf32, #tpu.memory_space<hbm>>
      %dma_start3A_317 = arith.constant 0 : i32
      %dma_start3A_318 = arith.constant 0 : i32
      %dma_start3A_319 = tpu.memref_slice %arg8[%run_scoped3A_286, %dma_start3A_317, %dma_start3A_318] : memref<5x128x128xf32, #tpu.memory_space<vmem>> -> memref<1x128x128xf32, #tpu.memory_space<vmem>>
      %dma_start3A_320 = tpu.memref_squeeze %dma_start3A_319 : memref<1x128x128xf32, #tpu.memory_space<vmem>> -> memref<128x128xf32, #tpu.memory_space<vmem>>
      tpu.enqueue_dma source(%dma_start3A_320 : memref<128x128xf32, #tpu.memory_space<vmem>>) target(%dma_start3A_316 : memref<128x128xf32, #tpu.memory_space<hbm>>) target_semaphore(%run_scoped3A_308 : memref<!tpu.dma_semaphore, #tpu.memory_space<semaphore_mem>>)
      %dma_wait3A_321 = arith.constant 0 : i32
      %dma_wait3A_322 = arith.constant 0 : i32
      %dma_wait3A_323 = tpu.memref_slice %arg8[%run_scoped3A_286, %dma_wait3A_321, %dma_wait3A_322] : memref<5x128x128xf32, #tpu.memory_space<vmem>> -> memref<1x128x128xf32, #tpu.memory_space<vmem>>
      %dma_wait3A_324 = tpu.memref_squeeze %dma_wait3A_323 : memref<1x128x128xf32, #tpu.memory_space<vmem>> -> memref<128x128xf32, #tpu.memory_space<vmem>>
      %dma_wait3A_325 = arith.constant 0 : i32
      %dma_wait3A_326 = tpu.memref_slice %arg6[%mul3A_285, %dma_wait3A_325] : memref<20480x128xf32, #tpu.memory_space<hbm>> -> memref<128x128xf32, #tpu.memory_space<hbm>>
      %dma_wait3A_327 = arith.constant 0 : i32
      %dma_wait3A_328 = tpu.memref_slice %arg6[%mul3A_285, %dma_wait3A_327] : memref<20480x128xf32, #tpu.memory_space<hbm>> -> memref<128x128xf32, #tpu.memory_space<hbm>>
      %dma_wait3A_329 = arith.constant 0 : i32
      %dma_wait3A_330 = arith.constant 0 : i32
      %dma_wait3A_331 = tpu.memref_slice %arg8[%run_scoped3A_286, %dma_wait3A_329, %dma_wait3A_330] : memref<5x128x128xf32, #tpu.memory_space<vmem>> -> memref<1x128x128xf32, #tpu.memory_space<vmem>>
      %dma_wait3A_332 = tpu.memref_squeeze %dma_wait3A_331 : memref<1x128x128xf32, #tpu.memory_space<vmem>> -> memref<128x128xf32, #tpu.memory_space<vmem>>
      tpu.wait_dma2 semaphore(%run_scoped3A_308 : memref<!tpu.dma_semaphore, #tpu.memory_space<semaphore_mem>>) src(%dma_wait3A_332 : memref<128x128xf32, #tpu.memory_space<vmem>>) dst(%dma_wait3A_328 : memref<128x128xf32, #tpu.memory_space<hbm>>)
      tpu.yield
    }) : () -> ()
    %mul3A_287 = arith.constant 5 : i32
    %mul3A_288 = arith.muli %add3A, %mul3A_287 : i32
    %add3A_289 = arith.constant 2 : i32
    %add3A_290 = arith.addi %mul3A_288, %add3A_289 : i32
    %mul3A_291 = arith.constant 128 : i32
    %mul3A_292 = arith.muli %add3A_290, %mul3A_291 : i32
    %run_scoped3A_293 = arith.constant 2 : i32
    "tpu.region"() ({
      %run_scoped3A_308 = tpu.sem_alloc : memref<!tpu.dma_semaphore, #tpu.memory_space<semaphore_mem>>
      %dma_start3A_309 = arith.constant 0 : i32
      %dma_start3A_310 = arith.constant 0 : i32
      %dma_start3A_311 = tpu.memref_slice %arg8[%run_scoped3A_293, %dma_start3A_309, %dma_start3A_310] : memref<5x128x128xf32, #tpu.memory_space<vmem>> -> memref<1x128x128xf32, #tpu.memory_space<vmem>>
      %dma_start3A_312 = tpu.memref_squeeze %dma_start3A_311 : memref<1x128x128xf32, #tpu.memory_space<vmem>> -> memref<128x128xf32, #tpu.memory_space<vmem>>
      %dma_start3A_313 = arith.constant 0 : i32
      %dma_start3A_314 = tpu.memref_slice %arg6[%mul3A_292, %dma_start3A_313] : memref<20480x128xf32, #tpu.memory_space<hbm>> -> memref<128x128xf32, #tpu.memory_space<hbm>>
      %dma_start3A_315 = arith.constant 0 : i32
      %dma_start3A_316 = tpu.memref_slice %arg6[%mul3A_292, %dma_start3A_315] : memref<20480x128xf32, #tpu.memory_space<hbm>> -> memref<128x128xf32, #tpu.memory_space<hbm>>
      %dma_start3A_317 = arith.constant 0 : i32
      %dma_start3A_318 = arith.constant 0 : i32
      %dma_start3A_319 = tpu.memref_slice %arg8[%run_scoped3A_293, %dma_start3A_317, %dma_start3A_318] : memref<5x128x128xf32, #tpu.memory_space<vmem>> -> memref<1x128x128xf32, #tpu.memory_space<vmem>>
      %dma_start3A_320 = tpu.memref_squeeze %dma_start3A_319 : memref<1x128x128xf32, #tpu.memory_space<vmem>> -> memref<128x128xf32, #tpu.memory_space<vmem>>
      tpu.enqueue_dma source(%dma_start3A_320 : memref<128x128xf32, #tpu.memory_space<vmem>>) target(%dma_start3A_316 : memref<128x128xf32, #tpu.memory_space<hbm>>) target_semaphore(%run_scoped3A_308 : memref<!tpu.dma_semaphore, #tpu.memory_space<semaphore_mem>>)
      %dma_wait3A_321 = arith.constant 0 : i32
      %dma_wait3A_322 = arith.constant 0 : i32
      %dma_wait3A_323 = tpu.memref_slice %arg8[%run_scoped3A_293, %dma_wait3A_321, %dma_wait3A_322] : memref<5x128x128xf32, #tpu.memory_space<vmem>> -> memref<1x128x128xf32, #tpu.memory_space<vmem>>
      %dma_wait3A_324 = tpu.memref_squeeze %dma_wait3A_323 : memref<1x128x128xf32, #tpu.memory_space<vmem>> -> memref<128x128xf32, #tpu.memory_space<vmem>>
      %dma_wait3A_325 = arith.constant 0 : i32
      %dma_wait3A_326 = tpu.memref_slice %arg6[%mul3A_292, %dma_wait3A_325] : memref<20480x128xf32, #tpu.memory_space<hbm>> -> memref<128x128xf32, #tpu.memory_space<hbm>>
      %dma_wait3A_327 = arith.constant 0 : i32
      %dma_wait3A_328 = tpu.memref_slice %arg6[%mul3A_292, %dma_wait3A_327] : memref<20480x128xf32, #tpu.memory_space<hbm>> -> memref<128x128xf32, #tpu.memory_space<hbm>>
      %dma_wait3A_329 = arith.constant 0 : i32
      %dma_wait3A_330 = arith.constant 0 : i32
      %dma_wait3A_331 = tpu.memref_slice %arg8[%run_scoped3A_293, %dma_wait3A_329, %dma_wait3A_330] : memref<5x128x128xf32, #tpu.memory_space<vmem>> -> memref<1x128x128xf32, #tpu.memory_space<vmem>>
      %dma_wait3A_332 = tpu.memref_squeeze %dma_wait3A_331 : memref<1x128x128xf32, #tpu.memory_space<vmem>> -> memref<128x128xf32, #tpu.memory_space<vmem>>
      tpu.wait_dma2 semaphore(%run_scoped3A_308 : memref<!tpu.dma_semaphore, #tpu.memory_space<semaphore_mem>>) src(%dma_wait3A_332 : memref<128x128xf32, #tpu.memory_space<vmem>>) dst(%dma_wait3A_328 : memref<128x128xf32, #tpu.memory_space<hbm>>)
      tpu.yield
    }) : () -> ()
    %mul3A_294 = arith.constant 5 : i32
    %mul3A_295 = arith.muli %add3A, %mul3A_294 : i32
    %add3A_296 = arith.constant 3 : i32
    %add3A_297 = arith.addi %mul3A_295, %add3A_296 : i32
    %mul3A_298 = arith.constant 128 : i32
    %mul3A_299 = arith.muli %add3A_297, %mul3A_298 : i32
    %run_scoped3A_300 = arith.constant 3 : i32
    "tpu.region"() ({
      %run_scoped3A_308 = tpu.sem_alloc : memref<!tpu.dma_semaphore, #tpu.memory_space<semaphore_mem>>
      %dma_start3A_309 = arith.constant 0 : i32
      %dma_start3A_310 = arith.constant 0 : i32
      %dma_start3A_311 = tpu.memref_slice %arg8[%run_scoped3A_300, %dma_start3A_309, %dma_start3A_310] : memref<5x128x128xf32, #tpu.memory_space<vmem>> -> memref<1x128x128xf32, #tpu.memory_space<vmem>>
      %dma_start3A_312 = tpu.memref_squeeze %dma_start3A_311 : memref<1x128x128xf32, #tpu.memory_space<vmem>> -> memref<128x128xf32, #tpu.memory_space<vmem>>
      %dma_start3A_313 = arith.constant 0 : i32
      %dma_start3A_314 = tpu.memref_slice %arg6[%mul3A_299, %dma_start3A_313] : memref<20480x128xf32, #tpu.memory_space<hbm>> -> memref<128x128xf32, #tpu.memory_space<hbm>>
      %dma_start3A_315 = arith.constant 0 : i32
      %dma_start3A_316 = tpu.memref_slice %arg6[%mul3A_299, %dma_start3A_315] : memref<20480x128xf32, #tpu.memory_space<hbm>> -> memref<128x128xf32, #tpu.memory_space<hbm>>
      %dma_start3A_317 = arith.constant 0 : i32
      %dma_start3A_318 = arith.constant 0 : i32
      %dma_start3A_319 = tpu.memref_slice %arg8[%run_scoped3A_300, %dma_start3A_317, %dma_start3A_318] : memref<5x128x128xf32, #tpu.memory_space<vmem>> -> memref<1x128x128xf32, #tpu.memory_space<vmem>>
      %dma_start3A_320 = tpu.memref_squeeze %dma_start3A_319 : memref<1x128x128xf32, #tpu.memory_space<vmem>> -> memref<128x128xf32, #tpu.memory_space<vmem>>
      tpu.enqueue_dma source(%dma_start3A_320 : memref<128x128xf32, #tpu.memory_space<vmem>>) target(%dma_start3A_316 : memref<128x128xf32, #tpu.memory_space<hbm>>) target_semaphore(%run_scoped3A_308 : memref<!tpu.dma_semaphore, #tpu.memory_space<semaphore_mem>>)
      %dma_wait3A_321 = arith.constant 0 : i32
      %dma_wait3A_322 = arith.constant 0 : i32
      %dma_wait3A_323 = tpu.memref_slice %arg8[%run_scoped3A_300, %dma_wait3A_321, %dma_wait3A_322] : memref<5x128x128xf32, #tpu.memory_space<vmem>> -> memref<1x128x128xf32, #tpu.memory_space<vmem>>
      %dma_wait3A_324 = tpu.memref_squeeze %dma_wait3A_323 : memref<1x128x128xf32, #tpu.memory_space<vmem>> -> memref<128x128xf32, #tpu.memory_space<vmem>>
      %dma_wait3A_325 = arith.constant 0 : i32
      %dma_wait3A_326 = tpu.memref_slice %arg6[%mul3A_299, %dma_wait3A_325] : memref<20480x128xf32, #tpu.memory_space<hbm>> -> memref<128x128xf32, #tpu.memory_space<hbm>>
      %dma_wait3A_327 = arith.constant 0 : i32
      %dma_wait3A_328 = tpu.memref_slice %arg6[%mul3A_299, %dma_wait3A_327] : memref<20480x128xf32, #tpu.memory_space<hbm>> -> memref<128x128xf32, #tpu.memory_space<hbm>>
      %dma_wait3A_329 = arith.constant 0 : i32
      %dma_wait3A_330 = arith.constant 0 : i32
      %dma_wait3A_331 = tpu.memref_slice %arg8[%run_scoped3A_300, %dma_wait3A_329, %dma_wait3A_330] : memref<5x128x128xf32, #tpu.memory_space<vmem>> -> memref<1x128x128xf32, #tpu.memory_space<vmem>>
      %dma_wait3A_332 = tpu.memref_squeeze %dma_wait3A_331 : memref<1x128x128xf32, #tpu.memory_space<vmem>> -> memref<128x128xf32, #tpu.memory_space<vmem>>
      tpu.wait_dma2 semaphore(%run_scoped3A_308 : memref<!tpu.dma_semaphore, #tpu.memory_space<semaphore_mem>>) src(%dma_wait3A_332 : memref<128x128xf32, #tpu.memory_space<vmem>>) dst(%dma_wait3A_328 : memref<128x128xf32, #tpu.memory_space<hbm>>)
      tpu.yield
    }) : () -> ()
    %mul3A_301 = arith.constant 5 : i32
    %mul3A_302 = arith.muli %add3A, %mul3A_301 : i32
    %add3A_303 = arith.constant 4 : i32
    %add3A_304 = arith.addi %mul3A_302, %add3A_303 : i32
    %mul3A_305 = arith.constant 128 : i32
    %mul3A_306 = arith.muli %add3A_304, %mul3A_305 : i32
    %run_scoped3A_307 = arith.constant 4 : i32
    "tpu.region"() ({
      %run_scoped3A_308 = tpu.sem_alloc : memref<!tpu.dma_semaphore, #tpu.memory_space<semaphore_mem>>
      %dma_start3A_309 = arith.constant 0 : i32
      %dma_start3A_310 = arith.constant 0 : i32
      %dma_start3A_311 = tpu.memref_slice %arg8[%run_scoped3A_307, %dma_start3A_309, %dma_start3A_310] : memref<5x128x128xf32, #tpu.memory_space<vmem>> -> memref<1x128x128xf32, #tpu.memory_space<vmem>>
      %dma_start3A_312 = tpu.memref_squeeze %dma_start3A_311 : memref<1x128x128xf32, #tpu.memory_space<vmem>> -> memref<128x128xf32, #tpu.memory_space<vmem>>
      %dma_start3A_313 = arith.constant 0 : i32
      %dma_start3A_314 = tpu.memref_slice %arg6[%mul3A_306, %dma_start3A_313] : memref<20480x128xf32, #tpu.memory_space<hbm>> -> memref<128x128xf32, #tpu.memory_space<hbm>>
      %dma_start3A_315 = arith.constant 0 : i32
      %dma_start3A_316 = tpu.memref_slice %arg6[%mul3A_306, %dma_start3A_315] : memref<20480x128xf32, #tpu.memory_space<hbm>> -> memref<128x128xf32, #tpu.memory_space<hbm>>
      %dma_start3A_317 = arith.constant 0 : i32
      %dma_start3A_318 = arith.constant 0 : i32
      %dma_start3A_319 = tpu.memref_slice %arg8[%run_scoped3A_307, %dma_start3A_317, %dma_start3A_318] : memref<5x128x128xf32, #tpu.memory_space<vmem>> -> memref<1x128x128xf32, #tpu.memory_space<vmem>>
      %dma_start3A_320 = tpu.memref_squeeze %dma_start3A_319 : memref<1x128x128xf32, #tpu.memory_space<vmem>> -> memref<128x128xf32, #tpu.memory_space<vmem>>
      tpu.enqueue_dma source(%dma_start3A_320 : memref<128x128xf32, #tpu.memory_space<vmem>>) target(%dma_start3A_316 : memref<128x128xf32, #tpu.memory_space<hbm>>) target_semaphore(%run_scoped3A_308 : memref<!tpu.dma_semaphore, #tpu.memory_space<semaphore_mem>>)
      %dma_wait3A_321 = arith.constant 0 : i32
      %dma_wait3A_322 = arith.constant 0 : i32
      %dma_wait3A_323 = tpu.memref_slice %arg8[%run_scoped3A_307, %dma_wait3A_321, %dma_wait3A_322] : memref<5x128x128xf32, #tpu.memory_space<vmem>> -> memref<1x128x128xf32, #tpu.memory_space<vmem>>
      %dma_wait3A_324 = tpu.memref_squeeze %dma_wait3A_323 : memref<1x128x128xf32, #tpu.memory_space<vmem>> -> memref<128x128xf32, #tpu.memory_space<vmem>>
      %dma_wait3A_325 = arith.constant 0 : i32
      %dma_wait3A_326 = tpu.memref_slice %arg6[%mul3A_306, %dma_wait3A_325] : memref<20480x128xf32, #tpu.memory_space<hbm>> -> memref<128x128xf32, #tpu.memory_space<hbm>>
      %dma_wait3A_327 = arith.constant 0 : i32
      %dma_wait3A_328 = tpu.memref_slice %arg6[%mul3A_306, %dma_wait3A_327] : memref<20480x128xf32, #tpu.memory_space<hbm>> -> memref<128x128xf32, #tpu.memory_space<hbm>>
      %dma_wait3A_329 = arith.constant 0 : i32
      %dma_wait3A_330 = arith.constant 0 : i32
      %dma_wait3A_331 = tpu.memref_slice %arg8[%run_scoped3A_307, %dma_wait3A_329, %dma_wait3A_330] : memref<5x128x128xf32, #tpu.memory_space<vmem>> -> memref<1x128x128xf32, #tpu.memory_space<vmem>>
      %dma_wait3A_332 = tpu.memref_squeeze %dma_wait3A_331 : memref<1x128x128xf32, #tpu.memory_space<vmem>> -> memref<128x128xf32, #tpu.memory_space<vmem>>
      tpu.wait_dma2 semaphore(%run_scoped3A_308 : memref<!tpu.dma_semaphore, #tpu.memory_space<semaphore_mem>>) src(%dma_wait3A_332 : memref<128x128xf32, #tpu.memory_space<vmem>>) dst(%dma_wait3A_328 : memref<128x128xf32, #tpu.memory_space<hbm>>)
      tpu.yield
    }) : () -> ()
    return
  }
}

module attributes {stable_mosaic.version = 14 : i64} {
  func.func @_topk_body(%arg0: i32, %arg1: i32, %arg2: memref<1x2x1024xf32, #tpu.memory_space<vmem>>, %arg3: memref<1x512x2xf32, #tpu.memory_space<vmem>>, %arg4: memref<1x128x512xf32, #tpu.memory_space<vmem>>, %arg5: memref<1x10x512xi32, #tpu.memory_space<vmem>>, %arg6: memref<1x512x16xf32, #tpu.memory_space<vmem>>, %arg7: memref<1x512x128xf32, #tpu.memory_space<vmem>>) attributes {dimension_semantics = [#tpu.dimension_semantics<arbitrary>, #tpu.dimension_semantics<arbitrary>], iteration_bounds = array<i64: 2, 2>, scalar_prefetch = 0 : i64, scratch_operands = 0 : i64, tpu.core_type = #tpu.core_type<tc>, window_params = [{transform_indices = @transform_0, window_bounds = array<i64: 1, 2, 1024>}, {transform_indices = @transform_1, window_bounds = array<i64: 1, 512, 2>}, {transform_indices = @transform_2, window_bounds = array<i64: 1, 128, 512>}, {transform_indices = @transform_3, window_bounds = array<i64: 1, 10, 512>}, {transform_indices = @transform_4, window_bounds = array<i64: 1, 512, 16>}, {transform_indices = @transform_5, window_bounds = array<i64: 1, 512, 128>}]} {
    %get3A = arith.constant 0 : index
    %get3A_0 = arith.constant 0 : index
    %get3A_1 = arith.constant 0 : index
    %get3A_2 = vector.load %arg2[%get3A, %get3A_0, %get3A_1] : memref<1x2x1024xf32, #tpu.memory_space<vmem>>, vector<1x2x1024xf32>
    %get3A_3 = vector.shape_cast %get3A_2 : vector<1x2x1024xf32> to vector<2x1024xf32>
    %get3A_4 = arith.constant 0 : index
    %get3A_5 = arith.constant 0 : index
    %get3A_6 = arith.constant 0 : index
    %get3A_7 = vector.load %arg3[%get3A_4, %get3A_5, %get3A_6] : memref<1x512x2xf32, #tpu.memory_space<vmem>>, vector<1x512x2xf32>
    %get3A_8 = vector.shape_cast %get3A_7 : vector<1x512x2xf32> to vector<512x2xf32>
    %slice3A = vector.extract_strided_slice %get3A_3 {offsets = [0, 0], sizes = [1, 1024], strides = [1, 1]} : vector<2x1024xf32> to vector<1x1024xf32>
    %slice3A_9 = vector.extract_strided_slice %get3A_3 {offsets = [1, 0], sizes = [1, 1024], strides = [1, 1]} : vector<2x1024xf32> to vector<1x1024xf32>
    %slice3A_10 = vector.extract_strided_slice %get3A_8 {offsets = [0, 0], sizes = [512, 1], strides = [1, 1]} : vector<512x2xf32> to vector<512x1xf32>
    %slice3A_11 = vector.extract_strided_slice %get3A_8 {offsets = [0, 1], sizes = [512, 1], strides = [1, 1]} : vector<512x2xf32> to vector<512x1xf32>
    %mul3A = arith.mulf %slice3A, %slice3A : vector<1x1024xf32>
    %mul3A_12 = arith.mulf %slice3A_9, %slice3A_9 : vector<1x1024xf32>
    %add3A = arith.addf %mul3A, %mul3A_12 : vector<1x1024xf32>
    %mul3A_13 = arith.mulf %slice3A_10, %slice3A_10 : vector<512x1xf32>
    %mul3A_14 = arith.mulf %slice3A_11, %slice3A_11 : vector<512x1xf32>
    %add3A_15 = arith.addf %mul3A_13, %mul3A_14 : vector<512x1xf32>
    %mul3A_16 = vector.broadcast %slice3A_10 : vector<512x1xf32> to vector<512x1024xf32>
    %mul3A_17 = vector.broadcast %slice3A : vector<1x1024xf32> to vector<512x1024xf32>
    %mul3A_18 = arith.mulf %mul3A_16, %mul3A_17 : vector<512x1024xf32>
    %mul3A_19 = vector.broadcast %slice3A_11 : vector<512x1xf32> to vector<512x1024xf32>
    %mul3A_20 = vector.broadcast %slice3A_9 : vector<1x1024xf32> to vector<512x1024xf32>
    %mul3A_21 = arith.mulf %mul3A_19, %mul3A_20 : vector<512x1024xf32>
    %add3A_22 = arith.addf %mul3A_18, %mul3A_21 : vector<512x1024xf32>
    %mul3A_23 = arith.constant -2.000000e+00 : f32
    %mul3A_24 = vector.broadcast %mul3A_23 : f32 to vector<512x1024xf32>
    %mul3A_25 = arith.mulf %mul3A_24, %add3A_22 : vector<512x1024xf32>
    %add3A_26 = vector.broadcast %add3A_15 : vector<512x1xf32> to vector<512x1024xf32>
    %add3A_27 = arith.addf %mul3A_25, %add3A_26 : vector<512x1024xf32>
    %add3A_28 = vector.broadcast %add3A : vector<1x1024xf32> to vector<512x1024xf32>
    %add3A_29 = arith.addf %add3A_27, %add3A_28 : vector<512x1024xf32>
    %max3A = arith.constant 9.99999996E-13 : f32
    %max3A_30 = vector.broadcast %max3A : f32 to vector<512x1024xf32>
    %max3A_31 = arith.maximumf %add3A_29, %max3A_30 : vector<512x1024xf32>
    %sqrt3A = math.sqrt %add3A_15 : vector<512x1xf32>
    %sqrt3A_32 = math.sqrt %add3A : vector<1x1024xf32>
    %mul3A_33 = vector.broadcast %sqrt3A : vector<512x1xf32> to vector<512x1024xf32>
    %mul3A_34 = vector.broadcast %sqrt3A_32 : vector<1x1024xf32> to vector<512x1024xf32>
    %mul3A_35 = arith.mulf %mul3A_33, %mul3A_34 : vector<512x1024xf32>
    %div3A = arith.divf %add3A_22, %mul3A_35 : vector<512x1024xf32>
    %iota3A = tpu.iota {dimensions = array<i32: 1>} : vector<512x1024xi32>
    %convert_element_type3A = arith.sitofp %iota3A : vector<512x1024xi32> to vector<512x1024xf32>
    %iota3A_36 = tpu.iota {dimensions = array<i32: 1>} : vector<512x16xi32>
    %broadcast_in_dim3A = arith.constant 0 : i32
    %broadcast_in_dim3A_37 = vector.broadcast %broadcast_in_dim3A : i32 to vector<512x16xi32>
    %broadcast_in_dim3A_38 = arith.constant 0.000000e+00 : f32
    %broadcast_in_dim3A_39 = vector.broadcast %broadcast_in_dim3A_38 : f32 to vector<512x16xf32>
    %reduce_min3A = arith.constant dense<0x7F800000> : vector<512xf32>
    %reduce_min3A_40 = vector.multi_reduction <minimumf>, %max3A_31, %reduce_min3A [1] : vector<512x1024xf32> to vector<512xf32>
    %broadcast_in_dim3A_41 = vector.shape_cast %reduce_min3A_40 : vector<512xf32> to vector<512x1xf32>
    %eq3A = vector.broadcast %broadcast_in_dim3A_41 : vector<512x1xf32> to vector<512x1024xf32>
    %eq3A_42 = arith.cmpf oeq, %max3A_31, %eq3A : vector<512x1024xf32>
    %jit3A = arith.constant 1.024000e+03 : f32
    %broadcast_in_dim3A_43 = vector.broadcast %jit3A : f32 to vector<512x1024xf32>
    %select_n3A = arith.select %eq3A_42, %convert_element_type3A, %broadcast_in_dim3A_43 : vector<512x1024xi1>, vector<512x1024xf32>
    %reduce_min3A_44 = arith.constant dense<0x7F800000> : vector<512xf32>
    %reduce_min3A_45 = vector.multi_reduction <minimumf>, %select_n3A, %reduce_min3A_44 [1] : vector<512x1024xf32> to vector<512xf32>
    %broadcast_in_dim3A_46 = vector.shape_cast %reduce_min3A_45 : vector<512xf32> to vector<512x1xf32>
    %eq3A_47 = vector.broadcast %broadcast_in_dim3A_46 : vector<512x1xf32> to vector<512x1024xf32>
    %eq3A_48 = arith.cmpf oeq, %convert_element_type3A, %eq3A_47 : vector<512x1024xf32>
    %jit3A_49 = arith.constant 0x7F800000 : f32
    %broadcast_in_dim3A_50 = vector.broadcast %jit3A_49 : f32 to vector<512x1024xf32>
    %select_n3A_51 = arith.select %eq3A_48, %broadcast_in_dim3A_50, %max3A_31 : vector<512x1024xi1>, vector<512x1024xf32>
    %reduce_min3A_52 = arith.constant dense<0x7F800000> : vector<512xf32>
    %reduce_min3A_53 = vector.multi_reduction <minimumf>, %select_n3A_51, %reduce_min3A_52 [1] : vector<512x1024xf32> to vector<512xf32>
    %broadcast_in_dim3A_54 = vector.shape_cast %reduce_min3A_53 : vector<512xf32> to vector<512x1xf32>
    %eq3A_55 = vector.broadcast %broadcast_in_dim3A_54 : vector<512x1xf32> to vector<512x1024xf32>
    %eq3A_56 = arith.cmpf oeq, %select_n3A_51, %eq3A_55 : vector<512x1024xf32>
    %jit3A_57 = arith.constant 1.024000e+03 : f32
    %broadcast_in_dim3A_58 = vector.broadcast %jit3A_57 : f32 to vector<512x1024xf32>
    %select_n3A_59 = arith.select %eq3A_56, %convert_element_type3A, %broadcast_in_dim3A_58 : vector<512x1024xi1>, vector<512x1024xf32>
    %reduce_min3A_60 = arith.constant dense<0x7F800000> : vector<512xf32>
    %reduce_min3A_61 = vector.multi_reduction <minimumf>, %select_n3A_59, %reduce_min3A_60 [1] : vector<512x1024xf32> to vector<512xf32>
    %broadcast_in_dim3A_62 = vector.shape_cast %reduce_min3A_61 : vector<512xf32> to vector<512x1xf32>
    %eq3A_63 = vector.broadcast %broadcast_in_dim3A_62 : vector<512x1xf32> to vector<512x1024xf32>
    %eq3A_64 = arith.cmpf oeq, %convert_element_type3A, %eq3A_63 : vector<512x1024xf32>
    %jit3A_65 = arith.constant 0.000000e+00 : f32
    %broadcast_in_dim3A_66 = vector.broadcast %jit3A_65 : f32 to vector<512x1024xf32>
    %select_n3A_67 = arith.select %eq3A_64, %div3A, %broadcast_in_dim3A_66 : vector<512x1024xi1>, vector<512x1024xf32>
    %reduce_sum3A = arith.constant dense<0.000000e+00> : vector<512xf32>
    %reduce_sum3A_68 = vector.multi_reduction <add>, %select_n3A_67, %reduce_sum3A [1] : vector<512x1024xf32> to vector<512xf32>
    %broadcast_in_dim3A_69 = vector.shape_cast %reduce_sum3A_68 : vector<512xf32> to vector<512x1xf32>
    %convert_element_type3A_70 = arith.fptosi %broadcast_in_dim3A_62 : vector<512x1xf32> to vector<512x1xi32>
    %eq3A_71 = arith.constant 1 : i32
    %eq3A_72 = vector.broadcast %eq3A_71 : i32 to vector<512x16xi32>
    %eq3A_73 = arith.cmpi eq, %iota3A_36, %eq3A_72 : vector<512x16xi32>
    %mul3A_74 = arith.constant 1024 : i32
    %mul3A_75 = arith.muli %arg0, %mul3A_74 : i32
    %add3A_76 = vector.broadcast %mul3A_75 : i32 to vector<512x1xi32>
    %add3A_77 = arith.addi %convert_element_type3A_70, %add3A_76 : vector<512x1xi32>
    %broadcast_in_dim3A_78 = vector.shape_cast %add3A_77 : vector<512x1xi32> to vector<512x1xi32>
    %broadcast_in_dim3A_79 = vector.broadcast %broadcast_in_dim3A_78 : vector<512x1xi32> to vector<512x16xi32>
    %select_n3A_80 = arith.select %eq3A_73, %broadcast_in_dim3A_79, %broadcast_in_dim3A_37 : vector<512x16xi1>, vector<512x16xi32>
    %eq3A_81 = arith.constant 1 : i32
    %eq3A_82 = vector.broadcast %eq3A_81 : i32 to vector<512x16xi32>
    %eq3A_83 = arith.cmpi eq, %iota3A_36, %eq3A_82 : vector<512x16xi32>
    %broadcast_in_dim3A_84 = vector.shape_cast %broadcast_in_dim3A_69 : vector<512x1xf32> to vector<512x1xf32>
    %broadcast_in_dim3A_85 = vector.broadcast %broadcast_in_dim3A_84 : vector<512x1xf32> to vector<512x16xf32>
    %select_n3A_86 = arith.select %eq3A_83, %broadcast_in_dim3A_85, %broadcast_in_dim3A_39 : vector<512x16xi1>, vector<512x16xf32>
    %jit3A_87 = arith.constant 0x7F800000 : f32
    %broadcast_in_dim3A_88 = vector.broadcast %jit3A_87 : f32 to vector<512x1024xf32>
    %select_n3A_89 = arith.select %eq3A_64, %broadcast_in_dim3A_88, %select_n3A_51 : vector<512x1024xi1>, vector<512x1024xf32>
    %reduce_min3A_90 = arith.constant dense<0x7F800000> : vector<512xf32>
    %reduce_min3A_91 = vector.multi_reduction <minimumf>, %select_n3A_89, %reduce_min3A_90 [1] : vector<512x1024xf32> to vector<512xf32>
    %broadcast_in_dim3A_92 = vector.shape_cast %reduce_min3A_91 : vector<512xf32> to vector<512x1xf32>
    %eq3A_93 = vector.broadcast %broadcast_in_dim3A_92 : vector<512x1xf32> to vector<512x1024xf32>
    %eq3A_94 = arith.cmpf oeq, %select_n3A_89, %eq3A_93 : vector<512x1024xf32>
    %jit3A_95 = arith.constant 1.024000e+03 : f32
    %broadcast_in_dim3A_96 = vector.broadcast %jit3A_95 : f32 to vector<512x1024xf32>
    %select_n3A_97 = arith.select %eq3A_94, %convert_element_type3A, %broadcast_in_dim3A_96 : vector<512x1024xi1>, vector<512x1024xf32>
    %reduce_min3A_98 = arith.constant dense<0x7F800000> : vector<512xf32>
    %reduce_min3A_99 = vector.multi_reduction <minimumf>, %select_n3A_97, %reduce_min3A_98 [1] : vector<512x1024xf32> to vector<512xf32>
    %broadcast_in_dim3A_100 = vector.shape_cast %reduce_min3A_99 : vector<512xf32> to vector<512x1xf32>
    %eq3A_101 = vector.broadcast %broadcast_in_dim3A_100 : vector<512x1xf32> to vector<512x1024xf32>
    %eq3A_102 = arith.cmpf oeq, %convert_element_type3A, %eq3A_101 : vector<512x1024xf32>
    %jit3A_103 = arith.constant 0.000000e+00 : f32
    %broadcast_in_dim3A_104 = vector.broadcast %jit3A_103 : f32 to vector<512x1024xf32>
    %select_n3A_105 = arith.select %eq3A_102, %div3A, %broadcast_in_dim3A_104 : vector<512x1024xi1>, vector<512x1024xf32>
    %reduce_sum3A_106 = arith.constant dense<0.000000e+00> : vector<512xf32>
    %reduce_sum3A_107 = vector.multi_reduction <add>, %select_n3A_105, %reduce_sum3A_106 [1] : vector<512x1024xf32> to vector<512xf32>
    %broadcast_in_dim3A_108 = vector.shape_cast %reduce_sum3A_107 : vector<512xf32> to vector<512x1xf32>
    %convert_element_type3A_109 = arith.fptosi %broadcast_in_dim3A_100 : vector<512x1xf32> to vector<512x1xi32>
    %eq3A_110 = arith.constant 2 : i32
    %eq3A_111 = vector.broadcast %eq3A_110 : i32 to vector<512x16xi32>
    %eq3A_112 = arith.cmpi eq, %iota3A_36, %eq3A_111 : vector<512x16xi32>
    %mul3A_113 = arith.constant 1024 : i32
    %mul3A_114 = arith.muli %arg0, %mul3A_113 : i32
    %add3A_115 = vector.broadcast %mul3A_114 : i32 to vector<512x1xi32>
    %add3A_116 = arith.addi %convert_element_type3A_109, %add3A_115 : vector<512x1xi32>
    %broadcast_in_dim3A_117 = vector.shape_cast %add3A_116 : vector<512x1xi32> to vector<512x1xi32>
    %broadcast_in_dim3A_118 = vector.broadcast %broadcast_in_dim3A_117 : vector<512x1xi32> to vector<512x16xi32>
    %select_n3A_119 = arith.select %eq3A_112, %broadcast_in_dim3A_118, %select_n3A_80 : vector<512x16xi1>, vector<512x16xi32>
    %eq3A_120 = arith.constant 2 : i32
    %eq3A_121 = vector.broadcast %eq3A_120 : i32 to vector<512x16xi32>
    %eq3A_122 = arith.cmpi eq, %iota3A_36, %eq3A_121 : vector<512x16xi32>
    %broadcast_in_dim3A_123 = vector.shape_cast %broadcast_in_dim3A_108 : vector<512x1xf32> to vector<512x1xf32>
    %broadcast_in_dim3A_124 = vector.broadcast %broadcast_in_dim3A_123 : vector<512x1xf32> to vector<512x16xf32>
    %select_n3A_125 = arith.select %eq3A_122, %broadcast_in_dim3A_124, %select_n3A_86 : vector<512x16xi1>, vector<512x16xf32>
    %jit3A_126 = arith.constant 0x7F800000 : f32
    %broadcast_in_dim3A_127 = vector.broadcast %jit3A_126 : f32 to vector<512x1024xf32>
    %select_n3A_128 = arith.select %eq3A_102, %broadcast_in_dim3A_127, %select_n3A_89 : vector<512x1024xi1>, vector<512x1024xf32>
    %reduce_min3A_129 = arith.constant dense<0x7F800000> : vector<512xf32>
    %reduce_min3A_130 = vector.multi_reduction <minimumf>, %select_n3A_128, %reduce_min3A_129 [1] : vector<512x1024xf32> to vector<512xf32>
    %broadcast_in_dim3A_131 = vector.shape_cast %reduce_min3A_130 : vector<512xf32> to vector<512x1xf32>
    %eq3A_132 = vector.broadcast %broadcast_in_dim3A_131 : vector<512x1xf32> to vector<512x1024xf32>
    %eq3A_133 = arith.cmpf oeq, %select_n3A_128, %eq3A_132 : vector<512x1024xf32>
    %jit3A_134 = arith.constant 1.024000e+03 : f32
    %broadcast_in_dim3A_135 = vector.broadcast %jit3A_134 : f32 to vector<512x1024xf32>
    %select_n3A_136 = arith.select %eq3A_133, %convert_element_type3A, %broadcast_in_dim3A_135 : vector<512x1024xi1>, vector<512x1024xf32>
    %reduce_min3A_137 = arith.constant dense<0x7F800000> : vector<512xf32>
    %reduce_min3A_138 = vector.multi_reduction <minimumf>, %select_n3A_136, %reduce_min3A_137 [1] : vector<512x1024xf32> to vector<512xf32>
    %broadcast_in_dim3A_139 = vector.shape_cast %reduce_min3A_138 : vector<512xf32> to vector<512x1xf32>
    %eq3A_140 = vector.broadcast %broadcast_in_dim3A_139 : vector<512x1xf32> to vector<512x1024xf32>
    %eq3A_141 = arith.cmpf oeq, %convert_element_type3A, %eq3A_140 : vector<512x1024xf32>
    %jit3A_142 = arith.constant 0.000000e+00 : f32
    %broadcast_in_dim3A_143 = vector.broadcast %jit3A_142 : f32 to vector<512x1024xf32>
    %select_n3A_144 = arith.select %eq3A_141, %div3A, %broadcast_in_dim3A_143 : vector<512x1024xi1>, vector<512x1024xf32>
    %reduce_sum3A_145 = arith.constant dense<0.000000e+00> : vector<512xf32>
    %reduce_sum3A_146 = vector.multi_reduction <add>, %select_n3A_144, %reduce_sum3A_145 [1] : vector<512x1024xf32> to vector<512xf32>
    %broadcast_in_dim3A_147 = vector.shape_cast %reduce_sum3A_146 : vector<512xf32> to vector<512x1xf32>
    %convert_element_type3A_148 = arith.fptosi %broadcast_in_dim3A_139 : vector<512x1xf32> to vector<512x1xi32>
    %eq3A_149 = arith.constant 3 : i32
    %eq3A_150 = vector.broadcast %eq3A_149 : i32 to vector<512x16xi32>
    %eq3A_151 = arith.cmpi eq, %iota3A_36, %eq3A_150 : vector<512x16xi32>
    %mul3A_152 = arith.constant 1024 : i32
    %mul3A_153 = arith.muli %arg0, %mul3A_152 : i32
    %add3A_154 = vector.broadcast %mul3A_153 : i32 to vector<512x1xi32>
    %add3A_155 = arith.addi %convert_element_type3A_148, %add3A_154 : vector<512x1xi32>
    %broadcast_in_dim3A_156 = vector.shape_cast %add3A_155 : vector<512x1xi32> to vector<512x1xi32>
    %broadcast_in_dim3A_157 = vector.broadcast %broadcast_in_dim3A_156 : vector<512x1xi32> to vector<512x16xi32>
    %select_n3A_158 = arith.select %eq3A_151, %broadcast_in_dim3A_157, %select_n3A_119 : vector<512x16xi1>, vector<512x16xi32>
    %eq3A_159 = arith.constant 3 : i32
    %eq3A_160 = vector.broadcast %eq3A_159 : i32 to vector<512x16xi32>
    %eq3A_161 = arith.cmpi eq, %iota3A_36, %eq3A_160 : vector<512x16xi32>
    %broadcast_in_dim3A_162 = vector.shape_cast %broadcast_in_dim3A_147 : vector<512x1xf32> to vector<512x1xf32>
    %broadcast_in_dim3A_163 = vector.broadcast %broadcast_in_dim3A_162 : vector<512x1xf32> to vector<512x16xf32>
    %select_n3A_164 = arith.select %eq3A_161, %broadcast_in_dim3A_163, %select_n3A_125 : vector<512x16xi1>, vector<512x16xf32>
    %jit3A_165 = arith.constant 0x7F800000 : f32
    %broadcast_in_dim3A_166 = vector.broadcast %jit3A_165 : f32 to vector<512x1024xf32>
    %select_n3A_167 = arith.select %eq3A_141, %broadcast_in_dim3A_166, %select_n3A_128 : vector<512x1024xi1>, vector<512x1024xf32>
    %reduce_min3A_168 = arith.constant dense<0x7F800000> : vector<512xf32>
    %reduce_min3A_169 = vector.multi_reduction <minimumf>, %select_n3A_167, %reduce_min3A_168 [1] : vector<512x1024xf32> to vector<512xf32>
    %broadcast_in_dim3A_170 = vector.shape_cast %reduce_min3A_169 : vector<512xf32> to vector<512x1xf32>
    %eq3A_171 = vector.broadcast %broadcast_in_dim3A_170 : vector<512x1xf32> to vector<512x1024xf32>
    %eq3A_172 = arith.cmpf oeq, %select_n3A_167, %eq3A_171 : vector<512x1024xf32>
    %jit3A_173 = arith.constant 1.024000e+03 : f32
    %broadcast_in_dim3A_174 = vector.broadcast %jit3A_173 : f32 to vector<512x1024xf32>
    %select_n3A_175 = arith.select %eq3A_172, %convert_element_type3A, %broadcast_in_dim3A_174 : vector<512x1024xi1>, vector<512x1024xf32>
    %reduce_min3A_176 = arith.constant dense<0x7F800000> : vector<512xf32>
    %reduce_min3A_177 = vector.multi_reduction <minimumf>, %select_n3A_175, %reduce_min3A_176 [1] : vector<512x1024xf32> to vector<512xf32>
    %broadcast_in_dim3A_178 = vector.shape_cast %reduce_min3A_177 : vector<512xf32> to vector<512x1xf32>
    %eq3A_179 = vector.broadcast %broadcast_in_dim3A_178 : vector<512x1xf32> to vector<512x1024xf32>
    %eq3A_180 = arith.cmpf oeq, %convert_element_type3A, %eq3A_179 : vector<512x1024xf32>
    %jit3A_181 = arith.constant 0.000000e+00 : f32
    %broadcast_in_dim3A_182 = vector.broadcast %jit3A_181 : f32 to vector<512x1024xf32>
    %select_n3A_183 = arith.select %eq3A_180, %div3A, %broadcast_in_dim3A_182 : vector<512x1024xi1>, vector<512x1024xf32>
    %reduce_sum3A_184 = arith.constant dense<0.000000e+00> : vector<512xf32>
    %reduce_sum3A_185 = vector.multi_reduction <add>, %select_n3A_183, %reduce_sum3A_184 [1] : vector<512x1024xf32> to vector<512xf32>
    %broadcast_in_dim3A_186 = vector.shape_cast %reduce_sum3A_185 : vector<512xf32> to vector<512x1xf32>
    %convert_element_type3A_187 = arith.fptosi %broadcast_in_dim3A_178 : vector<512x1xf32> to vector<512x1xi32>
    %eq3A_188 = arith.constant 4 : i32
    %eq3A_189 = vector.broadcast %eq3A_188 : i32 to vector<512x16xi32>
    %eq3A_190 = arith.cmpi eq, %iota3A_36, %eq3A_189 : vector<512x16xi32>
    %mul3A_191 = arith.constant 1024 : i32
    %mul3A_192 = arith.muli %arg0, %mul3A_191 : i32
    %add3A_193 = vector.broadcast %mul3A_192 : i32 to vector<512x1xi32>
    %add3A_194 = arith.addi %convert_element_type3A_187, %add3A_193 : vector<512x1xi32>
    %broadcast_in_dim3A_195 = vector.shape_cast %add3A_194 : vector<512x1xi32> to vector<512x1xi32>
    %broadcast_in_dim3A_196 = vector.broadcast %broadcast_in_dim3A_195 : vector<512x1xi32> to vector<512x16xi32>
    %select_n3A_197 = arith.select %eq3A_190, %broadcast_in_dim3A_196, %select_n3A_158 : vector<512x16xi1>, vector<512x16xi32>
    %eq3A_198 = arith.constant 4 : i32
    %eq3A_199 = vector.broadcast %eq3A_198 : i32 to vector<512x16xi32>
    %eq3A_200 = arith.cmpi eq, %iota3A_36, %eq3A_199 : vector<512x16xi32>
    %broadcast_in_dim3A_201 = vector.shape_cast %broadcast_in_dim3A_186 : vector<512x1xf32> to vector<512x1xf32>
    %broadcast_in_dim3A_202 = vector.broadcast %broadcast_in_dim3A_201 : vector<512x1xf32> to vector<512x16xf32>
    %select_n3A_203 = arith.select %eq3A_200, %broadcast_in_dim3A_202, %select_n3A_164 : vector<512x16xi1>, vector<512x16xf32>
    %jit3A_204 = arith.constant 0x7F800000 : f32
    %broadcast_in_dim3A_205 = vector.broadcast %jit3A_204 : f32 to vector<512x1024xf32>
    %select_n3A_206 = arith.select %eq3A_180, %broadcast_in_dim3A_205, %select_n3A_167 : vector<512x1024xi1>, vector<512x1024xf32>
    %reduce_min3A_207 = arith.constant dense<0x7F800000> : vector<512xf32>
    %reduce_min3A_208 = vector.multi_reduction <minimumf>, %select_n3A_206, %reduce_min3A_207 [1] : vector<512x1024xf32> to vector<512xf32>
    %broadcast_in_dim3A_209 = vector.shape_cast %reduce_min3A_208 : vector<512xf32> to vector<512x1xf32>
    %eq3A_210 = vector.broadcast %broadcast_in_dim3A_209 : vector<512x1xf32> to vector<512x1024xf32>
    %eq3A_211 = arith.cmpf oeq, %select_n3A_206, %eq3A_210 : vector<512x1024xf32>
    %jit3A_212 = arith.constant 1.024000e+03 : f32
    %broadcast_in_dim3A_213 = vector.broadcast %jit3A_212 : f32 to vector<512x1024xf32>
    %select_n3A_214 = arith.select %eq3A_211, %convert_element_type3A, %broadcast_in_dim3A_213 : vector<512x1024xi1>, vector<512x1024xf32>
    %reduce_min3A_215 = arith.constant dense<0x7F800000> : vector<512xf32>
    %reduce_min3A_216 = vector.multi_reduction <minimumf>, %select_n3A_214, %reduce_min3A_215 [1] : vector<512x1024xf32> to vector<512xf32>
    %broadcast_in_dim3A_217 = vector.shape_cast %reduce_min3A_216 : vector<512xf32> to vector<512x1xf32>
    %eq3A_218 = vector.broadcast %broadcast_in_dim3A_217 : vector<512x1xf32> to vector<512x1024xf32>
    %eq3A_219 = arith.cmpf oeq, %convert_element_type3A, %eq3A_218 : vector<512x1024xf32>
    %jit3A_220 = arith.constant 0.000000e+00 : f32
    %broadcast_in_dim3A_221 = vector.broadcast %jit3A_220 : f32 to vector<512x1024xf32>
    %select_n3A_222 = arith.select %eq3A_219, %div3A, %broadcast_in_dim3A_221 : vector<512x1024xi1>, vector<512x1024xf32>
    %reduce_sum3A_223 = arith.constant dense<0.000000e+00> : vector<512xf32>
    %reduce_sum3A_224 = vector.multi_reduction <add>, %select_n3A_222, %reduce_sum3A_223 [1] : vector<512x1024xf32> to vector<512xf32>
    %broadcast_in_dim3A_225 = vector.shape_cast %reduce_sum3A_224 : vector<512xf32> to vector<512x1xf32>
    %convert_element_type3A_226 = arith.fptosi %broadcast_in_dim3A_217 : vector<512x1xf32> to vector<512x1xi32>
    %eq3A_227 = arith.constant 5 : i32
    %eq3A_228 = vector.broadcast %eq3A_227 : i32 to vector<512x16xi32>
    %eq3A_229 = arith.cmpi eq, %iota3A_36, %eq3A_228 : vector<512x16xi32>
    %mul3A_230 = arith.constant 1024 : i32
    %mul3A_231 = arith.muli %arg0, %mul3A_230 : i32
    %add3A_232 = vector.broadcast %mul3A_231 : i32 to vector<512x1xi32>
    %add3A_233 = arith.addi %convert_element_type3A_226, %add3A_232 : vector<512x1xi32>
    %broadcast_in_dim3A_234 = vector.shape_cast %add3A_233 : vector<512x1xi32> to vector<512x1xi32>
    %broadcast_in_dim3A_235 = vector.broadcast %broadcast_in_dim3A_234 : vector<512x1xi32> to vector<512x16xi32>
    %select_n3A_236 = arith.select %eq3A_229, %broadcast_in_dim3A_235, %select_n3A_197 : vector<512x16xi1>, vector<512x16xi32>
    %eq3A_237 = arith.constant 5 : i32
    %eq3A_238 = vector.broadcast %eq3A_237 : i32 to vector<512x16xi32>
    %eq3A_239 = arith.cmpi eq, %iota3A_36, %eq3A_238 : vector<512x16xi32>
    %broadcast_in_dim3A_240 = vector.shape_cast %broadcast_in_dim3A_225 : vector<512x1xf32> to vector<512x1xf32>
    %broadcast_in_dim3A_241 = vector.broadcast %broadcast_in_dim3A_240 : vector<512x1xf32> to vector<512x16xf32>
    %select_n3A_242 = arith.select %eq3A_239, %broadcast_in_dim3A_241, %select_n3A_203 : vector<512x16xi1>, vector<512x16xf32>
    %jit3A_243 = arith.constant 0x7F800000 : f32
    %broadcast_in_dim3A_244 = vector.broadcast %jit3A_243 : f32 to vector<512x1024xf32>
    %select_n3A_245 = arith.select %eq3A_219, %broadcast_in_dim3A_244, %select_n3A_206 : vector<512x1024xi1>, vector<512x1024xf32>
    %reduce_min3A_246 = arith.constant dense<0x7F800000> : vector<512xf32>
    %reduce_min3A_247 = vector.multi_reduction <minimumf>, %select_n3A_245, %reduce_min3A_246 [1] : vector<512x1024xf32> to vector<512xf32>
    %broadcast_in_dim3A_248 = vector.shape_cast %reduce_min3A_247 : vector<512xf32> to vector<512x1xf32>
    %eq3A_249 = vector.broadcast %broadcast_in_dim3A_248 : vector<512x1xf32> to vector<512x1024xf32>
    %eq3A_250 = arith.cmpf oeq, %select_n3A_245, %eq3A_249 : vector<512x1024xf32>
    %jit3A_251 = arith.constant 1.024000e+03 : f32
    %broadcast_in_dim3A_252 = vector.broadcast %jit3A_251 : f32 to vector<512x1024xf32>
    %select_n3A_253 = arith.select %eq3A_250, %convert_element_type3A, %broadcast_in_dim3A_252 : vector<512x1024xi1>, vector<512x1024xf32>
    %reduce_min3A_254 = arith.constant dense<0x7F800000> : vector<512xf32>
    %reduce_min3A_255 = vector.multi_reduction <minimumf>, %select_n3A_253, %reduce_min3A_254 [1] : vector<512x1024xf32> to vector<512xf32>
    %broadcast_in_dim3A_256 = vector.shape_cast %reduce_min3A_255 : vector<512xf32> to vector<512x1xf32>
    %eq3A_257 = vector.broadcast %broadcast_in_dim3A_256 : vector<512x1xf32> to vector<512x1024xf32>
    %eq3A_258 = arith.cmpf oeq, %convert_element_type3A, %eq3A_257 : vector<512x1024xf32>
    %jit3A_259 = arith.constant 0.000000e+00 : f32
    %broadcast_in_dim3A_260 = vector.broadcast %jit3A_259 : f32 to vector<512x1024xf32>
    %select_n3A_261 = arith.select %eq3A_258, %div3A, %broadcast_in_dim3A_260 : vector<512x1024xi1>, vector<512x1024xf32>
    %reduce_sum3A_262 = arith.constant dense<0.000000e+00> : vector<512xf32>
    %reduce_sum3A_263 = vector.multi_reduction <add>, %select_n3A_261, %reduce_sum3A_262 [1] : vector<512x1024xf32> to vector<512xf32>
    %broadcast_in_dim3A_264 = vector.shape_cast %reduce_sum3A_263 : vector<512xf32> to vector<512x1xf32>
    %convert_element_type3A_265 = arith.fptosi %broadcast_in_dim3A_256 : vector<512x1xf32> to vector<512x1xi32>
    %eq3A_266 = arith.constant 6 : i32
    %eq3A_267 = vector.broadcast %eq3A_266 : i32 to vector<512x16xi32>
    %eq3A_268 = arith.cmpi eq, %iota3A_36, %eq3A_267 : vector<512x16xi32>
    %mul3A_269 = arith.constant 1024 : i32
    %mul3A_270 = arith.muli %arg0, %mul3A_269 : i32
    %add3A_271 = vector.broadcast %mul3A_270 : i32 to vector<512x1xi32>
    %add3A_272 = arith.addi %convert_element_type3A_265, %add3A_271 : vector<512x1xi32>
    %broadcast_in_dim3A_273 = vector.shape_cast %add3A_272 : vector<512x1xi32> to vector<512x1xi32>
    %broadcast_in_dim3A_274 = vector.broadcast %broadcast_in_dim3A_273 : vector<512x1xi32> to vector<512x16xi32>
    %select_n3A_275 = arith.select %eq3A_268, %broadcast_in_dim3A_274, %select_n3A_236 : vector<512x16xi1>, vector<512x16xi32>
    %eq3A_276 = arith.constant 6 : i32
    %eq3A_277 = vector.broadcast %eq3A_276 : i32 to vector<512x16xi32>
    %eq3A_278 = arith.cmpi eq, %iota3A_36, %eq3A_277 : vector<512x16xi32>
    %broadcast_in_dim3A_279 = vector.shape_cast %broadcast_in_dim3A_264 : vector<512x1xf32> to vector<512x1xf32>
    %broadcast_in_dim3A_280 = vector.broadcast %broadcast_in_dim3A_279 : vector<512x1xf32> to vector<512x16xf32>
    %select_n3A_281 = arith.select %eq3A_278, %broadcast_in_dim3A_280, %select_n3A_242 : vector<512x16xi1>, vector<512x16xf32>
    %jit3A_282 = arith.constant 0x7F800000 : f32
    %broadcast_in_dim3A_283 = vector.broadcast %jit3A_282 : f32 to vector<512x1024xf32>
    %select_n3A_284 = arith.select %eq3A_258, %broadcast_in_dim3A_283, %select_n3A_245 : vector<512x1024xi1>, vector<512x1024xf32>
    %reduce_min3A_285 = arith.constant dense<0x7F800000> : vector<512xf32>
    %reduce_min3A_286 = vector.multi_reduction <minimumf>, %select_n3A_284, %reduce_min3A_285 [1] : vector<512x1024xf32> to vector<512xf32>
    %broadcast_in_dim3A_287 = vector.shape_cast %reduce_min3A_286 : vector<512xf32> to vector<512x1xf32>
    %eq3A_288 = vector.broadcast %broadcast_in_dim3A_287 : vector<512x1xf32> to vector<512x1024xf32>
    %eq3A_289 = arith.cmpf oeq, %select_n3A_284, %eq3A_288 : vector<512x1024xf32>
    %jit3A_290 = arith.constant 1.024000e+03 : f32
    %broadcast_in_dim3A_291 = vector.broadcast %jit3A_290 : f32 to vector<512x1024xf32>
    %select_n3A_292 = arith.select %eq3A_289, %convert_element_type3A, %broadcast_in_dim3A_291 : vector<512x1024xi1>, vector<512x1024xf32>
    %reduce_min3A_293 = arith.constant dense<0x7F800000> : vector<512xf32>
    %reduce_min3A_294 = vector.multi_reduction <minimumf>, %select_n3A_292, %reduce_min3A_293 [1] : vector<512x1024xf32> to vector<512xf32>
    %broadcast_in_dim3A_295 = vector.shape_cast %reduce_min3A_294 : vector<512xf32> to vector<512x1xf32>
    %eq3A_296 = vector.broadcast %broadcast_in_dim3A_295 : vector<512x1xf32> to vector<512x1024xf32>
    %eq3A_297 = arith.cmpf oeq, %convert_element_type3A, %eq3A_296 : vector<512x1024xf32>
    %jit3A_298 = arith.constant 0.000000e+00 : f32
    %broadcast_in_dim3A_299 = vector.broadcast %jit3A_298 : f32 to vector<512x1024xf32>
    %select_n3A_300 = arith.select %eq3A_297, %div3A, %broadcast_in_dim3A_299 : vector<512x1024xi1>, vector<512x1024xf32>
    %reduce_sum3A_301 = arith.constant dense<0.000000e+00> : vector<512xf32>
    %reduce_sum3A_302 = vector.multi_reduction <add>, %select_n3A_300, %reduce_sum3A_301 [1] : vector<512x1024xf32> to vector<512xf32>
    %broadcast_in_dim3A_303 = vector.shape_cast %reduce_sum3A_302 : vector<512xf32> to vector<512x1xf32>
    %convert_element_type3A_304 = arith.fptosi %broadcast_in_dim3A_295 : vector<512x1xf32> to vector<512x1xi32>
    %eq3A_305 = arith.constant 7 : i32
    %eq3A_306 = vector.broadcast %eq3A_305 : i32 to vector<512x16xi32>
    %eq3A_307 = arith.cmpi eq, %iota3A_36, %eq3A_306 : vector<512x16xi32>
    %mul3A_308 = arith.constant 1024 : i32
    %mul3A_309 = arith.muli %arg0, %mul3A_308 : i32
    %add3A_310 = vector.broadcast %mul3A_309 : i32 to vector<512x1xi32>
    %add3A_311 = arith.addi %convert_element_type3A_304, %add3A_310 : vector<512x1xi32>
    %broadcast_in_dim3A_312 = vector.shape_cast %add3A_311 : vector<512x1xi32> to vector<512x1xi32>
    %broadcast_in_dim3A_313 = vector.broadcast %broadcast_in_dim3A_312 : vector<512x1xi32> to vector<512x16xi32>
    %select_n3A_314 = arith.select %eq3A_307, %broadcast_in_dim3A_313, %select_n3A_275 : vector<512x16xi1>, vector<512x16xi32>
    %eq3A_315 = arith.constant 7 : i32
    %eq3A_316 = vector.broadcast %eq3A_315 : i32 to vector<512x16xi32>
    %eq3A_317 = arith.cmpi eq, %iota3A_36, %eq3A_316 : vector<512x16xi32>
    %broadcast_in_dim3A_318 = vector.shape_cast %broadcast_in_dim3A_303 : vector<512x1xf32> to vector<512x1xf32>
    %broadcast_in_dim3A_319 = vector.broadcast %broadcast_in_dim3A_318 : vector<512x1xf32> to vector<512x16xf32>
    %select_n3A_320 = arith.select %eq3A_317, %broadcast_in_dim3A_319, %select_n3A_281 : vector<512x16xi1>, vector<512x16xf32>
    %jit3A_321 = arith.constant 0x7F800000 : f32
    %broadcast_in_dim3A_322 = vector.broadcast %jit3A_321 : f32 to vector<512x1024xf32>
    %select_n3A_323 = arith.select %eq3A_297, %broadcast_in_dim3A_322, %select_n3A_284 : vector<512x1024xi1>, vector<512x1024xf32>
    %reduce_min3A_324 = arith.constant dense<0x7F800000> : vector<512xf32>
    %reduce_min3A_325 = vector.multi_reduction <minimumf>, %select_n3A_323, %reduce_min3A_324 [1] : vector<512x1024xf32> to vector<512xf32>
    %broadcast_in_dim3A_326 = vector.shape_cast %reduce_min3A_325 : vector<512xf32> to vector<512x1xf32>
    %eq3A_327 = vector.broadcast %broadcast_in_dim3A_326 : vector<512x1xf32> to vector<512x1024xf32>
    %eq3A_328 = arith.cmpf oeq, %select_n3A_323, %eq3A_327 : vector<512x1024xf32>
    %jit3A_329 = arith.constant 1.024000e+03 : f32
    %broadcast_in_dim3A_330 = vector.broadcast %jit3A_329 : f32 to vector<512x1024xf32>
    %select_n3A_331 = arith.select %eq3A_328, %convert_element_type3A, %broadcast_in_dim3A_330 : vector<512x1024xi1>, vector<512x1024xf32>
    %reduce_min3A_332 = arith.constant dense<0x7F800000> : vector<512xf32>
    %reduce_min3A_333 = vector.multi_reduction <minimumf>, %select_n3A_331, %reduce_min3A_332 [1] : vector<512x1024xf32> to vector<512xf32>
    %broadcast_in_dim3A_334 = vector.shape_cast %reduce_min3A_333 : vector<512xf32> to vector<512x1xf32>
    %eq3A_335 = vector.broadcast %broadcast_in_dim3A_334 : vector<512x1xf32> to vector<512x1024xf32>
    %eq3A_336 = arith.cmpf oeq, %convert_element_type3A, %eq3A_335 : vector<512x1024xf32>
    %jit3A_337 = arith.constant 0.000000e+00 : f32
    %broadcast_in_dim3A_338 = vector.broadcast %jit3A_337 : f32 to vector<512x1024xf32>
    %select_n3A_339 = arith.select %eq3A_336, %div3A, %broadcast_in_dim3A_338 : vector<512x1024xi1>, vector<512x1024xf32>
    %reduce_sum3A_340 = arith.constant dense<0.000000e+00> : vector<512xf32>
    %reduce_sum3A_341 = vector.multi_reduction <add>, %select_n3A_339, %reduce_sum3A_340 [1] : vector<512x1024xf32> to vector<512xf32>
    %broadcast_in_dim3A_342 = vector.shape_cast %reduce_sum3A_341 : vector<512xf32> to vector<512x1xf32>
    %convert_element_type3A_343 = arith.fptosi %broadcast_in_dim3A_334 : vector<512x1xf32> to vector<512x1xi32>
    %eq3A_344 = arith.constant 8 : i32
    %eq3A_345 = vector.broadcast %eq3A_344 : i32 to vector<512x16xi32>
    %eq3A_346 = arith.cmpi eq, %iota3A_36, %eq3A_345 : vector<512x16xi32>
    %mul3A_347 = arith.constant 1024 : i32
    %mul3A_348 = arith.muli %arg0, %mul3A_347 : i32
    %add3A_349 = vector.broadcast %mul3A_348 : i32 to vector<512x1xi32>
    %add3A_350 = arith.addi %convert_element_type3A_343, %add3A_349 : vector<512x1xi32>
    %broadcast_in_dim3A_351 = vector.shape_cast %add3A_350 : vector<512x1xi32> to vector<512x1xi32>
    %broadcast_in_dim3A_352 = vector.broadcast %broadcast_in_dim3A_351 : vector<512x1xi32> to vector<512x16xi32>
    %select_n3A_353 = arith.select %eq3A_346, %broadcast_in_dim3A_352, %select_n3A_314 : vector<512x16xi1>, vector<512x16xi32>
    %eq3A_354 = arith.constant 8 : i32
    %eq3A_355 = vector.broadcast %eq3A_354 : i32 to vector<512x16xi32>
    %eq3A_356 = arith.cmpi eq, %iota3A_36, %eq3A_355 : vector<512x16xi32>
    %broadcast_in_dim3A_357 = vector.shape_cast %broadcast_in_dim3A_342 : vector<512x1xf32> to vector<512x1xf32>
    %broadcast_in_dim3A_358 = vector.broadcast %broadcast_in_dim3A_357 : vector<512x1xf32> to vector<512x16xf32>
    %select_n3A_359 = arith.select %eq3A_356, %broadcast_in_dim3A_358, %select_n3A_320 : vector<512x16xi1>, vector<512x16xf32>
    %jit3A_360 = arith.constant 0x7F800000 : f32
    %broadcast_in_dim3A_361 = vector.broadcast %jit3A_360 : f32 to vector<512x1024xf32>
    %select_n3A_362 = arith.select %eq3A_336, %broadcast_in_dim3A_361, %select_n3A_323 : vector<512x1024xi1>, vector<512x1024xf32>
    %reduce_min3A_363 = arith.constant dense<0x7F800000> : vector<512xf32>
    %reduce_min3A_364 = vector.multi_reduction <minimumf>, %select_n3A_362, %reduce_min3A_363 [1] : vector<512x1024xf32> to vector<512xf32>
    %broadcast_in_dim3A_365 = vector.shape_cast %reduce_min3A_364 : vector<512xf32> to vector<512x1xf32>
    %eq3A_366 = vector.broadcast %broadcast_in_dim3A_365 : vector<512x1xf32> to vector<512x1024xf32>
    %eq3A_367 = arith.cmpf oeq, %select_n3A_362, %eq3A_366 : vector<512x1024xf32>
    %jit3A_368 = arith.constant 1.024000e+03 : f32
    %broadcast_in_dim3A_369 = vector.broadcast %jit3A_368 : f32 to vector<512x1024xf32>
    %select_n3A_370 = arith.select %eq3A_367, %convert_element_type3A, %broadcast_in_dim3A_369 : vector<512x1024xi1>, vector<512x1024xf32>
    %reduce_min3A_371 = arith.constant dense<0x7F800000> : vector<512xf32>
    %reduce_min3A_372 = vector.multi_reduction <minimumf>, %select_n3A_370, %reduce_min3A_371 [1] : vector<512x1024xf32> to vector<512xf32>
    %broadcast_in_dim3A_373 = vector.shape_cast %reduce_min3A_372 : vector<512xf32> to vector<512x1xf32>
    %eq3A_374 = vector.broadcast %broadcast_in_dim3A_373 : vector<512x1xf32> to vector<512x1024xf32>
    %eq3A_375 = arith.cmpf oeq, %convert_element_type3A, %eq3A_374 : vector<512x1024xf32>
    %jit3A_376 = arith.constant 0.000000e+00 : f32
    %broadcast_in_dim3A_377 = vector.broadcast %jit3A_376 : f32 to vector<512x1024xf32>
    %select_n3A_378 = arith.select %eq3A_375, %div3A, %broadcast_in_dim3A_377 : vector<512x1024xi1>, vector<512x1024xf32>
    %reduce_sum3A_379 = arith.constant dense<0.000000e+00> : vector<512xf32>
    %reduce_sum3A_380 = vector.multi_reduction <add>, %select_n3A_378, %reduce_sum3A_379 [1] : vector<512x1024xf32> to vector<512xf32>
    %broadcast_in_dim3A_381 = vector.shape_cast %reduce_sum3A_380 : vector<512xf32> to vector<512x1xf32>
    %convert_element_type3A_382 = arith.fptosi %broadcast_in_dim3A_373 : vector<512x1xf32> to vector<512x1xi32>
    %eq3A_383 = arith.constant 9 : i32
    %eq3A_384 = vector.broadcast %eq3A_383 : i32 to vector<512x16xi32>
    %eq3A_385 = arith.cmpi eq, %iota3A_36, %eq3A_384 : vector<512x16xi32>
    %mul3A_386 = arith.constant 1024 : i32
    %mul3A_387 = arith.muli %arg0, %mul3A_386 : i32
    %add3A_388 = vector.broadcast %mul3A_387 : i32 to vector<512x1xi32>
    %add3A_389 = arith.addi %convert_element_type3A_382, %add3A_388 : vector<512x1xi32>
    %broadcast_in_dim3A_390 = vector.shape_cast %add3A_389 : vector<512x1xi32> to vector<512x1xi32>
    %broadcast_in_dim3A_391 = vector.broadcast %broadcast_in_dim3A_390 : vector<512x1xi32> to vector<512x16xi32>
    %select_n3A_392 = arith.select %eq3A_385, %broadcast_in_dim3A_391, %select_n3A_353 : vector<512x16xi1>, vector<512x16xi32>
    %eq3A_393 = arith.constant 9 : i32
    %eq3A_394 = vector.broadcast %eq3A_393 : i32 to vector<512x16xi32>
    %eq3A_395 = arith.cmpi eq, %iota3A_36, %eq3A_394 : vector<512x16xi32>
    %broadcast_in_dim3A_396 = vector.shape_cast %broadcast_in_dim3A_381 : vector<512x1xf32> to vector<512x1xf32>
    %broadcast_in_dim3A_397 = vector.broadcast %broadcast_in_dim3A_396 : vector<512x1xf32> to vector<512x16xf32>
    %select_n3A_398 = arith.select %eq3A_395, %broadcast_in_dim3A_397, %select_n3A_359 : vector<512x16xi1>, vector<512x16xf32>
    %jit3A_399 = arith.constant 0x7F800000 : f32
    %broadcast_in_dim3A_400 = vector.broadcast %jit3A_399 : f32 to vector<512x1024xf32>
    %select_n3A_401 = arith.select %eq3A_375, %broadcast_in_dim3A_400, %select_n3A_362 : vector<512x1024xi1>, vector<512x1024xf32>
    %reduce_min3A_402 = arith.constant dense<0x7F800000> : vector<512xf32>
    %reduce_min3A_403 = vector.multi_reduction <minimumf>, %select_n3A_401, %reduce_min3A_402 [1] : vector<512x1024xf32> to vector<512xf32>
    %broadcast_in_dim3A_404 = vector.shape_cast %reduce_min3A_403 : vector<512xf32> to vector<512x1xf32>
    %eq3A_405 = vector.broadcast %broadcast_in_dim3A_404 : vector<512x1xf32> to vector<512x1024xf32>
    %eq3A_406 = arith.cmpf oeq, %select_n3A_401, %eq3A_405 : vector<512x1024xf32>
    %jit3A_407 = arith.constant 1.024000e+03 : f32
    %broadcast_in_dim3A_408 = vector.broadcast %jit3A_407 : f32 to vector<512x1024xf32>
    %select_n3A_409 = arith.select %eq3A_406, %convert_element_type3A, %broadcast_in_dim3A_408 : vector<512x1024xi1>, vector<512x1024xf32>
    %reduce_min3A_410 = arith.constant dense<0x7F800000> : vector<512xf32>
    %reduce_min3A_411 = vector.multi_reduction <minimumf>, %select_n3A_409, %reduce_min3A_410 [1] : vector<512x1024xf32> to vector<512xf32>
    %broadcast_in_dim3A_412 = vector.shape_cast %reduce_min3A_411 : vector<512xf32> to vector<512x1xf32>
    %eq3A_413 = vector.broadcast %broadcast_in_dim3A_412 : vector<512x1xf32> to vector<512x1024xf32>
    %eq3A_414 = arith.cmpf oeq, %convert_element_type3A, %eq3A_413 : vector<512x1024xf32>
    %jit3A_415 = arith.constant 0.000000e+00 : f32
    %broadcast_in_dim3A_416 = vector.broadcast %jit3A_415 : f32 to vector<512x1024xf32>
    %select_n3A_417 = arith.select %eq3A_414, %div3A, %broadcast_in_dim3A_416 : vector<512x1024xi1>, vector<512x1024xf32>
    %reduce_sum3A_418 = arith.constant dense<0.000000e+00> : vector<512xf32>
    %reduce_sum3A_419 = vector.multi_reduction <add>, %select_n3A_417, %reduce_sum3A_418 [1] : vector<512x1024xf32> to vector<512xf32>
    %broadcast_in_dim3A_420 = vector.shape_cast %reduce_sum3A_419 : vector<512xf32> to vector<512x1xf32>
    %convert_element_type3A_421 = arith.fptosi %broadcast_in_dim3A_412 : vector<512x1xf32> to vector<512x1xi32>
    %eq3A_422 = arith.constant 10 : i32
    %eq3A_423 = vector.broadcast %eq3A_422 : i32 to vector<512x16xi32>
    %eq3A_424 = arith.cmpi eq, %iota3A_36, %eq3A_423 : vector<512x16xi32>
    %mul3A_425 = arith.constant 1024 : i32
    %mul3A_426 = arith.muli %arg0, %mul3A_425 : i32
    %add3A_427 = vector.broadcast %mul3A_426 : i32 to vector<512x1xi32>
    %add3A_428 = arith.addi %convert_element_type3A_421, %add3A_427 : vector<512x1xi32>
    %broadcast_in_dim3A_429 = vector.shape_cast %add3A_428 : vector<512x1xi32> to vector<512x1xi32>
    %broadcast_in_dim3A_430 = vector.broadcast %broadcast_in_dim3A_429 : vector<512x1xi32> to vector<512x16xi32>
    %select_n3A_431 = arith.select %eq3A_424, %broadcast_in_dim3A_430, %select_n3A_392 : vector<512x16xi1>, vector<512x16xi32>
    %eq3A_432 = arith.constant 10 : i32
    %eq3A_433 = vector.broadcast %eq3A_432 : i32 to vector<512x16xi32>
    %eq3A_434 = arith.cmpi eq, %iota3A_36, %eq3A_433 : vector<512x16xi32>
    %broadcast_in_dim3A_435 = vector.shape_cast %broadcast_in_dim3A_420 : vector<512x1xf32> to vector<512x1xf32>
    %broadcast_in_dim3A_436 = vector.broadcast %broadcast_in_dim3A_435 : vector<512x1xf32> to vector<512x16xf32>
    %select_n3A_437 = arith.select %eq3A_434, %broadcast_in_dim3A_436, %select_n3A_398 : vector<512x16xi1>, vector<512x16xf32>
    %transpose3A = tpu.transpose %select_n3A_431, [1, 0] : vector<512x16xi32> -> vector<16x512xi32>
    %slice3A_438 = vector.extract_strided_slice %transpose3A {offsets = [1, 0], sizes = [10, 512], strides = [1, 1]} : vector<16x512xi32> to vector<10x512xi32>
    %swap3A = arith.constant 0 : index
    %swap3A_439 = arith.constant 0 : index
    %swap3A_440 = arith.constant 0 : index
    %swap3A_441 = vector.load %arg5[%swap3A, %swap3A_439, %swap3A_440] : memref<1x10x512xi32, #tpu.memory_space<vmem>>, vector<1x10x512xi32>
    %swap3A_442 = vector.shape_cast %swap3A_441 : vector<1x10x512xi32> to vector<10x512xi32>
    %swap3A_443 = vector.shape_cast %slice3A_438 : vector<10x512xi32> to vector<1x10x512xi32>
    tpu.vector_store %arg5[%swap3A, %swap3A_439, %swap3A_440], %swap3A_443 {strides = array<i32>} : memref<1x10x512xi32, #tpu.memory_space<vmem>>, vector<1x10x512xi32>,
    %swap3A_444 = arith.constant 0 : index
    %swap3A_445 = arith.constant 0 : index
    %swap3A_446 = arith.constant 0 : index
    %swap3A_447 = vector.load %arg6[%swap3A_444, %swap3A_445, %swap3A_446] : memref<1x512x16xf32, #tpu.memory_space<vmem>>, vector<1x512x16xf32>
    %swap3A_448 = vector.shape_cast %swap3A_447 : vector<1x512x16xf32> to vector<512x16xf32>
    %swap3A_449 = vector.shape_cast %select_n3A_437 : vector<512x16xf32> to vector<1x512x16xf32>
    tpu.vector_store %arg6[%swap3A_444, %swap3A_445, %swap3A_446], %swap3A_449 {strides = array<i32>} : memref<1x512x16xf32, #tpu.memory_space<vmem>>, vector<1x512x16xf32>,
    %get3A_450 = arith.constant 0 : index
    %get3A_451 = arith.constant 0 : index
    %get3A_452 = arith.constant 0 : index
    %get3A_453 = vector.load %arg4[%get3A_450, %get3A_451, %get3A_452] : memref<1x128x512xf32, #tpu.memory_space<vmem>>, vector<1x128x512xf32>
    %get3A_454 = vector.shape_cast %get3A_453 : vector<1x128x512xf32> to vector<128x512xf32>
    %transpose3A_455 = tpu.transpose %get3A_454, [1, 0] : vector<128x512xf32> -> vector<512x128xf32>
    %swap3A_456 = arith.constant 0 : index
    %swap3A_457 = arith.constant 0 : index
    %swap3A_458 = arith.constant 0 : index
    %swap3A_459 = vector.load %arg7[%swap3A_456, %swap3A_457, %swap3A_458] : memref<1x512x128xf32, #tpu.memory_space<vmem>>, vector<1x512x128xf32>
    %swap3A_460 = vector.shape_cast %swap3A_459 : vector<1x512x128xf32> to vector<512x128xf32>
    %swap3A_461 = vector.shape_cast %transpose3A_455 : vector<512x128xf32> to vector<1x512x128xf32>
    tpu.vector_store %arg7[%swap3A_456, %swap3A_457, %swap3A_458], %swap3A_461 {strides = array<i32>} : memref<1x512x128xf32, #tpu.memory_space<vmem>>, vector<1x512x128xf32>,
    return
  }
  func.func @transform_0(%arg0: i32, %arg1: i32) -> (i32, i32, i32) {
    %c0_i32 = arith.constant 0 : i32
    %c0_i32_0 = arith.constant 0 : i32
    %c0_i32_1 = arith.constant 0 : i32
    return %arg0, %c0_i32, %c0_i32_0 : i32, i32, i32
  }
  func.func @transform_1(%arg0: i32, %arg1: i32) -> (i32, i32, i32) {
    %c0_i32 = arith.constant 0 : i32
    %c0_i32_0 = arith.constant 0 : i32
    return %arg0, %arg1, %c0_i32 : i32, i32, i32
  }
  func.func @transform_2(%arg0: i32, %arg1: i32) -> (i32, i32, i32) {
    %c0_i32 = arith.constant 0 : i32
    %c0_i32_0 = arith.constant 0 : i32
    return %arg0, %c0_i32, %arg1 : i32, i32, i32
  }
  func.func @transform_3(%arg0: i32, %arg1: i32) -> (i32, i32, i32) {
    %c0_i32 = arith.constant 0 : i32
    %c0_i32_0 = arith.constant 0 : i32
    return %arg0, %c0_i32, %arg1 : i32, i32, i32
  }
  func.func @transform_4(%arg0: i32, %arg1: i32) -> (i32, i32, i32) {
    %c0_i32 = arith.constant 0 : i32
    %c0_i32_0 = arith.constant 0 : i32
    return %arg0, %arg1, %c0_i32 : i32, i32, i32
  }
  func.func @transform_5(%arg0: i32, %arg1: i32) -> (i32, i32, i32) {
    %c0_i32 = arith.constant 0 : i32
    %c0_i32_0 = arith.constant 0 : i32
    return %arg0, %arg1, %c0_i32 : i32, i32, i32
  }
}

module attributes {stable_mosaic.version = 14 : i64} {
  func.func @_stage_a_body(%arg0: i32, %arg1: memref<1x1024x128xf32, #tpu.memory_space<vmem>>, %arg2: memref<1x10240x128xf32, #tpu.memory_space<vmem>>, %arg3: memref<1x1024x16xf32, #tpu.memory_space<vmem>>, %arg4: memref<128x128xf32, #tpu.memory_space<vmem>>, %arg5: memref<3x128x128xf32, #tpu.memory_space<vmem>>, %arg6: memref<1x128xf32, #tpu.memory_space<vmem>>, %arg7: memref<3x128x128xf32, #tpu.memory_space<vmem>>, %arg8: memref<1x128xf32, #tpu.memory_space<vmem>>, %arg9: memref<3x128xf32, #tpu.memory_space<vmem>>, %arg10: memref<1x128xf32, #tpu.memory_space<vmem>>, %arg11: memref<3x128x128xf32, #tpu.memory_space<vmem>>, %arg12: memref<1x128xf32, #tpu.memory_space<vmem>>, %arg13: memref<128x128xf32, #tpu.memory_space<vmem>>, %arg14: memref<128x128xf32, #tpu.memory_space<vmem>>, %arg15: memref<1x1024x128xf32, #tpu.memory_space<vmem>>, %arg16: memref<1x1024x128xf32, #tpu.memory_space<vmem>>, %arg17: memref<1x1024x128xf32, #tpu.memory_space<vmem>>) attributes {dimension_semantics = [#tpu.dimension_semantics<arbitrary>], iteration_bounds = array<i64: 2>, scalar_prefetch = 0 : i64, scratch_operands = 0 : i64, tpu.core_type = #tpu.core_type<tc>, window_params = [{transform_indices = @transform_0, window_bounds = array<i64: 1, 1024, 128>}, {transform_indices = @transform_1, window_bounds = array<i64: 1, 10240, 128>}, {transform_indices = @transform_2, window_bounds = array<i64: 1, 1024, 16>}, {pipeline_mode = #tpu.pipeline_mode<synchronous>, transform_indices = @transform_3, window_bounds = array<i64: 128, 128>}, {pipeline_mode = #tpu.pipeline_mode<synchronous>, transform_indices = @transform_4, window_bounds = array<i64: 3, 128, 128>}, {pipeline_mode = #tpu.pipeline_mode<synchronous>, transform_indices = @transform_5, window_bounds = array<i64: 1, 128>}, {pipeline_mode = #tpu.pipeline_mode<synchronous>, transform_indices = @transform_6, window_bounds = array<i64: 3, 128, 128>}, {pipeline_mode = #tpu.pipeline_mode<synchronous>, transform_indices = @transform_7, window_bounds = array<i64: 1, 128>}, {pipeline_mode = #tpu.pipeline_mode<synchronous>, transform_indices = @transform_8, window_bounds = array<i64: 3, 128>}, {pipeline_mode = #tpu.pipeline_mode<synchronous>, transform_indices = @transform_9, window_bounds = array<i64: 1, 128>}, {pipeline_mode = #tpu.pipeline_mode<synchronous>, transform_indices = @transform_10, window_bounds = array<i64: 3, 128, 128>}, {pipeline_mode = #tpu.pipeline_mode<synchronous>, transform_indices = @transform_11, window_bounds = array<i64: 1, 128>}, {pipeline_mode = #tpu.pipeline_mode<synchronous>, transform_indices = @transform_12, window_bounds = array<i64: 128, 128>}, {pipeline_mode = #tpu.pipeline_mode<synchronous>, transform_indices = @transform_13, window_bounds = array<i64: 128, 128>}, {transform_indices = @transform_14, window_bounds = array<i64: 1, 1024, 128>}, {transform_indices = @transform_15, window_bounds = array<i64: 1, 1024, 128>}, {transform_indices = @transform_16, window_bounds = array<i64: 1, 1024, 128>}]} {
    %get3A = arith.constant 0 : index
    %get3A_0 = arith.constant 0 : index
    %get3A_1 = arith.constant 0 : index
    %get3A_2 = vector.load %arg1[%get3A, %get3A_0, %get3A_1] : memref<1x1024x128xf32, #tpu.memory_space<vmem>>, vector<1x1024x128xf32>
    %get3A_3 = vector.shape_cast %get3A_2 : vector<1x1024x128xf32> to vector<1024x128xf32>
    %get3A_4 = arith.constant 0 : index
    %get3A_5 = arith.constant 0 : index
    %get3A_6 = arith.constant 0 : index
    %get3A_7 = vector.load %arg3[%get3A_4, %get3A_5, %get3A_6] : memref<1x1024x16xf32, #tpu.memory_space<vmem>>, vector<1x1024x16xf32>
    %get3A_8 = vector.shape_cast %get3A_7 : vector<1x1024x16xf32> to vector<1024x16xf32>
    %get3A_9 = arith.constant 0 : index
    %get3A_10 = arith.constant 0 : index
    %get3A_11 = vector.load %arg4[%get3A_9, %get3A_10] : memref<128x128xf32, #tpu.memory_space<vmem>>, vector<128x128xf32>
    %dot_general3A = arith.constant dense<0.000000e+00> : vector<1024x128xf32>
    %dot_general3A_12 = tpu.matmul %get3A_3, %get3A_11, %dot_general3A {dimension_numbers = #tpu.dot_dimension_numbers<[1], [0], [0], [1], [0, 0, 1, 1], [], []>, precision = #tpu.contract_precision<fp32>, transpose_lhs_hint = false} : vector<1024x128xf32>, vector<128x128xf32>, vector<1024x128xf32> -> vector<1024x128xf32>
    %get3A_13 = arith.constant 0 : index
    %get3A_14 = arith.constant 0 : index
    %get3A_15 = vector.load %arg6[%get3A_13, %get3A_14] : memref<1x128xf32, #tpu.memory_space<vmem>>, vector<1x128xf32>
    %add3A = vector.broadcast %get3A_15 : vector<1x128xf32> to vector<1024x128xf32>
    %add3A_16 = arith.addf %dot_general3A_12, %add3A : vector<1024x128xf32>
    %get3A_17 = arith.constant 0 : index
    %get3A_18 = arith.constant 0 : index
    %get3A_19 = vector.load %arg13[%get3A_17, %get3A_18] : memref<128x128xf32, #tpu.memory_space<vmem>>, vector<128x128xf32>
    %dot_general3A_20 = arith.constant dense<0.000000e+00> : vector<1024x128xf32>
    %dot_general3A_21 = tpu.matmul %get3A_3, %get3A_19, %dot_general3A_20 {dimension_numbers = #tpu.dot_dimension_numbers<[1], [0], [0], [1], [0, 0, 1, 1], [], []>, precision = #tpu.contract_precision<fp32>, transpose_lhs_hint = false} : vector<1024x128xf32>, vector<128x128xf32>, vector<1024x128xf32> -> vector<1024x128xf32>
    %broadcast_in_dim3A = arith.constant 0.000000e+00 : f32
    %broadcast_in_dim3A_22 = vector.broadcast %broadcast_in_dim3A : f32 to vector<1x128xf32>
    %broadcast_in_dim3A_23 = arith.constant 0.000000e+00 : f32
    %broadcast_in_dim3A_24 = vector.broadcast %broadcast_in_dim3A_23 : f32 to vector<1x128xf32>
    %broadcast_in_dim3A_25 = arith.constant 0xFF800000 : f32
    %broadcast_in_dim3A_26 = vector.broadcast %broadcast_in_dim3A_25 : f32 to vector<1024x128xf32>
    %get3A_27 = arith.constant 0 : index
    %get3A_28 = arith.constant 0 : index
    %get3A_29 = arith.constant 0 : index
    %get3A_30 = vector.load %arg2[%get3A_27, %get3A_28, %get3A_29] : memref<1x10240x128xf32, #tpu.memory_space<vmem>>, vector<1x1024x128xf32>
    %get3A_31 = vector.shape_cast %get3A_30 : vector<1x1024x128xf32> to vector<1024x128xf32>
    %sub3A = arith.subf %get3A_31, %get3A_3 : vector<1024x128xf32>
    %get3A_32 = arith.constant 0 : index
    %get3A_33 = arith.constant 0 : index
    %get3A_34 = arith.constant 0 : index
    %get3A_35 = vector.load %arg5[%get3A_32, %get3A_33, %get3A_34] : memref<3x128x128xf32, #tpu.memory_space<vmem>>, vector<1x128x128xf32>
    %get3A_36 = vector.shape_cast %get3A_35 : vector<1x128x128xf32> to vector<128x128xf32>
    %dot_general3A_37 = arith.constant dense<0.000000e+00> : vector<1024x128xf32>
    %dot_general3A_38 = tpu.matmul %sub3A, %get3A_36, %dot_general3A_37 {dimension_numbers = #tpu.dot_dimension_numbers<[1], [0], [0], [1], [0, 0, 1, 1], [], []>, precision = #tpu.contract_precision<fp32>, transpose_lhs_hint = false} : vector<1024x128xf32>, vector<128x128xf32>, vector<1024x128xf32> -> vector<1024x128xf32>
    %add3A_39 = arith.addf %add3A_16, %dot_general3A_38 : vector<1024x128xf32>
    %get3A_40 = arith.constant 0 : index
    %get3A_41 = arith.constant 0 : index
    %get3A_42 = vector.load %arg14[%get3A_40, %get3A_41] : memref<128x128xf32, #tpu.memory_space<vmem>>, vector<128x128xf32>
    %dot_general3A_43 = arith.constant dense<0.000000e+00> : vector<1024x128xf32>
    %dot_general3A_44 = tpu.matmul %sub3A, %get3A_42, %dot_general3A_43 {dimension_numbers = #tpu.dot_dimension_numbers<[1], [0], [0], [1], [0, 0, 1, 1], [], []>, precision = #tpu.contract_precision<fp32>, transpose_lhs_hint = false} : vector<1024x128xf32>, vector<128x128xf32>, vector<1024x128xf32> -> vector<1024x128xf32>
    %add3A_45 = arith.addf %dot_general3A_21, %dot_general3A_44 : vector<1024x128xf32>
    %reduce_sum3A = arith.constant dense<0.000000e+00> : vector<128xf32>
    %reduce_sum3A_46 = vector.multi_reduction <add>, %add3A_45, %reduce_sum3A [0] : vector<1024x128xf32> to vector<128xf32>
    %broadcast_in_dim3A_47 = vector.shape_cast %reduce_sum3A_46 : vector<128xf32> to vector<1x128xf32>
    %add3A_48 = arith.addf %broadcast_in_dim3A_22, %broadcast_in_dim3A_47 : vector<1x128xf32>
    %mul3A = arith.mulf %add3A_45, %add3A_45 : vector<1024x128xf32>
    %reduce_sum3A_49 = arith.constant dense<0.000000e+00> : vector<128xf32>
    %reduce_sum3A_50 = vector.multi_reduction <add>, %mul3A, %reduce_sum3A_49 [0] : vector<1024x128xf32> to vector<128xf32>
    %broadcast_in_dim3A_51 = vector.shape_cast %reduce_sum3A_50 : vector<128xf32> to vector<1x128xf32>
    %add3A_52 = arith.addf %broadcast_in_dim3A_24, %broadcast_in_dim3A_51 : vector<1x128xf32>
    %max3A = arith.maximumf %broadcast_in_dim3A_26, %add3A_45 : vector<1024x128xf32>
    %get3A_53 = arith.constant 0 : index
    %get3A_54 = arith.constant 1024 : index
    %get3A_55 = arith.constant 0 : index
    %get3A_56 = vector.load %arg2[%get3A_53, %get3A_54, %get3A_55] : memref<1x10240x128xf32, #tpu.memory_space<vmem>>, vector<1x1024x128xf32>
    %get3A_57 = vector.shape_cast %get3A_56 : vector<1x1024x128xf32> to vector<1024x128xf32>
    %sub3A_58 = arith.subf %get3A_57, %get3A_3 : vector<1024x128xf32>
    %get3A_59 = arith.constant 1 : index
    %get3A_60 = arith.constant 0 : index
    %get3A_61 = arith.constant 0 : index
    %get3A_62 = vector.load %arg5[%get3A_59, %get3A_60, %get3A_61] : memref<3x128x128xf32, #tpu.memory_space<vmem>>, vector<1x128x128xf32>
    %get3A_63 = vector.shape_cast %get3A_62 : vector<1x128x128xf32> to vector<128x128xf32>
    %dot_general3A_64 = arith.constant dense<0.000000e+00> : vector<1024x128xf32>
    %dot_general3A_65 = tpu.matmul %sub3A_58, %get3A_63, %dot_general3A_64 {dimension_numbers = #tpu.dot_dimension_numbers<[1], [0], [0], [1], [0, 0, 1, 1], [], []>, precision = #tpu.contract_precision<fp32>, transpose_lhs_hint = false} : vector<1024x128xf32>, vector<128x128xf32>, vector<1024x128xf32> -> vector<1024x128xf32>
    %add3A_66 = arith.addf %add3A_39, %dot_general3A_65 : vector<1024x128xf32>
    %get3A_67 = arith.constant 0 : index
    %get3A_68 = arith.constant 0 : index
    %get3A_69 = vector.load %arg14[%get3A_67, %get3A_68] : memref<128x128xf32, #tpu.memory_space<vmem>>, vector<128x128xf32>
    %dot_general3A_70 = arith.constant dense<0.000000e+00> : vector<1024x128xf32>
    %dot_general3A_71 = tpu.matmul %sub3A_58, %get3A_69, %dot_general3A_70 {dimension_numbers = #tpu.dot_dimension_numbers<[1], [0], [0], [1], [0, 0, 1, 1], [], []>, precision = #tpu.contract_precision<fp32>, transpose_lhs_hint = false} : vector<1024x128xf32>, vector<128x128xf32>, vector<1024x128xf32> -> vector<1024x128xf32>
    %add3A_72 = arith.addf %dot_general3A_21, %dot_general3A_71 : vector<1024x128xf32>
    %reduce_sum3A_73 = arith.constant dense<0.000000e+00> : vector<128xf32>
    %reduce_sum3A_74 = vector.multi_reduction <add>, %add3A_72, %reduce_sum3A_73 [0] : vector<1024x128xf32> to vector<128xf32>
    %broadcast_in_dim3A_75 = vector.shape_cast %reduce_sum3A_74 : vector<128xf32> to vector<1x128xf32>
    %add3A_76 = arith.addf %add3A_48, %broadcast_in_dim3A_75 : vector<1x128xf32>
    %mul3A_77 = arith.mulf %add3A_72, %add3A_72 : vector<1024x128xf32>
    %reduce_sum3A_78 = arith.constant dense<0.000000e+00> : vector<128xf32>
    %reduce_sum3A_79 = vector.multi_reduction <add>, %mul3A_77, %reduce_sum3A_78 [0] : vector<1024x128xf32> to vector<128xf32>
    %broadcast_in_dim3A_80 = vector.shape_cast %reduce_sum3A_79 : vector<128xf32> to vector<1x128xf32>
    %add3A_81 = arith.addf %add3A_52, %broadcast_in_dim3A_80 : vector<1x128xf32>
    %max3A_82 = arith.maximumf %max3A, %add3A_72 : vector<1024x128xf32>
    %get3A_83 = arith.constant 0 : index
    %get3A_84 = arith.constant 2048 : index
    %get3A_85 = arith.constant 0 : index
    %get3A_86 = vector.load %arg2[%get3A_83, %get3A_84, %get3A_85] : memref<1x10240x128xf32, #tpu.memory_space<vmem>>, vector<1x1024x128xf32>
    %get3A_87 = vector.shape_cast %get3A_86 : vector<1x1024x128xf32> to vector<1024x128xf32>
    %sub3A_88 = arith.subf %get3A_87, %get3A_3 : vector<1024x128xf32>
    %get3A_89 = arith.constant 2 : index
    %get3A_90 = arith.constant 0 : index
    %get3A_91 = arith.constant 0 : index
    %get3A_92 = vector.load %arg5[%get3A_89, %get3A_90, %get3A_91] : memref<3x128x128xf32, #tpu.memory_space<vmem>>, vector<1x128x128xf32>
    %get3A_93 = vector.shape_cast %get3A_92 : vector<1x128x128xf32> to vector<128x128xf32>
    %dot_general3A_94 = arith.constant dense<0.000000e+00> : vector<1024x128xf32>
    %dot_general3A_95 = tpu.matmul %sub3A_88, %get3A_93, %dot_general3A_94 {dimension_numbers = #tpu.dot_dimension_numbers<[1], [0], [0], [1], [0, 0, 1, 1], [], []>, precision = #tpu.contract_precision<fp32>, transpose_lhs_hint = false} : vector<1024x128xf32>, vector<128x128xf32>, vector<1024x128xf32> -> vector<1024x128xf32>
    %add3A_96 = arith.addf %add3A_66, %dot_general3A_95 : vector<1024x128xf32>
    %get3A_97 = arith.constant 0 : index
    %get3A_98 = arith.constant 0 : index
    %get3A_99 = vector.load %arg14[%get3A_97, %get3A_98] : memref<128x128xf32, #tpu.memory_space<vmem>>, vector<128x128xf32>
    %dot_general3A_100 = arith.constant dense<0.000000e+00> : vector<1024x128xf32>
    %dot_general3A_101 = tpu.matmul %sub3A_88, %get3A_99, %dot_general3A_100 {dimension_numbers = #tpu.dot_dimension_numbers<[1], [0], [0], [1], [0, 0, 1, 1], [], []>, precision = #tpu.contract_precision<fp32>, transpose_lhs_hint = false} : vector<1024x128xf32>, vector<128x128xf32>, vector<1024x128xf32> -> vector<1024x128xf32>
    %add3A_102 = arith.addf %dot_general3A_21, %dot_general3A_101 : vector<1024x128xf32>
    %reduce_sum3A_103 = arith.constant dense<0.000000e+00> : vector<128xf32>
    %reduce_sum3A_104 = vector.multi_reduction <add>, %add3A_102, %reduce_sum3A_103 [0] : vector<1024x128xf32> to vector<128xf32>
    %broadcast_in_dim3A_105 = vector.shape_cast %reduce_sum3A_104 : vector<128xf32> to vector<1x128xf32>
    %add3A_106 = arith.addf %add3A_76, %broadcast_in_dim3A_105 : vector<1x128xf32>
    %mul3A_107 = arith.mulf %add3A_102, %add3A_102 : vector<1024x128xf32>
    %reduce_sum3A_108 = arith.constant dense<0.000000e+00> : vector<128xf32>
    %reduce_sum3A_109 = vector.multi_reduction <add>, %mul3A_107, %reduce_sum3A_108 [0] : vector<1024x128xf32> to vector<128xf32>
    %broadcast_in_dim3A_110 = vector.shape_cast %reduce_sum3A_109 : vector<128xf32> to vector<1x128xf32>
    %add3A_111 = arith.addf %add3A_81, %broadcast_in_dim3A_110 : vector<1x128xf32>
    %max3A_112 = arith.maximumf %max3A_82, %add3A_102 : vector<1024x128xf32>
    %get3A_113 = arith.constant 0 : index
    %get3A_114 = arith.constant 3072 : index
    %get3A_115 = arith.constant 0 : index
    %get3A_116 = vector.load %arg2[%get3A_113, %get3A_114, %get3A_115] : memref<1x10240x128xf32, #tpu.memory_space<vmem>>, vector<1x1024x128xf32>
    %get3A_117 = vector.shape_cast %get3A_116 : vector<1x1024x128xf32> to vector<1024x128xf32>
    %sub3A_118 = arith.subf %get3A_117, %get3A_3 : vector<1024x128xf32>
    %get3A_119 = arith.constant 0 : index
    %get3A_120 = arith.constant 0 : index
    %get3A_121 = arith.constant 0 : index
    %get3A_122 = vector.load %arg5[%get3A_119, %get3A_120, %get3A_121] : memref<3x128x128xf32, #tpu.memory_space<vmem>>, vector<1x128x128xf32>
    %get3A_123 = vector.shape_cast %get3A_122 : vector<1x128x128xf32> to vector<128x128xf32>
    %dot_general3A_124 = arith.constant dense<0.000000e+00> : vector<1024x128xf32>
    %dot_general3A_125 = tpu.matmul %sub3A_118, %get3A_123, %dot_general3A_124 {dimension_numbers = #tpu.dot_dimension_numbers<[1], [0], [0], [1], [0, 0, 1, 1], [], []>, precision = #tpu.contract_precision<fp32>, transpose_lhs_hint = false} : vector<1024x128xf32>, vector<128x128xf32>, vector<1024x128xf32> -> vector<1024x128xf32>
    %add3A_126 = arith.addf %add3A_16, %dot_general3A_125 : vector<1024x128xf32>
    %get3A_127 = arith.constant 0 : index
    %get3A_128 = arith.constant 0 : index
    %get3A_129 = vector.load %arg14[%get3A_127, %get3A_128] : memref<128x128xf32, #tpu.memory_space<vmem>>, vector<128x128xf32>
    %dot_general3A_130 = arith.constant dense<0.000000e+00> : vector<1024x128xf32>
    %dot_general3A_131 = tpu.matmul %sub3A_118, %get3A_129, %dot_general3A_130 {dimension_numbers = #tpu.dot_dimension_numbers<[1], [0], [0], [1], [0, 0, 1, 1], [], []>, precision = #tpu.contract_precision<fp32>, transpose_lhs_hint = false} : vector<1024x128xf32>, vector<128x128xf32>, vector<1024x128xf32> -> vector<1024x128xf32>
    %add3A_132 = arith.addf %dot_general3A_21, %dot_general3A_131 : vector<1024x128xf32>
    %reduce_sum3A_133 = arith.constant dense<0.000000e+00> : vector<128xf32>
    %reduce_sum3A_134 = vector.multi_reduction <add>, %add3A_132, %reduce_sum3A_133 [0] : vector<1024x128xf32> to vector<128xf32>
    %broadcast_in_dim3A_135 = vector.shape_cast %reduce_sum3A_134 : vector<128xf32> to vector<1x128xf32>
    %add3A_136 = arith.addf %add3A_106, %broadcast_in_dim3A_135 : vector<1x128xf32>
    %mul3A_137 = arith.mulf %add3A_132, %add3A_132 : vector<1024x128xf32>
    %reduce_sum3A_138 = arith.constant dense<0.000000e+00> : vector<128xf32>
    %reduce_sum3A_139 = vector.multi_reduction <add>, %mul3A_137, %reduce_sum3A_138 [0] : vector<1024x128xf32> to vector<128xf32>
    %broadcast_in_dim3A_140 = vector.shape_cast %reduce_sum3A_139 : vector<128xf32> to vector<1x128xf32>
    %add3A_141 = arith.addf %add3A_111, %broadcast_in_dim3A_140 : vector<1x128xf32>
    %max3A_142 = arith.maximumf %max3A_112, %add3A_132 : vector<1024x128xf32>
    %get3A_143 = arith.constant 0 : index
    %get3A_144 = arith.constant 4096 : index
    %get3A_145 = arith.constant 0 : index
    %get3A_146 = vector.load %arg2[%get3A_143, %get3A_144, %get3A_145] : memref<1x10240x128xf32, #tpu.memory_space<vmem>>, vector<1x1024x128xf32>
    %get3A_147 = vector.shape_cast %get3A_146 : vector<1x1024x128xf32> to vector<1024x128xf32>
    %sub3A_148 = arith.subf %get3A_147, %get3A_3 : vector<1024x128xf32>
    %get3A_149 = arith.constant 1 : index
    %get3A_150 = arith.constant 0 : index
    %get3A_151 = arith.constant 0 : index
    %get3A_152 = vector.load %arg5[%get3A_149, %get3A_150, %get3A_151] : memref<3x128x128xf32, #tpu.memory_space<vmem>>, vector<1x128x128xf32>
    %get3A_153 = vector.shape_cast %get3A_152 : vector<1x128x128xf32> to vector<128x128xf32>
    %dot_general3A_154 = arith.constant dense<0.000000e+00> : vector<1024x128xf32>
    %dot_general3A_155 = tpu.matmul %sub3A_148, %get3A_153, %dot_general3A_154 {dimension_numbers = #tpu.dot_dimension_numbers<[1], [0], [0], [1], [0, 0, 1, 1], [], []>, precision = #tpu.contract_precision<fp32>, transpose_lhs_hint = false} : vector<1024x128xf32>, vector<128x128xf32>, vector<1024x128xf32> -> vector<1024x128xf32>
    %add3A_156 = arith.addf %add3A_126, %dot_general3A_155 : vector<1024x128xf32>
    %get3A_157 = arith.constant 0 : index
    %get3A_158 = arith.constant 0 : index
    %get3A_159 = vector.load %arg14[%get3A_157, %get3A_158] : memref<128x128xf32, #tpu.memory_space<vmem>>, vector<128x128xf32>
    %dot_general3A_160 = arith.constant dense<0.000000e+00> : vector<1024x128xf32>
    %dot_general3A_161 = tpu.matmul %sub3A_148, %get3A_159, %dot_general3A_160 {dimension_numbers = #tpu.dot_dimension_numbers<[1], [0], [0], [1], [0, 0, 1, 1], [], []>, precision = #tpu.contract_precision<fp32>, transpose_lhs_hint = false} : vector<1024x128xf32>, vector<128x128xf32>, vector<1024x128xf32> -> vector<1024x128xf32>
    %add3A_162 = arith.addf %dot_general3A_21, %dot_general3A_161 : vector<1024x128xf32>
    %reduce_sum3A_163 = arith.constant dense<0.000000e+00> : vector<128xf32>
    %reduce_sum3A_164 = vector.multi_reduction <add>, %add3A_162, %reduce_sum3A_163 [0] : vector<1024x128xf32> to vector<128xf32>
    %broadcast_in_dim3A_165 = vector.shape_cast %reduce_sum3A_164 : vector<128xf32> to vector<1x128xf32>
    %add3A_166 = arith.addf %add3A_136, %broadcast_in_dim3A_165 : vector<1x128xf32>
    %mul3A_167 = arith.mulf %add3A_162, %add3A_162 : vector<1024x128xf32>
    %reduce_sum3A_168 = arith.constant dense<0.000000e+00> : vector<128xf32>
    %reduce_sum3A_169 = vector.multi_reduction <add>, %mul3A_167, %reduce_sum3A_168 [0] : vector<1024x128xf32> to vector<128xf32>
    %broadcast_in_dim3A_170 = vector.shape_cast %reduce_sum3A_169 : vector<128xf32> to vector<1x128xf32>
    %add3A_171 = arith.addf %add3A_141, %broadcast_in_dim3A_170 : vector<1x128xf32>
    %max3A_172 = arith.maximumf %max3A_142, %add3A_162 : vector<1024x128xf32>
    %get3A_173 = arith.constant 0 : index
    %get3A_174 = arith.constant 5120 : index
    %get3A_175 = arith.constant 0 : index
    %get3A_176 = vector.load %arg2[%get3A_173, %get3A_174, %get3A_175] : memref<1x10240x128xf32, #tpu.memory_space<vmem>>, vector<1x1024x128xf32>
    %get3A_177 = vector.shape_cast %get3A_176 : vector<1x1024x128xf32> to vector<1024x128xf32>
    %sub3A_178 = arith.subf %get3A_177, %get3A_3 : vector<1024x128xf32>
    %get3A_179 = arith.constant 2 : index
    %get3A_180 = arith.constant 0 : index
    %get3A_181 = arith.constant 0 : index
    %get3A_182 = vector.load %arg5[%get3A_179, %get3A_180, %get3A_181] : memref<3x128x128xf32, #tpu.memory_space<vmem>>, vector<1x128x128xf32>
    %get3A_183 = vector.shape_cast %get3A_182 : vector<1x128x128xf32> to vector<128x128xf32>
    %dot_general3A_184 = arith.constant dense<0.000000e+00> : vector<1024x128xf32>
    %dot_general3A_185 = tpu.matmul %sub3A_178, %get3A_183, %dot_general3A_184 {dimension_numbers = #tpu.dot_dimension_numbers<[1], [0], [0], [1], [0, 0, 1, 1], [], []>, precision = #tpu.contract_precision<fp32>, transpose_lhs_hint = false} : vector<1024x128xf32>, vector<128x128xf32>, vector<1024x128xf32> -> vector<1024x128xf32>
    %add3A_186 = arith.addf %add3A_156, %dot_general3A_185 : vector<1024x128xf32>
    %get3A_187 = arith.constant 0 : index
    %get3A_188 = arith.constant 0 : index
    %get3A_189 = vector.load %arg14[%get3A_187, %get3A_188] : memref<128x128xf32, #tpu.memory_space<vmem>>, vector<128x128xf32>
    %dot_general3A_190 = arith.constant dense<0.000000e+00> : vector<1024x128xf32>
    %dot_general3A_191 = tpu.matmul %sub3A_178, %get3A_189, %dot_general3A_190 {dimension_numbers = #tpu.dot_dimension_numbers<[1], [0], [0], [1], [0, 0, 1, 1], [], []>, precision = #tpu.contract_precision<fp32>, transpose_lhs_hint = false} : vector<1024x128xf32>, vector<128x128xf32>, vector<1024x128xf32> -> vector<1024x128xf32>
    %add3A_192 = arith.addf %dot_general3A_21, %dot_general3A_191 : vector<1024x128xf32>
    %reduce_sum3A_193 = arith.constant dense<0.000000e+00> : vector<128xf32>
    %reduce_sum3A_194 = vector.multi_reduction <add>, %add3A_192, %reduce_sum3A_193 [0] : vector<1024x128xf32> to vector<128xf32>
    %broadcast_in_dim3A_195 = vector.shape_cast %reduce_sum3A_194 : vector<128xf32> to vector<1x128xf32>
    %add3A_196 = arith.addf %add3A_166, %broadcast_in_dim3A_195 : vector<1x128xf32>
    %mul3A_197 = arith.mulf %add3A_192, %add3A_192 : vector<1024x128xf32>
    %reduce_sum3A_198 = arith.constant dense<0.000000e+00> : vector<128xf32>
    %reduce_sum3A_199 = vector.multi_reduction <add>, %mul3A_197, %reduce_sum3A_198 [0] : vector<1024x128xf32> to vector<128xf32>
    %broadcast_in_dim3A_200 = vector.shape_cast %reduce_sum3A_199 : vector<128xf32> to vector<1x128xf32>
    %add3A_201 = arith.addf %add3A_171, %broadcast_in_dim3A_200 : vector<1x128xf32>
    %max3A_202 = arith.maximumf %max3A_172, %add3A_192 : vector<1024x128xf32>
    %get3A_203 = arith.constant 0 : index
    %get3A_204 = arith.constant 6144 : index
    %get3A_205 = arith.constant 0 : index
    %get3A_206 = vector.load %arg2[%get3A_203, %get3A_204, %get3A_205] : memref<1x10240x128xf32, #tpu.memory_space<vmem>>, vector<1x1024x128xf32>
    %get3A_207 = vector.shape_cast %get3A_206 : vector<1x1024x128xf32> to vector<1024x128xf32>
    %sub3A_208 = arith.subf %get3A_207, %get3A_3 : vector<1024x128xf32>
    %get3A_209 = arith.constant 0 : index
    %get3A_210 = arith.constant 0 : index
    %get3A_211 = arith.constant 0 : index
    %get3A_212 = vector.load %arg5[%get3A_209, %get3A_210, %get3A_211] : memref<3x128x128xf32, #tpu.memory_space<vmem>>, vector<1x128x128xf32>
    %get3A_213 = vector.shape_cast %get3A_212 : vector<1x128x128xf32> to vector<128x128xf32>
    %dot_general3A_214 = arith.constant dense<0.000000e+00> : vector<1024x128xf32>
    %dot_general3A_215 = tpu.matmul %sub3A_208, %get3A_213, %dot_general3A_214 {dimension_numbers = #tpu.dot_dimension_numbers<[1], [0], [0], [1], [0, 0, 1, 1], [], []>, precision = #tpu.contract_precision<fp32>, transpose_lhs_hint = false} : vector<1024x128xf32>, vector<128x128xf32>, vector<1024x128xf32> -> vector<1024x128xf32>
    %add3A_216 = arith.addf %add3A_16, %dot_general3A_215 : vector<1024x128xf32>
    %get3A_217 = arith.constant 0 : index
    %get3A_218 = arith.constant 0 : index
    %get3A_219 = vector.load %arg14[%get3A_217, %get3A_218] : memref<128x128xf32, #tpu.memory_space<vmem>>, vector<128x128xf32>
    %dot_general3A_220 = arith.constant dense<0.000000e+00> : vector<1024x128xf32>
    %dot_general3A_221 = tpu.matmul %sub3A_208, %get3A_219, %dot_general3A_220 {dimension_numbers = #tpu.dot_dimension_numbers<[1], [0], [0], [1], [0, 0, 1, 1], [], []>, precision = #tpu.contract_precision<fp32>, transpose_lhs_hint = false} : vector<1024x128xf32>, vector<128x128xf32>, vector<1024x128xf32> -> vector<1024x128xf32>
    %add3A_222 = arith.addf %dot_general3A_21, %dot_general3A_221 : vector<1024x128xf32>
    %reduce_sum3A_223 = arith.constant dense<0.000000e+00> : vector<128xf32>
    %reduce_sum3A_224 = vector.multi_reduction <add>, %add3A_222, %reduce_sum3A_223 [0] : vector<1024x128xf32> to vector<128xf32>
    %broadcast_in_dim3A_225 = vector.shape_cast %reduce_sum3A_224 : vector<128xf32> to vector<1x128xf32>
    %add3A_226 = arith.addf %add3A_196, %broadcast_in_dim3A_225 : vector<1x128xf32>
    %mul3A_227 = arith.mulf %add3A_222, %add3A_222 : vector<1024x128xf32>
    %reduce_sum3A_228 = arith.constant dense<0.000000e+00> : vector<128xf32>
    %reduce_sum3A_229 = vector.multi_reduction <add>, %mul3A_227, %reduce_sum3A_228 [0] : vector<1024x128xf32> to vector<128xf32>
    %broadcast_in_dim3A_230 = vector.shape_cast %reduce_sum3A_229 : vector<128xf32> to vector<1x128xf32>
    %add3A_231 = arith.addf %add3A_201, %broadcast_in_dim3A_230 : vector<1x128xf32>
    %max3A_232 = arith.maximumf %max3A_202, %add3A_222 : vector<1024x128xf32>
    %get3A_233 = arith.constant 0 : index
    %get3A_234 = arith.constant 7168 : index
    %get3A_235 = arith.constant 0 : index
    %get3A_236 = vector.load %arg2[%get3A_233, %get3A_234, %get3A_235] : memref<1x10240x128xf32, #tpu.memory_space<vmem>>, vector<1x1024x128xf32>
    %get3A_237 = vector.shape_cast %get3A_236 : vector<1x1024x128xf32> to vector<1024x128xf32>
    %sub3A_238 = arith.subf %get3A_237, %get3A_3 : vector<1024x128xf32>
    %get3A_239 = arith.constant 1 : index
    %get3A_240 = arith.constant 0 : index
    %get3A_241 = arith.constant 0 : index
    %get3A_242 = vector.load %arg5[%get3A_239, %get3A_240, %get3A_241] : memref<3x128x128xf32, #tpu.memory_space<vmem>>, vector<1x128x128xf32>
    %get3A_243 = vector.shape_cast %get3A_242 : vector<1x128x128xf32> to vector<128x128xf32>
    %dot_general3A_244 = arith.constant dense<0.000000e+00> : vector<1024x128xf32>
    %dot_general3A_245 = tpu.matmul %sub3A_238, %get3A_243, %dot_general3A_244 {dimension_numbers = #tpu.dot_dimension_numbers<[1], [0], [0], [1], [0, 0, 1, 1], [], []>, precision = #tpu.contract_precision<fp32>, transpose_lhs_hint = false} : vector<1024x128xf32>, vector<128x128xf32>, vector<1024x128xf32> -> vector<1024x128xf32>
    %add3A_246 = arith.addf %add3A_216, %dot_general3A_245 : vector<1024x128xf32>
    %get3A_247 = arith.constant 0 : index
    %get3A_248 = arith.constant 0 : index
    %get3A_249 = vector.load %arg14[%get3A_247, %get3A_248] : memref<128x128xf32, #tpu.memory_space<vmem>>, vector<128x128xf32>
    %dot_general3A_250 = arith.constant dense<0.000000e+00> : vector<1024x128xf32>
    %dot_general3A_251 = tpu.matmul %sub3A_238, %get3A_249, %dot_general3A_250 {dimension_numbers = #tpu.dot_dimension_numbers<[1], [0], [0], [1], [0, 0, 1, 1], [], []>, precision = #tpu.contract_precision<fp32>, transpose_lhs_hint = false} : vector<1024x128xf32>, vector<128x128xf32>, vector<1024x128xf32> -> vector<1024x128xf32>
    %add3A_252 = arith.addf %dot_general3A_21, %dot_general3A_251 : vector<1024x128xf32>
    %reduce_sum3A_253 = arith.constant dense<0.000000e+00> : vector<128xf32>
    %reduce_sum3A_254 = vector.multi_reduction <add>, %add3A_252, %reduce_sum3A_253 [0] : vector<1024x128xf32> to vector<128xf32>
    %broadcast_in_dim3A_255 = vector.shape_cast %reduce_sum3A_254 : vector<128xf32> to vector<1x128xf32>
    %add3A_256 = arith.addf %add3A_226, %broadcast_in_dim3A_255 : vector<1x128xf32>
    %mul3A_257 = arith.mulf %add3A_252, %add3A_252 : vector<1024x128xf32>
    %reduce_sum3A_258 = arith.constant dense<0.000000e+00> : vector<128xf32>
    %reduce_sum3A_259 = vector.multi_reduction <add>, %mul3A_257, %reduce_sum3A_258 [0] : vector<1024x128xf32> to vector<128xf32>
    %broadcast_in_dim3A_260 = vector.shape_cast %reduce_sum3A_259 : vector<128xf32> to vector<1x128xf32>
    %add3A_261 = arith.addf %add3A_231, %broadcast_in_dim3A_260 : vector<1x128xf32>
    %max3A_262 = arith.maximumf %max3A_232, %add3A_252 : vector<1024x128xf32>
    %get3A_263 = arith.constant 0 : index
    %get3A_264 = arith.constant 8192 : index
    %get3A_265 = arith.constant 0 : index
    %get3A_266 = vector.load %arg2[%get3A_263, %get3A_264, %get3A_265] : memref<1x10240x128xf32, #tpu.memory_space<vmem>>, vector<1x1024x128xf32>
    %get3A_267 = vector.shape_cast %get3A_266 : vector<1x1024x128xf32> to vector<1024x128xf32>
    %sub3A_268 = arith.subf %get3A_267, %get3A_3 : vector<1024x128xf32>
    %get3A_269 = arith.constant 2 : index
    %get3A_270 = arith.constant 0 : index
    %get3A_271 = arith.constant 0 : index
    %get3A_272 = vector.load %arg5[%get3A_269, %get3A_270, %get3A_271] : memref<3x128x128xf32, #tpu.memory_space<vmem>>, vector<1x128x128xf32>
    %get3A_273 = vector.shape_cast %get3A_272 : vector<1x128x128xf32> to vector<128x128xf32>
    %dot_general3A_274 = arith.constant dense<0.000000e+00> : vector<1024x128xf32>
    %dot_general3A_275 = tpu.matmul %sub3A_268, %get3A_273, %dot_general3A_274 {dimension_numbers = #tpu.dot_dimension_numbers<[1], [0], [0], [1], [0, 0, 1, 1], [], []>, precision = #tpu.contract_precision<fp32>, transpose_lhs_hint = false} : vector<1024x128xf32>, vector<128x128xf32>, vector<1024x128xf32> -> vector<1024x128xf32>
    %add3A_276 = arith.addf %add3A_246, %dot_general3A_275 : vector<1024x128xf32>
    %get3A_277 = arith.constant 0 : index
    %get3A_278 = arith.constant 0 : index
    %get3A_279 = vector.load %arg14[%get3A_277, %get3A_278] : memref<128x128xf32, #tpu.memory_space<vmem>>, vector<128x128xf32>
    %dot_general3A_280 = arith.constant dense<0.000000e+00> : vector<1024x128xf32>
    %dot_general3A_281 = tpu.matmul %sub3A_268, %get3A_279, %dot_general3A_280 {dimension_numbers = #tpu.dot_dimension_numbers<[1], [0], [0], [1], [0, 0, 1, 1], [], []>, precision = #tpu.contract_precision<fp32>, transpose_lhs_hint = false} : vector<1024x128xf32>, vector<128x128xf32>, vector<1024x128xf32> -> vector<1024x128xf32>
    %add3A_282 = arith.addf %dot_general3A_21, %dot_general3A_281 : vector<1024x128xf32>
    %reduce_sum3A_283 = arith.constant dense<0.000000e+00> : vector<128xf32>
    %reduce_sum3A_284 = vector.multi_reduction <add>, %add3A_282, %reduce_sum3A_283 [0] : vector<1024x128xf32> to vector<128xf32>
    %broadcast_in_dim3A_285 = vector.shape_cast %reduce_sum3A_284 : vector<128xf32> to vector<1x128xf32>
    %add3A_286 = arith.addf %add3A_256, %broadcast_in_dim3A_285 : vector<1x128xf32>
    %mul3A_287 = arith.mulf %add3A_282, %add3A_282 : vector<1024x128xf32>
    %reduce_sum3A_288 = arith.constant dense<0.000000e+00> : vector<128xf32>
    %reduce_sum3A_289 = vector.multi_reduction <add>, %mul3A_287, %reduce_sum3A_288 [0] : vector<1024x128xf32> to vector<128xf32>
    %broadcast_in_dim3A_290 = vector.shape_cast %reduce_sum3A_289 : vector<128xf32> to vector<1x128xf32>
    %add3A_291 = arith.addf %add3A_261, %broadcast_in_dim3A_290 : vector<1x128xf32>
    %max3A_292 = arith.maximumf %max3A_262, %add3A_282 : vector<1024x128xf32>
    %get3A_293 = arith.constant 0 : index
    %get3A_294 = arith.constant 9216 : index
    %get3A_295 = arith.constant 0 : index
    %get3A_296 = vector.load %arg2[%get3A_293, %get3A_294, %get3A_295] : memref<1x10240x128xf32, #tpu.memory_space<vmem>>, vector<1x1024x128xf32>
    %get3A_297 = vector.shape_cast %get3A_296 : vector<1x1024x128xf32> to vector<1024x128xf32>
    %sub3A_298 = arith.subf %get3A_297, %get3A_3 : vector<1024x128xf32>
    %get3A_299 = arith.constant 0 : index
    %get3A_300 = arith.constant 0 : index
    %get3A_301 = vector.load %arg14[%get3A_299, %get3A_300] : memref<128x128xf32, #tpu.memory_space<vmem>>, vector<128x128xf32>
    %dot_general3A_302 = arith.constant dense<0.000000e+00> : vector<1024x128xf32>
    %dot_general3A_303 = tpu.matmul %sub3A_298, %get3A_301, %dot_general3A_302 {dimension_numbers = #tpu.dot_dimension_numbers<[1], [0], [0], [1], [0, 0, 1, 1], [], []>, precision = #tpu.contract_precision<fp32>, transpose_lhs_hint = false} : vector<1024x128xf32>, vector<128x128xf32>, vector<1024x128xf32> -> vector<1024x128xf32>
    %add3A_304 = arith.addf %dot_general3A_21, %dot_general3A_303 : vector<1024x128xf32>
    %reduce_sum3A_305 = arith.constant dense<0.000000e+00> : vector<128xf32>
    %reduce_sum3A_306 = vector.multi_reduction <add>, %add3A_304, %reduce_sum3A_305 [0] : vector<1024x128xf32> to vector<128xf32>
    %broadcast_in_dim3A_307 = vector.shape_cast %reduce_sum3A_306 : vector<128xf32> to vector<1x128xf32>
    %add3A_308 = arith.addf %add3A_286, %broadcast_in_dim3A_307 : vector<1x128xf32>
    %mul3A_309 = arith.mulf %add3A_304, %add3A_304 : vector<1024x128xf32>
    %reduce_sum3A_310 = arith.constant dense<0.000000e+00> : vector<128xf32>
    %reduce_sum3A_311 = vector.multi_reduction <add>, %mul3A_309, %reduce_sum3A_310 [0] : vector<1024x128xf32> to vector<128xf32>
    %broadcast_in_dim3A_312 = vector.shape_cast %reduce_sum3A_311 : vector<128xf32> to vector<1x128xf32>
    %add3A_313 = arith.addf %add3A_291, %broadcast_in_dim3A_312 : vector<1x128xf32>
    %max3A_314 = arith.maximumf %max3A_292, %add3A_304 : vector<1024x128xf32>
    %reduce_sum3A_315 = arith.constant dense<0.000000e+00> : vector<128xf32>
    %reduce_sum3A_316 = vector.multi_reduction <add>, %add3A_96, %reduce_sum3A_315 [0] : vector<1024x128xf32> to vector<128xf32>
    %broadcast_in_dim3A_317 = vector.shape_cast %reduce_sum3A_316 : vector<128xf32> to vector<1x128xf32>
    %reduce_sum3A_318 = arith.constant dense<0.000000e+00> : vector<128xf32>
    %reduce_sum3A_319 = vector.multi_reduction <add>, %add3A_186, %reduce_sum3A_318 [0] : vector<1024x128xf32> to vector<128xf32>
    %broadcast_in_dim3A_320 = vector.shape_cast %reduce_sum3A_319 : vector<128xf32> to vector<1x128xf32>
    %add3A_321 = arith.addf %broadcast_in_dim3A_317, %broadcast_in_dim3A_320 : vector<1x128xf32>
    %reduce_sum3A_322 = arith.constant dense<0.000000e+00> : vector<128xf32>
    %reduce_sum3A_323 = vector.multi_reduction <add>, %add3A_276, %reduce_sum3A_322 [0] : vector<1024x128xf32> to vector<128xf32>
    %broadcast_in_dim3A_324 = vector.shape_cast %reduce_sum3A_323 : vector<128xf32> to vector<1x128xf32>
    %add3A_325 = arith.addf %add3A_321, %broadcast_in_dim3A_324 : vector<1x128xf32>
    %div3A = arith.constant 3.072000e+03 : f32
    %div3A_326 = vector.broadcast %div3A : f32 to vector<1x128xf32>
    %div3A_327 = arith.divf %add3A_325, %div3A_326 : vector<1x128xf32>
    %sub3A_328 = vector.broadcast %div3A_327 : vector<1x128xf32> to vector<1024x128xf32>
    %sub3A_329 = arith.subf %add3A_96, %sub3A_328 : vector<1024x128xf32>
    %integer_pow3A = arith.mulf %sub3A_329, %sub3A_329 : vector<1024x128xf32>
    %reduce_sum3A_330 = arith.constant dense<0.000000e+00> : vector<128xf32>
    %reduce_sum3A_331 = vector.multi_reduction <add>, %integer_pow3A, %reduce_sum3A_330 [0] : vector<1024x128xf32> to vector<128xf32>
    %broadcast_in_dim3A_332 = vector.shape_cast %reduce_sum3A_331 : vector<128xf32> to vector<1x128xf32>
    %sub3A_333 = vector.broadcast %div3A_327 : vector<1x128xf32> to vector<1024x128xf32>
    %sub3A_334 = arith.subf %add3A_186, %sub3A_333 : vector<1024x128xf32>
    %integer_pow3A_335 = arith.mulf %sub3A_334, %sub3A_334 : vector<1024x128xf32>
    %reduce_sum3A_336 = arith.constant dense<0.000000e+00> : vector<128xf32>
    %reduce_sum3A_337 = vector.multi_reduction <add>, %integer_pow3A_335, %reduce_sum3A_336 [0] : vector<1024x128xf32> to vector<128xf32>
    %broadcast_in_dim3A_338 = vector.shape_cast %reduce_sum3A_337 : vector<128xf32> to vector<1x128xf32>
    %add3A_339 = arith.addf %broadcast_in_dim3A_332, %broadcast_in_dim3A_338 : vector<1x128xf32>
    %sub3A_340 = vector.broadcast %div3A_327 : vector<1x128xf32> to vector<1024x128xf32>
    %sub3A_341 = arith.subf %add3A_276, %sub3A_340 : vector<1024x128xf32>
    %integer_pow3A_342 = arith.mulf %sub3A_341, %sub3A_341 : vector<1024x128xf32>
    %reduce_sum3A_343 = arith.constant dense<0.000000e+00> : vector<128xf32>
    %reduce_sum3A_344 = vector.multi_reduction <add>, %integer_pow3A_342, %reduce_sum3A_343 [0] : vector<1024x128xf32> to vector<128xf32>
    %broadcast_in_dim3A_345 = vector.shape_cast %reduce_sum3A_344 : vector<128xf32> to vector<1x128xf32>
    %add3A_346 = arith.addf %add3A_339, %broadcast_in_dim3A_345 : vector<1x128xf32>
    %div3A_347 = arith.constant 3.072000e+03 : f32
    %div3A_348 = vector.broadcast %div3A_347 : f32 to vector<1x128xf32>
    %div3A_349 = arith.divf %add3A_346, %div3A_348 : vector<1x128xf32>
    %add3A_350 = arith.constant 9.99999974E-6 : f32
    %add3A_351 = vector.broadcast %add3A_350 : f32 to vector<1x128xf32>
    %add3A_352 = arith.addf %div3A_349, %add3A_351 : vector<1x128xf32>
    %sqrt3A = math.sqrt %add3A_352 : vector<1x128xf32>
    %div3A_353 = arith.constant 1.000000e+00 : f32
    %div3A_354 = vector.broadcast %div3A_353 : f32 to vector<1x128xf32>
    %div3A_355 = arith.divf %div3A_354, %sqrt3A : vector<1x128xf32>
    %sub3A_356 = vector.broadcast %div3A_327 : vector<1x128xf32> to vector<1024x128xf32>
    %sub3A_357 = arith.subf %add3A_96, %sub3A_356 : vector<1024x128xf32>
    %mul3A_358 = vector.broadcast %div3A_355 : vector<1x128xf32> to vector<1024x128xf32>
    %mul3A_359 = arith.mulf %sub3A_357, %mul3A_358 : vector<1024x128xf32>
    %max3A_360 = arith.constant 0.000000e+00 : f32
    %max3A_361 = vector.broadcast %max3A_360 : f32 to vector<1024x128xf32>
    %max3A_362 = arith.maximumf %mul3A_359, %max3A_361 : vector<1024x128xf32>
    %sub3A_363 = vector.broadcast %div3A_327 : vector<1x128xf32> to vector<1024x128xf32>
    %sub3A_364 = arith.subf %add3A_186, %sub3A_363 : vector<1024x128xf32>
    %mul3A_365 = vector.broadcast %div3A_355 : vector<1x128xf32> to vector<1024x128xf32>
    %mul3A_366 = arith.mulf %sub3A_364, %mul3A_365 : vector<1024x128xf32>
    %max3A_367 = arith.constant 0.000000e+00 : f32
    %max3A_368 = vector.broadcast %max3A_367 : f32 to vector<1024x128xf32>
    %max3A_369 = arith.maximumf %mul3A_366, %max3A_368 : vector<1024x128xf32>
    %sub3A_370 = vector.broadcast %div3A_327 : vector<1x128xf32> to vector<1024x128xf32>
    %sub3A_371 = arith.subf %add3A_276, %sub3A_370 : vector<1024x128xf32>
    %mul3A_372 = vector.broadcast %div3A_355 : vector<1x128xf32> to vector<1024x128xf32>
    %mul3A_373 = arith.mulf %sub3A_371, %mul3A_372 : vector<1024x128xf32>
    %max3A_374 = arith.constant 0.000000e+00 : f32
    %max3A_375 = vector.broadcast %max3A_374 : f32 to vector<1024x128xf32>
    %max3A_376 = arith.maximumf %mul3A_373, %max3A_375 : vector<1024x128xf32>
    %get3A_377 = arith.constant 0 : index
    %get3A_378 = arith.constant 0 : index
    %get3A_379 = vector.load %arg8[%get3A_377, %get3A_378] : memref<1x128xf32, #tpu.memory_space<vmem>>, vector<1x128xf32>
    %get3A_380 = arith.constant 0 : index
    %get3A_381 = arith.constant 0 : index
    %get3A_382 = arith.constant 0 : index
    %get3A_383 = vector.load %arg7[%get3A_380, %get3A_381, %get3A_382] : memref<3x128x128xf32, #tpu.memory_space<vmem>>, vector<1x128x128xf32>
    %get3A_384 = vector.shape_cast %get3A_383 : vector<1x128x128xf32> to vector<128x128xf32>
    %dot_general3A_385 = arith.constant dense<0.000000e+00> : vector<1024x128xf32>
    %dot_general3A_386 = tpu.matmul %max3A_362, %get3A_384, %dot_general3A_385 {dimension_numbers = #tpu.dot_dimension_numbers<[1], [0], [0], [1], [0, 0, 1, 1], [], []>, precision = #tpu.contract_precision<fp32>, transpose_lhs_hint = false} : vector<1024x128xf32>, vector<128x128xf32>, vector<1024x128xf32> -> vector<1024x128xf32>
    %add3A_387 = vector.broadcast %get3A_379 : vector<1x128xf32> to vector<1024x128xf32>
    %add3A_388 = arith.addf %add3A_387, %dot_general3A_386 : vector<1024x128xf32>
    %get3A_389 = arith.constant 1 : index
    %get3A_390 = arith.constant 0 : index
    %get3A_391 = arith.constant 0 : index
    %get3A_392 = vector.load %arg7[%get3A_389, %get3A_390, %get3A_391] : memref<3x128x128xf32, #tpu.memory_space<vmem>>, vector<1x128x128xf32>
    %get3A_393 = vector.shape_cast %get3A_392 : vector<1x128x128xf32> to vector<128x128xf32>
    %dot_general3A_394 = arith.constant dense<0.000000e+00> : vector<1024x128xf32>
    %dot_general3A_395 = tpu.matmul %max3A_369, %get3A_393, %dot_general3A_394 {dimension_numbers = #tpu.dot_dimension_numbers<[1], [0], [0], [1], [0, 0, 1, 1], [], []>, precision = #tpu.contract_precision<fp32>, transpose_lhs_hint = false} : vector<1024x128xf32>, vector<128x128xf32>, vector<1024x128xf32> -> vector<1024x128xf32>
    %add3A_396 = arith.addf %add3A_388, %dot_general3A_395 : vector<1024x128xf32>
    %get3A_397 = arith.constant 2 : index
    %get3A_398 = arith.constant 0 : index
    %get3A_399 = arith.constant 0 : index
    %get3A_400 = vector.load %arg7[%get3A_397, %get3A_398, %get3A_399] : memref<3x128x128xf32, #tpu.memory_space<vmem>>, vector<1x128x128xf32>
    %get3A_401 = vector.shape_cast %get3A_400 : vector<1x128x128xf32> to vector<128x128xf32>
    %dot_general3A_402 = arith.constant dense<0.000000e+00> : vector<1024x128xf32>
    %dot_general3A_403 = tpu.matmul %max3A_376, %get3A_401, %dot_general3A_402 {dimension_numbers = #tpu.dot_dimension_numbers<[1], [0], [0], [1], [0, 0, 1, 1], [], []>, precision = #tpu.contract_precision<fp32>, transpose_lhs_hint = false} : vector<1024x128xf32>, vector<128x128xf32>, vector<1024x128xf32> -> vector<1024x128xf32>
    %add3A_404 = arith.addf %add3A_396, %dot_general3A_403 : vector<1024x128xf32>
    %reduce_sum3A_405 = arith.constant dense<0.000000e+00> : vector<128xf32>
    %reduce_sum3A_406 = vector.multi_reduction <add>, %add3A_404, %reduce_sum3A_405 [0] : vector<1024x128xf32> to vector<128xf32>
    %broadcast_in_dim3A_407 = vector.shape_cast %reduce_sum3A_406 : vector<128xf32> to vector<1x128xf32>
    %div3A_408 = arith.constant 1.024000e+03 : f32
    %div3A_409 = vector.broadcast %div3A_408 : f32 to vector<1x128xf32>
    %div3A_410 = arith.divf %broadcast_in_dim3A_407, %div3A_409 : vector<1x128xf32>
    %sub3A_411 = vector.broadcast %div3A_410 : vector<1x128xf32> to vector<1024x128xf32>
    %sub3A_412 = arith.subf %add3A_404, %sub3A_411 : vector<1024x128xf32>
    %integer_pow3A_413 = arith.mulf %sub3A_412, %sub3A_412 : vector<1024x128xf32>
    %reduce_sum3A_414 = arith.constant dense<0.000000e+00> : vector<128xf32>
    %reduce_sum3A_415 = vector.multi_reduction <add>, %integer_pow3A_413, %reduce_sum3A_414 [0] : vector<1024x128xf32> to vector<128xf32>
    %broadcast_in_dim3A_416 = vector.shape_cast %reduce_sum3A_415 : vector<128xf32> to vector<1x128xf32>
    %div3A_417 = arith.constant 1.024000e+03 : f32
    %div3A_418 = vector.broadcast %div3A_417 : f32 to vector<1x128xf32>
    %div3A_419 = arith.divf %broadcast_in_dim3A_416, %div3A_418 : vector<1x128xf32>
    %sub3A_420 = vector.broadcast %div3A_410 : vector<1x128xf32> to vector<1024x128xf32>
    %sub3A_421 = arith.subf %add3A_404, %sub3A_420 : vector<1024x128xf32>
    %add3A_422 = arith.constant 9.99999974E-6 : f32
    %add3A_423 = vector.broadcast %add3A_422 : f32 to vector<1x128xf32>
    %add3A_424 = arith.addf %div3A_419, %add3A_423 : vector<1x128xf32>
    %sqrt3A_425 = math.sqrt %add3A_424 : vector<1x128xf32>
    %div3A_426 = vector.broadcast %sqrt3A_425 : vector<1x128xf32> to vector<1024x128xf32>
    %div3A_427 = arith.divf %sub3A_421, %div3A_426 : vector<1024x128xf32>
    %max3A_428 = arith.constant 0.000000e+00 : f32
    %max3A_429 = vector.broadcast %max3A_428 : f32 to vector<1024x128xf32>
    %max3A_430 = arith.maximumf %div3A_427, %max3A_429 : vector<1024x128xf32>
    %swap3A = arith.constant 0 : index
    %swap3A_431 = arith.constant 0 : index
    %swap3A_432 = arith.constant 0 : index
    %swap3A_433 = vector.load %arg15[%swap3A, %swap3A_431, %swap3A_432] : memref<1x1024x128xf32, #tpu.memory_space<vmem>>, vector<1x1024x128xf32>
    %swap3A_434 = vector.shape_cast %swap3A_433 : vector<1x1024x128xf32> to vector<1024x128xf32>
    %swap3A_435 = vector.shape_cast %max3A_430 : vector<1024x128xf32> to vector<1x1024x128xf32>
    tpu.vector_store %arg15[%swap3A, %swap3A_431, %swap3A_432], %swap3A_435 {strides = array<i32>} : memref<1x1024x128xf32, #tpu.memory_space<vmem>>, vector<1x1024x128xf32>,
    %get3A_436 = arith.constant 0 : index
    %get3A_437 = arith.constant 0 : index
    %get3A_438 = vector.load %arg9[%get3A_436, %get3A_437] : memref<3x128xf32, #tpu.memory_space<vmem>>, vector<3x128xf32>
    %get3A_439 = arith.constant 0 : index
    %get3A_440 = arith.constant 0 : index
    %get3A_441 = vector.load %arg10[%get3A_439, %get3A_440] : memref<1x128xf32, #tpu.memory_space<vmem>>, vector<1x128xf32>
    %slice3A = vector.extract_strided_slice %get3A_8 {offsets = [0, 1], sizes = [1024, 1], strides = [1, 1]} : vector<1024x16xf32> to vector<1024x1xf32>
    %slice3A_442 = vector.extract_strided_slice %get3A_438 {offsets = [0, 0], sizes = [1, 128], strides = [1, 1]} : vector<3x128xf32> to vector<1x128xf32>
    %mul3A_443 = vector.broadcast %slice3A : vector<1024x1xf32> to vector<1024x128xf32>
    %mul3A_444 = vector.broadcast %slice3A_442 : vector<1x128xf32> to vector<1024x128xf32>
    %mul3A_445 = arith.mulf %mul3A_443, %mul3A_444 : vector<1024x128xf32>
    %add3A_446 = vector.broadcast %get3A_441 : vector<1x128xf32> to vector<1024x128xf32>
    %add3A_447 = arith.addf %add3A_446, %mul3A_445 : vector<1024x128xf32>
    %slice3A_448 = vector.extract_strided_slice %get3A_8 {offsets = [0, 2], sizes = [1024, 1], strides = [1, 1]} : vector<1024x16xf32> to vector<1024x1xf32>
    %slice3A_449 = vector.extract_strided_slice %get3A_438 {offsets = [1, 0], sizes = [1, 128], strides = [1, 1]} : vector<3x128xf32> to vector<1x128xf32>
    %mul3A_450 = vector.broadcast %slice3A_448 : vector<1024x1xf32> to vector<1024x128xf32>
    %mul3A_451 = vector.broadcast %slice3A_449 : vector<1x128xf32> to vector<1024x128xf32>
    %mul3A_452 = arith.mulf %mul3A_450, %mul3A_451 : vector<1024x128xf32>
    %add3A_453 = arith.addf %add3A_447, %mul3A_452 : vector<1024x128xf32>
    %slice3A_454 = vector.extract_strided_slice %get3A_8 {offsets = [0, 3], sizes = [1024, 1], strides = [1, 1]} : vector<1024x16xf32> to vector<1024x1xf32>
    %slice3A_455 = vector.extract_strided_slice %get3A_438 {offsets = [2, 0], sizes = [1, 128], strides = [1, 1]} : vector<3x128xf32> to vector<1x128xf32>
    %mul3A_456 = vector.broadcast %slice3A_454 : vector<1024x1xf32> to vector<1024x128xf32>
    %mul3A_457 = vector.broadcast %slice3A_455 : vector<1x128xf32> to vector<1024x128xf32>
    %mul3A_458 = arith.mulf %mul3A_456, %mul3A_457 : vector<1024x128xf32>
    %add3A_459 = arith.addf %add3A_453, %mul3A_458 : vector<1024x128xf32>
    %get3A_460 = arith.constant 0 : index
    %get3A_461 = arith.constant 0 : index
    %get3A_462 = vector.load %arg10[%get3A_460, %get3A_461] : memref<1x128xf32, #tpu.memory_space<vmem>>, vector<1x128xf32>
    %slice3A_463 = vector.extract_strided_slice %get3A_8 {offsets = [0, 4], sizes = [1024, 1], strides = [1, 1]} : vector<1024x16xf32> to vector<1024x1xf32>
    %slice3A_464 = vector.extract_strided_slice %get3A_438 {offsets = [0, 0], sizes = [1, 128], strides = [1, 1]} : vector<3x128xf32> to vector<1x128xf32>
    %mul3A_465 = vector.broadcast %slice3A_463 : vector<1024x1xf32> to vector<1024x128xf32>
    %mul3A_466 = vector.broadcast %slice3A_464 : vector<1x128xf32> to vector<1024x128xf32>
    %mul3A_467 = arith.mulf %mul3A_465, %mul3A_466 : vector<1024x128xf32>
    %add3A_468 = vector.broadcast %get3A_462 : vector<1x128xf32> to vector<1024x128xf32>
    %add3A_469 = arith.addf %add3A_468, %mul3A_467 : vector<1024x128xf32>
    %slice3A_470 = vector.extract_strided_slice %get3A_8 {offsets = [0, 5], sizes = [1024, 1], strides = [1, 1]} : vector<1024x16xf32> to vector<1024x1xf32>
    %slice3A_471 = vector.extract_strided_slice %get3A_438 {offsets = [1, 0], sizes = [1, 128], strides = [1, 1]} : vector<3x128xf32> to vector<1x128xf32>
    %mul3A_472 = vector.broadcast %slice3A_470 : vector<1024x1xf32> to vector<1024x128xf32>
    %mul3A_473 = vector.broadcast %slice3A_471 : vector<1x128xf32> to vector<1024x128xf32>
    %mul3A_474 = arith.mulf %mul3A_472, %mul3A_473 : vector<1024x128xf32>
    %add3A_475 = arith.addf %add3A_469, %mul3A_474 : vector<1024x128xf32>
    %slice3A_476 = vector.extract_strided_slice %get3A_8 {offsets = [0, 6], sizes = [1024, 1], strides = [1, 1]} : vector<1024x16xf32> to vector<1024x1xf32>
    %slice3A_477 = vector.extract_strided_slice %get3A_438 {offsets = [2, 0], sizes = [1, 128], strides = [1, 1]} : vector<3x128xf32> to vector<1x128xf32>
    %mul3A_478 = vector.broadcast %slice3A_476 : vector<1024x1xf32> to vector<1024x128xf32>
    %mul3A_479 = vector.broadcast %slice3A_477 : vector<1x128xf32> to vector<1024x128xf32>
    %mul3A_480 = arith.mulf %mul3A_478, %mul3A_479 : vector<1024x128xf32>
    %add3A_481 = arith.addf %add3A_475, %mul3A_480 : vector<1024x128xf32>
    %get3A_482 = arith.constant 0 : index
    %get3A_483 = arith.constant 0 : index
    %get3A_484 = vector.load %arg10[%get3A_482, %get3A_483] : memref<1x128xf32, #tpu.memory_space<vmem>>, vector<1x128xf32>
    %slice3A_485 = vector.extract_strided_slice %get3A_8 {offsets = [0, 7], sizes = [1024, 1], strides = [1, 1]} : vector<1024x16xf32> to vector<1024x1xf32>
    %slice3A_486 = vector.extract_strided_slice %get3A_438 {offsets = [0, 0], sizes = [1, 128], strides = [1, 1]} : vector<3x128xf32> to vector<1x128xf32>
    %mul3A_487 = vector.broadcast %slice3A_485 : vector<1024x1xf32> to vector<1024x128xf32>
    %mul3A_488 = vector.broadcast %slice3A_486 : vector<1x128xf32> to vector<1024x128xf32>
    %mul3A_489 = arith.mulf %mul3A_487, %mul3A_488 : vector<1024x128xf32>
    %add3A_490 = vector.broadcast %get3A_484 : vector<1x128xf32> to vector<1024x128xf32>
    %add3A_491 = arith.addf %add3A_490, %mul3A_489 : vector<1024x128xf32>
    %slice3A_492 = vector.extract_strided_slice %get3A_8 {offsets = [0, 8], sizes = [1024, 1], strides = [1, 1]} : vector<1024x16xf32> to vector<1024x1xf32>
    %slice3A_493 = vector.extract_strided_slice %get3A_438 {offsets = [1, 0], sizes = [1, 128], strides = [1, 1]} : vector<3x128xf32> to vector<1x128xf32>
    %mul3A_494 = vector.broadcast %slice3A_492 : vector<1024x1xf32> to vector<1024x128xf32>
    %mul3A_495 = vector.broadcast %slice3A_493 : vector<1x128xf32> to vector<1024x128xf32>
    %mul3A_496 = arith.mulf %mul3A_494, %mul3A_495 : vector<1024x128xf32>
    %add3A_497 = arith.addf %add3A_491, %mul3A_496 : vector<1024x128xf32>
    %slice3A_498 = vector.extract_strided_slice %get3A_8 {offsets = [0, 9], sizes = [1024, 1], strides = [1, 1]} : vector<1024x16xf32> to vector<1024x1xf32>
    %slice3A_499 = vector.extract_strided_slice %get3A_438 {offsets = [2, 0], sizes = [1, 128], strides = [1, 1]} : vector<3x128xf32> to vector<1x128xf32>
    %mul3A_500 = vector.broadcast %slice3A_498 : vector<1024x1xf32> to vector<1024x128xf32>
    %mul3A_501 = vector.broadcast %slice3A_499 : vector<1x128xf32> to vector<1024x128xf32>
    %mul3A_502 = arith.mulf %mul3A_500, %mul3A_501 : vector<1024x128xf32>
    %add3A_503 = arith.addf %add3A_497, %mul3A_502 : vector<1024x128xf32>
    %reduce_sum3A_504 = arith.constant dense<0.000000e+00> : vector<128xf32>
    %reduce_sum3A_505 = vector.multi_reduction <add>, %add3A_459, %reduce_sum3A_504 [0] : vector<1024x128xf32> to vector<128xf32>
    %broadcast_in_dim3A_506 = vector.shape_cast %reduce_sum3A_505 : vector<128xf32> to vector<1x128xf32>
    %reduce_sum3A_507 = arith.constant dense<0.000000e+00> : vector<128xf32>
    %reduce_sum3A_508 = vector.multi_reduction <add>, %add3A_481, %reduce_sum3A_507 [0] : vector<1024x128xf32> to vector<128xf32>
    %broadcast_in_dim3A_509 = vector.shape_cast %reduce_sum3A_508 : vector<128xf32> to vector<1x128xf32>
    %add3A_510 = arith.addf %broadcast_in_dim3A_506, %broadcast_in_dim3A_509 : vector<1x128xf32>
    %reduce_sum3A_511 = arith.constant dense<0.000000e+00> : vector<128xf32>
    %reduce_sum3A_512 = vector.multi_reduction <add>, %add3A_503, %reduce_sum3A_511 [0] : vector<1024x128xf32> to vector<128xf32>
    %broadcast_in_dim3A_513 = vector.shape_cast %reduce_sum3A_512 : vector<128xf32> to vector<1x128xf32>
    %add3A_514 = arith.addf %add3A_510, %broadcast_in_dim3A_513 : vector<1x128xf32>
    %div3A_515 = arith.constant 3.072000e+03 : f32
    %div3A_516 = vector.broadcast %div3A_515 : f32 to vector<1x128xf32>
    %div3A_517 = arith.divf %add3A_514, %div3A_516 : vector<1x128xf32>
    %sub3A_518 = vector.broadcast %div3A_517 : vector<1x128xf32> to vector<1024x128xf32>
    %sub3A_519 = arith.subf %add3A_459, %sub3A_518 : vector<1024x128xf32>
    %integer_pow3A_520 = arith.mulf %sub3A_519, %sub3A_519 : vector<1024x128xf32>
    %reduce_sum3A_521 = arith.constant dense<0.000000e+00> : vector<128xf32>
    %reduce_sum3A_522 = vector.multi_reduction <add>, %integer_pow3A_520, %reduce_sum3A_521 [0] : vector<1024x128xf32> to vector<128xf32>
    %broadcast_in_dim3A_523 = vector.shape_cast %reduce_sum3A_522 : vector<128xf32> to vector<1x128xf32>
    %sub3A_524 = vector.broadcast %div3A_517 : vector<1x128xf32> to vector<1024x128xf32>
    %sub3A_525 = arith.subf %add3A_481, %sub3A_524 : vector<1024x128xf32>
    %integer_pow3A_526 = arith.mulf %sub3A_525, %sub3A_525 : vector<1024x128xf32>
    %reduce_sum3A_527 = arith.constant dense<0.000000e+00> : vector<128xf32>
    %reduce_sum3A_528 = vector.multi_reduction <add>, %integer_pow3A_526, %reduce_sum3A_527 [0] : vector<1024x128xf32> to vector<128xf32>
    %broadcast_in_dim3A_529 = vector.shape_cast %reduce_sum3A_528 : vector<128xf32> to vector<1x128xf32>
    %add3A_530 = arith.addf %broadcast_in_dim3A_523, %broadcast_in_dim3A_529 : vector<1x128xf32>
    %sub3A_531 = vector.broadcast %div3A_517 : vector<1x128xf32> to vector<1024x128xf32>
    %sub3A_532 = arith.subf %add3A_503, %sub3A_531 : vector<1024x128xf32>
    %integer_pow3A_533 = arith.mulf %sub3A_532, %sub3A_532 : vector<1024x128xf32>
    %reduce_sum3A_534 = arith.constant dense<0.000000e+00> : vector<128xf32>
    %reduce_sum3A_535 = vector.multi_reduction <add>, %integer_pow3A_533, %reduce_sum3A_534 [0] : vector<1024x128xf32> to vector<128xf32>
    %broadcast_in_dim3A_536 = vector.shape_cast %reduce_sum3A_535 : vector<128xf32> to vector<1x128xf32>
    %add3A_537 = arith.addf %add3A_530, %broadcast_in_dim3A_536 : vector<1x128xf32>
    %div3A_538 = arith.constant 3.072000e+03 : f32
    %div3A_539 = vector.broadcast %div3A_538 : f32 to vector<1x128xf32>
    %div3A_540 = arith.divf %add3A_537, %div3A_539 : vector<1x128xf32>
    %add3A_541 = arith.constant 9.99999974E-6 : f32
    %add3A_542 = vector.broadcast %add3A_541 : f32 to vector<1x128xf32>
    %add3A_543 = arith.addf %div3A_540, %add3A_542 : vector<1x128xf32>
    %sqrt3A_544 = math.sqrt %add3A_543 : vector<1x128xf32>
    %div3A_545 = arith.constant 1.000000e+00 : f32
    %div3A_546 = vector.broadcast %div3A_545 : f32 to vector<1x128xf32>
    %div3A_547 = arith.divf %div3A_546, %sqrt3A_544 : vector<1x128xf32>
    %sub3A_548 = vector.broadcast %div3A_517 : vector<1x128xf32> to vector<1024x128xf32>
    %sub3A_549 = arith.subf %add3A_459, %sub3A_548 : vector<1024x128xf32>
    %mul3A_550 = vector.broadcast %div3A_547 : vector<1x128xf32> to vector<1024x128xf32>
    %mul3A_551 = arith.mulf %sub3A_549, %mul3A_550 : vector<1024x128xf32>
    %max3A_552 = arith.constant 0.000000e+00 : f32
    %max3A_553 = vector.broadcast %max3A_552 : f32 to vector<1024x128xf32>
    %max3A_554 = arith.maximumf %mul3A_551, %max3A_553 : vector<1024x128xf32>
    %sub3A_555 = vector.broadcast %div3A_517 : vector<1x128xf32> to vector<1024x128xf32>
    %sub3A_556 = arith.subf %add3A_481, %sub3A_555 : vector<1024x128xf32>
    %mul3A_557 = vector.broadcast %div3A_547 : vector<1x128xf32> to vector<1024x128xf32>
    %mul3A_558 = arith.mulf %sub3A_556, %mul3A_557 : vector<1024x128xf32>
    %max3A_559 = arith.constant 0.000000e+00 : f32
    %max3A_560 = vector.broadcast %max3A_559 : f32 to vector<1024x128xf32>
    %max3A_561 = arith.maximumf %mul3A_558, %max3A_560 : vector<1024x128xf32>
    %sub3A_562 = vector.broadcast %div3A_517 : vector<1x128xf32> to vector<1024x128xf32>
    %sub3A_563 = arith.subf %add3A_503, %sub3A_562 : vector<1024x128xf32>
    %mul3A_564 = vector.broadcast %div3A_547 : vector<1x128xf32> to vector<1024x128xf32>
    %mul3A_565 = arith.mulf %sub3A_563, %mul3A_564 : vector<1024x128xf32>
    %max3A_566 = arith.constant 0.000000e+00 : f32
    %max3A_567 = vector.broadcast %max3A_566 : f32 to vector<1024x128xf32>
    %max3A_568 = arith.maximumf %mul3A_565, %max3A_567 : vector<1024x128xf32>
    %get3A_569 = arith.constant 0 : index
    %get3A_570 = arith.constant 0 : index
    %get3A_571 = vector.load %arg12[%get3A_569, %get3A_570] : memref<1x128xf32, #tpu.memory_space<vmem>>, vector<1x128xf32>
    %get3A_572 = arith.constant 0 : index
    %get3A_573 = arith.constant 0 : index
    %get3A_574 = arith.constant 0 : index
    %get3A_575 = vector.load %arg11[%get3A_572, %get3A_573, %get3A_574] : memref<3x128x128xf32, #tpu.memory_space<vmem>>, vector<1x128x128xf32>
    %get3A_576 = vector.shape_cast %get3A_575 : vector<1x128x128xf32> to vector<128x128xf32>
    %dot_general3A_577 = arith.constant dense<0.000000e+00> : vector<1024x128xf32>
    %dot_general3A_578 = tpu.matmul %max3A_554, %get3A_576, %dot_general3A_577 {dimension_numbers = #tpu.dot_dimension_numbers<[1], [0], [0], [1], [0, 0, 1, 1], [], []>, precision = #tpu.contract_precision<fp32>, transpose_lhs_hint = false} : vector<1024x128xf32>, vector<128x128xf32>, vector<1024x128xf32> -> vector<1024x128xf32>
    %add3A_579 = vector.broadcast %get3A_571 : vector<1x128xf32> to vector<1024x128xf32>
    %add3A_580 = arith.addf %add3A_579, %dot_general3A_578 : vector<1024x128xf32>
    %get3A_581 = arith.constant 1 : index
    %get3A_582 = arith.constant 0 : index
    %get3A_583 = arith.constant 0 : index
    %get3A_584 = vector.load %arg11[%get3A_581, %get3A_582, %get3A_583] : memref<3x128x128xf32, #tpu.memory_space<vmem>>, vector<1x128x128xf32>
    %get3A_585 = vector.shape_cast %get3A_584 : vector<1x128x128xf32> to vector<128x128xf32>
    %dot_general3A_586 = arith.constant dense<0.000000e+00> : vector<1024x128xf32>
    %dot_general3A_587 = tpu.matmul %max3A_561, %get3A_585, %dot_general3A_586 {dimension_numbers = #tpu.dot_dimension_numbers<[1], [0], [0], [1], [0, 0, 1, 1], [], []>, precision = #tpu.contract_precision<fp32>, transpose_lhs_hint = false} : vector<1024x128xf32>, vector<128x128xf32>, vector<1024x128xf32> -> vector<1024x128xf32>
    %add3A_588 = arith.addf %add3A_580, %dot_general3A_587 : vector<1024x128xf32>
    %get3A_589 = arith.constant 2 : index
    %get3A_590 = arith.constant 0 : index
    %get3A_591 = arith.constant 0 : index
    %get3A_592 = vector.load %arg11[%get3A_589, %get3A_590, %get3A_591] : memref<3x128x128xf32, #tpu.memory_space<vmem>>, vector<1x128x128xf32>
    %get3A_593 = vector.shape_cast %get3A_592 : vector<1x128x128xf32> to vector<128x128xf32>
    %dot_general3A_594 = arith.constant dense<0.000000e+00> : vector<1024x128xf32>
    %dot_general3A_595 = tpu.matmul %max3A_568, %get3A_593, %dot_general3A_594 {dimension_numbers = #tpu.dot_dimension_numbers<[1], [0], [0], [1], [0, 0, 1, 1], [], []>, precision = #tpu.contract_precision<fp32>, transpose_lhs_hint = false} : vector<1024x128xf32>, vector<128x128xf32>, vector<1024x128xf32> -> vector<1024x128xf32>
    %add3A_596 = arith.addf %add3A_588, %dot_general3A_595 : vector<1024x128xf32>
    %reduce_sum3A_597 = arith.constant dense<0.000000e+00> : vector<128xf32>
    %reduce_sum3A_598 = vector.multi_reduction <add>, %add3A_596, %reduce_sum3A_597 [0] : vector<1024x128xf32> to vector<128xf32>
    %broadcast_in_dim3A_599 = vector.shape_cast %reduce_sum3A_598 : vector<128xf32> to vector<1x128xf32>
    %div3A_600 = arith.constant 1.024000e+03 : f32
    %div3A_601 = vector.broadcast %div3A_600 : f32 to vector<1x128xf32>
    %div3A_602 = arith.divf %broadcast_in_dim3A_599, %div3A_601 : vector<1x128xf32>
    %sub3A_603 = vector.broadcast %div3A_602 : vector<1x128xf32> to vector<1024x128xf32>
    %sub3A_604 = arith.subf %add3A_596, %sub3A_603 : vector<1024x128xf32>
    %integer_pow3A_605 = arith.mulf %sub3A_604, %sub3A_604 : vector<1024x128xf32>
    %reduce_sum3A_606 = arith.constant dense<0.000000e+00> : vector<128xf32>
    %reduce_sum3A_607 = vector.multi_reduction <add>, %integer_pow3A_605, %reduce_sum3A_606 [0] : vector<1024x128xf32> to vector<128xf32>
    %broadcast_in_dim3A_608 = vector.shape_cast %reduce_sum3A_607 : vector<128xf32> to vector<1x128xf32>
    %div3A_609 = arith.constant 1.024000e+03 : f32
    %div3A_610 = vector.broadcast %div3A_609 : f32 to vector<1x128xf32>
    %div3A_611 = arith.divf %broadcast_in_dim3A_608, %div3A_610 : vector<1x128xf32>
    %sub3A_612 = vector.broadcast %div3A_602 : vector<1x128xf32> to vector<1024x128xf32>
    %sub3A_613 = arith.subf %add3A_596, %sub3A_612 : vector<1024x128xf32>
    %add3A_614 = arith.constant 9.99999974E-6 : f32
    %add3A_615 = vector.broadcast %add3A_614 : f32 to vector<1x128xf32>
    %add3A_616 = arith.addf %div3A_611, %add3A_615 : vector<1x128xf32>
    %sqrt3A_617 = math.sqrt %add3A_616 : vector<1x128xf32>
    %div3A_618 = vector.broadcast %sqrt3A_617 : vector<1x128xf32> to vector<1024x128xf32>
    %div3A_619 = arith.divf %sub3A_613, %div3A_618 : vector<1024x128xf32>
    %max3A_620 = arith.constant 0.000000e+00 : f32
    %max3A_621 = vector.broadcast %max3A_620 : f32 to vector<1024x128xf32>
    %max3A_622 = arith.maximumf %div3A_619, %max3A_621 : vector<1024x128xf32>
    %swap3A_623 = arith.constant 0 : index
    %swap3A_624 = arith.constant 0 : index
    %swap3A_625 = arith.constant 0 : index
    %swap3A_626 = vector.load %arg17[%swap3A_623, %swap3A_624, %swap3A_625] : memref<1x1024x128xf32, #tpu.memory_space<vmem>>, vector<1x1024x128xf32>
    %swap3A_627 = vector.shape_cast %swap3A_626 : vector<1x1024x128xf32> to vector<1024x128xf32>
    %swap3A_628 = vector.shape_cast %max3A_622 : vector<1024x128xf32> to vector<1x1024x128xf32>
    tpu.vector_store %arg17[%swap3A_623, %swap3A_624, %swap3A_625], %swap3A_628 {strides = array<i32>} : memref<1x1024x128xf32, #tpu.memory_space<vmem>>, vector<1x1024x128xf32>,
    %div3A_629 = arith.constant 1.024000e+04 : f32
    %div3A_630 = vector.broadcast %div3A_629 : f32 to vector<1x128xf32>
    %div3A_631 = arith.divf %add3A_308, %div3A_630 : vector<1x128xf32>
    %div3A_632 = arith.constant 1.024000e+04 : f32
    %div3A_633 = vector.broadcast %div3A_632 : f32 to vector<1x128xf32>
    %div3A_634 = arith.divf %add3A_313, %div3A_633 : vector<1x128xf32>
    %mul3A_635 = arith.mulf %div3A_631, %div3A_631 : vector<1x128xf32>
    %sub3A_636 = arith.subf %div3A_634, %mul3A_635 : vector<1x128xf32>
    %sub3A_637 = vector.broadcast %div3A_631 : vector<1x128xf32> to vector<1024x128xf32>
    %sub3A_638 = arith.subf %max3A_314, %sub3A_637 : vector<1024x128xf32>
    %add3A_639 = arith.constant 9.99999974E-6 : f32
    %add3A_640 = vector.broadcast %add3A_639 : f32 to vector<1x128xf32>
    %add3A_641 = arith.addf %sub3A_636, %add3A_640 : vector<1x128xf32>
    %sqrt3A_642 = math.sqrt %add3A_641 : vector<1x128xf32>
    %div3A_643 = vector.broadcast %sqrt3A_642 : vector<1x128xf32> to vector<1024x128xf32>
    %div3A_644 = arith.divf %sub3A_638, %div3A_643 : vector<1024x128xf32>
    %ge3A = arith.constant 0.000000e+00 : f32
    %ge3A_645 = vector.broadcast %ge3A : f32 to vector<1024x128xf32>
    %ge3A_646 = arith.cmpf oge, %div3A_644, %ge3A_645 : vector<1024x128xf32>
    %mul3A_647 = arith.constant 2.000000e-01 : f32
    %mul3A_648 = vector.broadcast %mul3A_647 : f32 to vector<1024x128xf32>
    %mul3A_649 = arith.mulf %mul3A_648, %div3A_644 : vector<1024x128xf32>
    %select_n3A = arith.select %ge3A_646, %div3A_644, %mul3A_649 : vector<1024x128xi1>, vector<1024x128xf32>
    %swap3A_650 = arith.constant 0 : index
    %swap3A_651 = arith.constant 0 : index
    %swap3A_652 = arith.constant 0 : index
    %swap3A_653 = vector.load %arg16[%swap3A_650, %swap3A_651, %swap3A_652] : memref<1x1024x128xf32, #tpu.memory_space<vmem>>, vector<1x1024x128xf32>
    %swap3A_654 = vector.shape_cast %swap3A_653 : vector<1x1024x128xf32> to vector<1024x128xf32>
    %swap3A_655 = vector.shape_cast %select_n3A : vector<1024x128xf32> to vector<1x1024x128xf32>
    tpu.vector_store %arg16[%swap3A_650, %swap3A_651, %swap3A_652], %swap3A_655 {strides = array<i32>} : memref<1x1024x128xf32, #tpu.memory_space<vmem>>, vector<1x1024x128xf32>,
    return
  }
  func.func @transform_0(%arg0: i32) -> (i32, i32, i32) {
    %c0_i32 = arith.constant 0 : i32
    %c0_i32_0 = arith.constant 0 : i32
    %c0_i32_1 = arith.constant 0 : i32
    return %arg0, %c0_i32, %c0_i32_0 : i32, i32, i32
  }
  func.func @transform_1(%arg0: i32) -> (i32, i32, i32) {
    %c0_i32 = arith.constant 0 : i32
    %c0_i32_0 = arith.constant 0 : i32
    %c0_i32_1 = arith.constant 0 : i32
    return %arg0, %c0_i32, %c0_i32_0 : i32, i32, i32
  }
  func.func @transform_2(%arg0: i32) -> (i32, i32, i32) {
    %c0_i32 = arith.constant 0 : i32
    %c0_i32_0 = arith.constant 0 : i32
    %c0_i32_1 = arith.constant 0 : i32
    return %arg0, %c0_i32, %c0_i32_0 : i32, i32, i32
  }
  func.func @transform_3(%arg0: i32) -> (i32, i32) {
    %c0_i32 = arith.constant 0 : i32
    %c0_i32_0 = arith.constant 0 : i32
    %c0_i32_1 = arith.constant 0 : i32
    return %c0_i32, %c0_i32_0 : i32, i32
  }
  func.func @transform_4(%arg0: i32) -> (i32, i32, i32) {
    %c0_i32 = arith.constant 0 : i32
    %c0_i32_0 = arith.constant 0 : i32
    %c0_i32_1 = arith.constant 0 : i32
    %c0_i32_2 = arith.constant 0 : i32
    return %c0_i32, %c0_i32_0, %c0_i32_1 : i32, i32, i32
  }
  func.func @transform_5(%arg0: i32) -> (i32, i32) {
    %c0_i32 = arith.constant 0 : i32
    %c0_i32_0 = arith.constant 0 : i32
    %c0_i32_1 = arith.constant 0 : i32
    return %c0_i32, %c0_i32_0 : i32, i32
  }
  func.func @transform_6(%arg0: i32) -> (i32, i32, i32) {
    %c0_i32 = arith.constant 0 : i32
    %c0_i32_0 = arith.constant 0 : i32
    %c0_i32_1 = arith.constant 0 : i32
    %c0_i32_2 = arith.constant 0 : i32
    return %c0_i32, %c0_i32_0, %c0_i32_1 : i32, i32, i32
  }
  func.func @transform_7(%arg0: i32) -> (i32, i32) {
    %c0_i32 = arith.constant 0 : i32
    %c0_i32_0 = arith.constant 0 : i32
    %c0_i32_1 = arith.constant 0 : i32
    return %c0_i32, %c0_i32_0 : i32, i32
  }
  func.func @transform_8(%arg0: i32) -> (i32, i32) {
    %c0_i32 = arith.constant 0 : i32
    %c0_i32_0 = arith.constant 0 : i32
    %c0_i32_1 = arith.constant 0 : i32
    return %c0_i32, %c0_i32_0 : i32, i32
  }
  func.func @transform_9(%arg0: i32) -> (i32, i32) {
    %c0_i32 = arith.constant 0 : i32
    %c0_i32_0 = arith.constant 0 : i32
    %c0_i32_1 = arith.constant 0 : i32
    return %c0_i32, %c0_i32_0 : i32, i32
  }
  func.func @transform_10(%arg0: i32) -> (i32, i32, i32) {
    %c0_i32 = arith.constant 0 : i32
    %c0_i32_0 = arith.constant 0 : i32
    %c0_i32_1 = arith.constant 0 : i32
    %c0_i32_2 = arith.constant 0 : i32
    return %c0_i32, %c0_i32_0, %c0_i32_1 : i32, i32, i32
  }
  func.func @transform_11(%arg0: i32) -> (i32, i32) {
    %c0_i32 = arith.constant 0 : i32
    %c0_i32_0 = arith.constant 0 : i32
    %c0_i32_1 = arith.constant 0 : i32
    return %c0_i32, %c0_i32_0 : i32, i32
  }
  func.func @transform_12(%arg0: i32) -> (i32, i32) {
    %c0_i32 = arith.constant 0 : i32
    %c0_i32_0 = arith.constant 0 : i32
    %c0_i32_1 = arith.constant 0 : i32
    return %c0_i32, %c0_i32_0 : i32, i32
  }
  func.func @transform_13(%arg0: i32) -> (i32, i32) {
    %c0_i32 = arith.constant 0 : i32
    %c0_i32_0 = arith.constant 0 : i32
    %c0_i32_1 = arith.constant 0 : i32
    return %c0_i32, %c0_i32_0 : i32, i32
  }
  func.func @transform_14(%arg0: i32) -> (i32, i32, i32) {
    %c0_i32 = arith.constant 0 : i32
    %c0_i32_0 = arith.constant 0 : i32
    %c0_i32_1 = arith.constant 0 : i32
    return %arg0, %c0_i32, %c0_i32_0 : i32, i32, i32
  }
  func.func @transform_15(%arg0: i32) -> (i32, i32, i32) {
    %c0_i32 = arith.constant 0 : i32
    %c0_i32_0 = arith.constant 0 : i32
    %c0_i32_1 = arith.constant 0 : i32
    return %arg0, %c0_i32, %c0_i32_0 : i32, i32, i32
  }
  func.func @transform_16(%arg0: i32) -> (i32, i32, i32) {
    %c0_i32 = arith.constant 0 : i32
    %c0_i32_0 = arith.constant 0 : i32
    %c0_i32_1 = arith.constant 0 : i32
    return %arg0, %c0_i32, %c0_i32_0 : i32, i32, i32
  }
}

module attributes {stable_mosaic.version = 14 : i64} {
  func.func @_stage_b_body(%arg0: i32, %arg1: memref<1x1024x128xf32, #tpu.memory_space<vmem>>, %arg2: memref<1x1024x128xf32, #tpu.memory_space<vmem>>, %arg3: memref<1x1024x128xf32, #tpu.memory_space<vmem>>, %arg4: memref<1x1024x128xf32, #tpu.memory_space<vmem>>, %arg5: memref<1x10240x128xf32, #tpu.memory_space<vmem>>, %arg6: memref<1x10240x128xf32, #tpu.memory_space<vmem>>, %arg7: memref<128x128xf32, #tpu.memory_space<vmem>>, %arg8: memref<3x128x128xf32, #tpu.memory_space<vmem>>, %arg9: memref<1x128xf32, #tpu.memory_space<vmem>>, %arg10: memref<3x128x128xf32, #tpu.memory_space<vmem>>, %arg11: memref<1x128xf32, #tpu.memory_space<vmem>>, %arg12: memref<128x256xf32, #tpu.memory_space<vmem>>, %arg13: memref<128x256xf32, #tpu.memory_space<vmem>>, %arg14: memref<128x128xf32, #tpu.memory_space<vmem>>, %arg15: memref<128x128xf32, #tpu.memory_space<vmem>>, %arg16: memref<128x128xf32, #tpu.memory_space<vmem>>, %arg17: memref<128x128xf32, #tpu.memory_space<vmem>>, %arg18: memref<128x128xf32, #tpu.memory_space<vmem>>, %arg19: memref<256x128xf32, #tpu.memory_space<vmem>>, %arg20: memref<1x128x1024xf32, #tpu.memory_space<vmem>>) attributes {dimension_semantics = [#tpu.dimension_semantics<arbitrary>], iteration_bounds = array<i64: 2>, scalar_prefetch = 0 : i64, scratch_operands = 0 : i64, tpu.core_type = #tpu.core_type<tc>, window_params = [{transform_indices = @transform_0, window_bounds = array<i64: 1, 1024, 128>}, {transform_indices = @transform_1, window_bounds = array<i64: 1, 1024, 128>}, {transform_indices = @transform_2, window_bounds = array<i64: 1, 1024, 128>}, {transform_indices = @transform_3, window_bounds = array<i64: 1, 1024, 128>}, {transform_indices = @transform_4, window_bounds = array<i64: 1, 10240, 128>}, {transform_indices = @transform_5, window_bounds = array<i64: 1, 10240, 128>}, {pipeline_mode = #tpu.pipeline_mode<synchronous>, transform_indices = @transform_6, window_bounds = array<i64: 128, 128>}, {pipeline_mode = #tpu.pipeline_mode<synchronous>, transform_indices = @transform_7, window_bounds = array<i64: 3, 128, 128>}, {pipeline_mode = #tpu.pipeline_mode<synchronous>, transform_indices = @transform_8, window_bounds = array<i64: 1, 128>}, {pipeline_mode = #tpu.pipeline_mode<synchronous>, transform_indices = @transform_9, window_bounds = array<i64: 3, 128, 128>}, {pipeline_mode = #tpu.pipeline_mode<synchronous>, transform_indices = @transform_10, window_bounds = array<i64: 1, 128>}, {pipeline_mode = #tpu.pipeline_mode<synchronous>, transform_indices = @transform_11, window_bounds = array<i64: 128, 256>}, {pipeline_mode = #tpu.pipeline_mode<synchronous>, transform_indices = @transform_12, window_bounds = array<i64: 128, 256>}, {pipeline_mode = #tpu.pipeline_mode<synchronous>, transform_indices = @transform_13, window_bounds = array<i64: 128, 128>}, {pipeline_mode = #tpu.pipeline_mode<synchronous>, transform_indices = @transform_14, window_bounds = array<i64: 128, 128>}, {pipeline_mode = #tpu.pipeline_mode<synchronous>, transform_indices = @transform_15, window_bounds = array<i64: 128, 128>}, {pipeline_mode = #tpu.pipeline_mode<synchronous>, transform_indices = @transform_16, window_bounds = array<i64: 128, 128>}, {pipeline_mode = #tpu.pipeline_mode<synchronous>, transform_indices = @transform_17, window_bounds = array<i64: 128, 128>}, {pipeline_mode = #tpu.pipeline_mode<synchronous>, transform_indices = @transform_18, window_bounds = array<i64: 256, 128>}, {transform_indices = @transform_19, window_bounds = array<i64: 1, 128, 1024>}]} {
    %get3A = arith.constant 0 : index
    %get3A_0 = arith.constant 0 : index
    %get3A_1 = arith.constant 0 : index
    %get3A_2 = vector.load %arg1[%get3A, %get3A_0, %get3A_1] : memref<1x1024x128xf32, #tpu.memory_space<vmem>>, vector<1x1024x128xf32>
    %get3A_3 = vector.shape_cast %get3A_2 : vector<1x1024x128xf32> to vector<1024x128xf32>
    %get3A_4 = arith.constant 0 : index
    %get3A_5 = arith.constant 0 : index
    %get3A_6 = arith.constant 0 : index
    %get3A_7 = vector.load %arg2[%get3A_4, %get3A_5, %get3A_6] : memref<1x1024x128xf32, #tpu.memory_space<vmem>>, vector<1x1024x128xf32>
    %get3A_8 = vector.shape_cast %get3A_7 : vector<1x1024x128xf32> to vector<1024x128xf32>
    %get3A_9 = arith.constant 0 : index
    %get3A_10 = arith.constant 0 : index
    %get3A_11 = arith.constant 0 : index
    %get3A_12 = vector.load %arg3[%get3A_9, %get3A_10, %get3A_11] : memref<1x1024x128xf32, #tpu.memory_space<vmem>>, vector<1x1024x128xf32>
    %get3A_13 = vector.shape_cast %get3A_12 : vector<1x1024x128xf32> to vector<1024x128xf32>
    %get3A_14 = arith.constant 0 : index
    %get3A_15 = arith.constant 0 : index
    %get3A_16 = arith.constant 0 : index
    %get3A_17 = vector.load %arg4[%get3A_14, %get3A_15, %get3A_16] : memref<1x1024x128xf32, #tpu.memory_space<vmem>>, vector<1x1024x128xf32>
    %get3A_18 = vector.shape_cast %get3A_17 : vector<1x1024x128xf32> to vector<1024x128xf32>
    %get3A_19 = arith.constant 0 : index
    %get3A_20 = arith.constant 0 : index
    %get3A_21 = vector.load %arg7[%get3A_19, %get3A_20] : memref<128x128xf32, #tpu.memory_space<vmem>>, vector<128x128xf32>
    %dot_general3A = arith.constant dense<0.000000e+00> : vector<1024x128xf32>
    %dot_general3A_22 = tpu.matmul %get3A_8, %get3A_21, %dot_general3A {dimension_numbers = #tpu.dot_dimension_numbers<[1], [0], [0], [1], [0, 0, 1, 1], [], []>, precision = #tpu.contract_precision<fp32>, transpose_lhs_hint = false} : vector<1024x128xf32>, vector<128x128xf32>, vector<1024x128xf32> -> vector<1024x128xf32>
    %get3A_23 = arith.constant 0 : index
    %get3A_24 = arith.constant 0 : index
    %get3A_25 = vector.load %arg9[%get3A_23, %get3A_24] : memref<1x128xf32, #tpu.memory_space<vmem>>, vector<1x128xf32>
    %add3A = vector.broadcast %get3A_25 : vector<1x128xf32> to vector<1024x128xf32>
    %add3A_26 = arith.addf %dot_general3A_22, %add3A : vector<1024x128xf32>
    %get3A_27 = arith.constant 0 : index
    %get3A_28 = arith.constant 0 : index
    %get3A_29 = vector.load %arg12[%get3A_27, %get3A_28] : memref<128x256xf32, #tpu.memory_space<vmem>>, vector<128x256xf32>
    %dot_general3A_30 = arith.constant dense<0.000000e+00> : vector<1024x256xf32>
    %dot_general3A_31 = tpu.matmul %get3A_13, %get3A_29, %dot_general3A_30 {dimension_numbers = #tpu.dot_dimension_numbers<[1], [0], [0], [1], [0, 0, 1, 1], [], []>, precision = #tpu.contract_precision<fp32>, transpose_lhs_hint = false} : vector<1024x128xf32>, vector<128x256xf32>, vector<1024x256xf32> -> vector<1024x256xf32>
    %broadcast_in_dim3A = arith.constant 0.000000e+00 : f32
    %broadcast_in_dim3A_32 = vector.broadcast %broadcast_in_dim3A : f32 to vector<1x256xf32>
    %broadcast_in_dim3A_33 = arith.constant 0.000000e+00 : f32
    %broadcast_in_dim3A_34 = vector.broadcast %broadcast_in_dim3A_33 : f32 to vector<1x256xf32>
    %broadcast_in_dim3A_35 = arith.constant 0xFF800000 : f32
    %broadcast_in_dim3A_36 = vector.broadcast %broadcast_in_dim3A_35 : f32 to vector<1024x256xf32>
    %get3A_37 = arith.constant 0 : index
    %get3A_38 = arith.constant 0 : index
    %get3A_39 = arith.constant 0 : index
    %get3A_40 = vector.load %arg5[%get3A_37, %get3A_38, %get3A_39] : memref<1x10240x128xf32, #tpu.memory_space<vmem>>, vector<1x1024x128xf32>
    %get3A_41 = vector.shape_cast %get3A_40 : vector<1x1024x128xf32> to vector<1024x128xf32>
    %sub3A = arith.subf %get3A_41, %get3A_8 : vector<1024x128xf32>
    %get3A_42 = arith.constant 0 : index
    %get3A_43 = arith.constant 0 : index
    %get3A_44 = arith.constant 0 : index
    %get3A_45 = vector.load %arg8[%get3A_42, %get3A_43, %get3A_44] : memref<3x128x128xf32, #tpu.memory_space<vmem>>, vector<1x128x128xf32>
    %get3A_46 = vector.shape_cast %get3A_45 : vector<1x128x128xf32> to vector<128x128xf32>
    %dot_general3A_47 = arith.constant dense<0.000000e+00> : vector<1024x128xf32>
    %dot_general3A_48 = tpu.matmul %sub3A, %get3A_46, %dot_general3A_47 {dimension_numbers = #tpu.dot_dimension_numbers<[1], [0], [0], [1], [0, 0, 1, 1], [], []>, precision = #tpu.contract_precision<fp32>, transpose_lhs_hint = false} : vector<1024x128xf32>, vector<128x128xf32>, vector<1024x128xf32> -> vector<1024x128xf32>
    %add3A_49 = arith.addf %add3A_26, %dot_general3A_48 : vector<1024x128xf32>
    %get3A_50 = arith.constant 0 : index
    %get3A_51 = arith.constant 0 : index
    %get3A_52 = arith.constant 0 : index
    %get3A_53 = vector.load %arg6[%get3A_50, %get3A_51, %get3A_52] : memref<1x10240x128xf32, #tpu.memory_space<vmem>>, vector<1x1024x128xf32>
    %get3A_54 = vector.shape_cast %get3A_53 : vector<1x1024x128xf32> to vector<1024x128xf32>
    %sub3A_55 = arith.subf %get3A_54, %get3A_13 : vector<1024x128xf32>
    %get3A_56 = arith.constant 0 : index
    %get3A_57 = arith.constant 0 : index
    %get3A_58 = vector.load %arg13[%get3A_56, %get3A_57] : memref<128x256xf32, #tpu.memory_space<vmem>>, vector<128x256xf32>
    %dot_general3A_59 = arith.constant dense<0.000000e+00> : vector<1024x256xf32>
    %dot_general3A_60 = tpu.matmul %sub3A_55, %get3A_58, %dot_general3A_59 {dimension_numbers = #tpu.dot_dimension_numbers<[1], [0], [0], [1], [0, 0, 1, 1], [], []>, precision = #tpu.contract_precision<fp32>, transpose_lhs_hint = false} : vector<1024x128xf32>, vector<128x256xf32>, vector<1024x256xf32> -> vector<1024x256xf32>
    %add3A_61 = arith.addf %dot_general3A_31, %dot_general3A_60 : vector<1024x256xf32>
    %reduce_sum3A = arith.constant dense<0.000000e+00> : vector<256xf32>
    %reduce_sum3A_62 = vector.multi_reduction <add>, %add3A_61, %reduce_sum3A [0] : vector<1024x256xf32> to vector<256xf32>
    %broadcast_in_dim3A_63 = vector.shape_cast %reduce_sum3A_62 : vector<256xf32> to vector<1x256xf32>
    %add3A_64 = arith.addf %broadcast_in_dim3A_32, %broadcast_in_dim3A_63 : vector<1x256xf32>
    %mul3A = arith.mulf %add3A_61, %add3A_61 : vector<1024x256xf32>
    %reduce_sum3A_65 = arith.constant dense<0.000000e+00> : vector<256xf32>
    %reduce_sum3A_66 = vector.multi_reduction <add>, %mul3A, %reduce_sum3A_65 [0] : vector<1024x256xf32> to vector<256xf32>
    %broadcast_in_dim3A_67 = vector.shape_cast %reduce_sum3A_66 : vector<256xf32> to vector<1x256xf32>
    %add3A_68 = arith.addf %broadcast_in_dim3A_34, %broadcast_in_dim3A_67 : vector<1x256xf32>
    %max3A = arith.maximumf %broadcast_in_dim3A_36, %add3A_61 : vector<1024x256xf32>
    %get3A_69 = arith.constant 0 : index
    %get3A_70 = arith.constant 1024 : index
    %get3A_71 = arith.constant 0 : index
    %get3A_72 = vector.load %arg5[%get3A_69, %get3A_70, %get3A_71] : memref<1x10240x128xf32, #tpu.memory_space<vmem>>, vector<1x1024x128xf32>
    %get3A_73 = vector.shape_cast %get3A_72 : vector<1x1024x128xf32> to vector<1024x128xf32>
    %sub3A_74 = arith.subf %get3A_73, %get3A_8 : vector<1024x128xf32>
    %get3A_75 = arith.constant 1 : index
    %get3A_76 = arith.constant 0 : index
    %get3A_77 = arith.constant 0 : index
    %get3A_78 = vector.load %arg8[%get3A_75, %get3A_76, %get3A_77] : memref<3x128x128xf32, #tpu.memory_space<vmem>>, vector<1x128x128xf32>
    %get3A_79 = vector.shape_cast %get3A_78 : vector<1x128x128xf32> to vector<128x128xf32>
    %dot_general3A_80 = arith.constant dense<0.000000e+00> : vector<1024x128xf32>
    %dot_general3A_81 = tpu.matmul %sub3A_74, %get3A_79, %dot_general3A_80 {dimension_numbers = #tpu.dot_dimension_numbers<[1], [0], [0], [1], [0, 0, 1, 1], [], []>, precision = #tpu.contract_precision<fp32>, transpose_lhs_hint = false} : vector<1024x128xf32>, vector<128x128xf32>, vector<1024x128xf32> -> vector<1024x128xf32>
    %add3A_82 = arith.addf %add3A_49, %dot_general3A_81 : vector<1024x128xf32>
    %get3A_83 = arith.constant 0 : index
    %get3A_84 = arith.constant 1024 : index
    %get3A_85 = arith.constant 0 : index
    %get3A_86 = vector.load %arg6[%get3A_83, %get3A_84, %get3A_85] : memref<1x10240x128xf32, #tpu.memory_space<vmem>>, vector<1x1024x128xf32>
    %get3A_87 = vector.shape_cast %get3A_86 : vector<1x1024x128xf32> to vector<1024x128xf32>
    %sub3A_88 = arith.subf %get3A_87, %get3A_13 : vector<1024x128xf32>
    %get3A_89 = arith.constant 0 : index
    %get3A_90 = arith.constant 0 : index
    %get3A_91 = vector.load %arg13[%get3A_89, %get3A_90] : memref<128x256xf32, #tpu.memory_space<vmem>>, vector<128x256xf32>
    %dot_general3A_92 = arith.constant dense<0.000000e+00> : vector<1024x256xf32>
    %dot_general3A_93 = tpu.matmul %sub3A_88, %get3A_91, %dot_general3A_92 {dimension_numbers = #tpu.dot_dimension_numbers<[1], [0], [0], [1], [0, 0, 1, 1], [], []>, precision = #tpu.contract_precision<fp32>, transpose_lhs_hint = false} : vector<1024x128xf32>, vector<128x256xf32>, vector<1024x256xf32> -> vector<1024x256xf32>
    %add3A_94 = arith.addf %dot_general3A_31, %dot_general3A_93 : vector<1024x256xf32>
    %reduce_sum3A_95 = arith.constant dense<0.000000e+00> : vector<256xf32>
    %reduce_sum3A_96 = vector.multi_reduction <add>, %add3A_94, %reduce_sum3A_95 [0] : vector<1024x256xf32> to vector<256xf32>
    %broadcast_in_dim3A_97 = vector.shape_cast %reduce_sum3A_96 : vector<256xf32> to vector<1x256xf32>
    %add3A_98 = arith.addf %add3A_64, %broadcast_in_dim3A_97 : vector<1x256xf32>
    %mul3A_99 = arith.mulf %add3A_94, %add3A_94 : vector<1024x256xf32>
    %reduce_sum3A_100 = arith.constant dense<0.000000e+00> : vector<256xf32>
    %reduce_sum3A_101 = vector.multi_reduction <add>, %mul3A_99, %reduce_sum3A_100 [0] : vector<1024x256xf32> to vector<256xf32>
    %broadcast_in_dim3A_102 = vector.shape_cast %reduce_sum3A_101 : vector<256xf32> to vector<1x256xf32>
    %add3A_103 = arith.addf %add3A_68, %broadcast_in_dim3A_102 : vector<1x256xf32>
    %max3A_104 = arith.maximumf %max3A, %add3A_94 : vector<1024x256xf32>
    %get3A_105 = arith.constant 0 : index
    %get3A_106 = arith.constant 2048 : index
    %get3A_107 = arith.constant 0 : index
    %get3A_108 = vector.load %arg5[%get3A_105, %get3A_106, %get3A_107] : memref<1x10240x128xf32, #tpu.memory_space<vmem>>, vector<1x1024x128xf32>
    %get3A_109 = vector.shape_cast %get3A_108 : vector<1x1024x128xf32> to vector<1024x128xf32>
    %sub3A_110 = arith.subf %get3A_109, %get3A_8 : vector<1024x128xf32>
    %get3A_111 = arith.constant 2 : index
    %get3A_112 = arith.constant 0 : index
    %get3A_113 = arith.constant 0 : index
    %get3A_114 = vector.load %arg8[%get3A_111, %get3A_112, %get3A_113] : memref<3x128x128xf32, #tpu.memory_space<vmem>>, vector<1x128x128xf32>
    %get3A_115 = vector.shape_cast %get3A_114 : vector<1x128x128xf32> to vector<128x128xf32>
    %dot_general3A_116 = arith.constant dense<0.000000e+00> : vector<1024x128xf32>
    %dot_general3A_117 = tpu.matmul %sub3A_110, %get3A_115, %dot_general3A_116 {dimension_numbers = #tpu.dot_dimension_numbers<[1], [0], [0], [1], [0, 0, 1, 1], [], []>, precision = #tpu.contract_precision<fp32>, transpose_lhs_hint = false} : vector<1024x128xf32>, vector<128x128xf32>, vector<1024x128xf32> -> vector<1024x128xf32>
    %add3A_118 = arith.addf %add3A_82, %dot_general3A_117 : vector<1024x128xf32>
    %get3A_119 = arith.constant 0 : index
    %get3A_120 = arith.constant 2048 : index
    %get3A_121 = arith.constant 0 : index
    %get3A_122 = vector.load %arg6[%get3A_119, %get3A_120, %get3A_121] : memref<1x10240x128xf32, #tpu.memory_space<vmem>>, vector<1x1024x128xf32>
    %get3A_123 = vector.shape_cast %get3A_122 : vector<1x1024x128xf32> to vector<1024x128xf32>
    %sub3A_124 = arith.subf %get3A_123, %get3A_13 : vector<1024x128xf32>
    %get3A_125 = arith.constant 0 : index
    %get3A_126 = arith.constant 0 : index
    %get3A_127 = vector.load %arg13[%get3A_125, %get3A_126] : memref<128x256xf32, #tpu.memory_space<vmem>>, vector<128x256xf32>
    %dot_general3A_128 = arith.constant dense<0.000000e+00> : vector<1024x256xf32>
    %dot_general3A_129 = tpu.matmul %sub3A_124, %get3A_127, %dot_general3A_128 {dimension_numbers = #tpu.dot_dimension_numbers<[1], [0], [0], [1], [0, 0, 1, 1], [], []>, precision = #tpu.contract_precision<fp32>, transpose_lhs_hint = false} : vector<1024x128xf32>, vector<128x256xf32>, vector<1024x256xf32> -> vector<1024x256xf32>
    %add3A_130 = arith.addf %dot_general3A_31, %dot_general3A_129 : vector<1024x256xf32>
    %reduce_sum3A_131 = arith.constant dense<0.000000e+00> : vector<256xf32>
    %reduce_sum3A_132 = vector.multi_reduction <add>, %add3A_130, %reduce_sum3A_131 [0] : vector<1024x256xf32> to vector<256xf32>
    %broadcast_in_dim3A_133 = vector.shape_cast %reduce_sum3A_132 : vector<256xf32> to vector<1x256xf32>
    %add3A_134 = arith.addf %add3A_98, %broadcast_in_dim3A_133 : vector<1x256xf32>
    %mul3A_135 = arith.mulf %add3A_130, %add3A_130 : vector<1024x256xf32>
    %reduce_sum3A_136 = arith.constant dense<0.000000e+00> : vector<256xf32>
    %reduce_sum3A_137 = vector.multi_reduction <add>, %mul3A_135, %reduce_sum3A_136 [0] : vector<1024x256xf32> to vector<256xf32>
    %broadcast_in_dim3A_138 = vector.shape_cast %reduce_sum3A_137 : vector<256xf32> to vector<1x256xf32>
    %add3A_139 = arith.addf %add3A_103, %broadcast_in_dim3A_138 : vector<1x256xf32>
    %max3A_140 = arith.maximumf %max3A_104, %add3A_130 : vector<1024x256xf32>
    %get3A_141 = arith.constant 0 : index
    %get3A_142 = arith.constant 3072 : index
    %get3A_143 = arith.constant 0 : index
    %get3A_144 = vector.load %arg5[%get3A_141, %get3A_142, %get3A_143] : memref<1x10240x128xf32, #tpu.memory_space<vmem>>, vector<1x1024x128xf32>
    %get3A_145 = vector.shape_cast %get3A_144 : vector<1x1024x128xf32> to vector<1024x128xf32>
    %sub3A_146 = arith.subf %get3A_145, %get3A_8 : vector<1024x128xf32>
    %get3A_147 = arith.constant 0 : index
    %get3A_148 = arith.constant 0 : index
    %get3A_149 = arith.constant 0 : index
    %get3A_150 = vector.load %arg8[%get3A_147, %get3A_148, %get3A_149] : memref<3x128x128xf32, #tpu.memory_space<vmem>>, vector<1x128x128xf32>
    %get3A_151 = vector.shape_cast %get3A_150 : vector<1x128x128xf32> to vector<128x128xf32>
    %dot_general3A_152 = arith.constant dense<0.000000e+00> : vector<1024x128xf32>
    %dot_general3A_153 = tpu.matmul %sub3A_146, %get3A_151, %dot_general3A_152 {dimension_numbers = #tpu.dot_dimension_numbers<[1], [0], [0], [1], [0, 0, 1, 1], [], []>, precision = #tpu.contract_precision<fp32>, transpose_lhs_hint = false} : vector<1024x128xf32>, vector<128x128xf32>, vector<1024x128xf32> -> vector<1024x128xf32>
    %add3A_154 = arith.addf %add3A_26, %dot_general3A_153 : vector<1024x128xf32>
    %get3A_155 = arith.constant 0 : index
    %get3A_156 = arith.constant 3072 : index
    %get3A_157 = arith.constant 0 : index
    %get3A_158 = vector.load %arg6[%get3A_155, %get3A_156, %get3A_157] : memref<1x10240x128xf32, #tpu.memory_space<vmem>>, vector<1x1024x128xf32>
    %get3A_159 = vector.shape_cast %get3A_158 : vector<1x1024x128xf32> to vector<1024x128xf32>
    %sub3A_160 = arith.subf %get3A_159, %get3A_13 : vector<1024x128xf32>
    %get3A_161 = arith.constant 0 : index
    %get3A_162 = arith.constant 0 : index
    %get3A_163 = vector.load %arg13[%get3A_161, %get3A_162] : memref<128x256xf32, #tpu.memory_space<vmem>>, vector<128x256xf32>
    %dot_general3A_164 = arith.constant dense<0.000000e+00> : vector<1024x256xf32>
    %dot_general3A_165 = tpu.matmul %sub3A_160, %get3A_163, %dot_general3A_164 {dimension_numbers = #tpu.dot_dimension_numbers<[1], [0], [0], [1], [0, 0, 1, 1], [], []>, precision = #tpu.contract_precision<fp32>, transpose_lhs_hint = false} : vector<1024x128xf32>, vector<128x256xf32>, vector<1024x256xf32> -> vector<1024x256xf32>
    %add3A_166 = arith.addf %dot_general3A_31, %dot_general3A_165 : vector<1024x256xf32>
    %reduce_sum3A_167 = arith.constant dense<0.000000e+00> : vector<256xf32>
    %reduce_sum3A_168 = vector.multi_reduction <add>, %add3A_166, %reduce_sum3A_167 [0] : vector<1024x256xf32> to vector<256xf32>
    %broadcast_in_dim3A_169 = vector.shape_cast %reduce_sum3A_168 : vector<256xf32> to vector<1x256xf32>
    %add3A_170 = arith.addf %add3A_134, %broadcast_in_dim3A_169 : vector<1x256xf32>
    %mul3A_171 = arith.mulf %add3A_166, %add3A_166 : vector<1024x256xf32>
    %reduce_sum3A_172 = arith.constant dense<0.000000e+00> : vector<256xf32>
    %reduce_sum3A_173 = vector.multi_reduction <add>, %mul3A_171, %reduce_sum3A_172 [0] : vector<1024x256xf32> to vector<256xf32>
    %broadcast_in_dim3A_174 = vector.shape_cast %reduce_sum3A_173 : vector<256xf32> to vector<1x256xf32>
    %add3A_175 = arith.addf %add3A_139, %broadcast_in_dim3A_174 : vector<1x256xf32>
    %max3A_176 = arith.maximumf %max3A_140, %add3A_166 : vector<1024x256xf32>
    %get3A_177 = arith.constant 0 : index
    %get3A_178 = arith.constant 4096 : index
    %get3A_179 = arith.constant 0 : index
    %get3A_180 = vector.load %arg5[%get3A_177, %get3A_178, %get3A_179] : memref<1x10240x128xf32, #tpu.memory_space<vmem>>, vector<1x1024x128xf32>
    %get3A_181 = vector.shape_cast %get3A_180 : vector<1x1024x128xf32> to vector<1024x128xf32>
    %sub3A_182 = arith.subf %get3A_181, %get3A_8 : vector<1024x128xf32>
    %get3A_183 = arith.constant 1 : index
    %get3A_184 = arith.constant 0 : index
    %get3A_185 = arith.constant 0 : index
    %get3A_186 = vector.load %arg8[%get3A_183, %get3A_184, %get3A_185] : memref<3x128x128xf32, #tpu.memory_space<vmem>>, vector<1x128x128xf32>
    %get3A_187 = vector.shape_cast %get3A_186 : vector<1x128x128xf32> to vector<128x128xf32>
    %dot_general3A_188 = arith.constant dense<0.000000e+00> : vector<1024x128xf32>
    %dot_general3A_189 = tpu.matmul %sub3A_182, %get3A_187, %dot_general3A_188 {dimension_numbers = #tpu.dot_dimension_numbers<[1], [0], [0], [1], [0, 0, 1, 1], [], []>, precision = #tpu.contract_precision<fp32>, transpose_lhs_hint = false} : vector<1024x128xf32>, vector<128x128xf32>, vector<1024x128xf32> -> vector<1024x128xf32>
    %add3A_190 = arith.addf %add3A_154, %dot_general3A_189 : vector<1024x128xf32>
    %get3A_191 = arith.constant 0 : index
    %get3A_192 = arith.constant 4096 : index
    %get3A_193 = arith.constant 0 : index
    %get3A_194 = vector.load %arg6[%get3A_191, %get3A_192, %get3A_193] : memref<1x10240x128xf32, #tpu.memory_space<vmem>>, vector<1x1024x128xf32>
    %get3A_195 = vector.shape_cast %get3A_194 : vector<1x1024x128xf32> to vector<1024x128xf32>
    %sub3A_196 = arith.subf %get3A_195, %get3A_13 : vector<1024x128xf32>
    %get3A_197 = arith.constant 0 : index
    %get3A_198 = arith.constant 0 : index
    %get3A_199 = vector.load %arg13[%get3A_197, %get3A_198] : memref<128x256xf32, #tpu.memory_space<vmem>>, vector<128x256xf32>
    %dot_general3A_200 = arith.constant dense<0.000000e+00> : vector<1024x256xf32>
    %dot_general3A_201 = tpu.matmul %sub3A_196, %get3A_199, %dot_general3A_200 {dimension_numbers = #tpu.dot_dimension_numbers<[1], [0], [0], [1], [0, 0, 1, 1], [], []>, precision = #tpu.contract_precision<fp32>, transpose_lhs_hint = false} : vector<1024x128xf32>, vector<128x256xf32>, vector<1024x256xf32> -> vector<1024x256xf32>
    %add3A_202 = arith.addf %dot_general3A_31, %dot_general3A_201 : vector<1024x256xf32>
    %reduce_sum3A_203 = arith.constant dense<0.000000e+00> : vector<256xf32>
    %reduce_sum3A_204 = vector.multi_reduction <add>, %add3A_202, %reduce_sum3A_203 [0] : vector<1024x256xf32> to vector<256xf32>
    %broadcast_in_dim3A_205 = vector.shape_cast %reduce_sum3A_204 : vector<256xf32> to vector<1x256xf32>
    %add3A_206 = arith.addf %add3A_170, %broadcast_in_dim3A_205 : vector<1x256xf32>
    %mul3A_207 = arith.mulf %add3A_202, %add3A_202 : vector<1024x256xf32>
    %reduce_sum3A_208 = arith.constant dense<0.000000e+00> : vector<256xf32>
    %reduce_sum3A_209 = vector.multi_reduction <add>, %mul3A_207, %reduce_sum3A_208 [0] : vector<1024x256xf32> to vector<256xf32>
    %broadcast_in_dim3A_210 = vector.shape_cast %reduce_sum3A_209 : vector<256xf32> to vector<1x256xf32>
    %add3A_211 = arith.addf %add3A_175, %broadcast_in_dim3A_210 : vector<1x256xf32>
    %max3A_212 = arith.maximumf %max3A_176, %add3A_202 : vector<1024x256xf32>
    %get3A_213 = arith.constant 0 : index
    %get3A_214 = arith.constant 5120 : index
    %get3A_215 = arith.constant 0 : index
    %get3A_216 = vector.load %arg5[%get3A_213, %get3A_214, %get3A_215] : memref<1x10240x128xf32, #tpu.memory_space<vmem>>, vector<1x1024x128xf32>
    %get3A_217 = vector.shape_cast %get3A_216 : vector<1x1024x128xf32> to vector<1024x128xf32>
    %sub3A_218 = arith.subf %get3A_217, %get3A_8 : vector<1024x128xf32>
    %get3A_219 = arith.constant 2 : index
    %get3A_220 = arith.constant 0 : index
    %get3A_221 = arith.constant 0 : index
    %get3A_222 = vector.load %arg8[%get3A_219, %get3A_220, %get3A_221] : memref<3x128x128xf32, #tpu.memory_space<vmem>>, vector<1x128x128xf32>
    %get3A_223 = vector.shape_cast %get3A_222 : vector<1x128x128xf32> to vector<128x128xf32>
    %dot_general3A_224 = arith.constant dense<0.000000e+00> : vector<1024x128xf32>
    %dot_general3A_225 = tpu.matmul %sub3A_218, %get3A_223, %dot_general3A_224 {dimension_numbers = #tpu.dot_dimension_numbers<[1], [0], [0], [1], [0, 0, 1, 1], [], []>, precision = #tpu.contract_precision<fp32>, transpose_lhs_hint = false} : vector<1024x128xf32>, vector<128x128xf32>, vector<1024x128xf32> -> vector<1024x128xf32>
    %add3A_226 = arith.addf %add3A_190, %dot_general3A_225 : vector<1024x128xf32>
    %get3A_227 = arith.constant 0 : index
    %get3A_228 = arith.constant 5120 : index
    %get3A_229 = arith.constant 0 : index
    %get3A_230 = vector.load %arg6[%get3A_227, %get3A_228, %get3A_229] : memref<1x10240x128xf32, #tpu.memory_space<vmem>>, vector<1x1024x128xf32>
    %get3A_231 = vector.shape_cast %get3A_230 : vector<1x1024x128xf32> to vector<1024x128xf32>
    %sub3A_232 = arith.subf %get3A_231, %get3A_13 : vector<1024x128xf32>
    %get3A_233 = arith.constant 0 : index
    %get3A_234 = arith.constant 0 : index
    %get3A_235 = vector.load %arg13[%get3A_233, %get3A_234] : memref<128x256xf32, #tpu.memory_space<vmem>>, vector<128x256xf32>
    %dot_general3A_236 = arith.constant dense<0.000000e+00> : vector<1024x256xf32>
    %dot_general3A_237 = tpu.matmul %sub3A_232, %get3A_235, %dot_general3A_236 {dimension_numbers = #tpu.dot_dimension_numbers<[1], [0], [0], [1], [0, 0, 1, 1], [], []>, precision = #tpu.contract_precision<fp32>, transpose_lhs_hint = false} : vector<1024x128xf32>, vector<128x256xf32>, vector<1024x256xf32> -> vector<1024x256xf32>
    %add3A_238 = arith.addf %dot_general3A_31, %dot_general3A_237 : vector<1024x256xf32>
    %reduce_sum3A_239 = arith.constant dense<0.000000e+00> : vector<256xf32>
    %reduce_sum3A_240 = vector.multi_reduction <add>, %add3A_238, %reduce_sum3A_239 [0] : vector<1024x256xf32> to vector<256xf32>
    %broadcast_in_dim3A_241 = vector.shape_cast %reduce_sum3A_240 : vector<256xf32> to vector<1x256xf32>
    %add3A_242 = arith.addf %add3A_206, %broadcast_in_dim3A_241 : vector<1x256xf32>
    %mul3A_243 = arith.mulf %add3A_238, %add3A_238 : vector<1024x256xf32>
    %reduce_sum3A_244 = arith.constant dense<0.000000e+00> : vector<256xf32>
    %reduce_sum3A_245 = vector.multi_reduction <add>, %mul3A_243, %reduce_sum3A_244 [0] : vector<1024x256xf32> to vector<256xf32>
    %broadcast_in_dim3A_246 = vector.shape_cast %reduce_sum3A_245 : vector<256xf32> to vector<1x256xf32>
    %add3A_247 = arith.addf %add3A_211, %broadcast_in_dim3A_246 : vector<1x256xf32>
    %max3A_248 = arith.maximumf %max3A_212, %add3A_238 : vector<1024x256xf32>
    %get3A_249 = arith.constant 0 : index
    %get3A_250 = arith.constant 6144 : index
    %get3A_251 = arith.constant 0 : index
    %get3A_252 = vector.load %arg5[%get3A_249, %get3A_250, %get3A_251] : memref<1x10240x128xf32, #tpu.memory_space<vmem>>, vector<1x1024x128xf32>
    %get3A_253 = vector.shape_cast %get3A_252 : vector<1x1024x128xf32> to vector<1024x128xf32>
    %sub3A_254 = arith.subf %get3A_253, %get3A_8 : vector<1024x128xf32>
    %get3A_255 = arith.constant 0 : index
    %get3A_256 = arith.constant 0 : index
    %get3A_257 = arith.constant 0 : index
    %get3A_258 = vector.load %arg8[%get3A_255, %get3A_256, %get3A_257] : memref<3x128x128xf32, #tpu.memory_space<vmem>>, vector<1x128x128xf32>
    %get3A_259 = vector.shape_cast %get3A_258 : vector<1x128x128xf32> to vector<128x128xf32>
    %dot_general3A_260 = arith.constant dense<0.000000e+00> : vector<1024x128xf32>
    %dot_general3A_261 = tpu.matmul %sub3A_254, %get3A_259, %dot_general3A_260 {dimension_numbers = #tpu.dot_dimension_numbers<[1], [0], [0], [1], [0, 0, 1, 1], [], []>, precision = #tpu.contract_precision<fp32>, transpose_lhs_hint = false} : vector<1024x128xf32>, vector<128x128xf32>, vector<1024x128xf32> -> vector<1024x128xf32>
    %add3A_262 = arith.addf %add3A_26, %dot_general3A_261 : vector<1024x128xf32>
    %get3A_263 = arith.constant 0 : index
    %get3A_264 = arith.constant 6144 : index
    %get3A_265 = arith.constant 0 : index
    %get3A_266 = vector.load %arg6[%get3A_263, %get3A_264, %get3A_265] : memref<1x10240x128xf32, #tpu.memory_space<vmem>>, vector<1x1024x128xf32>
    %get3A_267 = vector.shape_cast %get3A_266 : vector<1x1024x128xf32> to vector<1024x128xf32>
    %sub3A_268 = arith.subf %get3A_267, %get3A_13 : vector<1024x128xf32>
    %get3A_269 = arith.constant 0 : index
    %get3A_270 = arith.constant 0 : index
    %get3A_271 = vector.load %arg13[%get3A_269, %get3A_270] : memref<128x256xf32, #tpu.memory_space<vmem>>, vector<128x256xf32>
    %dot_general3A_272 = arith.constant dense<0.000000e+00> : vector<1024x256xf32>
    %dot_general3A_273 = tpu.matmul %sub3A_268, %get3A_271, %dot_general3A_272 {dimension_numbers = #tpu.dot_dimension_numbers<[1], [0], [0], [1], [0, 0, 1, 1], [], []>, precision = #tpu.contract_precision<fp32>, transpose_lhs_hint = false} : vector<1024x128xf32>, vector<128x256xf32>, vector<1024x256xf32> -> vector<1024x256xf32>
    %add3A_274 = arith.addf %dot_general3A_31, %dot_general3A_273 : vector<1024x256xf32>
    %reduce_sum3A_275 = arith.constant dense<0.000000e+00> : vector<256xf32>
    %reduce_sum3A_276 = vector.multi_reduction <add>, %add3A_274, %reduce_sum3A_275 [0] : vector<1024x256xf32> to vector<256xf32>
    %broadcast_in_dim3A_277 = vector.shape_cast %reduce_sum3A_276 : vector<256xf32> to vector<1x256xf32>
    %add3A_278 = arith.addf %add3A_242, %broadcast_in_dim3A_277 : vector<1x256xf32>
    %mul3A_279 = arith.mulf %add3A_274, %add3A_274 : vector<1024x256xf32>
    %reduce_sum3A_280 = arith.constant dense<0.000000e+00> : vector<256xf32>
    %reduce_sum3A_281 = vector.multi_reduction <add>, %mul3A_279, %reduce_sum3A_280 [0] : vector<1024x256xf32> to vector<256xf32>
    %broadcast_in_dim3A_282 = vector.shape_cast %reduce_sum3A_281 : vector<256xf32> to vector<1x256xf32>
    %add3A_283 = arith.addf %add3A_247, %broadcast_in_dim3A_282 : vector<1x256xf32>
    %max3A_284 = arith.maximumf %max3A_248, %add3A_274 : vector<1024x256xf32>
    %get3A_285 = arith.constant 0 : index
    %get3A_286 = arith.constant 7168 : index
    %get3A_287 = arith.constant 0 : index
    %get3A_288 = vector.load %arg5[%get3A_285, %get3A_286, %get3A_287] : memref<1x10240x128xf32, #tpu.memory_space<vmem>>, vector<1x1024x128xf32>
    %get3A_289 = vector.shape_cast %get3A_288 : vector<1x1024x128xf32> to vector<1024x128xf32>
    %sub3A_290 = arith.subf %get3A_289, %get3A_8 : vector<1024x128xf32>
    %get3A_291 = arith.constant 1 : index
    %get3A_292 = arith.constant 0 : index
    %get3A_293 = arith.constant 0 : index
    %get3A_294 = vector.load %arg8[%get3A_291, %get3A_292, %get3A_293] : memref<3x128x128xf32, #tpu.memory_space<vmem>>, vector<1x128x128xf32>
    %get3A_295 = vector.shape_cast %get3A_294 : vector<1x128x128xf32> to vector<128x128xf32>
    %dot_general3A_296 = arith.constant dense<0.000000e+00> : vector<1024x128xf32>
    %dot_general3A_297 = tpu.matmul %sub3A_290, %get3A_295, %dot_general3A_296 {dimension_numbers = #tpu.dot_dimension_numbers<[1], [0], [0], [1], [0, 0, 1, 1], [], []>, precision = #tpu.contract_precision<fp32>, transpose_lhs_hint = false} : vector<1024x128xf32>, vector<128x128xf32>, vector<1024x128xf32> -> vector<1024x128xf32>
    %add3A_298 = arith.addf %add3A_262, %dot_general3A_297 : vector<1024x128xf32>
    %get3A_299 = arith.constant 0 : index
    %get3A_300 = arith.constant 7168 : index
    %get3A_301 = arith.constant 0 : index
    %get3A_302 = vector.load %arg6[%get3A_299, %get3A_300, %get3A_301] : memref<1x10240x128xf32, #tpu.memory_space<vmem>>, vector<1x1024x128xf32>
    %get3A_303 = vector.shape_cast %get3A_302 : vector<1x1024x128xf32> to vector<1024x128xf32>
    %sub3A_304 = arith.subf %get3A_303, %get3A_13 : vector<1024x128xf32>
    %get3A_305 = arith.constant 0 : index
    %get3A_306 = arith.constant 0 : index
    %get3A_307 = vector.load %arg13[%get3A_305, %get3A_306] : memref<128x256xf32, #tpu.memory_space<vmem>>, vector<128x256xf32>
    %dot_general3A_308 = arith.constant dense<0.000000e+00> : vector<1024x256xf32>
    %dot_general3A_309 = tpu.matmul %sub3A_304, %get3A_307, %dot_general3A_308 {dimension_numbers = #tpu.dot_dimension_numbers<[1], [0], [0], [1], [0, 0, 1, 1], [], []>, precision = #tpu.contract_precision<fp32>, transpose_lhs_hint = false} : vector<1024x128xf32>, vector<128x256xf32>, vector<1024x256xf32> -> vector<1024x256xf32>
    %add3A_310 = arith.addf %dot_general3A_31, %dot_general3A_309 : vector<1024x256xf32>
    %reduce_sum3A_311 = arith.constant dense<0.000000e+00> : vector<256xf32>
    %reduce_sum3A_312 = vector.multi_reduction <add>, %add3A_310, %reduce_sum3A_311 [0] : vector<1024x256xf32> to vector<256xf32>
    %broadcast_in_dim3A_313 = vector.shape_cast %reduce_sum3A_312 : vector<256xf32> to vector<1x256xf32>
    %add3A_314 = arith.addf %add3A_278, %broadcast_in_dim3A_313 : vector<1x256xf32>
    %mul3A_315 = arith.mulf %add3A_310, %add3A_310 : vector<1024x256xf32>
    %reduce_sum3A_316 = arith.constant dense<0.000000e+00> : vector<256xf32>
    %reduce_sum3A_317 = vector.multi_reduction <add>, %mul3A_315, %reduce_sum3A_316 [0] : vector<1024x256xf32> to vector<256xf32>
    %broadcast_in_dim3A_318 = vector.shape_cast %reduce_sum3A_317 : vector<256xf32> to vector<1x256xf32>
    %add3A_319 = arith.addf %add3A_283, %broadcast_in_dim3A_318 : vector<1x256xf32>
    %max3A_320 = arith.maximumf %max3A_284, %add3A_310 : vector<1024x256xf32>
    %get3A_321 = arith.constant 0 : index
    %get3A_322 = arith.constant 8192 : index
    %get3A_323 = arith.constant 0 : index
    %get3A_324 = vector.load %arg5[%get3A_321, %get3A_322, %get3A_323] : memref<1x10240x128xf32, #tpu.memory_space<vmem>>, vector<1x1024x128xf32>
    %get3A_325 = vector.shape_cast %get3A_324 : vector<1x1024x128xf32> to vector<1024x128xf32>
    %sub3A_326 = arith.subf %get3A_325, %get3A_8 : vector<1024x128xf32>
    %get3A_327 = arith.constant 2 : index
    %get3A_328 = arith.constant 0 : index
    %get3A_329 = arith.constant 0 : index
    %get3A_330 = vector.load %arg8[%get3A_327, %get3A_328, %get3A_329] : memref<3x128x128xf32, #tpu.memory_space<vmem>>, vector<1x128x128xf32>
    %get3A_331 = vector.shape_cast %get3A_330 : vector<1x128x128xf32> to vector<128x128xf32>
    %dot_general3A_332 = arith.constant dense<0.000000e+00> : vector<1024x128xf32>
    %dot_general3A_333 = tpu.matmul %sub3A_326, %get3A_331, %dot_general3A_332 {dimension_numbers = #tpu.dot_dimension_numbers<[1], [0], [0], [1], [0, 0, 1, 1], [], []>, precision = #tpu.contract_precision<fp32>, transpose_lhs_hint = false} : vector<1024x128xf32>, vector<128x128xf32>, vector<1024x128xf32> -> vector<1024x128xf32>
    %add3A_334 = arith.addf %add3A_298, %dot_general3A_333 : vector<1024x128xf32>
    %get3A_335 = arith.constant 0 : index
    %get3A_336 = arith.constant 8192 : index
    %get3A_337 = arith.constant 0 : index
    %get3A_338 = vector.load %arg6[%get3A_335, %get3A_336, %get3A_337] : memref<1x10240x128xf32, #tpu.memory_space<vmem>>, vector<1x1024x128xf32>
    %get3A_339 = vector.shape_cast %get3A_338 : vector<1x1024x128xf32> to vector<1024x128xf32>
    %sub3A_340 = arith.subf %get3A_339, %get3A_13 : vector<1024x128xf32>
    %get3A_341 = arith.constant 0 : index
    %get3A_342 = arith.constant 0 : index
    %get3A_343 = vector.load %arg13[%get3A_341, %get3A_342] : memref<128x256xf32, #tpu.memory_space<vmem>>, vector<128x256xf32>
    %dot_general3A_344 = arith.constant dense<0.000000e+00> : vector<1024x256xf32>
    %dot_general3A_345 = tpu.matmul %sub3A_340, %get3A_343, %dot_general3A_344 {dimension_numbers = #tpu.dot_dimension_numbers<[1], [0], [0], [1], [0, 0, 1, 1], [], []>, precision = #tpu.contract_precision<fp32>, transpose_lhs_hint = false} : vector<1024x128xf32>, vector<128x256xf32>, vector<1024x256xf32> -> vector<1024x256xf32>
    %add3A_346 = arith.addf %dot_general3A_31, %dot_general3A_345 : vector<1024x256xf32>
    %reduce_sum3A_347 = arith.constant dense<0.000000e+00> : vector<256xf32>
    %reduce_sum3A_348 = vector.multi_reduction <add>, %add3A_346, %reduce_sum3A_347 [0] : vector<1024x256xf32> to vector<256xf32>
    %broadcast_in_dim3A_349 = vector.shape_cast %reduce_sum3A_348 : vector<256xf32> to vector<1x256xf32>
    %add3A_350 = arith.addf %add3A_314, %broadcast_in_dim3A_349 : vector<1x256xf32>
    %mul3A_351 = arith.mulf %add3A_346, %add3A_346 : vector<1024x256xf32>
    %reduce_sum3A_352 = arith.constant dense<0.000000e+00> : vector<256xf32>
    %reduce_sum3A_353 = vector.multi_reduction <add>, %mul3A_351, %reduce_sum3A_352 [0] : vector<1024x256xf32> to vector<256xf32>
    %broadcast_in_dim3A_354 = vector.shape_cast %reduce_sum3A_353 : vector<256xf32> to vector<1x256xf32>
    %add3A_355 = arith.addf %add3A_319, %broadcast_in_dim3A_354 : vector<1x256xf32>
    %max3A_356 = arith.maximumf %max3A_320, %add3A_346 : vector<1024x256xf32>
    %get3A_357 = arith.constant 0 : index
    %get3A_358 = arith.constant 9216 : index
    %get3A_359 = arith.constant 0 : index
    %get3A_360 = vector.load %arg6[%get3A_357, %get3A_358, %get3A_359] : memref<1x10240x128xf32, #tpu.memory_space<vmem>>, vector<1x1024x128xf32>
    %get3A_361 = vector.shape_cast %get3A_360 : vector<1x1024x128xf32> to vector<1024x128xf32>
    %sub3A_362 = arith.subf %get3A_361, %get3A_13 : vector<1024x128xf32>
    %get3A_363 = arith.constant 0 : index
    %get3A_364 = arith.constant 0 : index
    %get3A_365 = vector.load %arg13[%get3A_363, %get3A_364] : memref<128x256xf32, #tpu.memory_space<vmem>>, vector<128x256xf32>
    %dot_general3A_366 = arith.constant dense<0.000000e+00> : vector<1024x256xf32>
    %dot_general3A_367 = tpu.matmul %sub3A_362, %get3A_365, %dot_general3A_366 {dimension_numbers = #tpu.dot_dimension_numbers<[1], [0], [0], [1], [0, 0, 1, 1], [], []>, precision = #tpu.contract_precision<fp32>, transpose_lhs_hint = false} : vector<1024x128xf32>, vector<128x256xf32>, vector<1024x256xf32> -> vector<1024x256xf32>
    %add3A_368 = arith.addf %dot_general3A_31, %dot_general3A_367 : vector<1024x256xf32>
    %reduce_sum3A_369 = arith.constant dense<0.000000e+00> : vector<256xf32>
    %reduce_sum3A_370 = vector.multi_reduction <add>, %add3A_368, %reduce_sum3A_369 [0] : vector<1024x256xf32> to vector<256xf32>
    %broadcast_in_dim3A_371 = vector.shape_cast %reduce_sum3A_370 : vector<256xf32> to vector<1x256xf32>
    %add3A_372 = arith.addf %add3A_350, %broadcast_in_dim3A_371 : vector<1x256xf32>
    %mul3A_373 = arith.mulf %add3A_368, %add3A_368 : vector<1024x256xf32>
    %reduce_sum3A_374 = arith.constant dense<0.000000e+00> : vector<256xf32>
    %reduce_sum3A_375 = vector.multi_reduction <add>, %mul3A_373, %reduce_sum3A_374 [0] : vector<1024x256xf32> to vector<256xf32>
    %broadcast_in_dim3A_376 = vector.shape_cast %reduce_sum3A_375 : vector<256xf32> to vector<1x256xf32>
    %add3A_377 = arith.addf %add3A_355, %broadcast_in_dim3A_376 : vector<1x256xf32>
    %max3A_378 = arith.maximumf %max3A_356, %add3A_368 : vector<1024x256xf32>
    %reduce_sum3A_379 = arith.constant dense<0.000000e+00> : vector<128xf32>
    %reduce_sum3A_380 = vector.multi_reduction <add>, %add3A_118, %reduce_sum3A_379 [0] : vector<1024x128xf32> to vector<128xf32>
    %broadcast_in_dim3A_381 = vector.shape_cast %reduce_sum3A_380 : vector<128xf32> to vector<1x128xf32>
    %reduce_sum3A_382 = arith.constant dense<0.000000e+00> : vector<128xf32>
    %reduce_sum3A_383 = vector.multi_reduction <add>, %add3A_226, %reduce_sum3A_382 [0] : vector<1024x128xf32> to vector<128xf32>
    %broadcast_in_dim3A_384 = vector.shape_cast %reduce_sum3A_383 : vector<128xf32> to vector<1x128xf32>
    %add3A_385 = arith.addf %broadcast_in_dim3A_381, %broadcast_in_dim3A_384 : vector<1x128xf32>
    %reduce_sum3A_386 = arith.constant dense<0.000000e+00> : vector<128xf32>
    %reduce_sum3A_387 = vector.multi_reduction <add>, %add3A_334, %reduce_sum3A_386 [0] : vector<1024x128xf32> to vector<128xf32>
    %broadcast_in_dim3A_388 = vector.shape_cast %reduce_sum3A_387 : vector<128xf32> to vector<1x128xf32>
    %add3A_389 = arith.addf %add3A_385, %broadcast_in_dim3A_388 : vector<1x128xf32>
    %div3A = arith.constant 3.072000e+03 : f32
    %div3A_390 = vector.broadcast %div3A : f32 to vector<1x128xf32>
    %div3A_391 = arith.divf %add3A_389, %div3A_390 : vector<1x128xf32>
    %sub3A_392 = vector.broadcast %div3A_391 : vector<1x128xf32> to vector<1024x128xf32>
    %sub3A_393 = arith.subf %add3A_118, %sub3A_392 : vector<1024x128xf32>
    %integer_pow3A = arith.mulf %sub3A_393, %sub3A_393 : vector<1024x128xf32>
    %reduce_sum3A_394 = arith.constant dense<0.000000e+00> : vector<128xf32>
    %reduce_sum3A_395 = vector.multi_reduction <add>, %integer_pow3A, %reduce_sum3A_394 [0] : vector<1024x128xf32> to vector<128xf32>
    %broadcast_in_dim3A_396 = vector.shape_cast %reduce_sum3A_395 : vector<128xf32> to vector<1x128xf32>
    %sub3A_397 = vector.broadcast %div3A_391 : vector<1x128xf32> to vector<1024x128xf32>
    %sub3A_398 = arith.subf %add3A_226, %sub3A_397 : vector<1024x128xf32>
    %integer_pow3A_399 = arith.mulf %sub3A_398, %sub3A_398 : vector<1024x128xf32>
    %reduce_sum3A_400 = arith.constant dense<0.000000e+00> : vector<128xf32>
    %reduce_sum3A_401 = vector.multi_reduction <add>, %integer_pow3A_399, %reduce_sum3A_400 [0] : vector<1024x128xf32> to vector<128xf32>
    %broadcast_in_dim3A_402 = vector.shape_cast %reduce_sum3A_401 : vector<128xf32> to vector<1x128xf32>
    %add3A_403 = arith.addf %broadcast_in_dim3A_396, %broadcast_in_dim3A_402 : vector<1x128xf32>
    %sub3A_404 = vector.broadcast %div3A_391 : vector<1x128xf32> to vector<1024x128xf32>
    %sub3A_405 = arith.subf %add3A_334, %sub3A_404 : vector<1024x128xf32>
    %integer_pow3A_406 = arith.mulf %sub3A_405, %sub3A_405 : vector<1024x128xf32>
    %reduce_sum3A_407 = arith.constant dense<0.000000e+00> : vector<128xf32>
    %reduce_sum3A_408 = vector.multi_reduction <add>, %integer_pow3A_406, %reduce_sum3A_407 [0] : vector<1024x128xf32> to vector<128xf32>
    %broadcast_in_dim3A_409 = vector.shape_cast %reduce_sum3A_408 : vector<128xf32> to vector<1x128xf32>
    %add3A_410 = arith.addf %add3A_403, %broadcast_in_dim3A_409 : vector<1x128xf32>
    %div3A_411 = arith.constant 3.072000e+03 : f32
    %div3A_412 = vector.broadcast %div3A_411 : f32 to vector<1x128xf32>
    %div3A_413 = arith.divf %add3A_410, %div3A_412 : vector<1x128xf32>
    %add3A_414 = arith.constant 9.99999974E-6 : f32
    %add3A_415 = vector.broadcast %add3A_414 : f32 to vector<1x128xf32>
    %add3A_416 = arith.addf %div3A_413, %add3A_415 : vector<1x128xf32>
    %sqrt3A = math.sqrt %add3A_416 : vector<1x128xf32>
    %div3A_417 = arith.constant 1.000000e+00 : f32
    %div3A_418 = vector.broadcast %div3A_417 : f32 to vector<1x128xf32>
    %div3A_419 = arith.divf %div3A_418, %sqrt3A : vector<1x128xf32>
    %sub3A_420 = vector.broadcast %div3A_391 : vector<1x128xf32> to vector<1024x128xf32>
    %sub3A_421 = arith.subf %add3A_118, %sub3A_420 : vector<1024x128xf32>
    %mul3A_422 = vector.broadcast %div3A_419 : vector<1x128xf32> to vector<1024x128xf32>
    %mul3A_423 = arith.mulf %sub3A_421, %mul3A_422 : vector<1024x128xf32>
    %max3A_424 = arith.constant 0.000000e+00 : f32
    %max3A_425 = vector.broadcast %max3A_424 : f32 to vector<1024x128xf32>
    %max3A_426 = arith.maximumf %mul3A_423, %max3A_425 : vector<1024x128xf32>
    %sub3A_427 = vector.broadcast %div3A_391 : vector<1x128xf32> to vector<1024x128xf32>
    %sub3A_428 = arith.subf %add3A_226, %sub3A_427 : vector<1024x128xf32>
    %mul3A_429 = vector.broadcast %div3A_419 : vector<1x128xf32> to vector<1024x128xf32>
    %mul3A_430 = arith.mulf %sub3A_428, %mul3A_429 : vector<1024x128xf32>
    %max3A_431 = arith.constant 0.000000e+00 : f32
    %max3A_432 = vector.broadcast %max3A_431 : f32 to vector<1024x128xf32>
    %max3A_433 = arith.maximumf %mul3A_430, %max3A_432 : vector<1024x128xf32>
    %sub3A_434 = vector.broadcast %div3A_391 : vector<1x128xf32> to vector<1024x128xf32>
    %sub3A_435 = arith.subf %add3A_334, %sub3A_434 : vector<1024x128xf32>
    %mul3A_436 = vector.broadcast %div3A_419 : vector<1x128xf32> to vector<1024x128xf32>
    %mul3A_437 = arith.mulf %sub3A_435, %mul3A_436 : vector<1024x128xf32>
    %max3A_438 = arith.constant 0.000000e+00 : f32
    %max3A_439 = vector.broadcast %max3A_438 : f32 to vector<1024x128xf32>
    %max3A_440 = arith.maximumf %mul3A_437, %max3A_439 : vector<1024x128xf32>
    %get3A_441 = arith.constant 0 : index
    %get3A_442 = arith.constant 0 : index
    %get3A_443 = vector.load %arg11[%get3A_441, %get3A_442] : memref<1x128xf32, #tpu.memory_space<vmem>>, vector<1x128xf32>
    %get3A_444 = arith.constant 0 : index
    %get3A_445 = arith.constant 0 : index
    %get3A_446 = arith.constant 0 : index
    %get3A_447 = vector.load %arg10[%get3A_444, %get3A_445, %get3A_446] : memref<3x128x128xf32, #tpu.memory_space<vmem>>, vector<1x128x128xf32>
    %get3A_448 = vector.shape_cast %get3A_447 : vector<1x128x128xf32> to vector<128x128xf32>
    %dot_general3A_449 = arith.constant dense<0.000000e+00> : vector<1024x128xf32>
    %dot_general3A_450 = tpu.matmul %max3A_426, %get3A_448, %dot_general3A_449 {dimension_numbers = #tpu.dot_dimension_numbers<[1], [0], [0], [1], [0, 0, 1, 1], [], []>, precision = #tpu.contract_precision<fp32>, transpose_lhs_hint = false} : vector<1024x128xf32>, vector<128x128xf32>, vector<1024x128xf32> -> vector<1024x128xf32>
    %add3A_451 = vector.broadcast %get3A_443 : vector<1x128xf32> to vector<1024x128xf32>
    %add3A_452 = arith.addf %add3A_451, %dot_general3A_450 : vector<1024x128xf32>
    %get3A_453 = arith.constant 1 : index
    %get3A_454 = arith.constant 0 : index
    %get3A_455 = arith.constant 0 : index
    %get3A_456 = vector.load %arg10[%get3A_453, %get3A_454, %get3A_455] : memref<3x128x128xf32, #tpu.memory_space<vmem>>, vector<1x128x128xf32>
    %get3A_457 = vector.shape_cast %get3A_456 : vector<1x128x128xf32> to vector<128x128xf32>
    %dot_general3A_458 = arith.constant dense<0.000000e+00> : vector<1024x128xf32>
    %dot_general3A_459 = tpu.matmul %max3A_433, %get3A_457, %dot_general3A_458 {dimension_numbers = #tpu.dot_dimension_numbers<[1], [0], [0], [1], [0, 0, 1, 1], [], []>, precision = #tpu.contract_precision<fp32>, transpose_lhs_hint = false} : vector<1024x128xf32>, vector<128x128xf32>, vector<1024x128xf32> -> vector<1024x128xf32>
    %add3A_460 = arith.addf %add3A_452, %dot_general3A_459 : vector<1024x128xf32>
    %get3A_461 = arith.constant 2 : index
    %get3A_462 = arith.constant 0 : index
    %get3A_463 = arith.constant 0 : index
    %get3A_464 = vector.load %arg10[%get3A_461, %get3A_462, %get3A_463] : memref<3x128x128xf32, #tpu.memory_space<vmem>>, vector<1x128x128xf32>
    %get3A_465 = vector.shape_cast %get3A_464 : vector<1x128x128xf32> to vector<128x128xf32>
    %dot_general3A_466 = arith.constant dense<0.000000e+00> : vector<1024x128xf32>
    %dot_general3A_467 = tpu.matmul %max3A_440, %get3A_465, %dot_general3A_466 {dimension_numbers = #tpu.dot_dimension_numbers<[1], [0], [0], [1], [0, 0, 1, 1], [], []>, precision = #tpu.contract_precision<fp32>, transpose_lhs_hint = false} : vector<1024x128xf32>, vector<128x128xf32>, vector<1024x128xf32> -> vector<1024x128xf32>
    %add3A_468 = arith.addf %add3A_460, %dot_general3A_467 : vector<1024x128xf32>
    %reduce_sum3A_469 = arith.constant dense<0.000000e+00> : vector<128xf32>
    %reduce_sum3A_470 = vector.multi_reduction <add>, %add3A_468, %reduce_sum3A_469 [0] : vector<1024x128xf32> to vector<128xf32>
    %broadcast_in_dim3A_471 = vector.shape_cast %reduce_sum3A_470 : vector<128xf32> to vector<1x128xf32>
    %div3A_472 = arith.constant 1.024000e+03 : f32
    %div3A_473 = vector.broadcast %div3A_472 : f32 to vector<1x128xf32>
    %div3A_474 = arith.divf %broadcast_in_dim3A_471, %div3A_473 : vector<1x128xf32>
    %sub3A_475 = vector.broadcast %div3A_474 : vector<1x128xf32> to vector<1024x128xf32>
    %sub3A_476 = arith.subf %add3A_468, %sub3A_475 : vector<1024x128xf32>
    %integer_pow3A_477 = arith.mulf %sub3A_476, %sub3A_476 : vector<1024x128xf32>
    %reduce_sum3A_478 = arith.constant dense<0.000000e+00> : vector<128xf32>
    %reduce_sum3A_479 = vector.multi_reduction <add>, %integer_pow3A_477, %reduce_sum3A_478 [0] : vector<1024x128xf32> to vector<128xf32>
    %broadcast_in_dim3A_480 = vector.shape_cast %reduce_sum3A_479 : vector<128xf32> to vector<1x128xf32>
    %div3A_481 = arith.constant 1.024000e+03 : f32
    %div3A_482 = vector.broadcast %div3A_481 : f32 to vector<1x128xf32>
    %div3A_483 = arith.divf %broadcast_in_dim3A_480, %div3A_482 : vector<1x128xf32>
    %sub3A_484 = vector.broadcast %div3A_474 : vector<1x128xf32> to vector<1024x128xf32>
    %sub3A_485 = arith.subf %add3A_468, %sub3A_484 : vector<1024x128xf32>
    %add3A_486 = arith.constant 9.99999974E-6 : f32
    %add3A_487 = vector.broadcast %add3A_486 : f32 to vector<1x128xf32>
    %add3A_488 = arith.addf %div3A_483, %add3A_487 : vector<1x128xf32>
    %sqrt3A_489 = math.sqrt %add3A_488 : vector<1x128xf32>
    %div3A_490 = vector.broadcast %sqrt3A_489 : vector<1x128xf32> to vector<1024x128xf32>
    %div3A_491 = arith.divf %sub3A_485, %div3A_490 : vector<1024x128xf32>
    %max3A_492 = arith.constant 0.000000e+00 : f32
    %max3A_493 = vector.broadcast %max3A_492 : f32 to vector<1024x128xf32>
    %max3A_494 = arith.maximumf %div3A_491, %max3A_493 : vector<1024x128xf32>
    %div3A_495 = arith.constant 1.024000e+04 : f32
    %div3A_496 = vector.broadcast %div3A_495 : f32 to vector<1x256xf32>
    %div3A_497 = arith.divf %add3A_372, %div3A_496 : vector<1x256xf32>
    %div3A_498 = arith.constant 1.024000e+04 : f32
    %div3A_499 = vector.broadcast %div3A_498 : f32 to vector<1x256xf32>
    %div3A_500 = arith.divf %add3A_377, %div3A_499 : vector<1x256xf32>
    %mul3A_501 = arith.mulf %div3A_497, %div3A_497 : vector<1x256xf32>
    %sub3A_502 = arith.subf %div3A_500, %mul3A_501 : vector<1x256xf32>
    %sub3A_503 = vector.broadcast %div3A_497 : vector<1x256xf32> to vector<1024x256xf32>
    %sub3A_504 = arith.subf %max3A_378, %sub3A_503 : vector<1024x256xf32>
    %add3A_505 = arith.constant 9.99999974E-6 : f32
    %add3A_506 = vector.broadcast %add3A_505 : f32 to vector<1x256xf32>
    %add3A_507 = arith.addf %sub3A_502, %add3A_506 : vector<1x256xf32>
    %sqrt3A_508 = math.sqrt %add3A_507 : vector<1x256xf32>
    %div3A_509 = vector.broadcast %sqrt3A_508 : vector<1x256xf32> to vector<1024x256xf32>
    %div3A_510 = arith.divf %sub3A_504, %div3A_509 : vector<1024x256xf32>
    %ge3A = arith.constant 0.000000e+00 : f32
    %ge3A_511 = vector.broadcast %ge3A : f32 to vector<1024x256xf32>
    %ge3A_512 = arith.cmpf oge, %div3A_510, %ge3A_511 : vector<1024x256xf32>
    %mul3A_513 = arith.constant 2.000000e-01 : f32
    %mul3A_514 = vector.broadcast %mul3A_513 : f32 to vector<1024x256xf32>
    %mul3A_515 = arith.mulf %mul3A_514, %div3A_510 : vector<1024x256xf32>
    %select_n3A = arith.select %ge3A_512, %div3A_510, %mul3A_515 : vector<1024x256xi1>, vector<1024x256xf32>
    %get3A_516 = arith.constant 0 : index
    %get3A_517 = arith.constant 0 : index
    %get3A_518 = vector.load %arg14[%get3A_516, %get3A_517] : memref<128x128xf32, #tpu.memory_space<vmem>>, vector<128x128xf32>
    %dot_general3A_519 = arith.constant dense<0.000000e+00> : vector<1024x128xf32>
    %dot_general3A_520 = tpu.matmul %get3A_3, %get3A_518, %dot_general3A_519 {dimension_numbers = #tpu.dot_dimension_numbers<[1], [0], [0], [1], [0, 0, 1, 1], [], []>, precision = #tpu.contract_precision<fp32>, transpose_lhs_hint = false} : vector<1024x128xf32>, vector<128x128xf32>, vector<1024x128xf32> -> vector<1024x128xf32>
    %add3A_521 = arith.addf %get3A_8, %get3A_18 : vector<1024x128xf32>
    %get3A_522 = arith.constant 0 : index
    %get3A_523 = arith.constant 0 : index
    %get3A_524 = vector.load %arg15[%get3A_522, %get3A_523] : memref<128x128xf32, #tpu.memory_space<vmem>>, vector<128x128xf32>
    %dot_general3A_525 = arith.constant dense<0.000000e+00> : vector<1024x128xf32>
    %dot_general3A_526 = tpu.matmul %add3A_521, %get3A_524, %dot_general3A_525 {dimension_numbers = #tpu.dot_dimension_numbers<[1], [0], [0], [1], [0, 0, 1, 1], [], []>, precision = #tpu.contract_precision<fp32>, transpose_lhs_hint = false} : vector<1024x128xf32>, vector<128x128xf32>, vector<1024x128xf32> -> vector<1024x128xf32>
    %add3A_527 = arith.addf %dot_general3A_520, %dot_general3A_526 : vector<1024x128xf32>
    %add3A_528 = arith.addf %max3A_494, %get3A_18 : vector<1024x128xf32>
    %get3A_529 = arith.constant 0 : index
    %get3A_530 = arith.constant 0 : index
    %get3A_531 = vector.load %arg16[%get3A_529, %get3A_530] : memref<128x128xf32, #tpu.memory_space<vmem>>, vector<128x128xf32>
    %dot_general3A_532 = arith.constant dense<0.000000e+00> : vector<1024x128xf32>
    %dot_general3A_533 = tpu.matmul %add3A_528, %get3A_531, %dot_general3A_532 {dimension_numbers = #tpu.dot_dimension_numbers<[1], [0], [0], [1], [0, 0, 1, 1], [], []>, precision = #tpu.contract_precision<fp32>, transpose_lhs_hint = false} : vector<1024x128xf32>, vector<128x128xf32>, vector<1024x128xf32> -> vector<1024x128xf32>
    %add3A_534 = arith.addf %add3A_527, %dot_general3A_533 : vector<1024x128xf32>
    %reduce_sum3A_535 = arith.constant dense<0.000000e+00> : vector<128xf32>
    %reduce_sum3A_536 = vector.multi_reduction <add>, %add3A_534, %reduce_sum3A_535 [0] : vector<1024x128xf32> to vector<128xf32>
    %broadcast_in_dim3A_537 = vector.shape_cast %reduce_sum3A_536 : vector<128xf32> to vector<1x128xf32>
    %div3A_538 = arith.constant 1.024000e+03 : f32
    %div3A_539 = vector.broadcast %div3A_538 : f32 to vector<1x128xf32>
    %div3A_540 = arith.divf %broadcast_in_dim3A_537, %div3A_539 : vector<1x128xf32>
    %sub3A_541 = vector.broadcast %div3A_540 : vector<1x128xf32> to vector<1024x128xf32>
    %sub3A_542 = arith.subf %add3A_534, %sub3A_541 : vector<1024x128xf32>
    %integer_pow3A_543 = arith.mulf %sub3A_542, %sub3A_542 : vector<1024x128xf32>
    %reduce_sum3A_544 = arith.constant dense<0.000000e+00> : vector<128xf32>
    %reduce_sum3A_545 = vector.multi_reduction <add>, %integer_pow3A_543, %reduce_sum3A_544 [0] : vector<1024x128xf32> to vector<128xf32>
    %broadcast_in_dim3A_546 = vector.shape_cast %reduce_sum3A_545 : vector<128xf32> to vector<1x128xf32>
    %div3A_547 = arith.constant 1.024000e+03 : f32
    %div3A_548 = vector.broadcast %div3A_547 : f32 to vector<1x128xf32>
    %div3A_549 = arith.divf %broadcast_in_dim3A_546, %div3A_548 : vector<1x128xf32>
    %sub3A_550 = vector.broadcast %div3A_540 : vector<1x128xf32> to vector<1024x128xf32>
    %sub3A_551 = arith.subf %add3A_534, %sub3A_550 : vector<1024x128xf32>
    %add3A_552 = arith.constant 9.99999974E-6 : f32
    %add3A_553 = vector.broadcast %add3A_552 : f32 to vector<1x128xf32>
    %add3A_554 = arith.addf %div3A_549, %add3A_553 : vector<1x128xf32>
    %sqrt3A_555 = math.sqrt %add3A_554 : vector<1x128xf32>
    %div3A_556 = vector.broadcast %sqrt3A_555 : vector<1x128xf32> to vector<1024x128xf32>
    %div3A_557 = arith.divf %sub3A_551, %div3A_556 : vector<1024x128xf32>
    %ge3A_558 = arith.constant 0.000000e+00 : f32
    %ge3A_559 = vector.broadcast %ge3A_558 : f32 to vector<1024x128xf32>
    %ge3A_560 = arith.cmpf oge, %div3A_557, %ge3A_559 : vector<1024x128xf32>
    %mul3A_561 = arith.constant 2.000000e-01 : f32
    %mul3A_562 = vector.broadcast %mul3A_561 : f32 to vector<1024x128xf32>
    %mul3A_563 = arith.mulf %mul3A_562, %div3A_557 : vector<1024x128xf32>
    %select_n3A_564 = arith.select %ge3A_560, %div3A_557, %mul3A_563 : vector<1024x128xi1>, vector<1024x128xf32>
    %get3A_565 = arith.constant 0 : index
    %get3A_566 = arith.constant 0 : index
    %get3A_567 = vector.load %arg17[%get3A_565, %get3A_566] : memref<128x128xf32, #tpu.memory_space<vmem>>, vector<128x128xf32>
    %dot_general3A_568 = arith.constant dense<0.000000e+00> : vector<1024x128xf32>
    %dot_general3A_569 = tpu.matmul %get3A_3, %get3A_567, %dot_general3A_568 {dimension_numbers = #tpu.dot_dimension_numbers<[1], [0], [0], [1], [0, 0, 1, 1], [], []>, precision = #tpu.contract_precision<fp32>, transpose_lhs_hint = false} : vector<1024x128xf32>, vector<128x128xf32>, vector<1024x128xf32> -> vector<1024x128xf32>
    %get3A_570 = arith.constant 0 : index
    %get3A_571 = arith.constant 0 : index
    %get3A_572 = vector.load %arg18[%get3A_570, %get3A_571] : memref<128x128xf32, #tpu.memory_space<vmem>>, vector<128x128xf32>
    %dot_general3A_573 = arith.constant dense<0.000000e+00> : vector<1024x128xf32>
    %dot_general3A_574 = tpu.matmul %get3A_13, %get3A_572, %dot_general3A_573 {dimension_numbers = #tpu.dot_dimension_numbers<[1], [0], [0], [1], [0, 0, 1, 1], [], []>, precision = #tpu.contract_precision<fp32>, transpose_lhs_hint = false} : vector<1024x128xf32>, vector<128x128xf32>, vector<1024x128xf32> -> vector<1024x128xf32>
    %add3A_575 = arith.addf %dot_general3A_569, %dot_general3A_574 : vector<1024x128xf32>
    %get3A_576 = arith.constant 0 : index
    %get3A_577 = arith.constant 0 : index
    %get3A_578 = vector.load %arg19[%get3A_576, %get3A_577] : memref<256x128xf32, #tpu.memory_space<vmem>>, vector<256x128xf32>
    %dot_general3A_579 = arith.constant dense<0.000000e+00> : vector<1024x128xf32>
    %dot_general3A_580 = tpu.matmul %select_n3A, %get3A_578, %dot_general3A_579 {dimension_numbers = #tpu.dot_dimension_numbers<[1], [0], [0], [1], [0, 0, 1, 1], [], []>, precision = #tpu.contract_precision<fp32>, transpose_lhs_hint = false} : vector<1024x256xf32>, vector<256x128xf32>, vector<1024x128xf32> -> vector<1024x128xf32>
    %add3A_581 = arith.addf %add3A_575, %dot_general3A_580 : vector<1024x128xf32>
    %reduce_sum3A_582 = arith.constant dense<0.000000e+00> : vector<128xf32>
    %reduce_sum3A_583 = vector.multi_reduction <add>, %add3A_581, %reduce_sum3A_582 [0] : vector<1024x128xf32> to vector<128xf32>
    %broadcast_in_dim3A_584 = vector.shape_cast %reduce_sum3A_583 : vector<128xf32> to vector<1x128xf32>
    %div3A_585 = arith.constant 1.024000e+03 : f32
    %div3A_586 = vector.broadcast %div3A_585 : f32 to vector<1x128xf32>
    %div3A_587 = arith.divf %broadcast_in_dim3A_584, %div3A_586 : vector<1x128xf32>
    %sub3A_588 = vector.broadcast %div3A_587 : vector<1x128xf32> to vector<1024x128xf32>
    %sub3A_589 = arith.subf %add3A_581, %sub3A_588 : vector<1024x128xf32>
    %integer_pow3A_590 = arith.mulf %sub3A_589, %sub3A_589 : vector<1024x128xf32>
    %reduce_sum3A_591 = arith.constant dense<0.000000e+00> : vector<128xf32>
    %reduce_sum3A_592 = vector.multi_reduction <add>, %integer_pow3A_590, %reduce_sum3A_591 [0] : vector<1024x128xf32> to vector<128xf32>
    %broadcast_in_dim3A_593 = vector.shape_cast %reduce_sum3A_592 : vector<128xf32> to vector<1x128xf32>
    %div3A_594 = arith.constant 1.024000e+03 : f32
    %div3A_595 = vector.broadcast %div3A_594 : f32 to vector<1x128xf32>
    %div3A_596 = arith.divf %broadcast_in_dim3A_593, %div3A_595 : vector<1x128xf32>
    %sub3A_597 = vector.broadcast %div3A_587 : vector<1x128xf32> to vector<1024x128xf32>
    %sub3A_598 = arith.subf %add3A_581, %sub3A_597 : vector<1024x128xf32>
    %add3A_599 = arith.constant 9.99999974E-6 : f32
    %add3A_600 = vector.broadcast %add3A_599 : f32 to vector<1x128xf32>
    %add3A_601 = arith.addf %div3A_596, %add3A_600 : vector<1x128xf32>
    %sqrt3A_602 = math.sqrt %add3A_601 : vector<1x128xf32>
    %div3A_603 = vector.broadcast %sqrt3A_602 : vector<1x128xf32> to vector<1024x128xf32>
    %div3A_604 = arith.divf %sub3A_598, %div3A_603 : vector<1024x128xf32>
    %ge3A_605 = arith.constant 0.000000e+00 : f32
    %ge3A_606 = vector.broadcast %ge3A_605 : f32 to vector<1024x128xf32>
    %ge3A_607 = arith.cmpf oge, %div3A_604, %ge3A_606 : vector<1024x128xf32>
    %mul3A_608 = arith.constant 2.000000e-01 : f32
    %mul3A_609 = vector.broadcast %mul3A_608 : f32 to vector<1024x128xf32>
    %mul3A_610 = arith.mulf %mul3A_609, %div3A_604 : vector<1024x128xf32>
    %select_n3A_611 = arith.select %ge3A_607, %div3A_604, %mul3A_610 : vector<1024x128xi1>, vector<1024x128xf32>
    %add3A_612 = arith.addf %select_n3A_564, %select_n3A_611 : vector<1024x128xf32>
    %transpose3A = tpu.transpose %add3A_612, [1, 0] : vector<1024x128xf32> -> vector<128x1024xf32>
    %swap3A = arith.constant 0 : index
    %swap3A_613 = arith.constant 0 : index
    %swap3A_614 = arith.constant 0 : index
    %swap3A_615 = vector.load %arg20[%swap3A, %swap3A_613, %swap3A_614] : memref<1x128x1024xf32, #tpu.memory_space<vmem>>, vector<1x128x1024xf32>
    %swap3A_616 = vector.shape_cast %swap3A_615 : vector<1x128x1024xf32> to vector<128x1024xf32>
    %swap3A_617 = vector.shape_cast %transpose3A : vector<128x1024xf32> to vector<1x128x1024xf32>
    tpu.vector_store %arg20[%swap3A, %swap3A_613, %swap3A_614], %swap3A_617 {strides = array<i32>} : memref<1x128x1024xf32, #tpu.memory_space<vmem>>, vector<1x128x1024xf32>,
    return
  }
  func.func @transform_0(%arg0: i32) -> (i32, i32, i32) {
    %c0_i32 = arith.constant 0 : i32
    %c0_i32_0 = arith.constant 0 : i32
    %c0_i32_1 = arith.constant 0 : i32
    return %arg0, %c0_i32, %c0_i32_0 : i32, i32, i32
  }
  func.func @transform_1(%arg0: i32) -> (i32, i32, i32) {
    %c0_i32 = arith.constant 0 : i32
    %c0_i32_0 = arith.constant 0 : i32
    %c0_i32_1 = arith.constant 0 : i32
    return %arg0, %c0_i32, %c0_i32_0 : i32, i32, i32
  }
  func.func @transform_2(%arg0: i32) -> (i32, i32, i32) {
    %c0_i32 = arith.constant 0 : i32
    %c0_i32_0 = arith.constant 0 : i32
    %c0_i32_1 = arith.constant 0 : i32
    return %arg0, %c0_i32, %c0_i32_0 : i32, i32, i32
  }
  func.func @transform_3(%arg0: i32) -> (i32, i32, i32) {
    %c0_i32 = arith.constant 0 : i32
    %c0_i32_0 = arith.constant 0 : i32
    %c0_i32_1 = arith.constant 0 : i32
    return %arg0, %c0_i32, %c0_i32_0 : i32, i32, i32
  }
  func.func @transform_4(%arg0: i32) -> (i32, i32, i32) {
    %c0_i32 = arith.constant 0 : i32
    %c0_i32_0 = arith.constant 0 : i32
    %c0_i32_1 = arith.constant 0 : i32
    return %arg0, %c0_i32, %c0_i32_0 : i32, i32, i32
  }
  func.func @transform_5(%arg0: i32) -> (i32, i32, i32) {
    %c0_i32 = arith.constant 0 : i32
    %c0_i32_0 = arith.constant 0 : i32
    %c0_i32_1 = arith.constant 0 : i32
    return %arg0, %c0_i32, %c0_i32_0 : i32, i32, i32
  }
  func.func @transform_6(%arg0: i32) -> (i32, i32) {
    %c0_i32 = arith.constant 0 : i32
    %c0_i32_0 = arith.constant 0 : i32
    %c0_i32_1 = arith.constant 0 : i32
    return %c0_i32, %c0_i32_0 : i32, i32
  }
  func.func @transform_7(%arg0: i32) -> (i32, i32, i32) {
    %c0_i32 = arith.constant 0 : i32
    %c0_i32_0 = arith.constant 0 : i32
    %c0_i32_1 = arith.constant 0 : i32
    %c0_i32_2 = arith.constant 0 : i32
    return %c0_i32, %c0_i32_0, %c0_i32_1 : i32, i32, i32
  }
  func.func @transform_8(%arg0: i32) -> (i32, i32) {
    %c0_i32 = arith.constant 0 : i32
    %c0_i32_0 = arith.constant 0 : i32
    %c0_i32_1 = arith.constant 0 : i32
    return %c0_i32, %c0_i32_0 : i32, i32
  }
  func.func @transform_9(%arg0: i32) -> (i32, i32, i32) {
    %c0_i32 = arith.constant 0 : i32
    %c0_i32_0 = arith.constant 0 : i32
    %c0_i32_1 = arith.constant 0 : i32
    %c0_i32_2 = arith.constant 0 : i32
    return %c0_i32, %c0_i32_0, %c0_i32_1 : i32, i32, i32
  }
  func.func @transform_10(%arg0: i32) -> (i32, i32) {
    %c0_i32 = arith.constant 0 : i32
    %c0_i32_0 = arith.constant 0 : i32
    %c0_i32_1 = arith.constant 0 : i32
    return %c0_i32, %c0_i32_0 : i32, i32
  }
  func.func @transform_11(%arg0: i32) -> (i32, i32) {
    %c0_i32 = arith.constant 0 : i32
    %c0_i32_0 = arith.constant 0 : i32
    %c0_i32_1 = arith.constant 0 : i32
    return %c0_i32, %c0_i32_0 : i32, i32
  }
  func.func @transform_12(%arg0: i32) -> (i32, i32) {
    %c0_i32 = arith.constant 0 : i32
    %c0_i32_0 = arith.constant 0 : i32
    %c0_i32_1 = arith.constant 0 : i32
    return %c0_i32, %c0_i32_0 : i32, i32
  }
  func.func @transform_13(%arg0: i32) -> (i32, i32) {
    %c0_i32 = arith.constant 0 : i32
    %c0_i32_0 = arith.constant 0 : i32
    %c0_i32_1 = arith.constant 0 : i32
    return %c0_i32, %c0_i32_0 : i32, i32
  }
  func.func @transform_14(%arg0: i32) -> (i32, i32) {
    %c0_i32 = arith.constant 0 : i32
    %c0_i32_0 = arith.constant 0 : i32
    %c0_i32_1 = arith.constant 0 : i32
    return %c0_i32, %c0_i32_0 : i32, i32
  }
  func.func @transform_15(%arg0: i32) -> (i32, i32) {
    %c0_i32 = arith.constant 0 : i32
    %c0_i32_0 = arith.constant 0 : i32
    %c0_i32_1 = arith.constant 0 : i32
    return %c0_i32, %c0_i32_0 : i32, i32
  }
  func.func @transform_16(%arg0: i32) -> (i32, i32) {
    %c0_i32 = arith.constant 0 : i32
    %c0_i32_0 = arith.constant 0 : i32
    %c0_i32_1 = arith.constant 0 : i32
    return %c0_i32, %c0_i32_0 : i32, i32
  }
  func.func @transform_17(%arg0: i32) -> (i32, i32) {
    %c0_i32 = arith.constant 0 : i32
    %c0_i32_0 = arith.constant 0 : i32
    %c0_i32_1 = arith.constant 0 : i32
    return %c0_i32, %c0_i32_0 : i32, i32
  }
  func.func @transform_18(%arg0: i32) -> (i32, i32) {
    %c0_i32 = arith.constant 0 : i32
    %c0_i32_0 = arith.constant 0 : i32
    %c0_i32_1 = arith.constant 0 : i32
    return %c0_i32, %c0_i32_0 : i32, i32
  }
  func.func @transform_19(%arg0: i32) -> (i32, i32, i32) {
    %c0_i32 = arith.constant 0 : i32
    %c0_i32_0 = arith.constant 0 : i32
    %c0_i32_1 = arith.constant 0 : i32
    return %arg0, %c0_i32, %c0_i32_0 : i32, i32, i32
  }
}

</mosaic_0001>

<sc_bundles>
// kernel: kernel.10.cloned.1.call-start
scs
__scs_entry_jumppad:
0x0: {  	(pc) =	sbr.rel $0x88, $3  }
0x1: {  	(tag) =	ssettag $0x0;
	lr =	simm.s32 $0x1  }
0x2: {  	[smem:$0x3F8F] =	sst lr;
	_ =	strace $0xD0000000  }
0x3: {  	_ = 	snop  }
0x4: {  	_ = 	snop  }
0x5: {  	_ = 	snop  }
0x6: {  	_ = 	snop  }
0x7: {  	_ = 	snop  }
__scs_overlays_trampoline_lowered:
0x8: {  	[smem:$0x3F9E] =	sst s0  }
0x9: {  	[smem:$0x3F9F] =	sst s1  }
0xa: {  	[smem:$0x3FA0] =	sst s2  }
0xb: {  	[smem:$0x3FA1] =	sst s3  }
0xc: {  	[smem:$0x3FA2] =	sst s4  }
0xd: {  	[smem:$0x3FA3] =	sst s5  }
0xe: {  	[smem:$0x3FA4] =	sst s6  }
0xf: {  	[smem:$0x3FA5] =	sst s7  }
0x10: {  	[smem:$0x3FA6] =	sst s8  }
0x11: {  	[smem:$0x3FA7] =	sst s9;
	s0 =	simm.s32 @!p0 $0x0  }
0x12: {  	s1 =	sld [smem:$0x3F8D];
	s0 =	simm.s32 @p0 $0x1  }
0x13: {  	[smem:$0x3FA8] =	sst s0;
	s0 =	simm.s32 @!p1 $0x0  }
0x14: {  	s2 =	sld [smem:$0x3F8C];
	s0 =	simm.s32 @p1 $0x1  }
0x15: {  	[smem:$0x3FA9] =	sst s0;
	s0 =	simm.s32 @!p2 $0x0  }
0x16: {  	s3 =	sld [smem:$0x3FDB];
	s0 =	simm.s32 @p2 $0x1  }
0x17: {  	s4 =	simm.s32 $0x1BF5;
	[smem:$0x3FAB] =	sst s0  }
0x18: {  	s0 =	sld [smem:$0x3F8E];
	_ =	swait.ge [sflag:s4], $0x0  }
0x19: {  	s7 =	sld [smem:$0x3F8F]  }
0x1a: {  	s8 =	sadd.s32 $0xFFFFE003, lr  }
0x1b: {  	s9 =	sadd.s32 $0xFFFFFEF7, lr;
	s5 =	simm.s32 $0xFFFFFFFF;
	p2 =	slt.u32 s8, $0xFFFFF086  }
0x1c: {  	p1 =	slt.u32 s9, $0xF7A;
	s5 =	simm.s32 @!p2 $0x0  }
0x1d: {  	s5 =	simm.s32 @p1 $0x1;
	p0 =	seq.s32 s7, s2  }
0x1e: {  	s7 =	smul.u32 @!p0 $0xF7A, s2;
	p2 =	seq.s32 @!p0 s5, $0x0  }
0x1f: {  	s9 =	smul.u32 $0xF7A, s1;
	s8 =	simm.s32 @!p0 $0x1BF5;
	p2 =	por !p2, p0  }
0x20: {  	[sflag:s8] =	ssyncset.s32 @!p0 $0xFFFFF086;
	s6 =	sadd.s32 @!p0 s3, s7;
	s7 =	simm.s32 @!p0 $0x108  }
0x21: {  	s3 =	sadd.s32 s3, s9;
	s6 =	sadd.s32 @!p0 $0x88, s6;
	s7 =	simm.s32 @p2 $0x1082  }
0x22: {  	[simem:s7], [sflag:s8] =	dma.local @!p0 [hbm:s6], $0xF7A  }
0x23: {  	s9 =	sor.u32 $0xD0000000, s2;
	s6 =	simm.s32 $0x108;
	_ =	swait.ge @!p0 [sflag:s8], $0x0  }
0x24: {  	s3 =	sadd.s32 $0x88, s3;
	s6 =	simm.s32 @!p1 $0x1082;
	[sflag:s4] =	ssyncset.s32 $0xFFFFF086  }
0x25: {  	[simem:s6], [sflag:s4] =	dma.local [hbm:s3], $0xF7A  }
0x26: {  	[smem:$0x3F8F] =	sst s1;
	(tag) =	ssettag s2;
	_ =	strace s9  }
0x27: {  	s1 =	sld [smem:$0x3F9F]  }
0x28: {  	s2 =	sld [smem:$0x3FA0]  }
0x29: {  	s4 =	sld [smem:$0x3FA2]  }
0x2a: {  	p0 =	seq.s32 s5, $0x0;
	s5 =	sld [smem:$0x3FA3]  }
0x2b: {  	s6 =	sld [smem:$0x3FA4]  }
0x2c: {  	s7 =	sld [smem:$0x3FA5]  }
0x2d: {  	s3 =	simm.s32 $0x108;
	s8 =	sld [smem:$0x3FA6]  }
0x2e: {  	s3 =	simm.s32 @!p0 $0x1082;
	s9 =	sld [smem:$0x3FA7]  }
0x2f: {  	lr =	sadd.s32 s0, s3;
	s0 =	sld [smem:$0x3F9E]  }
0x30: {  	s3 =	sld [smem:$0x3FA1]  }
0x31: {  	[smem:$0x3FAA] =	sst s10  }
0x32: {  	s10 =	sld [smem:$0x3FA8];
	_ =	sdelay $0x3  }
0x33: {  	p0 =	seq.s32 s10, $0x1;
	s10 =	sld [smem:$0x3FAA];
	_ =	sdelay $0x3  }
0x34: {  	[smem:$0x3FAA] =	sst s10  }
0x35: {  	s10 =	sld [smem:$0x3FA9];
	_ =	sdelay $0x3  }
0x36: {  	p1 =	seq.s32 s10, $0x1;
	s10 =	sld [smem:$0x3FAA];
	_ =	sdelay $0x3  }
0x37: {  	[smem:$0x3FAA] =	sst s10  }
0x38: {  	s10 =	sld [smem:$0x3FAB]  }
0x39: {  	_ = 	snop;
	(pc) =	sbr.ind lr, $3  }
0x3a: {  	_ = 	snop  }
0x3b: {  	_ = 	snop  }
0x3c: {  	p2 =	seq.s32 s10, $0x1;
	s10 =	sld [smem:$0x3FAA]  }
0x3d: {  	_ =	shalt  }
0x3e: {  	_ =	shalt  }
0x3f: {  	_ =	shalt  }
0x40: {  	_ =	shalt  }
0x41: {  	_ =	shalt  }
0x42: {  	_ =	shalt  }
0x43: {  	_ =	shalt  }
0x44: {  	_ =	shalt  }
0x45: {  	_ =	shalt  }
0x46: {  	_ =	shalt  }
0x47: {  	_ =	shalt  }
0x48: {  	_ =	shalt  }
0x49: {  	_ =	shalt  }
0x4a: {  	_ =	shalt  }
0x4b: {  	_ =	shalt  }
0x4c: {  	_ =	shalt  }
0x4d: {  	_ =	shalt  }
0x4e: {  	_ =	shalt  }
0x4f: {  	_ =	shalt  }
0x50: {  	_ =	shalt  }
0x51: {  	_ =	shalt  }
0x52: {  	_ =	shalt  }
0x53: {  	_ =	shalt  }
0x54: {  	_ =	shalt  }
0x55: {  	_ =	shalt  }
0x56: {  	_ =	shalt  }
0x57: {  	_ =	shalt  }
0x58: {  	_ =	shalt  }
0x59: {  	_ =	shalt  }
0x5a: {  	_ =	shalt  }
0x5b: {  	_ =	shalt  }
0x5c: {  	_ =	shalt  }
0x5d: {  	_ =	shalt  }
0x5e: {  	_ =	shalt  }
0x5f: {  	_ =	shalt  }
0x60: {  	_ =	shalt  }
0x61: {  	_ =	shalt  }
0x62: {  	_ =	shalt  }
0x63: {  	_ =	shalt  }
0x64: {  	_ =	shalt  }
0x65: {  	_ =	shalt  }
0x66: {  	_ =	shalt  }
0x67: {  	_ =	shalt  }
0x68: {  	_ =	shalt  }
0x69: {  	_ =	shalt  }
0x6a: {  	_ =	shalt  }
0x6b: {  	_ =	shalt  }
0x6c: {  	_ =	shalt  }
0x6d: {  	_ =	shalt  }
0x6e: {  	_ =	shalt  }
0x6f: {  	_ =	shalt  }
0x70: {  	_ =	shalt  }
0x71: {  	_ =	shalt  }
0x72: {  	_ =	shalt  }
0x73: {  	_ =	shalt  }
0x74: {  	_ =	shalt  }
0x75: {  	_ =	shalt  }
0x76: {  	_ =	shalt  }
0x77: {  	_ =	shalt  }
0x78: {  	_ =	shalt  }
0x79: {  	_ =	shalt  }
0x7a: {  	_ =	shalt  }
0x7b: {  	_ =	shalt  }
0x7c: {  	_ =	shalt  }
0x7d: {  	_ =	shalt  }
0x7e: {  	_ =	shalt  }
0x7f: {  	_ =	shalt  }
0x80: {  	_ =	shalt  }
0x81: {  	_ =	shalt  }
0x82: {  	_ =	shalt  }
0x83: {  	_ =	shalt  }
0x84: {  	_ =	shalt  }
0x85: {  	_ =	shalt  }
0x86: {  	_ =	shalt  }
0x87: {  	_ =	shalt  }
.Lfunc_end0:
.L_simem_size_0:
called_computation.1_lowered:
.L_overlay_start_0:
0x88: {  	s2 =	sld [smem:$0x3FD9]  }
0x89: {  	s3 =	sld [smem:$0x3FFE];
	_ =	sdelay $0x1  }
0x8a: {  	s1 =	srdreg.scid  }
0x8b: {  	s0 =	sand.u32 $0x1, s1  }
0x8c: {  	s17 =	sshll.u32 s0, $0xA;
	s2 =	sadd.s32 s3, s2  }
0x8d: {  	s2 =	sadd.s32 s2, s17  }
0x8e: {  	[smem:$0x3FB6] =	sst s2  }
0x8f: {  	_ = 	snop  }
0x90: {  	s2 =	sld [smem:$0x3FD0];
	(tm) =	ssettm $0x1  }
0x91: {  	s18 =	sld [smem:$0x3FFB];
	_ =	sdelay $0x3  }
0x92: {  	_ =	strace s18  }
0x93: {  	s3 =	sld [smem:$0x3FFC];
	_ =	sdelay $0x3  }
0x94: {  	_ =	strace s3  }
0x95: {  	s3 =	sld [smem:$0x3FFD];
	_ =	sdelay $0x3  }
0x96: {  	_ =	strace s3  }
0x97: {  	_ =	strace $0x8FFFFFFF  }
0x98: {  	s19 =	sld [smem:$0x3FDB];
	_ =	sdelay $0x1  }
0x99: {  	s4 =	simm.s32 $_scs_section_size  }
0x9a: {  	s5 =	simm.s32 $_size__tile_overlayer_lowered;
	s6 =	simm.s32 $_tile_overlayer_lowered  }
0x9b: {  	s22 =	simm.s32 $0x1BFF;
	s21 =	sshll.u32 s6, $0x1;
	s3 =	sadd.s32 s4, s19  }
0x9c: {  	s7 =	simm.s32 $0x0;
	s20 =	sshll.u32 s5, $0x1;
	s5 =	sadd.s32 s21, s3  }
0x9d: {  	[timem:s7], [sflag:s22] =	dma.local [hbm:s5], s20  }
0x9e: {  	_ =	swait.ge [sflag:s22], s20  }
0x9f: {  	s4 =	ssub.s32 $0x0, s20;
	[sflag:s22] =	ssyncset.done $0x0  }
0xa0: {  	[sflag:s22] =	ssyncadd.s32 s4;
	_ =	sdelay $0x1  }
0xa1: {  	s23 =	simm.s32 $0x1B8B  }
0xa2: {  	_ =	swait.ge [sflag:s23], $0x1  }
0xa3: {  	[sflag:s23] =	ssyncset.done $0x0  }
0xa4: {  	s25 =	simm.s32 $0x1B8E;
	s24 =	sld [smem:$0x3FFE];
	[sflag:s23] =	ssyncadd.s32 $0xFFFFFFFF  }
0xa5: {  	s26 =	simm.s32 $execute0_lowered;
	[smem:$0x3FD2] =	sst s25  }
0xa6: {  	s5 =	sshll.u32 s26, $0x1;
	_ =	strace $0x80000049;
	[dreg:$0x1] =	wrdreg $0xFFFFFFFF  }
0xa7: {  	s28 =	simm.s32 $_size_execute0_lowered;
	s3 =	sadd.s32 s3, s5;
	[dreg:$0x0] =	wrdreg $0x0  }
0xa8: {  	s5 =	sshll.u32 s28, $0x1;
	[dreg:$0x2] =	wrdreg s3  }
0xa9: {  	[dreg:$0x3] =	wrdreg s5  }
0xaa: {  	[dreg:$0x4] =	wrdreg $0xC0  }
0xab: {  	_ =	task [dreg:s7], $0x5FFFF  }
0xac: {  	[dreg:$0x1] =	wrdreg $0xFFFFFFFF  }
0xad: {  	[dreg:$0x0] =	wrdreg $0x60  }
0xae: {  	[dreg:$0x2] =	wrdreg s2  }
0xaf: {  	[dreg:$0x3] =	wrdreg s24  }
0xb0: {  	[dreg:$0x4] =	wrdreg $0x9  }
0xb1: {  	_ =	task.clear_ibuf [dreg:s7], $0x5FFFF;
	_ =	strace $0x90000049  }
0xb2: {  	s29 =	simm.s32 $0x9;
	_ =	strace $0x8000004B  }
0xb3: {  	_ =	swait.ge [sflag:s29], $0x1  }
0xb4: {  	[sflag:s29] =	ssyncadd.s32 $0xFFFFFFFF  }
0xb5: {  	_ =	strace $0x9000004B  }
0xb6: {  	_ =	sfence  }
0xb7: {  	s30 =	sld [smem:$0x0];
	_ =	sdelay $0x2  }
0xb8: {  	s31 =	sshll.u32 s1, $0xD;
	s1 =	sshrl.u32 s1, $0x2  }
0xb9: {  	s3 =	sand.u32 $0x4000, s31;
	s1 =	sadd.s32 s1, s30  }
0xba: {  	s0 =	sor.u32 s3, s0;
	s1 =	sshll.u32 s1, $0x11  }
0xbb: {  	s0 =	sor.u32 s1, s0  }
0xbc: {  	s0 =	sadd.s32 $0x8F2B, s0  }
0xbd: {  	[sflag:s0] =	ssyncadd.remote.s32 $0x1  }
0xbe: {  	_ =	sfence.sel $0xFFFF  }
0xbf: {  	[dreg:$0x0] =	wrdreg $0xFFFFFFFF;
	(pc) =	sbr.abs _section_cstart, $3  }
0xc0: {  	[dreg:$0x1] =	wrdreg $0xFFFFFFFF  }
0xc1: {  	_ =	task.clear_ibuf [dreg:s7], $0x2FFFF;
	_ =	strace $0x9FFFFFFF  }
0xc2: {  	(tm) =	ssettm $0x7FFFFFFF  }
0xc3: {  	_ =	shalt  }
tec
execute0_lowered:
.L_overlay_start_1:
0x0: {  	(tag) =	ssettag $0x1  }
0x1: {  	s1 =	srdreg.scid;
	s0 =	stileid.u32  }
0x2: {  	s2 =	rddreg [dreg:$0x0];
	s25 =	sand.u32 $0x1, s1;
	s30 =	sshll.u32 s0, $0x1  }
0x3: {  	s22 =	rddreg [dreg:$0x1];
	s17 =	sor.u32 s25, s30  }
0x4: {  	s3 =	simm.s32 $0x0;
	s1 =	rddreg [dreg:$0x2];
	s4 =	sshll.u32 s17, $0x7  }
0x5: {  	[smem:$0x7FF] =	sst s3;
	s4 =	sadd.s32 s4, s22  }
0x6: {  	_ =	strace $0x8000004A;
	s5 =	sadd.s32 $0x4A00, s4;
	s4 =	simm.s32 $0x2  }
0x7: {  	[tilespmem:s3], [sflag:$0x2] =	stream.linear.gather [hbm4b:s5+s3], $0x280, $0x38;
	[tilespmem:$0x14400] =	vst v63  }
0x8: {  	_ =	swait.ge [sflag:s4], $0x280  }
0x9: {  	[sflag:s4] =	ssyncset.done $0x0  }
0xa: {  	s6 =	simm.s32 $0x80;
	s7 =	simm.s32 $0x400;
	[sflag:s4] =	ssyncadd.s32 $0xFFFFFD80  }
0xb: {  	[tilespmem:s7], [sflag:$0x1] =	stream.indirect.gather [hbm4b:s2+s6], $0x80, s3, s6, $0xb8;
	[tilespmem:$0x14400] =	vst v63  }
0xc: {  	s8 =	simm.s32 $0x4400  }
0xd: {  	[tilespmem:s8], [sflag:$0x1] =	stream.indirect.gather [hbm4b:s2+s6], $0x80, s6, s6, $0xb8;
	[tilespmem:$0x14400] =	vst v63  }
0xe: {  	s9 =	simm.s32 $0x100;
	s10 =	simm.s32 $0x8400  }
0xf: {  	[tilespmem:s10], [sflag:$0x1] =	stream.indirect.gather [hbm4b:s2+s6], $0x80, s9, s6, $0xb8;
	[tilespmem:$0x14400] =	vst v63  }
0x10: {  	s11 =	simm.s32 $0x180;
	s12 =	simm.s32 $0xC400  }
0x11: {  	[tilespmem:s12], [sflag:$0x1] =	stream.indirect.gather [hbm4b:s2+s6], $0x80, s11, s6, $0xb8;
	[tilespmem:$0x14400] =	vst v63  }
0x12: {  	s13 =	simm.s32 $0x200;
	s14 =	simm.s32 $0x10400;
	s15 =	simm.s32 $0x1  }
0x13: {  	[tilespmem:s14], [sflag:$0x1] =	stream.indirect.gather [hbm4b:s2+s6], $0x80, s13, s6, $0xb8;
	[tilespmem:$0x14400] =	vst v63  }
0x14: {  	_ =	swait.ge [sflag:s15], $0x4000  }
0x15: {  	[sflag:s15] =	ssyncset.done $0x0  }
0x16: {  	[sflag:s15] =	ssyncadd.s32 $0xFFFFC000  }
0x17: {  	_ =	swait.ge [sflag:s15], $0x4000  }
0x18: {  	[sflag:s15] =	ssyncset.done $0x0  }
0x19: {  	[sflag:s15] =	ssyncadd.s32 $0xFFFFC000  }
0x1a: {  	_ =	swait.ge [sflag:s15], $0x4000  }
0x1b: {  	[sflag:s15] =	ssyncset.done $0x0  }
0x1c: {  	[sflag:s15] =	ssyncadd.s32 $0xFFFFC000  }
0x1d: {  	_ =	swait.ge [sflag:s15], $0x4000  }
0x1e: {  	[sflag:s15] =	ssyncset.done $0x0  }
0x1f: {  	[sflag:s15] =	ssyncadd.s32 $0xFFFFC000  }
0x20: {  	s23 =	smul.u32 $0x2800, s17;
	_ =	swait.ge [sflag:s15], $0x4000  }
0x21: {  	s20 =	sadd.s32 $0xDA00, s22;
	[sflag:s15] =	ssyncset.done $0x0  }
0x22: {  	s17 =	smul.u32 $0x14000, s17;
	s16 =	sadd.s32 s20, s23;
	[sflag:s15] =	ssyncadd.s32 $0xFFFFC000  }
0x23: {  	[hbm4b:s16+s3] =	stream.linear.scatter [tilespmem:s7], [sflag:$0x2], $0x4000, $0x38;
	[tilespmem:$0x14400] =	vst v63  }
0x24: {  	s21 =	sshrl.u32 s17, $0x3;
	_ =	swait.ge [sflag:s4], $0x4000  }
0x25: {  	s24 =	sadd.s32 $0x800, s21;
	[sflag:s4] =	ssyncset.done $0x0  }
0x26: {  	s17 =	sadd.s32 s20, s24;
	[sflag:s4] =	ssyncadd.s32 $0xFFFFC000  }
0x27: {  	[hbm4b:s17+s3] =	stream.linear.scatter [tilespmem:s8], [sflag:$0x2], $0x4000, $0x38;
	[tilespmem:$0x14400] =	vst v63  }
0x28: {  	_ =	swait.ge [sflag:s4], $0x4000  }
0x29: {  	s26 =	sadd.s32 $0x1000, s21;
	[sflag:s4] =	ssyncset.done $0x0  }
0x2a: {  	s18 =	sadd.s32 s20, s26;
	[sflag:s4] =	ssyncadd.s32 $0xFFFFC000  }
0x2b: {  	[hbm4b:s18+s3] =	stream.linear.scatter [tilespmem:s10], [sflag:$0x2], $0x4000, $0x38;
	[tilespmem:$0x14400] =	vst v63  }
0x2c: {  	_ =	swait.ge [sflag:s4], $0x4000  }
0x2d: {  	s28 =	sadd.s32 $0x1800, s21;
	[sflag:s4] =	ssyncset.done $0x0  }
0x2e: {  	s19 =	sadd.s32 s20, s28;
	[sflag:s4] =	ssyncadd.s32 $0xFFFFC000  }
0x2f: {  	[hbm4b:s19+s3] =	stream.linear.scatter [tilespmem:s12], [sflag:$0x2], $0x4000, $0x38;
	[tilespmem:$0x14400] =	vst v63  }
0x30: {  	_ =	swait.ge [sflag:s4], $0x4000  }
0x31: {  	s29 =	sadd.s32 $0x2000, s21;
	[sflag:s4] =	ssyncset.done $0x0  }
0x32: {  	s20 =	sadd.s32 s20, s29;
	[sflag:s4] =	ssyncadd.s32 $0xFFFFC000  }
0x33: {  	[hbm4b:s20+s3] =	stream.linear.scatter [tilespmem:s14], [sflag:$0x2], $0x4000, $0x38;
	[tilespmem:$0x14400] =	vst v63  }
0x34: {  	_ =	swait.ge [sflag:s4], $0x4000  }
0x35: {  	[sflag:s4] =	ssyncset.done $0x0  }
0x36: {  	s21 =	sadd.s32 $0x5A00, s22;
	[sflag:s4] =	ssyncadd.s32 $0xFFFFC000  }
0x37: {  	[tilespmem:s7], [sflag:$0x1] =	stream.indirect.gather [hbm4b:s21+s6], $0x80, s3, s6, $0xb8;
	[tilespmem:$0x14400] =	vst v63  }
0x38: {  	_ = 	snop  }
0x39: {  	[tilespmem:s8], [sflag:$0x1] =	stream.indirect.gather [hbm4b:s21+s6], $0x80, s6, s6, $0xb8;
	[tilespmem:$0x14400] =	vst v63  }
0x3a: {  	_ = 	snop  }
0x3b: {  	[tilespmem:s10], [sflag:$0x1] =	stream.indirect.gather [hbm4b:s21+s6], $0x80, s9, s6, $0xb8;
	[tilespmem:$0x14400] =	vst v63  }
0x3c: {  	_ = 	snop  }
0x3d: {  	[tilespmem:s12], [sflag:$0x1] =	stream.indirect.gather [hbm4b:s21+s6], $0x80, s11, s6, $0xb8;
	[tilespmem:$0x14400] =	vst v63  }
0x3e: {  	_ = 	snop  }
0x3f: {  	[tilespmem:s14], [sflag:$0x1] =	stream.indirect.gather [hbm4b:s21+s6], $0x80, s13, s6, $0xb8;
	[tilespmem:$0x14400] =	vst v63  }
0x40: {  	_ =	swait.ge [sflag:s15], $0x4000  }
0x41: {  	[sflag:s15] =	ssyncset.done $0x0  }
0x42: {  	[sflag:s15] =	ssyncadd.s32 $0xFFFFC000  }
0x43: {  	_ =	swait.ge [sflag:s15], $0x4000  }
0x44: {  	[sflag:s15] =	ssyncset.done $0x0  }
0x45: {  	[sflag:s15] =	ssyncadd.s32 $0xFFFFC000  }
0x46: {  	_ =	swait.ge [sflag:s15], $0x4000  }
0x47: {  	[sflag:s15] =	ssyncset.done $0x0  }
0x48: {  	[sflag:s15] =	ssyncadd.s32 $0xFFFFC000  }
0x49: {  	_ =	swait.ge [sflag:s15], $0x4000  }
0x4a: {  	[sflag:s15] =	ssyncset.done $0x0  }
0x4b: {  	[sflag:s15] =	ssyncadd.s32 $0xFFFFC000  }
0x4c: {  	_ =	swait.ge [sflag:s15], $0x4000  }
0x4d: {  	s30 =	sadd.s32 $0x5DA00, s22;
	[sflag:s15] =	ssyncset.done $0x0  }
0x4e: {  	s22 =	sadd.s32 s30, s23;
	[sflag:s15] =	ssyncadd.s32 $0xFFFFC000  }
0x4f: {  	[hbm4b:s22+s3] =	stream.linear.scatter [tilespmem:s7], [sflag:$0x2], $0x4000, $0x38;
	[tilespmem:$0x14400] =	vst v63  }
0x50: {  	_ =	swait.ge [sflag:s4], $0x4000  }
0x51: {  	[sflag:s4] =	ssyncset.done $0x0  }
0x52: {  	s23 =	sadd.s32 s30, s24;
	[sflag:s4] =	ssyncadd.s32 $0xFFFFC000  }
0x53: {  	[hbm4b:s23+s3] =	stream.linear.scatter [tilespmem:s8], [sflag:$0x2], $0x4000, $0x38;
	[tilespmem:$0x14400] =	vst v63  }
0x54: {  	_ =	swait.ge [sflag:s4], $0x4000  }
0x55: {  	[sflag:s4] =	ssyncset.done $0x0  }
0x56: {  	s31 =	ssub.s32 $0x2, s25;
	s24 =	sadd.s32 s30, s26;
	[sflag:s4] =	ssyncadd.s32 $0xFFFFC000  }
0x57: {  	[hbm4b:s24+s3] =	stream.linear.scatter [tilespmem:s10], [sflag:$0x2], $0x4000, $0x38;
	[tilespmem:$0x14400] =	vst v63  }
0x58: {  	s25 =	sadd.s32 s30, s28;
	s28 =	sshrl.u32 s31, $0x1;
	_ =	swait.ge [sflag:s4], $0x4000  }
0x59: {  	s28 =	ssub.s32 s31, s28;
	[sflag:s4] =	ssyncset.done $0x0  }
0x5a: {  	s28 =	smax.u32 s28, $0x1;
	[sflag:s4] =	ssyncadd.s32 $0xFFFFC000  }
0x5b: {  	[hbm4b:s25+s3] =	stream.linear.scatter [tilespmem:s12], [sflag:$0x2], $0x4000, $0x38;
	[tilespmem:$0x14400] =	vst v63  }
0x5c: {  	p0 =	sne.s32 s28, $0x1;
	_ =	swait.ge [sflag:s4], $0x4000  }
.Ltmp0:
0x5d: {  	[sflag:s4] =	ssyncset.done $0x0;
	(pc) =	sbr.rel @!p0 .LBB2_2-.Ltmp0, $4  }
0x5e: {  	s26 =	sadd.s32 s30, s29;
	[sflag:s4] =	ssyncadd.s32 $0xFFFFC000  }
0x5f: {  	[hbm4b:s26+s3] =	stream.linear.scatter [tilespmem:s14], [sflag:$0x2], $0x4000, $0x38;
	[tilespmem:$0x14400] =	vst v63  }
0x60: {  	_ =	swait.ge [sflag:s4], $0x4000  }
0x61: {  	s28 =	sadd.s32 $0xFFFFFFFF, s28;
	[sflag:s4] =	ssyncset.done $0x0  }
.LBB2_1:
0x62: {  	p0 =	sne.s32 s28, $0x1;
	s28 =	sadd.s32 $0xFFFFFFFF, s28;
	[sflag:s4] =	ssyncadd.s32 $0xFFFFC000  }
0x63: {  	[tilespmem:s3], [sflag:$0x2] =	stream.linear.gather [hbm4b:s5+s3], $0x280, $0x38;
	[tilespmem:$0x14400] =	vst v63  }
0x64: {  	_ =	swait.ge [sflag:s4], $0x280  }
0x65: {  	[sflag:s4] =	ssyncset.done $0x0  }
0x66: {  	[sflag:s4] =	ssyncadd.s32 $0xFFFFFD80  }
0x67: {  	[tilespmem:s7], [sflag:$0x1] =	stream.indirect.gather [hbm4b:s2+s6], $0x80, s3, s6, $0xb8;
	[tilespmem:$0x14400] =	vst v63  }
0x68: {  	_ = 	snop  }
0x69: {  	[tilespmem:s8], [sflag:$0x1] =	stream.indirect.gather [hbm4b:s2+s6], $0x80, s6, s6, $0xb8;
	[tilespmem:$0x14400] =	vst v63  }
0x6a: {  	_ = 	snop  }
0x6b: {  	[tilespmem:s10], [sflag:$0x1] =	stream.indirect.gather [hbm4b:s2+s6], $0x80, s9, s6, $0xb8;
	[tilespmem:$0x14400] =	vst v63  }
0x6c: {  	_ = 	snop  }
0x6d: {  	[tilespmem:s12], [sflag:$0x1] =	stream.indirect.gather [hbm4b:s2+s6], $0x80, s11, s6, $0xb8;
	[tilespmem:$0x14400] =	vst v63  }
0x6e: {  	_ = 	snop  }
0x6f: {  	[tilespmem:s14], [sflag:$0x1] =	stream.indirect.gather [hbm4b:s2+s6], $0x80, s13, s6, $0xb8;
	[tilespmem:$0x14400] =	vst v63  }
0x70: {  	_ =	swait.ge [sflag:s15], $0x4000  }
0x71: {  	[sflag:s15] =	ssyncset.done $0x0  }
0x72: {  	[sflag:s15] =	ssyncadd.s32 $0xFFFFC000  }
0x73: {  	_ =	swait.ge [sflag:s15], $0x4000  }
0x74: {  	[sflag:s15] =	ssyncset.done $0x0  }
0x75: {  	[sflag:s15] =	ssyncadd.s32 $0xFFFFC000  }
0x76: {  	_ =	swait.ge [sflag:s15], $0x4000  }
0x77: {  	[sflag:s15] =	ssyncset.done $0x0  }
0x78: {  	[sflag:s15] =	ssyncadd.s32 $0xFFFFC000  }
0x79: {  	_ =	swait.ge [sflag:s15], $0x4000  }
0x7a: {  	[sflag:s15] =	ssyncset.done $0x0  }
0x7b: {  	[sflag:s15] =	ssyncadd.s32 $0xFFFFC000  }
0x7c: {  	_ =	swait.ge [sflag:s15], $0x4000  }
0x7d: {  	[sflag:s15] =	ssyncset.done $0x0  }
0x7e: {  	[sflag:s15] =	ssyncadd.s32 $0xFFFFC000  }
0x7f: {  	[hbm4b:s16+s3] =	stream.linear.scatter [tilespmem:s7], [sflag:$0x2], $0x4000, $0x38;
	[tilespmem:$0x14400] =	vst v63  }
0x80: {  	_ =	swait.ge [sflag:s4], $0x4000  }
0x81: {  	[sflag:s4] =	ssyncset.done $0x0  }
0x82: {  	[sflag:s4] =	ssyncadd.s32 $0xFFFFC000  }
0x83: {  	[hbm4b:s17+s3] =	stream.linear.scatter [tilespmem:s8], [sflag:$0x2], $0x4000, $0x38;
	[tilespmem:$0x14400] =	vst v63  }
0x84: {  	_ =	swait.ge [sflag:s4], $0x4000  }
0x85: {  	[sflag:s4] =	ssyncset.done $0x0  }
0x86: {  	[sflag:s4] =	ssyncadd.s32 $0xFFFFC000  }
0x87: {  	[hbm4b:s18+s3] =	stream.linear.scatter [tilespmem:s10], [sflag:$0x2], $0x4000, $0x38;
	[tilespmem:$0x14400] =	vst v63  }
0x88: {  	_ =	swait.ge [sflag:s4], $0x4000  }
0x89: {  	[sflag:s4] =	ssyncset.done $0x0  }
0x8a: {  	[sflag:s4] =	ssyncadd.s32 $0xFFFFC000  }
0x8b: {  	[hbm4b:s19+s3] =	stream.linear.scatter [tilespmem:s12], [sflag:$0x2], $0x4000, $0x38;
	[tilespmem:$0x14400] =	vst v63  }
0x8c: {  	_ =	swait.ge [sflag:s4], $0x4000  }
0x8d: {  	[sflag:s4] =	ssyncset.done $0x0  }
0x8e: {  	[sflag:s4] =	ssyncadd.s32 $0xFFFFC000  }
0x8f: {  	[hbm4b:s20+s3] =	stream.linear.scatter [tilespmem:s14], [sflag:$0x2], $0x4000, $0x38;
	[tilespmem:$0x14400] =	vst v63  }
0x90: {  	_ =	swait.ge [sflag:s4], $0x4000  }
0x91: {  	[sflag:s4] =	ssyncset.done $0x0  }
0x92: {  	[sflag:s4] =	ssyncadd.s32 $0xFFFFC000  }
0x93: {  	[tilespmem:s7], [sflag:$0x1] =	stream.indirect.gather [hbm4b:s21+s6], $0x80, s3, s6, $0xb8;
	[tilespmem:$0x14400] =	vst v63  }
0x94: {  	_ = 	snop  }
0x95: {  	[tilespmem:s8], [sflag:$0x1] =	stream.indirect.gather [hbm4b:s21+s6], $0x80, s6, s6, $0xb8;
	[tilespmem:$0x14400] =	vst v63  }
0x96: {  	_ = 	snop  }
0x97: {  	[tilespmem:s10], [sflag:$0x1] =	stream.indirect.gather [hbm4b:s21+s6], $0x80, s9, s6, $0xb8;
	[tilespmem:$0x14400] =	vst v63  }
0x98: {  	_ = 	snop  }
0x99: {  	[tilespmem:s12], [sflag:$0x1] =	stream.indirect.gather [hbm4b:s21+s6], $0x80, s11, s6, $0xb8;
	[tilespmem:$0x14400] =	vst v63  }
0x9a: {  	_ = 	snop  }
0x9b: {  	[tilespmem:s14], [sflag:$0x1] =	stream.indirect.gather [hbm4b:s21+s6], $0x80, s13, s6, $0xb8;
	[tilespmem:$0x14400] =	vst v63  }
0x9c: {  	_ =	swait.ge [sflag:s15], $0x4000  }
0x9d: {  	[sflag:s15] =	ssyncset.done $0x0  }
0x9e: {  	[sflag:s15] =	ssyncadd.s32 $0xFFFFC000  }
0x9f: {  	_ =	swait.ge [sflag:s15], $0x4000  }
0xa0: {  	[sflag:s15] =	ssyncset.done $0x0  }
0xa1: {  	[sflag:s15] =	ssyncadd.s32 $0xFFFFC000  }
0xa2: {  	_ =	swait.ge [sflag:s15], $0x4000  }
0xa3: {  	[sflag:s15] =	ssyncset.done $0x0  }
0xa4: {  	[sflag:s15] =	ssyncadd.s32 $0xFFFFC000  }
0xa5: {  	_ =	swait.ge [sflag:s15], $0x4000  }
0xa6: {  	[sflag:s15] =	ssyncset.done $0x0  }
0xa7: {  	[sflag:s15] =	ssyncadd.s32 $0xFFFFC000  }
0xa8: {  	_ =	swait.ge [sflag:s15], $0x4000  }
0xa9: {  	[sflag:s15] =	ssyncset.done $0x0  }
0xaa: {  	[sflag:s15] =	ssyncadd.s32 $0xFFFFC000  }
0xab: {  	[hbm4b:s22+s3] =	stream.linear.scatter [tilespmem:s7], [sflag:$0x2], $0x4000, $0x38;
	[tilespmem:$0x14400] =	vst v63  }
0xac: {  	_ =	swait.ge [sflag:s4], $0x4000  }
0xad: {  	[sflag:s4] =	ssyncset.done $0x0  }
0xae: {  	[sflag:s4] =	ssyncadd.s32 $0xFFFFC000  }
0xaf: {  	[hbm4b:s23+s3] =	stream.linear.scatter [tilespmem:s8], [sflag:$0x2], $0x4000, $0x38;
	[tilespmem:$0x14400] =	vst v63  }
0xb0: {  	_ =	swait.ge [sflag:s4], $0x4000  }
0xb1: {  	[sflag:s4] =	ssyncset.done $0x0  }
0xb2: {  	[sflag:s4] =	ssyncadd.s32 $0xFFFFC000  }
0xb3: {  	[hbm4b:s24+s3] =	stream.linear.scatter [tilespmem:s10], [sflag:$0x2], $0x4000, $0x38;
	[tilespmem:$0x14400] =	vst v63  }
0xb4: {  	_ =	swait.ge [sflag:s4], $0x4000  }
0xb5: {  	[sflag:s4] =	ssyncset.done $0x0  }
0xb6: {  	[sflag:s4] =	ssyncadd.s32 $0xFFFFC000  }
0xb7: {  	[hbm4b:s25+s3] =	stream.linear.scatter [tilespmem:s12], [sflag:$0x2], $0x4000, $0x38;
	[tilespmem:$0x14400] =	vst v63  }
0xb8: {  	_ =	swait.ge [sflag:s4], $0x4000  }
.Ltmp1:
0xb9: {  	[sflag:s4] =	ssyncset.done $0x0;
	(pc) =	sbr.rel @p0 .LBB2_1-.Ltmp1, $4  }
0xba: {  	[sflag:s4] =	ssyncadd.s32 $0xFFFFC000  }
0xbb: {  	[hbm4b:s26+s3] =	stream.linear.scatter [tilespmem:s14], [sflag:$0x2], $0x4000, $0x38;
	[tilespmem:$0x14400] =	vst v63  }
0xbc: {  	_ =	swait.ge [sflag:s4], $0x4000  }
0xbd: {  	[sflag:s4] =	ssyncset.done $0x0  }
.LBB2_2:
0xbe: {  	[sflag:s4] =	ssyncadd.s32 $0xFFFFC000  }
0xbf: {  	_ =	sfence.sel $0x180000  }
0xc0: {  	[bflag:$0x0] =	sbarrier.arrive $0xFFFF  }
0xc1: {  	p0 =	sne.s32 s0, $0x0;
	_ =	strace $0x9000004A  }
0xc2: {  	s0 =	sadd.s32 @!p0 $0x100000, s1;
	[bflag:$0x2] =	sbarrier.arrive $0xFFFF  }
0xc3: {  	[sflag:s0] =	ssyncadd.tile.s32 @!p0 $0x1;
	_ =	shalt  }
.Lfunc_end2:
_tile_overlayer_lowered:
.L_overlay_start_2:
0xc4: {  	(tag) =	ssettag $0x2  }
0xc5: {  	s0 =	rddreg [dreg:$0x0];
	s2 =	stileid.u32  }
0xc6: {  	s1 =	rddreg [dreg:$0x1];
	p0 =	sne.s32 s2, $0x0  }
0xc7: {  	s3 =	rddreg [dreg:$0x2];
	[bflag:$0x3] =	sbarrier.arrive $0xFFFF;
	s2 =	simm.s32 @!p0 $0x1C02  }
0xc8: {  	[timem:s3], [sflag:s2] =	dma.local @!p0 [hbm:s0], s1  }
0xc9: {  	s0 =	simm.s32 @!p0 $0x2  }
0xca: {  	_ =	swait.ge @!p0 [sflag:s0], s1  }
0xcb: {  	s1 =	ssub.s32 @!p0 $0x0, s1;
	[sflag:s0] =	ssyncset.done @!p0 $0x0  }
0xcc: {  	[sflag:s0] =	ssyncadd.s32 @!p0 s1  }
0xcd: {  	[bflag:$0x3] =	sbarrier.arrive $0xFFFF  }
0xce: {  	_ =	shalt  }

// kernel: kernel.7.cloned.1.call-start
scs
__scs_entry_jumppad:
0x0: {  	(pc) =	sbr.rel $0x88, $3  }
0x1: {  	(tag) =	ssettag $0x0;
	lr =	simm.s32 $0x1  }
0x2: {  	[smem:$0x3F8F] =	sst lr;
	_ =	strace $0xD0000000  }
0x3: {  	_ = 	snop  }
0x4: {  	_ = 	snop  }
0x5: {  	_ = 	snop  }
0x6: {  	_ = 	snop  }
0x7: {  	_ = 	snop  }
__scs_overlays_trampoline_lowered:
0x8: {  	[smem:$0x3F9E] =	sst s0  }
0x9: {  	[smem:$0x3F9F] =	sst s1  }
0xa: {  	[smem:$0x3FA0] =	sst s2  }
0xb: {  	[smem:$0x3FA1] =	sst s3  }
0xc: {  	[smem:$0x3FA2] =	sst s4  }
0xd: {  	[smem:$0x3FA3] =	sst s5  }
0xe: {  	[smem:$0x3FA4] =	sst s6  }
0xf: {  	[smem:$0x3FA5] =	sst s7  }
0x10: {  	[smem:$0x3FA6] =	sst s8  }
0x11: {  	[smem:$0x3FA7] =	sst s9;
	s0 =	simm.s32 @!p0 $0x0  }
0x12: {  	s1 =	sld [smem:$0x3F8D];
	s0 =	simm.s32 @p0 $0x1  }
0x13: {  	[smem:$0x3FA8] =	sst s0;
	s0 =	simm.s32 @!p1 $0x0  }
0x14: {  	s2 =	sld [smem:$0x3F8C];
	s0 =	simm.s32 @p1 $0x1  }
0x15: {  	[smem:$0x3FA9] =	sst s0;
	s0 =	simm.s32 @!p2 $0x0  }
0x16: {  	s3 =	sld [smem:$0x3FDB];
	s0 =	simm.s32 @p2 $0x1  }
0x17: {  	s4 =	simm.s32 $0x1BF5;
	[smem:$0x3FAB] =	sst s0  }
0x18: {  	s0 =	sld [smem:$0x3F8E];
	_ =	swait.ge [sflag:s4], $0x0  }
0x19: {  	s7 =	sld [smem:$0x3F8F]  }
0x1a: {  	s8 =	sadd.s32 $0xFFFFE003, lr  }
0x1b: {  	s9 =	sadd.s32 $0xFFFFFEF7, lr;
	s5 =	simm.s32 $0xFFFFFFFF;
	p2 =	slt.u32 s8, $0xFFFFF086  }
0x1c: {  	p1 =	slt.u32 s9, $0xF7A;
	s5 =	simm.s32 @!p2 $0x0  }
0x1d: {  	s5 =	simm.s32 @p1 $0x1;
	p0 =	seq.s32 s7, s2  }
0x1e: {  	s7 =	smul.u32 @!p0 $0xF7A, s2;
	p2 =	seq.s32 @!p0 s5, $0x0  }
0x1f: {  	s9 =	smul.u32 $0xF7A, s1;
	s8 =	simm.s32 @!p0 $0x1BF5;
	p2 =	por !p2, p0  }
0x20: {  	[sflag:s8] =	ssyncset.s32 @!p0 $0xFFFFF086;
	s6 =	sadd.s32 @!p0 s3, s7;
	s7 =	simm.s32 @!p0 $0x108  }
0x21: {  	s3 =	sadd.s32 s3, s9;
	s6 =	sadd.s32 @!p0 $0x88, s6;
	s7 =	simm.s32 @p2 $0x1082  }
0x22: {  	[simem:s7], [sflag:s8] =	dma.local @!p0 [hbm:s6], $0xF7A  }
0x23: {  	s9 =	sor.u32 $0xD0000000, s2;
	s6 =	simm.s32 $0x108;
	_ =	swait.ge @!p0 [sflag:s8], $0x0  }
0x24: {  	s3 =	sadd.s32 $0x88, s3;
	s6 =	simm.s32 @!p1 $0x1082;
	[sflag:s4] =	ssyncset.s32 $0xFFFFF086  }
0x25: {  	[simem:s6], [sflag:s4] =	dma.local [hbm:s3], $0xF7A  }
0x26: {  	[smem:$0x3F8F] =	sst s1;
	(tag) =	ssettag s2;
	_ =	strace s9  }
0x27: {  	s1 =	sld [smem:$0x3F9F]  }
0x28: {  	s2 =	sld [smem:$0x3FA0]  }
0x29: {  	s4 =	sld [smem:$0x3FA2]  }
0x2a: {  	p0 =	seq.s32 s5, $0x0;
	s5 =	sld [smem:$0x3FA3]  }
0x2b: {  	s6 =	sld [smem:$0x3FA4]  }
0x2c: {  	s7 =	sld [smem:$0x3FA5]  }
0x2d: {  	s3 =	simm.s32 $0x108;
	s8 =	sld [smem:$0x3FA6]  }
0x2e: {  	s3 =	simm.s32 @!p0 $0x1082;
	s9 =	sld [smem:$0x3FA7]  }
0x2f: {  	lr =	sadd.s32 s0, s3;
	s0 =	sld [smem:$0x3F9E]  }
0x30: {  	s3 =	sld [smem:$0x3FA1]  }
0x31: {  	[smem:$0x3FAA] =	sst s10  }
0x32: {  	s10 =	sld [smem:$0x3FA8];
	_ =	sdelay $0x3  }
0x33: {  	p0 =	seq.s32 s10, $0x1;
	s10 =	sld [smem:$0x3FAA];
	_ =	sdelay $0x3  }
0x34: {  	[smem:$0x3FAA] =	sst s10  }
0x35: {  	s10 =	sld [smem:$0x3FA9];
	_ =	sdelay $0x3  }
0x36: {  	p1 =	seq.s32 s10, $0x1;
	s10 =	sld [smem:$0x3FAA];
	_ =	sdelay $0x3  }
0x37: {  	[smem:$0x3FAA] =	sst s10  }
0x38: {  	s10 =	sld [smem:$0x3FAB]  }
0x39: {  	_ = 	snop;
	(pc) =	sbr.ind lr, $3  }
0x3a: {  	_ = 	snop  }
0x3b: {  	_ = 	snop  }
0x3c: {  	p2 =	seq.s32 s10, $0x1;
	s10 =	sld [smem:$0x3FAA]  }
0x3d: {  	_ =	shalt  }
0x3e: {  	_ =	shalt  }
0x3f: {  	_ =	shalt  }
0x40: {  	_ =	shalt  }
0x41: {  	_ =	shalt  }
0x42: {  	_ =	shalt  }
0x43: {  	_ =	shalt  }
0x44: {  	_ =	shalt  }
0x45: {  	_ =	shalt  }
0x46: {  	_ =	shalt  }
0x47: {  	_ =	shalt  }
0x48: {  	_ =	shalt  }
0x49: {  	_ =	shalt  }
0x4a: {  	_ =	shalt  }
0x4b: {  	_ =	shalt  }
0x4c: {  	_ =	shalt  }
0x4d: {  	_ =	shalt  }
0x4e: {  	_ =	shalt  }
0x4f: {  	_ =	shalt  }
0x50: {  	_ =	shalt  }
0x51: {  	_ =	shalt  }
0x52: {  	_ =	shalt  }
0x53: {  	_ =	shalt  }
0x54: {  	_ =	shalt  }
0x55: {  	_ =	shalt  }
0x56: {  	_ =	shalt  }
0x57: {  	_ =	shalt  }
0x58: {  	_ =	shalt  }
0x59: {  	_ =	shalt  }
0x5a: {  	_ =	shalt  }
0x5b: {  	_ =	shalt  }
0x5c: {  	_ =	shalt  }
0x5d: {  	_ =	shalt  }
0x5e: {  	_ =	shalt  }
0x5f: {  	_ =	shalt  }
0x60: {  	_ =	shalt  }
0x61: {  	_ =	shalt  }
0x62: {  	_ =	shalt  }
0x63: {  	_ =	shalt  }
0x64: {  	_ =	shalt  }
0x65: {  	_ =	shalt  }
0x66: {  	_ =	shalt  }
0x67: {  	_ =	shalt  }
0x68: {  	_ =	shalt  }
0x69: {  	_ =	shalt  }
0x6a: {  	_ =	shalt  }
0x6b: {  	_ =	shalt  }
0x6c: {  	_ =	shalt  }
0x6d: {  	_ =	shalt  }
0x6e: {  	_ =	shalt  }
0x6f: {  	_ =	shalt  }
0x70: {  	_ =	shalt  }
0x71: {  	_ =	shalt  }
0x72: {  	_ =	shalt  }
0x73: {  	_ =	shalt  }
0x74: {  	_ =	shalt  }
0x75: {  	_ =	shalt  }
0x76: {  	_ =	shalt  }
0x77: {  	_ =	shalt  }
0x78: {  	_ =	shalt  }
0x79: {  	_ =	shalt  }
0x7a: {  	_ =	shalt  }
0x7b: {  	_ =	shalt  }
0x7c: {  	_ =	shalt  }
0x7d: {  	_ =	shalt  }
0x7e: {  	_ =	shalt  }
0x7f: {  	_ =	shalt  }
0x80: {  	_ =	shalt  }
0x81: {  	_ =	shalt  }
0x82: {  	_ =	shalt  }
0x83: {  	_ =	shalt  }
0x84: {  	_ =	shalt  }
0x85: {  	_ =	shalt  }
0x86: {  	_ =	shalt  }
0x87: {  	_ =	shalt  }
.Lfunc_end0:
.L_simem_size_0:
called_computation_lowered:
.L_overlay_start_0:
0x88: {  	s2 =	sld [smem:$0x3FD9]  }
0x89: {  	s3 =	sld [smem:$0x3FFE];
	_ =	sdelay $0x1  }
0x8a: {  	s1 =	srdreg.scid  }
0x8b: {  	s0 =	sand.u32 $0x1, s1  }
0x8c: {  	s17 =	sshll.u32 s0, $0xA;
	s2 =	sadd.s32 s3, s2  }
0x8d: {  	s2 =	sadd.s32 s2, s17  }
0x8e: {  	[smem:$0x3FB6] =	sst s2  }
0x8f: {  	_ = 	snop  }
0x90: {  	s2 =	sld [smem:$0x3FD0];
	(tm) =	ssettm $0x1  }
0x91: {  	s18 =	sld [smem:$0x3FFB];
	_ =	sdelay $0x3  }
0x92: {  	_ =	strace s18  }
0x93: {  	s3 =	sld [smem:$0x3FFC];
	_ =	sdelay $0x3  }
0x94: {  	_ =	strace s3  }
0x95: {  	s3 =	sld [smem:$0x3FFD];
	_ =	sdelay $0x3  }
0x96: {  	_ =	strace s3  }
0x97: {  	_ =	strace $0x8FFFFFFF  }
0x98: {  	s19 =	sld [smem:$0x3FDB];
	_ =	sdelay $0x1  }
0x99: {  	s4 =	simm.s32 $_scs_section_size  }
0x9a: {  	s5 =	simm.s32 $_size__tile_overlayer_lowered;
	s6 =	simm.s32 $_tile_overlayer_lowered  }
0x9b: {  	s22 =	simm.s32 $0x1BFF;
	s21 =	sshll.u32 s6, $0x1;
	s3 =	sadd.s32 s4, s19  }
0x9c: {  	s7 =	simm.s32 $0x0;
	s20 =	sshll.u32 s5, $0x1;
	s5 =	sadd.s32 s21, s3  }
0x9d: {  	[timem:s7], [sflag:s22] =	dma.local [hbm:s5], s20  }
0x9e: {  	_ =	swait.ge [sflag:s22], s20  }
0x9f: {  	s4 =	ssub.s32 $0x0, s20;
	[sflag:s22] =	ssyncset.done $0x0  }
0xa0: {  	[sflag:s22] =	ssyncadd.s32 s4;
	_ =	sdelay $0x1  }
0xa1: {  	s23 =	simm.s32 $0x1B8B  }
0xa2: {  	_ =	swait.ge [sflag:s23], $0x1  }
0xa3: {  	[sflag:s23] =	ssyncset.done $0x0  }
0xa4: {  	s25 =	simm.s32 $0x1B8E;
	s24 =	sld [smem:$0x3FFE];
	[sflag:s23] =	ssyncadd.s32 $0xFFFFFFFF  }
0xa5: {  	s26 =	simm.s32 $execute0_lowered;
	[smem:$0x3FD2] =	sst s25  }
0xa6: {  	s5 =	sshll.u32 s26, $0x1;
	_ =	strace $0x80000046;
	[dreg:$0x1] =	wrdreg $0xFFFFFFFF  }
0xa7: {  	s28 =	simm.s32 $_size_execute0_lowered;
	s3 =	sadd.s32 s3, s5;
	[dreg:$0x0] =	wrdreg $0x0  }
0xa8: {  	s5 =	sshll.u32 s28, $0x1;
	[dreg:$0x2] =	wrdreg s3  }
0xa9: {  	[dreg:$0x3] =	wrdreg s5  }
0xaa: {  	[dreg:$0x4] =	wrdreg $0xC0  }
0xab: {  	_ =	task [dreg:s7], $0x5FFFF  }
0xac: {  	[dreg:$0x1] =	wrdreg $0xFFFFFFFF  }
0xad: {  	[dreg:$0x0] =	wrdreg $0x60  }
0xae: {  	[dreg:$0x2] =	wrdreg s2  }
0xaf: {  	[dreg:$0x3] =	wrdreg s24  }
0xb0: {  	[dreg:$0x4] =	wrdreg $0x9  }
0xb1: {  	_ =	task.clear_ibuf [dreg:s7], $0x5FFFF;
	_ =	strace $0x90000046  }
0xb2: {  	s29 =	simm.s32 $0x9;
	_ =	strace $0x80000048  }
0xb3: {  	_ =	swait.ge [sflag:s29], $0x1  }
0xb4: {  	[sflag:s29] =	ssyncadd.s32 $0xFFFFFFFF  }
0xb5: {  	_ =	strace $0x90000048  }
0xb6: {  	_ =	sfence  }
0xb7: {  	s30 =	sld [smem:$0x0];
	_ =	sdelay $0x2  }
0xb8: {  	s31 =	sshll.u32 s1, $0xD;
	s1 =	sshrl.u32 s1, $0x2  }
0xb9: {  	s3 =	sand.u32 $0x4000, s31;
	s1 =	sadd.s32 s1, s30  }
0xba: {  	s0 =	sor.u32 s3, s0;
	s1 =	sshll.u32 s1, $0x11  }
0xbb: {  	s0 =	sor.u32 s1, s0  }
0xbc: {  	s0 =	sadd.s32 $0x8F2B, s0  }
0xbd: {  	[sflag:s0] =	ssyncadd.remote.s32 $0x1  }
0xbe: {  	_ =	sfence.sel $0xFFFF  }
0xbf: {  	[dreg:$0x0] =	wrdreg $0xFFFFFFFF;
	(pc) =	sbr.abs _section_cstart, $3  }
0xc0: {  	[dreg:$0x1] =	wrdreg $0xFFFFFFFF  }
0xc1: {  	_ =	task.clear_ibuf [dreg:s7], $0x2FFFF;
	_ =	strace $0x9FFFFFFF  }
0xc2: {  	(tm) =	ssettm $0x7FFFFFFF  }
0xc3: {  	_ =	shalt  }
tec
execute0_lowered:
.L_overlay_start_1:
0x0: {  	(tag) =	ssettag $0x1  }
0x1: {  	s1 =	srdreg.scid;
	s0 =	stileid.u32  }
0x2: {  	s2 =	rddreg [dreg:$0x0];
	s19 =	sand.u32 $0x1, s1;
	s31 =	sshll.u32 s0, $0x1  }
0x3: {  	s16 =	rddreg [dreg:$0x1];
	s17 =	sor.u32 s19, s31  }
0x4: {  	s3 =	simm.s32 $0x0;
	s1 =	rddreg [dreg:$0x2];
	s4 =	sshll.u32 s17, $0x7  }
0x5: {  	[smem:$0x7FF] =	sst s3;
	s4 =	sadd.s32 s4, s16  }
0x6: {  	_ =	strace $0x80000047;
	s5 =	sadd.s32 $0x4A00, s4;
	s4 =	simm.s32 $0x2  }
0x7: {  	[tilespmem:s3], [sflag:$0x2] =	stream.linear.gather [hbm4b:s5+s3], $0x280, $0x38;
	[tilespmem:$0x14400] =	vst v63  }
0x8: {  	_ =	swait.ge [sflag:s4], $0x280  }
0x9: {  	[sflag:s4] =	ssyncset.done $0x0  }
0xa: {  	s6 =	simm.s32 $0x80;
	s7 =	simm.s32 $0x400;
	[sflag:s4] =	ssyncadd.s32 $0xFFFFFD80  }
0xb: {  	[tilespmem:s7], [sflag:$0x1] =	stream.indirect.gather [hbm4b:s2+s6], $0x80, s3, s6, $0xb8;
	[tilespmem:$0x14400] =	vst v63  }
0xc: {  	s8 =	simm.s32 $0x4400  }
0xd: {  	[tilespmem:s8], [sflag:$0x1] =	stream.indirect.gather [hbm4b:s2+s6], $0x80, s6, s6, $0xb8;
	[tilespmem:$0x14400] =	vst v63  }
0xe: {  	s9 =	simm.s32 $0x100;
	s10 =	simm.s32 $0x8400  }
0xf: {  	[tilespmem:s10], [sflag:$0x1] =	stream.indirect.gather [hbm4b:s2+s6], $0x80, s9, s6, $0xb8;
	[tilespmem:$0x14400] =	vst v63  }
0x10: {  	s11 =	simm.s32 $0x180;
	s12 =	simm.s32 $0xC400  }
0x11: {  	[tilespmem:s12], [sflag:$0x1] =	stream.indirect.gather [hbm4b:s2+s6], $0x80, s11, s6, $0xb8;
	[tilespmem:$0x14400] =	vst v63  }
0x12: {  	s13 =	simm.s32 $0x200;
	s14 =	simm.s32 $0x10400;
	s15 =	simm.s32 $0x1  }
0x13: {  	[tilespmem:s14], [sflag:$0x1] =	stream.indirect.gather [hbm4b:s2+s6], $0x80, s13, s6, $0xb8;
	[tilespmem:$0x14400] =	vst v63  }
0x14: {  	_ =	swait.ge [sflag:s15], $0x4000  }
0x15: {  	[sflag:s15] =	ssyncset.done $0x0  }
0x16: {  	[sflag:s15] =	ssyncadd.s32 $0xFFFFC000  }
0x17: {  	_ =	swait.ge [sflag:s15], $0x4000  }
0x18: {  	[sflag:s15] =	ssyncset.done $0x0  }
0x19: {  	[sflag:s15] =	ssyncadd.s32 $0xFFFFC000  }
0x1a: {  	_ =	swait.ge [sflag:s15], $0x4000  }
0x1b: {  	[sflag:s15] =	ssyncset.done $0x0  }
0x1c: {  	[sflag:s15] =	ssyncadd.s32 $0xFFFFC000  }
0x1d: {  	_ =	swait.ge [sflag:s15], $0x4000  }
0x1e: {  	[sflag:s15] =	ssyncset.done $0x0  }
0x1f: {  	[sflag:s15] =	ssyncadd.s32 $0xFFFFC000  }
0x20: {  	s18 =	smul.u32 $0x2800, s17;
	_ =	swait.ge [sflag:s15], $0x4000  }
0x21: {  	s20 =	sadd.s32 $0x5A00, s16;
	[sflag:s15] =	ssyncset.done $0x0  }
0x22: {  	s17 =	smul.u32 $0x14000, s17;
	s16 =	sadd.s32 s20, s18;
	[sflag:s15] =	ssyncadd.s32 $0xFFFFC000  }
0x23: {  	[hbm4b:s16+s3] =	stream.linear.scatter [tilespmem:s7], [sflag:$0x2], $0x4000, $0x38;
	[tilespmem:$0x14400] =	vst v63  }
0x24: {  	s17 =	sshrl.u32 s17, $0x3;
	_ =	swait.ge [sflag:s4], $0x4000  }
0x25: {  	s20 =	sadd.s32 s20, s17;
	[sflag:s4] =	ssyncset.done $0x0  }
0x26: {  	s17 =	sadd.s32 $0x800, s20;
	[sflag:s4] =	ssyncadd.s32 $0xFFFFC000  }
0x27: {  	[hbm4b:s17+s3] =	stream.linear.scatter [tilespmem:s8], [sflag:$0x2], $0x4000, $0x38;
	[tilespmem:$0x14400] =	vst v63  }
0x28: {  	_ =	swait.ge [sflag:s4], $0x4000  }
0x29: {  	[sflag:s4] =	ssyncset.done $0x0  }
0x2a: {  	s21 =	ssub.s32 $0x2, s19;
	s18 =	sadd.s32 $0x1000, s20;
	[sflag:s4] =	ssyncadd.s32 $0xFFFFC000  }
0x2b: {  	[hbm4b:s18+s3] =	stream.linear.scatter [tilespmem:s10], [sflag:$0x2], $0x4000, $0x38;
	[tilespmem:$0x14400] =	vst v63  }
0x2c: {  	s22 =	sshrl.u32 s21, $0x1;
	_ =	swait.ge [sflag:s4], $0x4000  }
0x2d: {  	s21 =	ssub.s32 s21, s22;
	[sflag:s4] =	ssyncset.done $0x0  }
0x2e: {  	s21 =	smax.u32 s21, $0x1;
	s19 =	sadd.s32 $0x1800, s20;
	[sflag:s4] =	ssyncadd.s32 $0xFFFFC000  }
0x2f: {  	[hbm4b:s19+s3] =	stream.linear.scatter [tilespmem:s12], [sflag:$0x2], $0x4000, $0x38;
	[tilespmem:$0x14400] =	vst v63  }
0x30: {  	p0 =	sne.s32 s21, $0x1;
	_ =	swait.ge [sflag:s4], $0x4000  }
.Ltmp0:
0x31: {  	[sflag:s4] =	ssyncset.done $0x0;
	(pc) =	sbr.rel @!p0 .LBB2_2-.Ltmp0, $4  }
0x32: {  	s20 =	sadd.s32 $0x2000, s20;
	[sflag:s4] =	ssyncadd.s32 $0xFFFFC000  }
0x33: {  	[hbm4b:s20+s3] =	stream.linear.scatter [tilespmem:s14], [sflag:$0x2], $0x4000, $0x38;
	[tilespmem:$0x14400] =	vst v63  }
0x34: {  	_ =	swait.ge [sflag:s4], $0x4000  }
0x35: {  	s21 =	sadd.s32 $0xFFFFFFFF, s21;
	[sflag:s4] =	ssyncset.done $0x0  }
.LBB2_1:
0x36: {  	p0 =	sne.s32 s21, $0x1;
	s21 =	sadd.s32 $0xFFFFFFFF, s21;
	[sflag:s4] =	ssyncadd.s32 $0xFFFFC000  }
0x37: {  	[tilespmem:s3], [sflag:$0x2] =	stream.linear.gather [hbm4b:s5+s3], $0x280, $0x38;
	[tilespmem:$0x14400] =	vst v63  }
0x38: {  	_ =	swait.ge [sflag:s4], $0x280  }
0x39: {  	[sflag:s4] =	ssyncset.done $0x0  }
0x3a: {  	[sflag:s4] =	ssyncadd.s32 $0xFFFFFD80  }
0x3b: {  	[tilespmem:s7], [sflag:$0x1] =	stream.indirect.gather [hbm4b:s2+s6], $0x80, s3, s6, $0xb8;
	[tilespmem:$0x14400] =	vst v63  }
0x3c: {  	_ = 	snop  }
0x3d: {  	[tilespmem:s8], [sflag:$0x1] =	stream.indirect.gather [hbm4b:s2+s6], $0x80, s6, s6, $0xb8;
	[tilespmem:$0x14400] =	vst v63  }
0x3e: {  	_ = 	snop  }
0x3f: {  	[tilespmem:s10], [sflag:$0x1] =	stream.indirect.gather [hbm4b:s2+s6], $0x80, s9, s6, $0xb8;
	[tilespmem:$0x14400] =	vst v63  }
0x40: {  	_ = 	snop  }
0x41: {  	[tilespmem:s12], [sflag:$0x1] =	stream.indirect.gather [hbm4b:s2+s6], $0x80, s11, s6, $0xb8;
	[tilespmem:$0x14400] =	vst v63  }
0x42: {  	_ = 	snop  }
0x43: {  	[tilespmem:s14], [sflag:$0x1] =	stream.indirect.gather [hbm4b:s2+s6], $0x80, s13, s6, $0xb8;
	[tilespmem:$0x14400] =	vst v63  }
0x44: {  	_ =	swait.ge [sflag:s15], $0x4000  }
0x45: {  	[sflag:s15] =	ssyncset.done $0x0  }
0x46: {  	[sflag:s15] =	ssyncadd.s32 $0xFFFFC000  }
0x47: {  	_ =	swait.ge [sflag:s15], $0x4000  }
0x48: {  	[sflag:s15] =	ssyncset.done $0x0  }
0x49: {  	[sflag:s15] =	ssyncadd.s32 $0xFFFFC000  }
0x4a: {  	_ =	swait.ge [sflag:s15], $0x4000  }
0x4b: {  	[sflag:s15] =	ssyncset.done $0x0  }
0x4c: {  	[sflag:s15] =	ssyncadd.s32 $0xFFFFC000  }
0x4d: {  	_ =	swait.ge [sflag:s15], $0x4000  }
0x4e: {  	[sflag:s15] =	ssyncset.done $0x0  }
0x4f: {  	[sflag:s15] =	ssyncadd.s32 $0xFFFFC000  }
0x50: {  	_ =	swait.ge [sflag:s15], $0x4000  }
0x51: {  	[sflag:s15] =	ssyncset.done $0x0  }
0x52: {  	[sflag:s15] =	ssyncadd.s32 $0xFFFFC000  }
0x53: {  	[hbm4b:s16+s3] =	stream.linear.scatter [tilespmem:s7], [sflag:$0x2], $0x4000, $0x38;
	[tilespmem:$0x14400] =	vst v63  }
0x54: {  	_ =	swait.ge [sflag:s4], $0x4000  }
0x55: {  	[sflag:s4] =	ssyncset.done $0x0  }
0x56: {  	[sflag:s4] =	ssyncadd.s32 $0xFFFFC000  }
0x57: {  	[hbm4b:s17+s3] =	stream.linear.scatter [tilespmem:s8], [sflag:$0x2], $0x4000, $0x38;
	[tilespmem:$0x14400] =	vst v63  }
0x58: {  	_ =	swait.ge [sflag:s4], $0x4000  }
0x59: {  	[sflag:s4] =	ssyncset.done $0x0  }
0x5a: {  	[sflag:s4] =	ssyncadd.s32 $0xFFFFC000  }
0x5b: {  	[hbm4b:s18+s3] =	stream.linear.scatter [tilespmem:s10], [sflag:$0x2], $0x4000, $0x38;
	[tilespmem:$0x14400] =	vst v63  }
0x5c: {  	_ =	swait.ge [sflag:s4], $0x4000  }
0x5d: {  	[sflag:s4] =	ssyncset.done $0x0  }
0x5e: {  	[sflag:s4] =	ssyncadd.s32 $0xFFFFC000  }
0x5f: {  	[hbm4b:s19+s3] =	stream.linear.scatter [tilespmem:s12], [sflag:$0x2], $0x4000, $0x38;
	[tilespmem:$0x14400] =	vst v63  }
0x60: {  	_ =	swait.ge [sflag:s4], $0x4000  }
.Ltmp1:
0x61: {  	[sflag:s4] =	ssyncset.done $0x0;
	(pc) =	sbr.rel @p0 .LBB2_1-.Ltmp1, $4  }
0x62: {  	[sflag:s4] =	ssyncadd.s32 $0xFFFFC000  }
0x63: {  	[hbm4b:s20+s3] =	stream.linear.scatter [tilespmem:s14], [sflag:$0x2], $0x4000, $0x38;
	[tilespmem:$0x14400] =	vst v63  }
0x64: {  	_ =	swait.ge [sflag:s4], $0x4000  }
0x65: {  	[sflag:s4] =	ssyncset.done $0x0  }
.LBB2_2:
0x66: {  	[sflag:s4] =	ssyncadd.s32 $0xFFFFC000  }
0x67: {  	_ =	sfence.sel $0x180000  }
0x68: {  	[bflag:$0x0] =	sbarrier.arrive $0xFFFF  }
0x69: {  	p0 =	sne.s32 s0, $0x0;
	_ =	strace $0x90000047  }
0x6a: {  	s0 =	sadd.s32 @!p0 $0x100000, s1;
	[bflag:$0x2] =	sbarrier.arrive $0xFFFF  }
0x6b: {  	[sflag:s0] =	ssyncadd.tile.s32 @!p0 $0x1;
	_ =	shalt  }
.Lfunc_end2:
_tile_overlayer_lowered:
.L_overlay_start_2:
0x6c: {  	(tag) =	ssettag $0x2  }
0x6d: {  	s0 =	rddreg [dreg:$0x0];
	s2 =	stileid.u32  }
0x6e: {  	s1 =	rddreg [dreg:$0x1];
	p0 =	sne.s32 s2, $0x0  }
0x6f: {  	s3 =	rddreg [dreg:$0x2];
	[bflag:$0x3] =	sbarrier.arrive $0xFFFF;
	s2 =	simm.s32 @!p0 $0x1C02  }
0x70: {  	[timem:s3], [sflag:s2] =	dma.local @!p0 [hbm:s0], s1  }
0x71: {  	s0 =	simm.s32 @!p0 $0x2  }
0x72: {  	_ =	swait.ge @!p0 [sflag:s0], s1  }
0x73: {  	s1 =	ssub.s32 @!p0 $0x0, s1;
	[sflag:s0] =	ssyncset.done @!p0 $0x0  }
0x74: {  	[sflag:s0] =	ssyncadd.s32 @!p0 s1  }
0x75: {  	[bflag:$0x3] =	sbarrier.arrive $0xFFFF  }
0x76: {  	_ =	shalt  }

</sc_bundles>
